<compile_context>
chip_gen: v7x
topology: tpu7x:2x2x1
jax: 0.10.2.dev20260603
libtpu: 0.0.44.dev20260713+nightly
codegen_flags: <defaults>
</compile_context>

<pallas_src>
import functools

import jax
import jax.numpy as jnp
from jax import lax
from jax.experimental import pallas as pl
from jax.experimental.pallas import tpu as pltpu
from jax.experimental.pallas import tpu_sc as plsc

EMBED = 1024
TEXT_END = 32000
IMG_OFFSET = 32000
L = 16


def _project_codebook(codebook, w):
    vq_vocab, vq_embed = codebook.shape
    bm = 512

    def body(cb_ref, w_ref, o_ref):
        o_ref[...] = lax.dot_general(
            cb_ref[...], w_ref[...],
            dimension_numbers=(((1,), (1,)), ((), ())),
            preferred_element_type=jnp.float32)

    return pl.pallas_call(
        body,
        grid=(vq_vocab // bm,),
        in_specs=[
            pl.BlockSpec((bm, vq_embed), lambda i: (i, 0)),
            pl.BlockSpec((EMBED, vq_embed), lambda i: (0, 0)),
        ],
        out_specs=pl.BlockSpec((bm, EMBED), lambda i: (i, 0)),
        out_shape=jax.ShapeDtypeStruct((vq_vocab, EMBED), jnp.float32),
    )(codebook, w)


@functools.cache
def _make_mover(n_tokens, is_text, CH, nb):
    info = plsc.get_sparse_core_info()
    nw = info.num_cores * info.num_subcores
    tpw = n_tokens // nw
    assert n_tokens % nw == 0 and tpw % L == 0
    mesh = plsc.VectorSubcoreMesh(core_axis_name="c", subcore_axis_name="s")

    @functools.partial(
        pl.kernel,
        mesh=mesh,
        out_type=(),
        compiler_params=pltpu.CompilerParams(needs_layout_passes=False),
        scratch_types=[
            pltpu.VMEM((tpw,), jnp.int32),
            pltpu.VMEM((tpw,), jnp.int32),
            pltpu.VMEM((tpw,), jnp.int32),
        ] + [pltpu.VMEM((CH, EMBED), jnp.float32)] * nb + [
            pltpu.SemaphoreType.DMA,
            pltpu.SemaphoreType.DMA,
        ],
    )
    def k(x_hbm, table_hbm, out_hbm, x_v, cidx, cpos, *rest):
        bufs = rest[:nb]
        sem_g, sem_s = rest[nb], rest[nb + 1]
        wid = lax.axis_index("s") * info.num_cores + lax.axis_index("c")
        base = wid * tpw
        row_len = x_hbm.shape[1]
        wpr = row_len // tpw
        pltpu.sync_copy(
            x_hbm.at[wid // wpr, pl.ds((wid % wpr) * tpw, tpw)], x_v)

        lanes = lax.iota(jnp.int32, L)

        def compact(j, n):
            xv = x_v[pl.ds(j * L, L)]
            if is_text:
                m = xv < TEXT_END
                val = xv
            else:
                m = xv >= TEXT_END
                val = xv - IMG_OFFSET
            m32 = m.astype(jnp.int32)
            incl = plsc.cumsum(m32)
            slot = n + (incl - m32)
            pos = base + j * L + lanes
            plsc.store_scatter(cidx, [slot], val, mask=m)
            plsc.store_scatter(cpos, [slot], pos, mask=m)
            return n + incl[L - 1]

        n_q = lax.fori_loop(0, tpw // L // 4, compact, jnp.int32(0))
        nch_early = n_q // CH

        def start_gather_early(c, b):
            pltpu.make_async_copy(
                table_hbm.at[cidx.at[pl.ds(c * CH, CH)]], b, sem_g).start()

        for b in range(nb):
            @pl.when(b < nch_early)
            def _(b=b):
                start_gather_early(b, bufs[b])

        n = lax.fori_loop(tpw // L // 4, tpw // L, compact, n_q)

        zeros16 = jnp.zeros((L,), jnp.int32)
        idx0 = plsc.load_gather(cidx, [zeros16])
        pos0 = plsc.load_gather(cpos, [zeros16])
        n8 = (n + 7) & -8
        pad_end = jnp.where(n8 < CH, jnp.int32(CH), n8)
        for kk in range(max(CH // L, 1)):
            slot = n + kk * L + lanes
            m = slot < pad_end
            plsc.store_scatter(cidx, [slot], idx0, mask=m)
            plsc.store_scatter(cpos, [slot], pos0, mask=m)
        ne = jnp.where(n > 0, pad_end, jnp.int32(0))

        nch = (ne + CH - 1) // CH
        last = jnp.maximum(ne - CH, 0)

        def start_gather(c, b):
            s = pl.multiple_of(jnp.minimum(c * CH, last), 8)
            pltpu.make_async_copy(
                table_hbm.at[cidx.at[pl.ds(s, CH)]], b, sem_g).start()

        def wait_gather(b):
            pltpu.make_async_copy(
                table_hbm.at[cidx.at[pl.ds(0, CH)]], b, sem_g).wait()

        def start_scatter(c, b):
            s = pl.multiple_of(jnp.minimum(c * CH, last), 8)
            pltpu.make_async_copy(
                b, out_hbm.at[cpos.at[pl.ds(s, CH)]], sem_s).start()

        def wait_scatter(b):
            pltpu.make_async_copy(
                b, out_hbm.at[cpos.at[pl.ds(0, CH)]], sem_s).wait()

        for b in range(nb):
            @pl.when(jnp.logical_and(b >= nch_early, b < nch))
            def _(b=b):
                start_gather(b, bufs[b])

        def group(p, c):
            g0 = p * nb
            for b in range(nb):
                j = g0 + b

                @pl.when(j < nch)
                def _(j=j, b=b):
                    wait_gather(bufs[b])
                    start_scatter(j, bufs[b])

                    @pl.when(j + nb < nch)
                    def _():
                        wait_scatter(bufs[b])
                        start_gather(j + nb, bufs[b])
            return c

        lax.fori_loop(0, (nch + nb - 1) // nb, group, 0)
        for b in range(nb):
            @pl.when(b < nch)
            def _(b=b):
                wait_scatter(bufs[b])

    return k


def kernel(x, token_embedding, vqgan_codebook, vqgan_proj_W):
    pc = _project_codebook(vqgan_codebook, vqgan_proj_W)
    n_tokens = x.shape[0] * x.shape[1]
    out_ref = jax.new_ref(jax.lax.empty((n_tokens, EMBED), jnp.float32))
    _make_mover(n_tokens, True, 24, 5)(x, token_embedding, out_ref)
    _make_mover(n_tokens, False, 16, 7)(x, pc, out_ref)
    return out_ref[...].reshape(x.shape + (EMBED,))

# --- scband reference (transcript-rebuilt; emitter-appended) ---
"""Pipeline reference for scband-clevrthree-dembedding-with-sin-cos-numbers-plus-learned-no-independent-numbers-no3-dtokens-90452011253994 (READ-ONLY COPY).

The authoritative reference and input builder live on the scoring server;
editing this copy changes nothing except your own understanding.
"""

import jax, jax.numpy as jnp
import numpy as np

VOCAB = 100000
EMBED = 1024
ADDED_TOKENS_OFFSET = 32000
VQ_VOCAB = 8192
VQ_EMBED = 256
VQ_START = 32000
VQ_END = 40192
IMG_TOKEN_OFFSET = 32000


def setup_inputs(seed: int = 0) -> dict:
    key = jax.random.key(seed)
    k1, k2, k3, k4 = jax.random.split(key, 4)
    # token ids: every value lies in [0, ADDED_TOKENS_OFFSET) (text) or [VQ_START, VQ_END) (image),
    # which together cover [0, 40192) contiguously, so the module's assert holds.
    x = jax.random.randint(k1, (4, 8192), 0, 40192, dtype=jnp.int32)
    token_embedding = jax.random.normal(k2, (VOCAB, EMBED), dtype=jnp.float32) * 0.02
    vqgan_codebook = jax.random.normal(k3, (VQ_VOCAB, VQ_EMBED), dtype=jnp.float32) * 0.02
    # nn.Linear(vqgan_embed_dim, embed_dim, bias=False): weight shape [embed_dim, vqgan_embed_dim]
    vqgan_proj_W = jax.random.normal(k4, (EMBED, VQ_EMBED), dtype=jnp.float32) * 0.02
    return {"x": x, "token_embedding": token_embedding, "vqgan_codebook": vqgan_codebook, "vqgan_proj_W": vqgan_proj_W}


def reference(x, token_embedding, vqgan_codebook, vqgan_proj_W):
    text_mask = (x >= 0) & (x < ADDED_TOKENS_OFFSET)
    image_mask = (x >= VQ_START) & (x < VQ_END)
    # text_tokens / image_tokens zeroed outside their masks (matches torch zeros_like + masked assign)
    text_tokens = jnp.where(text_mask, x, 0)
    image_tokens = jnp.where(image_mask, x, 0) - IMG_TOKEN_OFFSET
    image_tokens = jnp.where(image_tokens < 0, 0, image_tokens)
    text_embeddings = jnp.take(token_embedding, text_tokens, axis=0)
    image_codes = jnp.take(vqgan_codebook, image_tokens, axis=0)
    image_embeddings = image_codes @ vqgan_proj_W.T
    embeddings = jnp.zeros(x.shape + (EMBED,), dtype=jnp.float32)
    embeddings = jnp.where(text_mask[..., None], text_embeddings, embeddings)
    embeddings = jnp.where(image_mask[..., None], image_embeddings, embeddings)
    return embeddings

if __name__ == "__main__":
    import jax
    _d = setup_inputs()
    print(jax.jit(kernel)(*tuple(_d.values())))

</pallas_src>

<mosaic_0001>
#map = affine_map<(d0, d1) -> (0, 0)>
module attributes {stable_mosaic.version = 14 : i64} {
  func.func @new_body(%arg0: i32, %arg1: i32, %arg2: memref<4x8192xi32, #tpu.memory_space<hbm>>, %arg3: memref<100000x1024xf32, #tpu.memory_space<hbm>>, %arg4: memref<32768x1024xf32, #tpu.memory_space<hbm>>, %arg5: memref<32768x1024xf32, #tpu.memory_space<hbm>>, %arg6: memref<1024xi32, #tpu.memory_space<vmem>>, %arg7: memref<1024xi32, #tpu.memory_space<vmem>>, %arg8: memref<1024xi32, #tpu.memory_space<vmem>>, %arg9: memref<24x1024xf32, #tpu.memory_space<vmem>>, %arg10: memref<24x1024xf32, #tpu.memory_space<vmem>>, %arg11: memref<24x1024xf32, #tpu.memory_space<vmem>>, %arg12: memref<24x1024xf32, #tpu.memory_space<vmem>>, %arg13: memref<24x1024xf32, #tpu.memory_space<vmem>>, %arg14: memref<!tpu.dma_semaphore, #tpu.memory_space<semaphore_mem>>, %arg15: memref<!tpu.dma_semaphore, #tpu.memory_space<semaphore_mem>>) attributes {dimension_semantics = [#tpu.dimension_semantics<core_parallel>, #tpu.dimension_semantics<subcore_parallel>], iteration_bounds = array<i64: 2, 16>, scalar_prefetch = 0 : i64, scratch_operands = 10 : i64, tpu.core_type = #tpu.core_type<sc_vector_subcore>, window_params = [{transform_indices = #map}, {transform_indices = #map}, {transform_indices = #map}, {transform_indices = #map}]} {
    %mul3A = arith.constant 2 : i32
    %mul3A_0 = arith.muli %arg1, %mul3A : i32
    %add3A = arith.addi %mul3A_0, %arg0 : i32
    %mul3A_1 = arith.constant 1024 : i32
    %mul3A_2 = arith.muli %add3A, %mul3A_1 : i32
    %jit3A = arith.constant 8 : i32
    %div3A = arith.divsi %add3A, %jit3A : i32
    %sign3A = arith.constant 0 : i32
    %sign3A_3 = arith.cmpi sgt, %add3A, %sign3A : i32
    %sign3A_4 = arith.extui %sign3A_3 : i1 to i32
    %sign3A_5 = arith.constant 0 : i32
    %sign3A_6 = arith.cmpi slt, %add3A, %sign3A_5 : i32
    %sign3A_7 = arith.extui %sign3A_6 : i1 to i32
    %sign3A_8 = arith.subi %sign3A_4, %sign3A_7 : i32
    %sign3A_9 = arith.constant 0 : i32
    %sign3A_10 = arith.cmpi sgt, %jit3A, %sign3A_9 : i32
    %sign3A_11 = arith.extui %sign3A_10 : i1 to i32
    %sign3A_12 = arith.constant 0 : i32
    %sign3A_13 = arith.cmpi slt, %jit3A, %sign3A_12 : i32
    %sign3A_14 = arith.extui %sign3A_13 : i1 to i32
    %sign3A_15 = arith.subi %sign3A_11, %sign3A_14 : i32
    %ne3A = arith.cmpi ne, %sign3A_8, %sign3A_15 : i32
    %rem3A = arith.remsi %add3A, %jit3A : i32
    %ne3A_16 = arith.constant 0 : i32
    %ne3A_17 = arith.cmpi ne, %rem3A, %ne3A_16 : i32
    %and3A = arith.andi %ne3A, %ne3A_17 : i1
    %sub3A = arith.constant 1 : i32
    %sub3A_18 = arith.subi %div3A, %sub3A : i32
    %select_n3A = arith.select %and3A, %sub3A_18, %div3A : i32
    %jit3A_19 = arith.constant 8 : i32
    %eq3A = arith.constant 0 : i32
    %eq3A_20 = arith.cmpi eq, %jit3A_19, %eq3A : i32
    %jit3A_21 = arith.constant 1 : i32
    %select_n3A_22 = arith.select %eq3A_20, %jit3A_21, %jit3A_19 : i32
    %rem3A_23 = arith.remsi %add3A, %select_n3A_22 : i32
    %ne3A_24 = arith.constant 0 : i32
    %ne3A_25 = arith.cmpi ne, %rem3A_23, %ne3A_24 : i32
    %lt3A = arith.constant 0 : i32
    %lt3A_26 = arith.cmpi slt, %rem3A_23, %lt3A : i32
    %lt3A_27 = arith.constant 0 : i32
    %lt3A_28 = arith.cmpi slt, %select_n3A_22, %lt3A_27 : i32
    %ne3A_29 = arith.xori %lt3A_26, %lt3A_28 : i1
    %and3A_30 = arith.andi %ne3A_29, %ne3A_25 : i1
    %add3A_31 = arith.addi %rem3A_23, %select_n3A_22 : i32
    %select_n3A_32 = arith.select %and3A_30, %add3A_31, %rem3A_23 : i32
    %mul3A_33 = arith.constant 1024 : i32
    %mul3A_34 = arith.muli %select_n3A_32, %mul3A_33 : i32
    "tpu.region"() ({
      %run_scoped3A = tpu.sem_alloc : memref<!tpu.dma_semaphore, #tpu.memory_space<semaphore_mem>>
      %dma_start3A = tpu.memref_slice %arg2[%select_n3A, %mul3A_34] : memref<4x8192xi32, #tpu.memory_space<hbm>> -> memref<1x1024xi32, #tpu.memory_space<hbm>>
      %dma_start3A_245 = tpu.memref_squeeze %dma_start3A : memref<1x1024xi32, #tpu.memory_space<hbm>> -> memref<1024xi32, #tpu.memory_space<hbm>>
      %dma_start3A_246 = tpu.memref_slice %arg2[%select_n3A, %mul3A_34] : memref<4x8192xi32, #tpu.memory_space<hbm>> -> memref<1x1024xi32, #tpu.memory_space<hbm>>
      %dma_start3A_247 = tpu.memref_squeeze %dma_start3A_246 : memref<1x1024xi32, #tpu.memory_space<hbm>> -> memref<1024xi32, #tpu.memory_space<hbm>>
      tpu.enqueue_dma source(%dma_start3A_247 : memref<1024xi32, #tpu.memory_space<hbm>>) target(%arg6 : memref<1024xi32, #tpu.memory_space<vmem>>) target_semaphore(%run_scoped3A : memref<!tpu.dma_semaphore, #tpu.memory_space<semaphore_mem>>)
      %dma_wait3A = tpu.memref_slice %arg2[%select_n3A, %mul3A_34] : memref<4x8192xi32, #tpu.memory_space<hbm>> -> memref<1x1024xi32, #tpu.memory_space<hbm>>
      %dma_wait3A_248 = tpu.memref_squeeze %dma_wait3A : memref<1x1024xi32, #tpu.memory_space<hbm>> -> memref<1024xi32, #tpu.memory_space<hbm>>
      %dma_wait3A_249 = tpu.memref_slice %arg2[%select_n3A, %mul3A_34] : memref<4x8192xi32, #tpu.memory_space<hbm>> -> memref<1x1024xi32, #tpu.memory_space<hbm>>
      %dma_wait3A_250 = tpu.memref_squeeze %dma_wait3A_249 : memref<1x1024xi32, #tpu.memory_space<hbm>> -> memref<1024xi32, #tpu.memory_space<hbm>>
      tpu.wait_dma2 semaphore(%run_scoped3A : memref<!tpu.dma_semaphore, #tpu.memory_space<semaphore_mem>>) src(%dma_wait3A_250 : memref<1024xi32, #tpu.memory_space<hbm>>) dst(%arg6 : memref<1024xi32, #tpu.memory_space<vmem>>)
      tpu.yield
    }) : () -> ()
    %iota3A = tpu.iota {dimensions = array<i32: 0>} : vector<16xi32>
    %scan3A = arith.constant 0 : i32
    %scan3A_35 = arith.constant 0 : i32
    %scan3A_36 = arith.constant 16 : i32
    %scan3A_37 = arith.addi %scan3A_35, %scan3A_36 : i32
    %scan3A_38 = arith.constant 1 : i32
    %scan3A_39 = scf.for %scan3A_245 = %scan3A_35 to %scan3A_37 step %scan3A_38 iter_args(%scan3A_246 = %scan3A) -> (i32)  : i32 {
      %mul3A_247 = arith.constant 16 : i32
      %mul3A_248 = arith.muli %scan3A_245, %mul3A_247 : i32
      %get3A = arith.index_cast %mul3A_248 : i32 to index
      %get3A_249 = tpu.vector_load %arg6[%get3A] {strides = array<i32>} : memref<1024xi32, #tpu.memory_space<vmem>>, vector<16xi32>,
      %lt3A_250 = arith.constant 32000 : i32
      %lt3A_251 = vector.broadcast %lt3A_250 : i32 to vector<16xi32>
      %lt3A_252 = arith.cmpi slt, %get3A_249, %lt3A_251 : vector<16xi32>
      %convert_element_type3A_253 = arith.extui %lt3A_252 : vector<16xi1> to vector<16xi32>
      %broadcast_in_dim3A_254 = arith.constant true
      %broadcast_in_dim3A_255 = vector.broadcast %broadcast_in_dim3A_254 : i1 to vector<16xi1>
      %masked_cumsum3A = tpu.scan <sum>, %convert_element_type3A_253 masked %broadcast_in_dim3A_255 : vector<16xi32>, vector<16xi1> -> vector<16xi32>
      %sub3A_256 = arith.subi %masked_cumsum3A, %convert_element_type3A_253 : vector<16xi32>
      %add3A_257 = vector.broadcast %scan3A_246 : i32 to vector<16xi32>
      %add3A_258 = arith.addi %add3A_257, %sub3A_256 : vector<16xi32>
      %mul3A_259 = arith.constant 16 : i32
      %mul3A_260 = arith.muli %scan3A_245, %mul3A_259 : i32
      %add3A_261 = arith.addi %mul3A_2, %mul3A_260 : i32
      %add3A_262 = vector.broadcast %add3A_261 : i32 to vector<16xi32>
      %add3A_263 = arith.addi %add3A_262, %iota3A : vector<16xi32>
      tpu.vector_store_idx %arg7[%add3A_258], %get3A_249 masked %lt3A_252 : memref<1024xi32, #tpu.memory_space<vmem>>[vector<16xi32>], vector<16xi32>, vector<16xi1>
      tpu.vector_store_idx %arg8[%add3A_258], %add3A_263 masked %lt3A_252 : memref<1024xi32, #tpu.memory_space<vmem>>[vector<16xi32>], vector<16xi32>, vector<16xi1>
      %slice3A = vector.extract_strided_slice %masked_cumsum3A {offsets = [15], sizes = [1], strides = [1]} : vector<16xi32> to vector<1xi32>
      %squeeze3A = vector.extract %slice3A[0] : i32 from vector<1xi32>
      %add3A_264 = arith.addi %scan3A_246, %squeeze3A : i32
      scf.yield %add3A_264 : i32
    }
    %scan3A_40 = arith.constant 16 : i32
    %jit3A_41 = arith.constant 24 : i32
    %div3A_42 = arith.divsi %scan3A_39, %jit3A_41 : i32
    %sign3A_43 = arith.constant 0 : i32
    %sign3A_44 = arith.cmpi sgt, %scan3A_39, %sign3A_43 : i32
    %sign3A_45 = arith.extui %sign3A_44 : i1 to i32
    %sign3A_46 = arith.constant 0 : i32
    %sign3A_47 = arith.cmpi slt, %scan3A_39, %sign3A_46 : i32
    %sign3A_48 = arith.extui %sign3A_47 : i1 to i32
    %sign3A_49 = arith.subi %sign3A_45, %sign3A_48 : i32
    %sign3A_50 = arith.constant 0 : i32
    %sign3A_51 = arith.cmpi sgt, %jit3A_41, %sign3A_50 : i32
    %sign3A_52 = arith.extui %sign3A_51 : i1 to i32
    %sign3A_53 = arith.constant 0 : i32
    %sign3A_54 = arith.cmpi slt, %jit3A_41, %sign3A_53 : i32
    %sign3A_55 = arith.extui %sign3A_54 : i1 to i32
    %sign3A_56 = arith.subi %sign3A_52, %sign3A_55 : i32
    %ne3A_57 = arith.cmpi ne, %sign3A_49, %sign3A_56 : i32
    %rem3A_58 = arith.remsi %scan3A_39, %jit3A_41 : i32
    %ne3A_59 = arith.constant 0 : i32
    %ne3A_60 = arith.cmpi ne, %rem3A_58, %ne3A_59 : i32
    %and3A_61 = arith.andi %ne3A_57, %ne3A_60 : i1
    %sub3A_62 = arith.constant 1 : i32
    %sub3A_63 = arith.subi %div3A_42, %sub3A_62 : i32
    %select_n3A_64 = arith.select %and3A_61, %sub3A_63, %div3A_42 : i32
    %gt3A = arith.constant 0 : i32
    %gt3A_65 = arith.cmpi sgt, %select_n3A_64, %gt3A : i32
    %convert_element_type3A = arith.extui %gt3A_65 : i1 to i32
    %cond3A = arith.constant 0 : i32
    %cond3A_66 = arith.cmpi ne, %convert_element_type3A, %cond3A : i32
    scf.if %cond3A_66 {
      %dma_start3A = arith.constant 0 : i32
      %dma_start3A_245 = tpu.memref_slice %arg7[%dma_start3A] : memref<1024xi32, #tpu.memory_space<vmem>> -> memref<24xi32, #tpu.memory_space<vmem>>
      %dma_start3A_246 = arith.constant 0 : i32
      %dma_start3A_247 = arith.constant 0 : i32
      %dma_start3A_248 = tpu.memref_slice %arg3[%dma_start3A_246, %dma_start3A_247] : memref<100000x1024xf32, #tpu.memory_space<hbm>> -> memref<100000x1024xf32, #tpu.memory_space<hbm>>
      tpu.enqueue_indirect_dma source(%dma_start3A_248 : memref<100000x1024xf32, #tpu.memory_space<hbm>>) target(%arg9 : memref<24x1024xf32, #tpu.memory_space<vmem>>) offsets(%dma_start3A_245 : memref<24xi32, #tpu.memory_space<vmem>>) semaphore(%arg14 : memref<!tpu.dma_semaphore, #tpu.memory_space<semaphore_mem>>)
    } else {
    }
    %gt3A_67 = arith.constant 1 : i32
    %gt3A_68 = arith.cmpi sgt, %select_n3A_64, %gt3A_67 : i32
    %convert_element_type3A_69 = arith.extui %gt3A_68 : i1 to i32
    %cond3A_70 = arith.constant 0 : i32
    %cond3A_71 = arith.cmpi ne, %convert_element_type3A_69, %cond3A_70 : i32
    scf.if %cond3A_71 {
      %dma_start3A = arith.constant 24 : i32
      %dma_start3A_245 = tpu.memref_slice %arg7[%dma_start3A] : memref<1024xi32, #tpu.memory_space<vmem>> -> memref<24xi32, #tpu.memory_space<vmem>>
      %dma_start3A_246 = arith.constant 0 : i32
      %dma_start3A_247 = arith.constant 0 : i32
      %dma_start3A_248 = tpu.memref_slice %arg3[%dma_start3A_246, %dma_start3A_247] : memref<100000x1024xf32, #tpu.memory_space<hbm>> -> memref<100000x1024xf32, #tpu.memory_space<hbm>>
      tpu.enqueue_indirect_dma source(%dma_start3A_248 : memref<100000x1024xf32, #tpu.memory_space<hbm>>) target(%arg10 : memref<24x1024xf32, #tpu.memory_space<vmem>>) offsets(%dma_start3A_245 : memref<24xi32, #tpu.memory_space<vmem>>) semaphore(%arg14 : memref<!tpu.dma_semaphore, #tpu.memory_space<semaphore_mem>>)
    } else {
    }
    %gt3A_72 = arith.constant 2 : i32
    %gt3A_73 = arith.cmpi sgt, %select_n3A_64, %gt3A_72 : i32
    %convert_element_type3A_74 = arith.extui %gt3A_73 : i1 to i32
    %cond3A_75 = arith.constant 0 : i32
    %cond3A_76 = arith.cmpi ne, %convert_element_type3A_74, %cond3A_75 : i32
    scf.if %cond3A_76 {
      %dma_start3A = arith.constant 48 : i32
      %dma_start3A_245 = tpu.memref_slice %arg7[%dma_start3A] : memref<1024xi32, #tpu.memory_space<vmem>> -> memref<24xi32, #tpu.memory_space<vmem>>
      %dma_start3A_246 = arith.constant 0 : i32
      %dma_start3A_247 = arith.constant 0 : i32
      %dma_start3A_248 = tpu.memref_slice %arg3[%dma_start3A_246, %dma_start3A_247] : memref<100000x1024xf32, #tpu.memory_space<hbm>> -> memref<100000x1024xf32, #tpu.memory_space<hbm>>
      tpu.enqueue_indirect_dma source(%dma_start3A_248 : memref<100000x1024xf32, #tpu.memory_space<hbm>>) target(%arg11 : memref<24x1024xf32, #tpu.memory_space<vmem>>) offsets(%dma_start3A_245 : memref<24xi32, #tpu.memory_space<vmem>>) semaphore(%arg14 : memref<!tpu.dma_semaphore, #tpu.memory_space<semaphore_mem>>)
    } else {
    }
    %gt3A_77 = arith.constant 3 : i32
    %gt3A_78 = arith.cmpi sgt, %select_n3A_64, %gt3A_77 : i32
    %convert_element_type3A_79 = arith.extui %gt3A_78 : i1 to i32
    %cond3A_80 = arith.constant 0 : i32
    %cond3A_81 = arith.cmpi ne, %convert_element_type3A_79, %cond3A_80 : i32
    scf.if %cond3A_81 {
      %dma_start3A = arith.constant 72 : i32
      %dma_start3A_245 = tpu.memref_slice %arg7[%dma_start3A] : memref<1024xi32, #tpu.memory_space<vmem>> -> memref<24xi32, #tpu.memory_space<vmem>>
      %dma_start3A_246 = arith.constant 0 : i32
      %dma_start3A_247 = arith.constant 0 : i32
      %dma_start3A_248 = tpu.memref_slice %arg3[%dma_start3A_246, %dma_start3A_247] : memref<100000x1024xf32, #tpu.memory_space<hbm>> -> memref<100000x1024xf32, #tpu.memory_space<hbm>>
      tpu.enqueue_indirect_dma source(%dma_start3A_248 : memref<100000x1024xf32, #tpu.memory_space<hbm>>) target(%arg12 : memref<24x1024xf32, #tpu.memory_space<vmem>>) offsets(%dma_start3A_245 : memref<24xi32, #tpu.memory_space<vmem>>) semaphore(%arg14 : memref<!tpu.dma_semaphore, #tpu.memory_space<semaphore_mem>>)
    } else {
    }
    %gt3A_82 = arith.constant 4 : i32
    %gt3A_83 = arith.cmpi sgt, %select_n3A_64, %gt3A_82 : i32
    %convert_element_type3A_84 = arith.extui %gt3A_83 : i1 to i32
    %cond3A_85 = arith.constant 0 : i32
    %cond3A_86 = arith.cmpi ne, %convert_element_type3A_84, %cond3A_85 : i32
    scf.if %cond3A_86 {
      %dma_start3A = arith.constant 96 : i32
      %dma_start3A_245 = tpu.memref_slice %arg7[%dma_start3A] : memref<1024xi32, #tpu.memory_space<vmem>> -> memref<24xi32, #tpu.memory_space<vmem>>
      %dma_start3A_246 = arith.constant 0 : i32
      %dma_start3A_247 = arith.constant 0 : i32
      %dma_start3A_248 = tpu.memref_slice %arg3[%dma_start3A_246, %dma_start3A_247] : memref<100000x1024xf32, #tpu.memory_space<hbm>> -> memref<100000x1024xf32, #tpu.memory_space<hbm>>
      tpu.enqueue_indirect_dma source(%dma_start3A_248 : memref<100000x1024xf32, #tpu.memory_space<hbm>>) target(%arg13 : memref<24x1024xf32, #tpu.memory_space<vmem>>) offsets(%dma_start3A_245 : memref<24xi32, #tpu.memory_space<vmem>>) semaphore(%arg14 : memref<!tpu.dma_semaphore, #tpu.memory_space<semaphore_mem>>)
    } else {
    }
    %scan3A_87 = arith.constant 16 : i32
    %scan3A_88 = arith.constant 48 : i32
    %scan3A_89 = arith.addi %scan3A_87, %scan3A_88 : i32
    %scan3A_90 = arith.constant 1 : i32
    %scan3A_91 = scf.for %scan3A_245 = %scan3A_87 to %scan3A_89 step %scan3A_90 iter_args(%scan3A_246 = %scan3A_39) -> (i32)  : i32 {
      %mul3A_247 = arith.constant 16 : i32
      %mul3A_248 = arith.muli %scan3A_245, %mul3A_247 : i32
      %get3A = arith.index_cast %mul3A_248 : i32 to index
      %get3A_249 = tpu.vector_load %arg6[%get3A] {strides = array<i32>} : memref<1024xi32, #tpu.memory_space<vmem>>, vector<16xi32>,
      %lt3A_250 = arith.constant 32000 : i32
      %lt3A_251 = vector.broadcast %lt3A_250 : i32 to vector<16xi32>
      %lt3A_252 = arith.cmpi slt, %get3A_249, %lt3A_251 : vector<16xi32>
      %convert_element_type3A_253 = arith.extui %lt3A_252 : vector<16xi1> to vector<16xi32>
      %broadcast_in_dim3A_254 = arith.constant true
      %broadcast_in_dim3A_255 = vector.broadcast %broadcast_in_dim3A_254 : i1 to vector<16xi1>
      %masked_cumsum3A = tpu.scan <sum>, %convert_element_type3A_253 masked %broadcast_in_dim3A_255 : vector<16xi32>, vector<16xi1> -> vector<16xi32>
      %sub3A_256 = arith.subi %masked_cumsum3A, %convert_element_type3A_253 : vector<16xi32>
      %add3A_257 = vector.broadcast %scan3A_246 : i32 to vector<16xi32>
      %add3A_258 = arith.addi %add3A_257, %sub3A_256 : vector<16xi32>
      %mul3A_259 = arith.constant 16 : i32
      %mul3A_260 = arith.muli %scan3A_245, %mul3A_259 : i32
      %add3A_261 = arith.addi %mul3A_2, %mul3A_260 : i32
      %add3A_262 = vector.broadcast %add3A_261 : i32 to vector<16xi32>
      %add3A_263 = arith.addi %add3A_262, %iota3A : vector<16xi32>
      tpu.vector_store_idx %arg7[%add3A_258], %get3A_249 masked %lt3A_252 : memref<1024xi32, #tpu.memory_space<vmem>>[vector<16xi32>], vector<16xi32>, vector<16xi1>
      tpu.vector_store_idx %arg8[%add3A_258], %add3A_263 masked %lt3A_252 : memref<1024xi32, #tpu.memory_space<vmem>>[vector<16xi32>], vector<16xi32>, vector<16xi1>
      %slice3A = vector.extract_strided_slice %masked_cumsum3A {offsets = [15], sizes = [1], strides = [1]} : vector<16xi32> to vector<1xi32>
      %squeeze3A = vector.extract %slice3A[0] : i32 from vector<1xi32>
      %add3A_264 = arith.addi %scan3A_246, %squeeze3A : i32
      scf.yield %add3A_264 : i32
    }
    %scan3A_92 = arith.constant 48 : i32
    %broadcast_in_dim3A = arith.constant 0 : i32
    %broadcast_in_dim3A_93 = vector.broadcast %broadcast_in_dim3A : i32 to vector<16xi32>
    %gather3A = tpu.vector_load_idx %arg7[%broadcast_in_dim3A_93] : memref<1024xi32, #tpu.memory_space<vmem>>[vector<16xi32>], vector<16xi32>,
    %gather3A_94 = tpu.vector_load_idx %arg8[%broadcast_in_dim3A_93] : memref<1024xi32, #tpu.memory_space<vmem>>[vector<16xi32>], vector<16xi32>,
    %add3A_95 = arith.constant 7 : i32
    %add3A_96 = arith.addi %scan3A_91, %add3A_95 : i32
    %and3A_97 = arith.constant -8 : i32
    %and3A_98 = arith.andi %add3A_96, %and3A_97 : i32
    %lt3A_99 = arith.constant 24 : i32
    %lt3A_100 = arith.cmpi slt, %and3A_98, %lt3A_99 : i32
    %jit3A_101 = arith.constant 24 : i32
    %select_n3A_102 = arith.select %lt3A_100, %jit3A_101, %and3A_98 : i32
    %add3A_103 = arith.constant 0 : i32
    %add3A_104 = arith.addi %scan3A_91, %add3A_103 : i32
    %add3A_105 = vector.broadcast %add3A_104 : i32 to vector<16xi32>
    %add3A_106 = arith.addi %add3A_105, %iota3A : vector<16xi32>
    %lt3A_107 = vector.broadcast %select_n3A_102 : i32 to vector<16xi32>
    %lt3A_108 = arith.cmpi slt, %add3A_106, %lt3A_107 : vector<16xi32>
    tpu.vector_store_idx %arg7[%add3A_106], %gather3A masked %lt3A_108 : memref<1024xi32, #tpu.memory_space<vmem>>[vector<16xi32>], vector<16xi32>, vector<16xi1>
    tpu.vector_store_idx %arg8[%add3A_106], %gather3A_94 masked %lt3A_108 : memref<1024xi32, #tpu.memory_space<vmem>>[vector<16xi32>], vector<16xi32>, vector<16xi1>
    %gt3A_109 = arith.constant 0 : i32
    %gt3A_110 = arith.cmpi sgt, %scan3A_91, %gt3A_109 : i32
    %jit3A_111 = arith.constant 0 : i32
    %select_n3A_112 = arith.select %gt3A_110, %select_n3A_102, %jit3A_111 : i32
    %add3A_113 = arith.constant 24 : i32
    %add3A_114 = arith.addi %select_n3A_112, %add3A_113 : i32
    %sub3A_115 = arith.constant 1 : i32
    %sub3A_116 = arith.subi %add3A_114, %sub3A_115 : i32
    %jit3A_117 = arith.constant 24 : i32
    %div3A_118 = arith.divsi %sub3A_116, %jit3A_117 : i32
    %sign3A_119 = arith.constant 0 : i32
    %sign3A_120 = arith.cmpi sgt, %sub3A_116, %sign3A_119 : i32
    %sign3A_121 = arith.extui %sign3A_120 : i1 to i32
    %sign3A_122 = arith.constant 0 : i32
    %sign3A_123 = arith.cmpi slt, %sub3A_116, %sign3A_122 : i32
    %sign3A_124 = arith.extui %sign3A_123 : i1 to i32
    %sign3A_125 = arith.subi %sign3A_121, %sign3A_124 : i32
    %sign3A_126 = arith.constant 0 : i32
    %sign3A_127 = arith.cmpi sgt, %jit3A_117, %sign3A_126 : i32
    %sign3A_128 = arith.extui %sign3A_127 : i1 to i32
    %sign3A_129 = arith.constant 0 : i32
    %sign3A_130 = arith.cmpi slt, %jit3A_117, %sign3A_129 : i32
    %sign3A_131 = arith.extui %sign3A_130 : i1 to i32
    %sign3A_132 = arith.subi %sign3A_128, %sign3A_131 : i32
    %ne3A_133 = arith.cmpi ne, %sign3A_125, %sign3A_132 : i32
    %rem3A_134 = arith.remsi %sub3A_116, %jit3A_117 : i32
    %ne3A_135 = arith.constant 0 : i32
    %ne3A_136 = arith.cmpi ne, %rem3A_134, %ne3A_135 : i32
    %and3A_137 = arith.andi %ne3A_133, %ne3A_136 : i1
    %sub3A_138 = arith.constant 1 : i32
    %sub3A_139 = arith.subi %div3A_118, %sub3A_138 : i32
    %select_n3A_140 = arith.select %and3A_137, %sub3A_139, %div3A_118 : i32
    %sub3A_141 = arith.constant 24 : i32
    %sub3A_142 = arith.subi %select_n3A_112, %sub3A_141 : i32
    %max3A = arith.constant 0 : i32
    %max3A_143 = arith.maxsi %sub3A_142, %max3A : i32
    %le3A = arith.constant 0 : i32
    %le3A_144 = arith.cmpi sle, %select_n3A_64, %le3A : i32
    %gt3A_145 = arith.constant 0 : i32
    %gt3A_146 = arith.cmpi sgt, %select_n3A_140, %gt3A_145 : i32
    %and3A_147 = arith.andi %le3A_144, %gt3A_146 : i1
    %convert_element_type3A_148 = arith.extui %and3A_147 : i1 to i32
    %cond3A_149 = arith.constant 0 : i32
    %cond3A_150 = arith.cmpi ne, %convert_element_type3A_148, %cond3A_149 : i32
    scf.if %cond3A_150 {
      %min3A = arith.constant 0 : i32
      %min3A_245 = arith.minsi %min3A, %max3A_143 : i32
      %multiple_of3A = tpu.assume_multiple %min3A_245, 8 : i32
      %dma_start3A = tpu.memref_slice %arg7[%multiple_of3A] : memref<1024xi32, #tpu.memory_space<vmem>> -> memref<24xi32, #tpu.memory_space<vmem>>
      %dma_start3A_246 = arith.constant 0 : i32
      %dma_start3A_247 = arith.constant 0 : i32
      %dma_start3A_248 = tpu.memref_slice %arg3[%dma_start3A_246, %dma_start3A_247] : memref<100000x1024xf32, #tpu.memory_space<hbm>> -> memref<100000x1024xf32, #tpu.memory_space<hbm>>
      tpu.enqueue_indirect_dma source(%dma_start3A_248 : memref<100000x1024xf32, #tpu.memory_space<hbm>>) target(%arg9 : memref<24x1024xf32, #tpu.memory_space<vmem>>) offsets(%dma_start3A : memref<24xi32, #tpu.memory_space<vmem>>) semaphore(%arg14 : memref<!tpu.dma_semaphore, #tpu.memory_space<semaphore_mem>>)
    } else {
    }
    %le3A_151 = arith.constant 1 : i32
    %le3A_152 = arith.cmpi sle, %select_n3A_64, %le3A_151 : i32
    %gt3A_153 = arith.constant 1 : i32
    %gt3A_154 = arith.cmpi sgt, %select_n3A_140, %gt3A_153 : i32
    %and3A_155 = arith.andi %le3A_152, %gt3A_154 : i1
    %convert_element_type3A_156 = arith.extui %and3A_155 : i1 to i32
    %cond3A_157 = arith.constant 0 : i32
    %cond3A_158 = arith.cmpi ne, %convert_element_type3A_156, %cond3A_157 : i32
    scf.if %cond3A_158 {
      %min3A = arith.constant 24 : i32
      %min3A_245 = arith.minsi %min3A, %max3A_143 : i32
      %multiple_of3A = tpu.assume_multiple %min3A_245, 8 : i32
      %dma_start3A = tpu.memref_slice %arg7[%multiple_of3A] : memref<1024xi32, #tpu.memory_space<vmem>> -> memref<24xi32, #tpu.memory_space<vmem>>
      %dma_start3A_246 = arith.constant 0 : i32
      %dma_start3A_247 = arith.constant 0 : i32
      %dma_start3A_248 = tpu.memref_slice %arg3[%dma_start3A_246, %dma_start3A_247] : memref<100000x1024xf32, #tpu.memory_space<hbm>> -> memref<100000x1024xf32, #tpu.memory_space<hbm>>
      tpu.enqueue_indirect_dma source(%dma_start3A_248 : memref<100000x1024xf32, #tpu.memory_space<hbm>>) target(%arg10 : memref<24x1024xf32, #tpu.memory_space<vmem>>) offsets(%dma_start3A : memref<24xi32, #tpu.memory_space<vmem>>) semaphore(%arg14 : memref<!tpu.dma_semaphore, #tpu.memory_space<semaphore_mem>>)
    } else {
    }
    %le3A_159 = arith.constant 2 : i32
    %le3A_160 = arith.cmpi sle, %select_n3A_64, %le3A_159 : i32
    %gt3A_161 = arith.constant 2 : i32
    %gt3A_162 = arith.cmpi sgt, %select_n3A_140, %gt3A_161 : i32
    %and3A_163 = arith.andi %le3A_160, %gt3A_162 : i1
    %convert_element_type3A_164 = arith.extui %and3A_163 : i1 to i32
    %cond3A_165 = arith.constant 0 : i32
    %cond3A_166 = arith.cmpi ne, %convert_element_type3A_164, %cond3A_165 : i32
    scf.if %cond3A_166 {
      %min3A = arith.constant 48 : i32
      %min3A_245 = arith.minsi %min3A, %max3A_143 : i32
      %multiple_of3A = tpu.assume_multiple %min3A_245, 8 : i32
      %dma_start3A = tpu.memref_slice %arg7[%multiple_of3A] : memref<1024xi32, #tpu.memory_space<vmem>> -> memref<24xi32, #tpu.memory_space<vmem>>
      %dma_start3A_246 = arith.constant 0 : i32
      %dma_start3A_247 = arith.constant 0 : i32
      %dma_start3A_248 = tpu.memref_slice %arg3[%dma_start3A_246, %dma_start3A_247] : memref<100000x1024xf32, #tpu.memory_space<hbm>> -> memref<100000x1024xf32, #tpu.memory_space<hbm>>
      tpu.enqueue_indirect_dma source(%dma_start3A_248 : memref<100000x1024xf32, #tpu.memory_space<hbm>>) target(%arg11 : memref<24x1024xf32, #tpu.memory_space<vmem>>) offsets(%dma_start3A : memref<24xi32, #tpu.memory_space<vmem>>) semaphore(%arg14 : memref<!tpu.dma_semaphore, #tpu.memory_space<semaphore_mem>>)
    } else {
    }
    %le3A_167 = arith.constant 3 : i32
    %le3A_168 = arith.cmpi sle, %select_n3A_64, %le3A_167 : i32
    %gt3A_169 = arith.constant 3 : i32
    %gt3A_170 = arith.cmpi sgt, %select_n3A_140, %gt3A_169 : i32
    %and3A_171 = arith.andi %le3A_168, %gt3A_170 : i1
    %convert_element_type3A_172 = arith.extui %and3A_171 : i1 to i32
    %cond3A_173 = arith.constant 0 : i32
    %cond3A_174 = arith.cmpi ne, %convert_element_type3A_172, %cond3A_173 : i32
    scf.if %cond3A_174 {
      %min3A = arith.constant 72 : i32
      %min3A_245 = arith.minsi %min3A, %max3A_143 : i32
      %multiple_of3A = tpu.assume_multiple %min3A_245, 8 : i32
      %dma_start3A = tpu.memref_slice %arg7[%multiple_of3A] : memref<1024xi32, #tpu.memory_space<vmem>> -> memref<24xi32, #tpu.memory_space<vmem>>
      %dma_start3A_246 = arith.constant 0 : i32
      %dma_start3A_247 = arith.constant 0 : i32
      %dma_start3A_248 = tpu.memref_slice %arg3[%dma_start3A_246, %dma_start3A_247] : memref<100000x1024xf32, #tpu.memory_space<hbm>> -> memref<100000x1024xf32, #tpu.memory_space<hbm>>
      tpu.enqueue_indirect_dma source(%dma_start3A_248 : memref<100000x1024xf32, #tpu.memory_space<hbm>>) target(%arg12 : memref<24x1024xf32, #tpu.memory_space<vmem>>) offsets(%dma_start3A : memref<24xi32, #tpu.memory_space<vmem>>) semaphore(%arg14 : memref<!tpu.dma_semaphore, #tpu.memory_space<semaphore_mem>>)
    } else {
    }
    %le3A_175 = arith.constant 4 : i32
    %le3A_176 = arith.cmpi sle, %select_n3A_64, %le3A_175 : i32
    %gt3A_177 = arith.constant 4 : i32
    %gt3A_178 = arith.cmpi sgt, %select_n3A_140, %gt3A_177 : i32
    %and3A_179 = arith.andi %le3A_176, %gt3A_178 : i1
    %convert_element_type3A_180 = arith.extui %and3A_179 : i1 to i32
    %cond3A_181 = arith.constant 0 : i32
    %cond3A_182 = arith.cmpi ne, %convert_element_type3A_180, %cond3A_181 : i32
    scf.if %cond3A_182 {
      %min3A = arith.constant 96 : i32
      %min3A_245 = arith.minsi %min3A, %max3A_143 : i32
      %multiple_of3A = tpu.assume_multiple %min3A_245, 8 : i32
      %dma_start3A = tpu.memref_slice %arg7[%multiple_of3A] : memref<1024xi32, #tpu.memory_space<vmem>> -> memref<24xi32, #tpu.memory_space<vmem>>
      %dma_start3A_246 = arith.constant 0 : i32
      %dma_start3A_247 = arith.constant 0 : i32
      %dma_start3A_248 = tpu.memref_slice %arg3[%dma_start3A_246, %dma_start3A_247] : memref<100000x1024xf32, #tpu.memory_space<hbm>> -> memref<100000x1024xf32, #tpu.memory_space<hbm>>
      tpu.enqueue_indirect_dma source(%dma_start3A_248 : memref<100000x1024xf32, #tpu.memory_space<hbm>>) target(%arg13 : memref<24x1024xf32, #tpu.memory_space<vmem>>) offsets(%dma_start3A : memref<24xi32, #tpu.memory_space<vmem>>) semaphore(%arg14 : memref<!tpu.dma_semaphore, #tpu.memory_space<semaphore_mem>>)
    } else {
    }
    %add3A_183 = arith.constant 5 : i32
    %add3A_184 = arith.addi %select_n3A_140, %add3A_183 : i32
    %sub3A_185 = arith.constant 1 : i32
    %sub3A_186 = arith.subi %add3A_184, %sub3A_185 : i32
    %jit3A_187 = arith.constant 5 : i32
    %div3A_188 = arith.divsi %sub3A_186, %jit3A_187 : i32
    %sign3A_189 = arith.constant 0 : i32
    %sign3A_190 = arith.cmpi sgt, %sub3A_186, %sign3A_189 : i32
    %sign3A_191 = arith.extui %sign3A_190 : i1 to i32
    %sign3A_192 = arith.constant 0 : i32
    %sign3A_193 = arith.cmpi slt, %sub3A_186, %sign3A_192 : i32
    %sign3A_194 = arith.extui %sign3A_193 : i1 to i32
    %sign3A_195 = arith.subi %sign3A_191, %sign3A_194 : i32
    %sign3A_196 = arith.constant 0 : i32
    %sign3A_197 = arith.cmpi sgt, %jit3A_187, %sign3A_196 : i32
    %sign3A_198 = arith.extui %sign3A_197 : i1 to i32
    %sign3A_199 = arith.constant 0 : i32
    %sign3A_200 = arith.cmpi slt, %jit3A_187, %sign3A_199 : i32
    %sign3A_201 = arith.extui %sign3A_200 : i1 to i32
    %sign3A_202 = arith.subi %sign3A_198, %sign3A_201 : i32
    %ne3A_203 = arith.cmpi ne, %sign3A_195, %sign3A_202 : i32
    %rem3A_204 = arith.remsi %sub3A_186, %jit3A_187 : i32
    %ne3A_205 = arith.constant 0 : i32
    %ne3A_206 = arith.cmpi ne, %rem3A_204, %ne3A_205 : i32
    %and3A_207 = arith.andi %ne3A_203, %ne3A_206 : i1
    %sub3A_208 = arith.constant 1 : i32
    %sub3A_209 = arith.subi %div3A_188, %sub3A_208 : i32
    %select_n3A_210 = arith.select %and3A_207, %sub3A_209, %div3A_188 : i32
    %while3A = arith.constant 0 : i32
    %while3A_211 = arith.constant 0 : i32
    %while3A_212 = arith.subi %select_n3A_210, %while3A_211 : i32
    %while3A_213 = arith.addi %while3A_211, %while3A_212 : i32
    %while3A_214 = arith.constant 1 : i32
    %while3A_215 = arith.divsi %while3A_212, %while3A_214 : i32
    %while3A_216 = arith.muli %while3A_215, %while3A_214 : i32
    %while3A_217 = arith.addi %while3A_211, %while3A_216 : i32
    %while3A_218 = arith.constant 1 : i32
    scf.for %while3A_245 = %while3A_211 to %while3A_217 step %while3A_218  : i32 {
      %mul3A_246 = arith.constant 5 : i32
      %mul3A_247 = arith.muli %while3A_245, %mul3A_246 : i32
      %add3A_248 = arith.constant 0 : i32
      %add3A_249 = arith.addi %mul3A_247, %add3A_248 : i32
      %lt3A_250 = arith.cmpi slt, %add3A_249, %select_n3A_140 : i32
      %convert_element_type3A_251 = arith.extui %lt3A_250 : i1 to i32
      %cond3A_252 = arith.constant 0 : i32
      %cond3A_253 = arith.cmpi ne, %convert_element_type3A_251, %cond3A_252 : i32
      scf.if %cond3A_253 {
        %dma_wait3A = arith.constant 0 : i32
        %dma_wait3A_278 = tpu.memref_slice %arg7[%dma_wait3A] : memref<1024xi32, #tpu.memory_space<vmem>> -> memref<24xi32, #tpu.memory_space<vmem>>
        %dma_wait3A_279 = arith.constant 0 : i32
        %dma_wait3A_280 = arith.constant 0 : i32
        %dma_wait3A_281 = tpu.memref_slice %arg3[%dma_wait3A_279, %dma_wait3A_280] : memref<100000x1024xf32, #tpu.memory_space<hbm>> -> memref<100000x1024xf32, #tpu.memory_space<hbm>>
        tpu.wait_indirect_dma semaphore(%arg14 : memref<!tpu.dma_semaphore, #tpu.memory_space<semaphore_mem>>) src(%dma_wait3A_281 : memref<100000x1024xf32, #tpu.memory_space<hbm>>) dst(%arg9 : memref<24x1024xf32, #tpu.memory_space<vmem>>)
        %mul3A_282 = arith.constant 24 : i32
        %mul3A_283 = arith.muli %add3A_249, %mul3A_282 : i32
        %min3A = arith.minsi %mul3A_283, %max3A_143 : i32
        %multiple_of3A = tpu.assume_multiple %min3A, 8 : i32
        %dma_start3A = tpu.memref_slice %arg8[%multiple_of3A] : memref<1024xi32, #tpu.memory_space<vmem>> -> memref<24xi32, #tpu.memory_space<vmem>>
        %dma_start3A_284 = arith.constant 0 : i32
        %dma_start3A_285 = arith.constant 0 : i32
        %dma_start3A_286 = tpu.memref_slice %arg4[%dma_start3A_284, %dma_start3A_285] : memref<32768x1024xf32, #tpu.memory_space<hbm>> -> memref<32768x1024xf32, #tpu.memory_space<hbm>>
        tpu.enqueue_indirect_dma source(%arg9 : memref<24x1024xf32, #tpu.memory_space<vmem>>) target(%dma_start3A_286 : memref<32768x1024xf32, #tpu.memory_space<hbm>>) offsets(%dma_start3A : memref<24xi32, #tpu.memory_space<vmem>>) semaphore(%arg15 : memref<!tpu.dma_semaphore, #tpu.memory_space<semaphore_mem>>)
        %add3A_287 = arith.constant 5 : i32
        %add3A_288 = arith.addi %add3A_249, %add3A_287 : i32
        %lt3A_289 = arith.cmpi slt, %add3A_288, %select_n3A_140 : i32
        %convert_element_type3A_290 = arith.extui %lt3A_289 : i1 to i32
        %cond3A_291 = arith.constant 0 : i32
        %cond3A_292 = arith.cmpi ne, %convert_element_type3A_290, %cond3A_291 : i32
        scf.if %cond3A_292 {
          %dma_wait3A_293 = arith.constant 0 : i32
          %dma_wait3A_294 = tpu.memref_slice %arg8[%dma_wait3A_293] : memref<1024xi32, #tpu.memory_space<vmem>> -> memref<24xi32, #tpu.memory_space<vmem>>
          %dma_wait3A_295 = arith.constant 0 : i32
          %dma_wait3A_296 = arith.constant 0 : i32
          %dma_wait3A_297 = tpu.memref_slice %arg4[%dma_wait3A_295, %dma_wait3A_296] : memref<32768x1024xf32, #tpu.memory_space<hbm>> -> memref<32768x1024xf32, #tpu.memory_space<hbm>>
          tpu.wait_indirect_dma semaphore(%arg15 : memref<!tpu.dma_semaphore, #tpu.memory_space<semaphore_mem>>) src(%arg9 : memref<24x1024xf32, #tpu.memory_space<vmem>>) dst(%dma_wait3A_297 : memref<32768x1024xf32, #tpu.memory_space<hbm>>)
          %add3A_298 = arith.constant 5 : i32
          %add3A_299 = arith.addi %add3A_249, %add3A_298 : i32
          %mul3A_300 = arith.constant 24 : i32
          %mul3A_301 = arith.muli %add3A_299, %mul3A_300 : i32
          %min3A_302 = arith.minsi %mul3A_301, %max3A_143 : i32
          %multiple_of3A_303 = tpu.assume_multiple %min3A_302, 8 : i32
          %dma_start3A_304 = tpu.memref_slice %arg7[%multiple_of3A_303] : memref<1024xi32, #tpu.memory_space<vmem>> -> memref<24xi32, #tpu.memory_space<vmem>>
          %dma_start3A_305 = arith.constant 0 : i32
          %dma_start3A_306 = arith.constant 0 : i32
          %dma_start3A_307 = tpu.memref_slice %arg3[%dma_start3A_305, %dma_start3A_306] : memref<100000x1024xf32, #tpu.memory_space<hbm>> -> memref<100000x1024xf32, #tpu.memory_space<hbm>>
          tpu.enqueue_indirect_dma source(%dma_start3A_307 : memref<100000x1024xf32, #tpu.memory_space<hbm>>) target(%arg9 : memref<24x1024xf32, #tpu.memory_space<vmem>>) offsets(%dma_start3A_304 : memref<24xi32, #tpu.memory_space<vmem>>) semaphore(%arg14 : memref<!tpu.dma_semaphore, #tpu.memory_space<semaphore_mem>>)
        } else {
        }
      } else {
      }
      %add3A_254 = arith.constant 1 : i32
      %add3A_255 = arith.addi %mul3A_247, %add3A_254 : i32
      %lt3A_256 = arith.cmpi slt, %add3A_255, %select_n3A_140 : i32
      %convert_element_type3A_257 = arith.extui %lt3A_256 : i1 to i32
      %cond3A_258 = arith.constant 0 : i32
      %cond3A_259 = arith.cmpi ne, %convert_element_type3A_257, %cond3A_258 : i32
      scf.if %cond3A_259 {
        %dma_wait3A = arith.constant 0 : i32
        %dma_wait3A_278 = tpu.memref_slice %arg7[%dma_wait3A] : memref<1024xi32, #tpu.memory_space<vmem>> -> memref<24xi32, #tpu.memory_space<vmem>>
        %dma_wait3A_279 = arith.constant 0 : i32
        %dma_wait3A_280 = arith.constant 0 : i32
        %dma_wait3A_281 = tpu.memref_slice %arg3[%dma_wait3A_279, %dma_wait3A_280] : memref<100000x1024xf32, #tpu.memory_space<hbm>> -> memref<100000x1024xf32, #tpu.memory_space<hbm>>
        tpu.wait_indirect_dma semaphore(%arg14 : memref<!tpu.dma_semaphore, #tpu.memory_space<semaphore_mem>>) src(%dma_wait3A_281 : memref<100000x1024xf32, #tpu.memory_space<hbm>>) dst(%arg10 : memref<24x1024xf32, #tpu.memory_space<vmem>>)
        %mul3A_282 = arith.constant 24 : i32
        %mul3A_283 = arith.muli %add3A_255, %mul3A_282 : i32
        %min3A = arith.minsi %mul3A_283, %max3A_143 : i32
        %multiple_of3A = tpu.assume_multiple %min3A, 8 : i32
        %dma_start3A = tpu.memref_slice %arg8[%multiple_of3A] : memref<1024xi32, #tpu.memory_space<vmem>> -> memref<24xi32, #tpu.memory_space<vmem>>
        %dma_start3A_284 = arith.constant 0 : i32
        %dma_start3A_285 = arith.constant 0 : i32
        %dma_start3A_286 = tpu.memref_slice %arg4[%dma_start3A_284, %dma_start3A_285] : memref<32768x1024xf32, #tpu.memory_space<hbm>> -> memref<32768x1024xf32, #tpu.memory_space<hbm>>
        tpu.enqueue_indirect_dma source(%arg10 : memref<24x1024xf32, #tpu.memory_space<vmem>>) target(%dma_start3A_286 : memref<32768x1024xf32, #tpu.memory_space<hbm>>) offsets(%dma_start3A : memref<24xi32, #tpu.memory_space<vmem>>) semaphore(%arg15 : memref<!tpu.dma_semaphore, #tpu.memory_space<semaphore_mem>>)
        %add3A_287 = arith.constant 5 : i32
        %add3A_288 = arith.addi %add3A_255, %add3A_287 : i32
        %lt3A_289 = arith.cmpi slt, %add3A_288, %select_n3A_140 : i32
        %convert_element_type3A_290 = arith.extui %lt3A_289 : i1 to i32
        %cond3A_291 = arith.constant 0 : i32
        %cond3A_292 = arith.cmpi ne, %convert_element_type3A_290, %cond3A_291 : i32
        scf.if %cond3A_292 {
          %dma_wait3A_293 = arith.constant 0 : i32
          %dma_wait3A_294 = tpu.memref_slice %arg8[%dma_wait3A_293] : memref<1024xi32, #tpu.memory_space<vmem>> -> memref<24xi32, #tpu.memory_space<vmem>>
          %dma_wait3A_295 = arith.constant 0 : i32
          %dma_wait3A_296 = arith.constant 0 : i32
          %dma_wait3A_297 = tpu.memref_slice %arg4[%dma_wait3A_295, %dma_wait3A_296] : memref<32768x1024xf32, #tpu.memory_space<hbm>> -> memref<32768x1024xf32, #tpu.memory_space<hbm>>
          tpu.wait_indirect_dma semaphore(%arg15 : memref<!tpu.dma_semaphore, #tpu.memory_space<semaphore_mem>>) src(%arg10 : memref<24x1024xf32, #tpu.memory_space<vmem>>) dst(%dma_wait3A_297 : memref<32768x1024xf32, #tpu.memory_space<hbm>>)
          %add3A_298 = arith.constant 5 : i32
          %add3A_299 = arith.addi %add3A_255, %add3A_298 : i32
          %mul3A_300 = arith.constant 24 : i32
          %mul3A_301 = arith.muli %add3A_299, %mul3A_300 : i32
          %min3A_302 = arith.minsi %mul3A_301, %max3A_143 : i32
          %multiple_of3A_303 = tpu.assume_multiple %min3A_302, 8 : i32
          %dma_start3A_304 = tpu.memref_slice %arg7[%multiple_of3A_303] : memref<1024xi32, #tpu.memory_space<vmem>> -> memref<24xi32, #tpu.memory_space<vmem>>
          %dma_start3A_305 = arith.constant 0 : i32
          %dma_start3A_306 = arith.constant 0 : i32
          %dma_start3A_307 = tpu.memref_slice %arg3[%dma_start3A_305, %dma_start3A_306] : memref<100000x1024xf32, #tpu.memory_space<hbm>> -> memref<100000x1024xf32, #tpu.memory_space<hbm>>
          tpu.enqueue_indirect_dma source(%dma_start3A_307 : memref<100000x1024xf32, #tpu.memory_space<hbm>>) target(%arg10 : memref<24x1024xf32, #tpu.memory_space<vmem>>) offsets(%dma_start3A_304 : memref<24xi32, #tpu.memory_space<vmem>>) semaphore(%arg14 : memref<!tpu.dma_semaphore, #tpu.memory_space<semaphore_mem>>)
        } else {
        }
      } else {
      }
      %add3A_260 = arith.constant 2 : i32
      %add3A_261 = arith.addi %mul3A_247, %add3A_260 : i32
      %lt3A_262 = arith.cmpi slt, %add3A_261, %select_n3A_140 : i32
      %convert_element_type3A_263 = arith.extui %lt3A_262 : i1 to i32
      %cond3A_264 = arith.constant 0 : i32
      %cond3A_265 = arith.cmpi ne, %convert_element_type3A_263, %cond3A_264 : i32
      scf.if %cond3A_265 {
        %dma_wait3A = arith.constant 0 : i32
        %dma_wait3A_278 = tpu.memref_slice %arg7[%dma_wait3A] : memref<1024xi32, #tpu.memory_space<vmem>> -> memref<24xi32, #tpu.memory_space<vmem>>
        %dma_wait3A_279 = arith.constant 0 : i32
        %dma_wait3A_280 = arith.constant 0 : i32
        %dma_wait3A_281 = tpu.memref_slice %arg3[%dma_wait3A_279, %dma_wait3A_280] : memref<100000x1024xf32, #tpu.memory_space<hbm>> -> memref<100000x1024xf32, #tpu.memory_space<hbm>>
        tpu.wait_indirect_dma semaphore(%arg14 : memref<!tpu.dma_semaphore, #tpu.memory_space<semaphore_mem>>) src(%dma_wait3A_281 : memref<100000x1024xf32, #tpu.memory_space<hbm>>) dst(%arg11 : memref<24x1024xf32, #tpu.memory_space<vmem>>)
        %mul3A_282 = arith.constant 24 : i32
        %mul3A_283 = arith.muli %add3A_261, %mul3A_282 : i32
        %min3A = arith.minsi %mul3A_283, %max3A_143 : i32
        %multiple_of3A = tpu.assume_multiple %min3A, 8 : i32
        %dma_start3A = tpu.memref_slice %arg8[%multiple_of3A] : memref<1024xi32, #tpu.memory_space<vmem>> -> memref<24xi32, #tpu.memory_space<vmem>>
        %dma_start3A_284 = arith.constant 0 : i32
        %dma_start3A_285 = arith.constant 0 : i32
        %dma_start3A_286 = tpu.memref_slice %arg4[%dma_start3A_284, %dma_start3A_285] : memref<32768x1024xf32, #tpu.memory_space<hbm>> -> memref<32768x1024xf32, #tpu.memory_space<hbm>>
        tpu.enqueue_indirect_dma source(%arg11 : memref<24x1024xf32, #tpu.memory_space<vmem>>) target(%dma_start3A_286 : memref<32768x1024xf32, #tpu.memory_space<hbm>>) offsets(%dma_start3A : memref<24xi32, #tpu.memory_space<vmem>>) semaphore(%arg15 : memref<!tpu.dma_semaphore, #tpu.memory_space<semaphore_mem>>)
        %add3A_287 = arith.constant 5 : i32
        %add3A_288 = arith.addi %add3A_261, %add3A_287 : i32
        %lt3A_289 = arith.cmpi slt, %add3A_288, %select_n3A_140 : i32
        %convert_element_type3A_290 = arith.extui %lt3A_289 : i1 to i32
        %cond3A_291 = arith.constant 0 : i32
        %cond3A_292 = arith.cmpi ne, %convert_element_type3A_290, %cond3A_291 : i32
        scf.if %cond3A_292 {
          %dma_wait3A_293 = arith.constant 0 : i32
          %dma_wait3A_294 = tpu.memref_slice %arg8[%dma_wait3A_293] : memref<1024xi32, #tpu.memory_space<vmem>> -> memref<24xi32, #tpu.memory_space<vmem>>
          %dma_wait3A_295 = arith.constant 0 : i32
          %dma_wait3A_296 = arith.constant 0 : i32
          %dma_wait3A_297 = tpu.memref_slice %arg4[%dma_wait3A_295, %dma_wait3A_296] : memref<32768x1024xf32, #tpu.memory_space<hbm>> -> memref<32768x1024xf32, #tpu.memory_space<hbm>>
          tpu.wait_indirect_dma semaphore(%arg15 : memref<!tpu.dma_semaphore, #tpu.memory_space<semaphore_mem>>) src(%arg11 : memref<24x1024xf32, #tpu.memory_space<vmem>>) dst(%dma_wait3A_297 : memref<32768x1024xf32, #tpu.memory_space<hbm>>)
          %add3A_298 = arith.constant 5 : i32
          %add3A_299 = arith.addi %add3A_261, %add3A_298 : i32
          %mul3A_300 = arith.constant 24 : i32
          %mul3A_301 = arith.muli %add3A_299, %mul3A_300 : i32
          %min3A_302 = arith.minsi %mul3A_301, %max3A_143 : i32
          %multiple_of3A_303 = tpu.assume_multiple %min3A_302, 8 : i32
          %dma_start3A_304 = tpu.memref_slice %arg7[%multiple_of3A_303] : memref<1024xi32, #tpu.memory_space<vmem>> -> memref<24xi32, #tpu.memory_space<vmem>>
          %dma_start3A_305 = arith.constant 0 : i32
          %dma_start3A_306 = arith.constant 0 : i32
          %dma_start3A_307 = tpu.memref_slice %arg3[%dma_start3A_305, %dma_start3A_306] : memref<100000x1024xf32, #tpu.memory_space<hbm>> -> memref<100000x1024xf32, #tpu.memory_space<hbm>>
          tpu.enqueue_indirect_dma source(%dma_start3A_307 : memref<100000x1024xf32, #tpu.memory_space<hbm>>) target(%arg11 : memref<24x1024xf32, #tpu.memory_space<vmem>>) offsets(%dma_start3A_304 : memref<24xi32, #tpu.memory_space<vmem>>) semaphore(%arg14 : memref<!tpu.dma_semaphore, #tpu.memory_space<semaphore_mem>>)
        } else {
        }
      } else {
      }
      %add3A_266 = arith.constant 3 : i32
      %add3A_267 = arith.addi %mul3A_247, %add3A_266 : i32
      %lt3A_268 = arith.cmpi slt, %add3A_267, %select_n3A_140 : i32
      %convert_element_type3A_269 = arith.extui %lt3A_268 : i1 to i32
      %cond3A_270 = arith.constant 0 : i32
      %cond3A_271 = arith.cmpi ne, %convert_element_type3A_269, %cond3A_270 : i32
      scf.if %cond3A_271 {
        %dma_wait3A = arith.constant 0 : i32
        %dma_wait3A_278 = tpu.memref_slice %arg7[%dma_wait3A] : memref<1024xi32, #tpu.memory_space<vmem>> -> memref<24xi32, #tpu.memory_space<vmem>>
        %dma_wait3A_279 = arith.constant 0 : i32
        %dma_wait3A_280 = arith.constant 0 : i32
        %dma_wait3A_281 = tpu.memref_slice %arg3[%dma_wait3A_279, %dma_wait3A_280] : memref<100000x1024xf32, #tpu.memory_space<hbm>> -> memref<100000x1024xf32, #tpu.memory_space<hbm>>
        tpu.wait_indirect_dma semaphore(%arg14 : memref<!tpu.dma_semaphore, #tpu.memory_space<semaphore_mem>>) src(%dma_wait3A_281 : memref<100000x1024xf32, #tpu.memory_space<hbm>>) dst(%arg12 : memref<24x1024xf32, #tpu.memory_space<vmem>>)
        %mul3A_282 = arith.constant 24 : i32
        %mul3A_283 = arith.muli %add3A_267, %mul3A_282 : i32
        %min3A = arith.minsi %mul3A_283, %max3A_143 : i32
        %multiple_of3A = tpu.assume_multiple %min3A, 8 : i32
        %dma_start3A = tpu.memref_slice %arg8[%multiple_of3A] : memref<1024xi32, #tpu.memory_space<vmem>> -> memref<24xi32, #tpu.memory_space<vmem>>
        %dma_start3A_284 = arith.constant 0 : i32
        %dma_start3A_285 = arith.constant 0 : i32
        %dma_start3A_286 = tpu.memref_slice %arg4[%dma_start3A_284, %dma_start3A_285] : memref<32768x1024xf32, #tpu.memory_space<hbm>> -> memref<32768x1024xf32, #tpu.memory_space<hbm>>
        tpu.enqueue_indirect_dma source(%arg12 : memref<24x1024xf32, #tpu.memory_space<vmem>>) target(%dma_start3A_286 : memref<32768x1024xf32, #tpu.memory_space<hbm>>) offsets(%dma_start3A : memref<24xi32, #tpu.memory_space<vmem>>) semaphore(%arg15 : memref<!tpu.dma_semaphore, #tpu.memory_space<semaphore_mem>>)
        %add3A_287 = arith.constant 5 : i32
        %add3A_288 = arith.addi %add3A_267, %add3A_287 : i32
        %lt3A_289 = arith.cmpi slt, %add3A_288, %select_n3A_140 : i32
        %convert_element_type3A_290 = arith.extui %lt3A_289 : i1 to i32
        %cond3A_291 = arith.constant 0 : i32
        %cond3A_292 = arith.cmpi ne, %convert_element_type3A_290, %cond3A_291 : i32
        scf.if %cond3A_292 {
          %dma_wait3A_293 = arith.constant 0 : i32
          %dma_wait3A_294 = tpu.memref_slice %arg8[%dma_wait3A_293] : memref<1024xi32, #tpu.memory_space<vmem>> -> memref<24xi32, #tpu.memory_space<vmem>>
          %dma_wait3A_295 = arith.constant 0 : i32
          %dma_wait3A_296 = arith.constant 0 : i32
          %dma_wait3A_297 = tpu.memref_slice %arg4[%dma_wait3A_295, %dma_wait3A_296] : memref<32768x1024xf32, #tpu.memory_space<hbm>> -> memref<32768x1024xf32, #tpu.memory_space<hbm>>
          tpu.wait_indirect_dma semaphore(%arg15 : memref<!tpu.dma_semaphore, #tpu.memory_space<semaphore_mem>>) src(%arg12 : memref<24x1024xf32, #tpu.memory_space<vmem>>) dst(%dma_wait3A_297 : memref<32768x1024xf32, #tpu.memory_space<hbm>>)
          %add3A_298 = arith.constant 5 : i32
          %add3A_299 = arith.addi %add3A_267, %add3A_298 : i32
          %mul3A_300 = arith.constant 24 : i32
          %mul3A_301 = arith.muli %add3A_299, %mul3A_300 : i32
          %min3A_302 = arith.minsi %mul3A_301, %max3A_143 : i32
          %multiple_of3A_303 = tpu.assume_multiple %min3A_302, 8 : i32
          %dma_start3A_304 = tpu.memref_slice %arg7[%multiple_of3A_303] : memref<1024xi32, #tpu.memory_space<vmem>> -> memref<24xi32, #tpu.memory_space<vmem>>
          %dma_start3A_305 = arith.constant 0 : i32
          %dma_start3A_306 = arith.constant 0 : i32
          %dma_start3A_307 = tpu.memref_slice %arg3[%dma_start3A_305, %dma_start3A_306] : memref<100000x1024xf32, #tpu.memory_space<hbm>> -> memref<100000x1024xf32, #tpu.memory_space<hbm>>
          tpu.enqueue_indirect_dma source(%dma_start3A_307 : memref<100000x1024xf32, #tpu.memory_space<hbm>>) target(%arg12 : memref<24x1024xf32, #tpu.memory_space<vmem>>) offsets(%dma_start3A_304 : memref<24xi32, #tpu.memory_space<vmem>>) semaphore(%arg14 : memref<!tpu.dma_semaphore, #tpu.memory_space<semaphore_mem>>)
        } else {
        }
      } else {
      }
      %add3A_272 = arith.constant 4 : i32
      %add3A_273 = arith.addi %mul3A_247, %add3A_272 : i32
      %lt3A_274 = arith.cmpi slt, %add3A_273, %select_n3A_140 : i32
      %convert_element_type3A_275 = arith.extui %lt3A_274 : i1 to i32
      %cond3A_276 = arith.constant 0 : i32
      %cond3A_277 = arith.cmpi ne, %convert_element_type3A_275, %cond3A_276 : i32
      scf.if %cond3A_277 {
        %dma_wait3A = arith.constant 0 : i32
        %dma_wait3A_278 = tpu.memref_slice %arg7[%dma_wait3A] : memref<1024xi32, #tpu.memory_space<vmem>> -> memref<24xi32, #tpu.memory_space<vmem>>
        %dma_wait3A_279 = arith.constant 0 : i32
        %dma_wait3A_280 = arith.constant 0 : i32
        %dma_wait3A_281 = tpu.memref_slice %arg3[%dma_wait3A_279, %dma_wait3A_280] : memref<100000x1024xf32, #tpu.memory_space<hbm>> -> memref<100000x1024xf32, #tpu.memory_space<hbm>>
        tpu.wait_indirect_dma semaphore(%arg14 : memref<!tpu.dma_semaphore, #tpu.memory_space<semaphore_mem>>) src(%dma_wait3A_281 : memref<100000x1024xf32, #tpu.memory_space<hbm>>) dst(%arg13 : memref<24x1024xf32, #tpu.memory_space<vmem>>)
        %mul3A_282 = arith.constant 24 : i32
        %mul3A_283 = arith.muli %add3A_273, %mul3A_282 : i32
        %min3A = arith.minsi %mul3A_283, %max3A_143 : i32
        %multiple_of3A = tpu.assume_multiple %min3A, 8 : i32
        %dma_start3A = tpu.memref_slice %arg8[%multiple_of3A] : memref<1024xi32, #tpu.memory_space<vmem>> -> memref<24xi32, #tpu.memory_space<vmem>>
        %dma_start3A_284 = arith.constant 0 : i32
        %dma_start3A_285 = arith.constant 0 : i32
        %dma_start3A_286 = tpu.memref_slice %arg4[%dma_start3A_284, %dma_start3A_285] : memref<32768x1024xf32, #tpu.memory_space<hbm>> -> memref<32768x1024xf32, #tpu.memory_space<hbm>>
        tpu.enqueue_indirect_dma source(%arg13 : memref<24x1024xf32, #tpu.memory_space<vmem>>) target(%dma_start3A_286 : memref<32768x1024xf32, #tpu.memory_space<hbm>>) offsets(%dma_start3A : memref<24xi32, #tpu.memory_space<vmem>>) semaphore(%arg15 : memref<!tpu.dma_semaphore, #tpu.memory_space<semaphore_mem>>)
        %add3A_287 = arith.constant 5 : i32
        %add3A_288 = arith.addi %add3A_273, %add3A_287 : i32
        %lt3A_289 = arith.cmpi slt, %add3A_288, %select_n3A_140 : i32
        %convert_element_type3A_290 = arith.extui %lt3A_289 : i1 to i32
        %cond3A_291 = arith.constant 0 : i32
        %cond3A_292 = arith.cmpi ne, %convert_element_type3A_290, %cond3A_291 : i32
        scf.if %cond3A_292 {
          %dma_wait3A_293 = arith.constant 0 : i32
          %dma_wait3A_294 = tpu.memref_slice %arg8[%dma_wait3A_293] : memref<1024xi32, #tpu.memory_space<vmem>> -> memref<24xi32, #tpu.memory_space<vmem>>
          %dma_wait3A_295 = arith.constant 0 : i32
          %dma_wait3A_296 = arith.constant 0 : i32
          %dma_wait3A_297 = tpu.memref_slice %arg4[%dma_wait3A_295, %dma_wait3A_296] : memref<32768x1024xf32, #tpu.memory_space<hbm>> -> memref<32768x1024xf32, #tpu.memory_space<hbm>>
          tpu.wait_indirect_dma semaphore(%arg15 : memref<!tpu.dma_semaphore, #tpu.memory_space<semaphore_mem>>) src(%arg13 : memref<24x1024xf32, #tpu.memory_space<vmem>>) dst(%dma_wait3A_297 : memref<32768x1024xf32, #tpu.memory_space<hbm>>)
          %add3A_298 = arith.constant 5 : i32
          %add3A_299 = arith.addi %add3A_273, %add3A_298 : i32
          %mul3A_300 = arith.constant 24 : i32
          %mul3A_301 = arith.muli %add3A_299, %mul3A_300 : i32
          %min3A_302 = arith.minsi %mul3A_301, %max3A_143 : i32
          %multiple_of3A_303 = tpu.assume_multiple %min3A_302, 8 : i32
          %dma_start3A_304 = tpu.memref_slice %arg7[%multiple_of3A_303] : memref<1024xi32, #tpu.memory_space<vmem>> -> memref<24xi32, #tpu.memory_space<vmem>>
          %dma_start3A_305 = arith.constant 0 : i32
          %dma_start3A_306 = arith.constant 0 : i32
          %dma_start3A_307 = tpu.memref_slice %arg3[%dma_start3A_305, %dma_start3A_306] : memref<100000x1024xf32, #tpu.memory_space<hbm>> -> memref<100000x1024xf32, #tpu.memory_space<hbm>>
          tpu.enqueue_indirect_dma source(%dma_start3A_307 : memref<100000x1024xf32, #tpu.memory_space<hbm>>) target(%arg13 : memref<24x1024xf32, #tpu.memory_space<vmem>>) offsets(%dma_start3A_304 : memref<24xi32, #tpu.memory_space<vmem>>) semaphore(%arg14 : memref<!tpu.dma_semaphore, #tpu.memory_space<semaphore_mem>>)
        } else {
        }
      } else {
      }
    }
    %while3A_219 = arith.constant 1 : i32
    scf.for %while3A_245 = %while3A_217 to %while3A_213 step %while3A_219  : i32 {
      %mul3A_246 = arith.constant 5 : i32
      %mul3A_247 = arith.muli %while3A_245, %mul3A_246 : i32
      %add3A_248 = arith.constant 0 : i32
      %add3A_249 = arith.addi %mul3A_247, %add3A_248 : i32
      %lt3A_250 = arith.cmpi slt, %add3A_249, %select_n3A_140 : i32
      %convert_element_type3A_251 = arith.extui %lt3A_250 : i1 to i32
      %cond3A_252 = arith.constant 0 : i32
      %cond3A_253 = arith.cmpi ne, %convert_element_type3A_251, %cond3A_252 : i32
      scf.if %cond3A_253 {
        %dma_wait3A = arith.constant 0 : i32
        %dma_wait3A_278 = tpu.memref_slice %arg7[%dma_wait3A] : memref<1024xi32, #tpu.memory_space<vmem>> -> memref<24xi32, #tpu.memory_space<vmem>>
        %dma_wait3A_279 = arith.constant 0 : i32
        %dma_wait3A_280 = arith.constant 0 : i32
        %dma_wait3A_281 = tpu.memref_slice %arg3[%dma_wait3A_279, %dma_wait3A_280] : memref<100000x1024xf32, #tpu.memory_space<hbm>> -> memref<100000x1024xf32, #tpu.memory_space<hbm>>
        tpu.wait_indirect_dma semaphore(%arg14 : memref<!tpu.dma_semaphore, #tpu.memory_space<semaphore_mem>>) src(%dma_wait3A_281 : memref<100000x1024xf32, #tpu.memory_space<hbm>>) dst(%arg9 : memref<24x1024xf32, #tpu.memory_space<vmem>>)
        %mul3A_282 = arith.constant 24 : i32
        %mul3A_283 = arith.muli %add3A_249, %mul3A_282 : i32
        %min3A = arith.minsi %mul3A_283, %max3A_143 : i32
        %multiple_of3A = tpu.assume_multiple %min3A, 8 : i32
        %dma_start3A = tpu.memref_slice %arg8[%multiple_of3A] : memref<1024xi32, #tpu.memory_space<vmem>> -> memref<24xi32, #tpu.memory_space<vmem>>
        %dma_start3A_284 = arith.constant 0 : i32
        %dma_start3A_285 = arith.constant 0 : i32
        %dma_start3A_286 = tpu.memref_slice %arg4[%dma_start3A_284, %dma_start3A_285] : memref<32768x1024xf32, #tpu.memory_space<hbm>> -> memref<32768x1024xf32, #tpu.memory_space<hbm>>
        tpu.enqueue_indirect_dma source(%arg9 : memref<24x1024xf32, #tpu.memory_space<vmem>>) target(%dma_start3A_286 : memref<32768x1024xf32, #tpu.memory_space<hbm>>) offsets(%dma_start3A : memref<24xi32, #tpu.memory_space<vmem>>) semaphore(%arg15 : memref<!tpu.dma_semaphore, #tpu.memory_space<semaphore_mem>>)
        %add3A_287 = arith.constant 5 : i32
        %add3A_288 = arith.addi %add3A_249, %add3A_287 : i32
        %lt3A_289 = arith.cmpi slt, %add3A_288, %select_n3A_140 : i32
        %convert_element_type3A_290 = arith.extui %lt3A_289 : i1 to i32
        %cond3A_291 = arith.constant 0 : i32
        %cond3A_292 = arith.cmpi ne, %convert_element_type3A_290, %cond3A_291 : i32
        scf.if %cond3A_292 {
          %dma_wait3A_293 = arith.constant 0 : i32
          %dma_wait3A_294 = tpu.memref_slice %arg8[%dma_wait3A_293] : memref<1024xi32, #tpu.memory_space<vmem>> -> memref<24xi32, #tpu.memory_space<vmem>>
          %dma_wait3A_295 = arith.constant 0 : i32
          %dma_wait3A_296 = arith.constant 0 : i32
          %dma_wait3A_297 = tpu.memref_slice %arg4[%dma_wait3A_295, %dma_wait3A_296] : memref<32768x1024xf32, #tpu.memory_space<hbm>> -> memref<32768x1024xf32, #tpu.memory_space<hbm>>
          tpu.wait_indirect_dma semaphore(%arg15 : memref<!tpu.dma_semaphore, #tpu.memory_space<semaphore_mem>>) src(%arg9 : memref<24x1024xf32, #tpu.memory_space<vmem>>) dst(%dma_wait3A_297 : memref<32768x1024xf32, #tpu.memory_space<hbm>>)
          %add3A_298 = arith.constant 5 : i32
          %add3A_299 = arith.addi %add3A_249, %add3A_298 : i32
          %mul3A_300 = arith.constant 24 : i32
          %mul3A_301 = arith.muli %add3A_299, %mul3A_300 : i32
          %min3A_302 = arith.minsi %mul3A_301, %max3A_143 : i32
          %multiple_of3A_303 = tpu.assume_multiple %min3A_302, 8 : i32
          %dma_start3A_304 = tpu.memref_slice %arg7[%multiple_of3A_303] : memref<1024xi32, #tpu.memory_space<vmem>> -> memref<24xi32, #tpu.memory_space<vmem>>
          %dma_start3A_305 = arith.constant 0 : i32
          %dma_start3A_306 = arith.constant 0 : i32
          %dma_start3A_307 = tpu.memref_slice %arg3[%dma_start3A_305, %dma_start3A_306] : memref<100000x1024xf32, #tpu.memory_space<hbm>> -> memref<100000x1024xf32, #tpu.memory_space<hbm>>
          tpu.enqueue_indirect_dma source(%dma_start3A_307 : memref<100000x1024xf32, #tpu.memory_space<hbm>>) target(%arg9 : memref<24x1024xf32, #tpu.memory_space<vmem>>) offsets(%dma_start3A_304 : memref<24xi32, #tpu.memory_space<vmem>>) semaphore(%arg14 : memref<!tpu.dma_semaphore, #tpu.memory_space<semaphore_mem>>)
        } else {
        }
      } else {
      }
      %add3A_254 = arith.constant 1 : i32
      %add3A_255 = arith.addi %mul3A_247, %add3A_254 : i32
      %lt3A_256 = arith.cmpi slt, %add3A_255, %select_n3A_140 : i32
      %convert_element_type3A_257 = arith.extui %lt3A_256 : i1 to i32
      %cond3A_258 = arith.constant 0 : i32
      %cond3A_259 = arith.cmpi ne, %convert_element_type3A_257, %cond3A_258 : i32
      scf.if %cond3A_259 {
        %dma_wait3A = arith.constant 0 : i32
        %dma_wait3A_278 = tpu.memref_slice %arg7[%dma_wait3A] : memref<1024xi32, #tpu.memory_space<vmem>> -> memref<24xi32, #tpu.memory_space<vmem>>
        %dma_wait3A_279 = arith.constant 0 : i32
        %dma_wait3A_280 = arith.constant 0 : i32
        %dma_wait3A_281 = tpu.memref_slice %arg3[%dma_wait3A_279, %dma_wait3A_280] : memref<100000x1024xf32, #tpu.memory_space<hbm>> -> memref<100000x1024xf32, #tpu.memory_space<hbm>>
        tpu.wait_indirect_dma semaphore(%arg14 : memref<!tpu.dma_semaphore, #tpu.memory_space<semaphore_mem>>) src(%dma_wait3A_281 : memref<100000x1024xf32, #tpu.memory_space<hbm>>) dst(%arg10 : memref<24x1024xf32, #tpu.memory_space<vmem>>)
        %mul3A_282 = arith.constant 24 : i32
        %mul3A_283 = arith.muli %add3A_255, %mul3A_282 : i32
        %min3A = arith.minsi %mul3A_283, %max3A_143 : i32
        %multiple_of3A = tpu.assume_multiple %min3A, 8 : i32
        %dma_start3A = tpu.memref_slice %arg8[%multiple_of3A] : memref<1024xi32, #tpu.memory_space<vmem>> -> memref<24xi32, #tpu.memory_space<vmem>>
        %dma_start3A_284 = arith.constant 0 : i32
        %dma_start3A_285 = arith.constant 0 : i32
        %dma_start3A_286 = tpu.memref_slice %arg4[%dma_start3A_284, %dma_start3A_285] : memref<32768x1024xf32, #tpu.memory_space<hbm>> -> memref<32768x1024xf32, #tpu.memory_space<hbm>>
        tpu.enqueue_indirect_dma source(%arg10 : memref<24x1024xf32, #tpu.memory_space<vmem>>) target(%dma_start3A_286 : memref<32768x1024xf32, #tpu.memory_space<hbm>>) offsets(%dma_start3A : memref<24xi32, #tpu.memory_space<vmem>>) semaphore(%arg15 : memref<!tpu.dma_semaphore, #tpu.memory_space<semaphore_mem>>)
        %add3A_287 = arith.constant 5 : i32
        %add3A_288 = arith.addi %add3A_255, %add3A_287 : i32
        %lt3A_289 = arith.cmpi slt, %add3A_288, %select_n3A_140 : i32
        %convert_element_type3A_290 = arith.extui %lt3A_289 : i1 to i32
        %cond3A_291 = arith.constant 0 : i32
        %cond3A_292 = arith.cmpi ne, %convert_element_type3A_290, %cond3A_291 : i32
        scf.if %cond3A_292 {
          %dma_wait3A_293 = arith.constant 0 : i32
          %dma_wait3A_294 = tpu.memref_slice %arg8[%dma_wait3A_293] : memref<1024xi32, #tpu.memory_space<vmem>> -> memref<24xi32, #tpu.memory_space<vmem>>
          %dma_wait3A_295 = arith.constant 0 : i32
          %dma_wait3A_296 = arith.constant 0 : i32
          %dma_wait3A_297 = tpu.memref_slice %arg4[%dma_wait3A_295, %dma_wait3A_296] : memref<32768x1024xf32, #tpu.memory_space<hbm>> -> memref<32768x1024xf32, #tpu.memory_space<hbm>>
          tpu.wait_indirect_dma semaphore(%arg15 : memref<!tpu.dma_semaphore, #tpu.memory_space<semaphore_mem>>) src(%arg10 : memref<24x1024xf32, #tpu.memory_space<vmem>>) dst(%dma_wait3A_297 : memref<32768x1024xf32, #tpu.memory_space<hbm>>)
          %add3A_298 = arith.constant 5 : i32
          %add3A_299 = arith.addi %add3A_255, %add3A_298 : i32
          %mul3A_300 = arith.constant 24 : i32
          %mul3A_301 = arith.muli %add3A_299, %mul3A_300 : i32
          %min3A_302 = arith.minsi %mul3A_301, %max3A_143 : i32
          %multiple_of3A_303 = tpu.assume_multiple %min3A_302, 8 : i32
          %dma_start3A_304 = tpu.memref_slice %arg7[%multiple_of3A_303] : memref<1024xi32, #tpu.memory_space<vmem>> -> memref<24xi32, #tpu.memory_space<vmem>>
          %dma_start3A_305 = arith.constant 0 : i32
          %dma_start3A_306 = arith.constant 0 : i32
          %dma_start3A_307 = tpu.memref_slice %arg3[%dma_start3A_305, %dma_start3A_306] : memref<100000x1024xf32, #tpu.memory_space<hbm>> -> memref<100000x1024xf32, #tpu.memory_space<hbm>>
          tpu.enqueue_indirect_dma source(%dma_start3A_307 : memref<100000x1024xf32, #tpu.memory_space<hbm>>) target(%arg10 : memref<24x1024xf32, #tpu.memory_space<vmem>>) offsets(%dma_start3A_304 : memref<24xi32, #tpu.memory_space<vmem>>) semaphore(%arg14 : memref<!tpu.dma_semaphore, #tpu.memory_space<semaphore_mem>>)
        } else {
        }
      } else {
      }
      %add3A_260 = arith.constant 2 : i32
      %add3A_261 = arith.addi %mul3A_247, %add3A_260 : i32
      %lt3A_262 = arith.cmpi slt, %add3A_261, %select_n3A_140 : i32
      %convert_element_type3A_263 = arith.extui %lt3A_262 : i1 to i32
      %cond3A_264 = arith.constant 0 : i32
      %cond3A_265 = arith.cmpi ne, %convert_element_type3A_263, %cond3A_264 : i32
      scf.if %cond3A_265 {
        %dma_wait3A = arith.constant 0 : i32
        %dma_wait3A_278 = tpu.memref_slice %arg7[%dma_wait3A] : memref<1024xi32, #tpu.memory_space<vmem>> -> memref<24xi32, #tpu.memory_space<vmem>>
        %dma_wait3A_279 = arith.constant 0 : i32
        %dma_wait3A_280 = arith.constant 0 : i32
        %dma_wait3A_281 = tpu.memref_slice %arg3[%dma_wait3A_279, %dma_wait3A_280] : memref<100000x1024xf32, #tpu.memory_space<hbm>> -> memref<100000x1024xf32, #tpu.memory_space<hbm>>
        tpu.wait_indirect_dma semaphore(%arg14 : memref<!tpu.dma_semaphore, #tpu.memory_space<semaphore_mem>>) src(%dma_wait3A_281 : memref<100000x1024xf32, #tpu.memory_space<hbm>>) dst(%arg11 : memref<24x1024xf32, #tpu.memory_space<vmem>>)
        %mul3A_282 = arith.constant 24 : i32
        %mul3A_283 = arith.muli %add3A_261, %mul3A_282 : i32
        %min3A = arith.minsi %mul3A_283, %max3A_143 : i32
        %multiple_of3A = tpu.assume_multiple %min3A, 8 : i32
        %dma_start3A = tpu.memref_slice %arg8[%multiple_of3A] : memref<1024xi32, #tpu.memory_space<vmem>> -> memref<24xi32, #tpu.memory_space<vmem>>
        %dma_start3A_284 = arith.constant 0 : i32
        %dma_start3A_285 = arith.constant 0 : i32
        %dma_start3A_286 = tpu.memref_slice %arg4[%dma_start3A_284, %dma_start3A_285] : memref<32768x1024xf32, #tpu.memory_space<hbm>> -> memref<32768x1024xf32, #tpu.memory_space<hbm>>
        tpu.enqueue_indirect_dma source(%arg11 : memref<24x1024xf32, #tpu.memory_space<vmem>>) target(%dma_start3A_286 : memref<32768x1024xf32, #tpu.memory_space<hbm>>) offsets(%dma_start3A : memref<24xi32, #tpu.memory_space<vmem>>) semaphore(%arg15 : memref<!tpu.dma_semaphore, #tpu.memory_space<semaphore_mem>>)
        %add3A_287 = arith.constant 5 : i32
        %add3A_288 = arith.addi %add3A_261, %add3A_287 : i32
        %lt3A_289 = arith.cmpi slt, %add3A_288, %select_n3A_140 : i32
        %convert_element_type3A_290 = arith.extui %lt3A_289 : i1 to i32
        %cond3A_291 = arith.constant 0 : i32
        %cond3A_292 = arith.cmpi ne, %convert_element_type3A_290, %cond3A_291 : i32
        scf.if %cond3A_292 {
          %dma_wait3A_293 = arith.constant 0 : i32
          %dma_wait3A_294 = tpu.memref_slice %arg8[%dma_wait3A_293] : memref<1024xi32, #tpu.memory_space<vmem>> -> memref<24xi32, #tpu.memory_space<vmem>>
          %dma_wait3A_295 = arith.constant 0 : i32
          %dma_wait3A_296 = arith.constant 0 : i32
          %dma_wait3A_297 = tpu.memref_slice %arg4[%dma_wait3A_295, %dma_wait3A_296] : memref<32768x1024xf32, #tpu.memory_space<hbm>> -> memref<32768x1024xf32, #tpu.memory_space<hbm>>
          tpu.wait_indirect_dma semaphore(%arg15 : memref<!tpu.dma_semaphore, #tpu.memory_space<semaphore_mem>>) src(%arg11 : memref<24x1024xf32, #tpu.memory_space<vmem>>) dst(%dma_wait3A_297 : memref<32768x1024xf32, #tpu.memory_space<hbm>>)
          %add3A_298 = arith.constant 5 : i32
          %add3A_299 = arith.addi %add3A_261, %add3A_298 : i32
          %mul3A_300 = arith.constant 24 : i32
          %mul3A_301 = arith.muli %add3A_299, %mul3A_300 : i32
          %min3A_302 = arith.minsi %mul3A_301, %max3A_143 : i32
          %multiple_of3A_303 = tpu.assume_multiple %min3A_302, 8 : i32
          %dma_start3A_304 = tpu.memref_slice %arg7[%multiple_of3A_303] : memref<1024xi32, #tpu.memory_space<vmem>> -> memref<24xi32, #tpu.memory_space<vmem>>
          %dma_start3A_305 = arith.constant 0 : i32
          %dma_start3A_306 = arith.constant 0 : i32
          %dma_start3A_307 = tpu.memref_slice %arg3[%dma_start3A_305, %dma_start3A_306] : memref<100000x1024xf32, #tpu.memory_space<hbm>> -> memref<100000x1024xf32, #tpu.memory_space<hbm>>
          tpu.enqueue_indirect_dma source(%dma_start3A_307 : memref<100000x1024xf32, #tpu.memory_space<hbm>>) target(%arg11 : memref<24x1024xf32, #tpu.memory_space<vmem>>) offsets(%dma_start3A_304 : memref<24xi32, #tpu.memory_space<vmem>>) semaphore(%arg14 : memref<!tpu.dma_semaphore, #tpu.memory_space<semaphore_mem>>)
        } else {
        }
      } else {
      }
      %add3A_266 = arith.constant 3 : i32
      %add3A_267 = arith.addi %mul3A_247, %add3A_266 : i32
      %lt3A_268 = arith.cmpi slt, %add3A_267, %select_n3A_140 : i32
      %convert_element_type3A_269 = arith.extui %lt3A_268 : i1 to i32
      %cond3A_270 = arith.constant 0 : i32
      %cond3A_271 = arith.cmpi ne, %convert_element_type3A_269, %cond3A_270 : i32
      scf.if %cond3A_271 {
        %dma_wait3A = arith.constant 0 : i32
        %dma_wait3A_278 = tpu.memref_slice %arg7[%dma_wait3A] : memref<1024xi32, #tpu.memory_space<vmem>> -> memref<24xi32, #tpu.memory_space<vmem>>
        %dma_wait3A_279 = arith.constant 0 : i32
        %dma_wait3A_280 = arith.constant 0 : i32
        %dma_wait3A_281 = tpu.memref_slice %arg3[%dma_wait3A_279, %dma_wait3A_280] : memref<100000x1024xf32, #tpu.memory_space<hbm>> -> memref<100000x1024xf32, #tpu.memory_space<hbm>>
        tpu.wait_indirect_dma semaphore(%arg14 : memref<!tpu.dma_semaphore, #tpu.memory_space<semaphore_mem>>) src(%dma_wait3A_281 : memref<100000x1024xf32, #tpu.memory_space<hbm>>) dst(%arg12 : memref<24x1024xf32, #tpu.memory_space<vmem>>)
        %mul3A_282 = arith.constant 24 : i32
        %mul3A_283 = arith.muli %add3A_267, %mul3A_282 : i32
        %min3A = arith.minsi %mul3A_283, %max3A_143 : i32
        %multiple_of3A = tpu.assume_multiple %min3A, 8 : i32
        %dma_start3A = tpu.memref_slice %arg8[%multiple_of3A] : memref<1024xi32, #tpu.memory_space<vmem>> -> memref<24xi32, #tpu.memory_space<vmem>>
        %dma_start3A_284 = arith.constant 0 : i32
        %dma_start3A_285 = arith.constant 0 : i32
        %dma_start3A_286 = tpu.memref_slice %arg4[%dma_start3A_284, %dma_start3A_285] : memref<32768x1024xf32, #tpu.memory_space<hbm>> -> memref<32768x1024xf32, #tpu.memory_space<hbm>>
        tpu.enqueue_indirect_dma source(%arg12 : memref<24x1024xf32, #tpu.memory_space<vmem>>) target(%dma_start3A_286 : memref<32768x1024xf32, #tpu.memory_space<hbm>>) offsets(%dma_start3A : memref<24xi32, #tpu.memory_space<vmem>>) semaphore(%arg15 : memref<!tpu.dma_semaphore, #tpu.memory_space<semaphore_mem>>)
        %add3A_287 = arith.constant 5 : i32
        %add3A_288 = arith.addi %add3A_267, %add3A_287 : i32
        %lt3A_289 = arith.cmpi slt, %add3A_288, %select_n3A_140 : i32
        %convert_element_type3A_290 = arith.extui %lt3A_289 : i1 to i32
        %cond3A_291 = arith.constant 0 : i32
        %cond3A_292 = arith.cmpi ne, %convert_element_type3A_290, %cond3A_291 : i32
        scf.if %cond3A_292 {
          %dma_wait3A_293 = arith.constant 0 : i32
          %dma_wait3A_294 = tpu.memref_slice %arg8[%dma_wait3A_293] : memref<1024xi32, #tpu.memory_space<vmem>> -> memref<24xi32, #tpu.memory_space<vmem>>
          %dma_wait3A_295 = arith.constant 0 : i32
          %dma_wait3A_296 = arith.constant 0 : i32
          %dma_wait3A_297 = tpu.memref_slice %arg4[%dma_wait3A_295, %dma_wait3A_296] : memref<32768x1024xf32, #tpu.memory_space<hbm>> -> memref<32768x1024xf32, #tpu.memory_space<hbm>>
          tpu.wait_indirect_dma semaphore(%arg15 : memref<!tpu.dma_semaphore, #tpu.memory_space<semaphore_mem>>) src(%arg12 : memref<24x1024xf32, #tpu.memory_space<vmem>>) dst(%dma_wait3A_297 : memref<32768x1024xf32, #tpu.memory_space<hbm>>)
          %add3A_298 = arith.constant 5 : i32
          %add3A_299 = arith.addi %add3A_267, %add3A_298 : i32
          %mul3A_300 = arith.constant 24 : i32
          %mul3A_301 = arith.muli %add3A_299, %mul3A_300 : i32
          %min3A_302 = arith.minsi %mul3A_301, %max3A_143 : i32
          %multiple_of3A_303 = tpu.assume_multiple %min3A_302, 8 : i32
          %dma_start3A_304 = tpu.memref_slice %arg7[%multiple_of3A_303] : memref<1024xi32, #tpu.memory_space<vmem>> -> memref<24xi32, #tpu.memory_space<vmem>>
          %dma_start3A_305 = arith.constant 0 : i32
          %dma_start3A_306 = arith.constant 0 : i32
          %dma_start3A_307 = tpu.memref_slice %arg3[%dma_start3A_305, %dma_start3A_306] : memref<100000x1024xf32, #tpu.memory_space<hbm>> -> memref<100000x1024xf32, #tpu.memory_space<hbm>>
          tpu.enqueue_indirect_dma source(%dma_start3A_307 : memref<100000x1024xf32, #tpu.memory_space<hbm>>) target(%arg12 : memref<24x1024xf32, #tpu.memory_space<vmem>>) offsets(%dma_start3A_304 : memref<24xi32, #tpu.memory_space<vmem>>) semaphore(%arg14 : memref<!tpu.dma_semaphore, #tpu.memory_space<semaphore_mem>>)
        } else {
        }
      } else {
      }
      %add3A_272 = arith.constant 4 : i32
      %add3A_273 = arith.addi %mul3A_247, %add3A_272 : i32
      %lt3A_274 = arith.cmpi slt, %add3A_273, %select_n3A_140 : i32
      %convert_element_type3A_275 = arith.extui %lt3A_274 : i1 to i32
      %cond3A_276 = arith.constant 0 : i32
      %cond3A_277 = arith.cmpi ne, %convert_element_type3A_275, %cond3A_276 : i32
      scf.if %cond3A_277 {
        %dma_wait3A = arith.constant 0 : i32
        %dma_wait3A_278 = tpu.memref_slice %arg7[%dma_wait3A] : memref<1024xi32, #tpu.memory_space<vmem>> -> memref<24xi32, #tpu.memory_space<vmem>>
        %dma_wait3A_279 = arith.constant 0 : i32
        %dma_wait3A_280 = arith.constant 0 : i32
        %dma_wait3A_281 = tpu.memref_slice %arg3[%dma_wait3A_279, %dma_wait3A_280] : memref<100000x1024xf32, #tpu.memory_space<hbm>> -> memref<100000x1024xf32, #tpu.memory_space<hbm>>
        tpu.wait_indirect_dma semaphore(%arg14 : memref<!tpu.dma_semaphore, #tpu.memory_space<semaphore_mem>>) src(%dma_wait3A_281 : memref<100000x1024xf32, #tpu.memory_space<hbm>>) dst(%arg13 : memref<24x1024xf32, #tpu.memory_space<vmem>>)
        %mul3A_282 = arith.constant 24 : i32
        %mul3A_283 = arith.muli %add3A_273, %mul3A_282 : i32
        %min3A = arith.minsi %mul3A_283, %max3A_143 : i32
        %multiple_of3A = tpu.assume_multiple %min3A, 8 : i32
        %dma_start3A = tpu.memref_slice %arg8[%multiple_of3A] : memref<1024xi32, #tpu.memory_space<vmem>> -> memref<24xi32, #tpu.memory_space<vmem>>
        %dma_start3A_284 = arith.constant 0 : i32
        %dma_start3A_285 = arith.constant 0 : i32
        %dma_start3A_286 = tpu.memref_slice %arg4[%dma_start3A_284, %dma_start3A_285] : memref<32768x1024xf32, #tpu.memory_space<hbm>> -> memref<32768x1024xf32, #tpu.memory_space<hbm>>
        tpu.enqueue_indirect_dma source(%arg13 : memref<24x1024xf32, #tpu.memory_space<vmem>>) target(%dma_start3A_286 : memref<32768x1024xf32, #tpu.memory_space<hbm>>) offsets(%dma_start3A : memref<24xi32, #tpu.memory_space<vmem>>) semaphore(%arg15 : memref<!tpu.dma_semaphore, #tpu.memory_space<semaphore_mem>>)
        %add3A_287 = arith.constant 5 : i32
        %add3A_288 = arith.addi %add3A_273, %add3A_287 : i32
        %lt3A_289 = arith.cmpi slt, %add3A_288, %select_n3A_140 : i32
        %convert_element_type3A_290 = arith.extui %lt3A_289 : i1 to i32
        %cond3A_291 = arith.constant 0 : i32
        %cond3A_292 = arith.cmpi ne, %convert_element_type3A_290, %cond3A_291 : i32
        scf.if %cond3A_292 {
          %dma_wait3A_293 = arith.constant 0 : i32
          %dma_wait3A_294 = tpu.memref_slice %arg8[%dma_wait3A_293] : memref<1024xi32, #tpu.memory_space<vmem>> -> memref<24xi32, #tpu.memory_space<vmem>>
          %dma_wait3A_295 = arith.constant 0 : i32
          %dma_wait3A_296 = arith.constant 0 : i32
          %dma_wait3A_297 = tpu.memref_slice %arg4[%dma_wait3A_295, %dma_wait3A_296] : memref<32768x1024xf32, #tpu.memory_space<hbm>> -> memref<32768x1024xf32, #tpu.memory_space<hbm>>
          tpu.wait_indirect_dma semaphore(%arg15 : memref<!tpu.dma_semaphore, #tpu.memory_space<semaphore_mem>>) src(%arg13 : memref<24x1024xf32, #tpu.memory_space<vmem>>) dst(%dma_wait3A_297 : memref<32768x1024xf32, #tpu.memory_space<hbm>>)
          %add3A_298 = arith.constant 5 : i32
          %add3A_299 = arith.addi %add3A_273, %add3A_298 : i32
          %mul3A_300 = arith.constant 24 : i32
          %mul3A_301 = arith.muli %add3A_299, %mul3A_300 : i32
          %min3A_302 = arith.minsi %mul3A_301, %max3A_143 : i32
          %multiple_of3A_303 = tpu.assume_multiple %min3A_302, 8 : i32
          %dma_start3A_304 = tpu.memref_slice %arg7[%multiple_of3A_303] : memref<1024xi32, #tpu.memory_space<vmem>> -> memref<24xi32, #tpu.memory_space<vmem>>
          %dma_start3A_305 = arith.constant 0 : i32
          %dma_start3A_306 = arith.constant 0 : i32
          %dma_start3A_307 = tpu.memref_slice %arg3[%dma_start3A_305, %dma_start3A_306] : memref<100000x1024xf32, #tpu.memory_space<hbm>> -> memref<100000x1024xf32, #tpu.memory_space<hbm>>
          tpu.enqueue_indirect_dma source(%dma_start3A_307 : memref<100000x1024xf32, #tpu.memory_space<hbm>>) target(%arg13 : memref<24x1024xf32, #tpu.memory_space<vmem>>) offsets(%dma_start3A_304 : memref<24xi32, #tpu.memory_space<vmem>>) semaphore(%arg14 : memref<!tpu.dma_semaphore, #tpu.memory_space<semaphore_mem>>)
        } else {
        }
      } else {
      }
    }
    %gt3A_220 = arith.constant 0 : i32
    %gt3A_221 = arith.cmpi sgt, %select_n3A_140, %gt3A_220 : i32
    %convert_element_type3A_222 = arith.extui %gt3A_221 : i1 to i32
    %cond3A_223 = arith.constant 0 : i32
    %cond3A_224 = arith.cmpi ne, %convert_element_type3A_222, %cond3A_223 : i32
    scf.if %cond3A_224 {
      %dma_wait3A = arith.constant 0 : i32
      %dma_wait3A_245 = tpu.memref_slice %arg8[%dma_wait3A] : memref<1024xi32, #tpu.memory_space<vmem>> -> memref<24xi32, #tpu.memory_space<vmem>>
      %dma_wait3A_246 = arith.constant 0 : i32
      %dma_wait3A_247 = arith.constant 0 : i32
      %dma_wait3A_248 = tpu.memref_slice %arg4[%dma_wait3A_246, %dma_wait3A_247] : memref<32768x1024xf32, #tpu.memory_space<hbm>> -> memref<32768x1024xf32, #tpu.memory_space<hbm>>
      tpu.wait_indirect_dma semaphore(%arg15 : memref<!tpu.dma_semaphore, #tpu.memory_space<semaphore_mem>>) src(%arg9 : memref<24x1024xf32, #tpu.memory_space<vmem>>) dst(%dma_wait3A_248 : memref<32768x1024xf32, #tpu.memory_space<hbm>>)
    } else {
    }
    %gt3A_225 = arith.constant 1 : i32
    %gt3A_226 = arith.cmpi sgt, %select_n3A_140, %gt3A_225 : i32
    %convert_element_type3A_227 = arith.extui %gt3A_226 : i1 to i32
    %cond3A_228 = arith.constant 0 : i32
    %cond3A_229 = arith.cmpi ne, %convert_element_type3A_227, %cond3A_228 : i32
    scf.if %cond3A_229 {
      %dma_wait3A = arith.constant 0 : i32
      %dma_wait3A_245 = tpu.memref_slice %arg8[%dma_wait3A] : memref<1024xi32, #tpu.memory_space<vmem>> -> memref<24xi32, #tpu.memory_space<vmem>>
      %dma_wait3A_246 = arith.constant 0 : i32
      %dma_wait3A_247 = arith.constant 0 : i32
      %dma_wait3A_248 = tpu.memref_slice %arg4[%dma_wait3A_246, %dma_wait3A_247] : memref<32768x1024xf32, #tpu.memory_space<hbm>> -> memref<32768x1024xf32, #tpu.memory_space<hbm>>
      tpu.wait_indirect_dma semaphore(%arg15 : memref<!tpu.dma_semaphore, #tpu.memory_space<semaphore_mem>>) src(%arg10 : memref<24x1024xf32, #tpu.memory_space<vmem>>) dst(%dma_wait3A_248 : memref<32768x1024xf32, #tpu.memory_space<hbm>>)
    } else {
    }
    %gt3A_230 = arith.constant 2 : i32
    %gt3A_231 = arith.cmpi sgt, %select_n3A_140, %gt3A_230 : i32
    %convert_element_type3A_232 = arith.extui %gt3A_231 : i1 to i32
    %cond3A_233 = arith.constant 0 : i32
    %cond3A_234 = arith.cmpi ne, %convert_element_type3A_232, %cond3A_233 : i32
    scf.if %cond3A_234 {
      %dma_wait3A = arith.constant 0 : i32
      %dma_wait3A_245 = tpu.memref_slice %arg8[%dma_wait3A] : memref<1024xi32, #tpu.memory_space<vmem>> -> memref<24xi32, #tpu.memory_space<vmem>>
      %dma_wait3A_246 = arith.constant 0 : i32
      %dma_wait3A_247 = arith.constant 0 : i32
      %dma_wait3A_248 = tpu.memref_slice %arg4[%dma_wait3A_246, %dma_wait3A_247] : memref<32768x1024xf32, #tpu.memory_space<hbm>> -> memref<32768x1024xf32, #tpu.memory_space<hbm>>
      tpu.wait_indirect_dma semaphore(%arg15 : memref<!tpu.dma_semaphore, #tpu.memory_space<semaphore_mem>>) src(%arg11 : memref<24x1024xf32, #tpu.memory_space<vmem>>) dst(%dma_wait3A_248 : memref<32768x1024xf32, #tpu.memory_space<hbm>>)
    } else {
    }
    %gt3A_235 = arith.constant 3 : i32
    %gt3A_236 = arith.cmpi sgt, %select_n3A_140, %gt3A_235 : i32
    %convert_element_type3A_237 = arith.extui %gt3A_236 : i1 to i32
    %cond3A_238 = arith.constant 0 : i32
    %cond3A_239 = arith.cmpi ne, %convert_element_type3A_237, %cond3A_238 : i32
    scf.if %cond3A_239 {
      %dma_wait3A = arith.constant 0 : i32
      %dma_wait3A_245 = tpu.memref_slice %arg8[%dma_wait3A] : memref<1024xi32, #tpu.memory_space<vmem>> -> memref<24xi32, #tpu.memory_space<vmem>>
      %dma_wait3A_246 = arith.constant 0 : i32
      %dma_wait3A_247 = arith.constant 0 : i32
      %dma_wait3A_248 = tpu.memref_slice %arg4[%dma_wait3A_246, %dma_wait3A_247] : memref<32768x1024xf32, #tpu.memory_space<hbm>> -> memref<32768x1024xf32, #tpu.memory_space<hbm>>
      tpu.wait_indirect_dma semaphore(%arg15 : memref<!tpu.dma_semaphore, #tpu.memory_space<semaphore_mem>>) src(%arg12 : memref<24x1024xf32, #tpu.memory_space<vmem>>) dst(%dma_wait3A_248 : memref<32768x1024xf32, #tpu.memory_space<hbm>>)
    } else {
    }
    %gt3A_240 = arith.constant 4 : i32
    %gt3A_241 = arith.cmpi sgt, %select_n3A_140, %gt3A_240 : i32
    %convert_element_type3A_242 = arith.extui %gt3A_241 : i1 to i32
    %cond3A_243 = arith.constant 0 : i32
    %cond3A_244 = arith.cmpi ne, %convert_element_type3A_242, %cond3A_243 : i32
    scf.if %cond3A_244 {
      %dma_wait3A = arith.constant 0 : i32
      %dma_wait3A_245 = tpu.memref_slice %arg8[%dma_wait3A] : memref<1024xi32, #tpu.memory_space<vmem>> -> memref<24xi32, #tpu.memory_space<vmem>>
      %dma_wait3A_246 = arith.constant 0 : i32
      %dma_wait3A_247 = arith.constant 0 : i32
      %dma_wait3A_248 = tpu.memref_slice %arg4[%dma_wait3A_246, %dma_wait3A_247] : memref<32768x1024xf32, #tpu.memory_space<hbm>> -> memref<32768x1024xf32, #tpu.memory_space<hbm>>
      tpu.wait_indirect_dma semaphore(%arg15 : memref<!tpu.dma_semaphore, #tpu.memory_space<semaphore_mem>>) src(%arg13 : memref<24x1024xf32, #tpu.memory_space<vmem>>) dst(%dma_wait3A_248 : memref<32768x1024xf32, #tpu.memory_space<hbm>>)
    } else {
    }
    return
  }
}

#map = affine_map<(d0, d1) -> (0, 0)>
module attributes {stable_mosaic.version = 14 : i64} {
  func.func @new_body(%arg0: i32, %arg1: i32, %arg2: memref<4x8192xi32, #tpu.memory_space<hbm>>, %arg3: memref<8192x1024xf32, #tpu.memory_space<hbm>>, %arg4: memref<32768x1024xf32, #tpu.memory_space<hbm>>, %arg5: memref<32768x1024xf32, #tpu.memory_space<hbm>>, %arg6: memref<1024xi32, #tpu.memory_space<vmem>>, %arg7: memref<1024xi32, #tpu.memory_space<vmem>>, %arg8: memref<1024xi32, #tpu.memory_space<vmem>>, %arg9: memref<16x1024xf32, #tpu.memory_space<vmem>>, %arg10: memref<16x1024xf32, #tpu.memory_space<vmem>>, %arg11: memref<16x1024xf32, #tpu.memory_space<vmem>>, %arg12: memref<16x1024xf32, #tpu.memory_space<vmem>>, %arg13: memref<16x1024xf32, #tpu.memory_space<vmem>>, %arg14: memref<16x1024xf32, #tpu.memory_space<vmem>>, %arg15: memref<16x1024xf32, #tpu.memory_space<vmem>>, %arg16: memref<!tpu.dma_semaphore, #tpu.memory_space<semaphore_mem>>, %arg17: memref<!tpu.dma_semaphore, #tpu.memory_space<semaphore_mem>>) attributes {dimension_semantics = [#tpu.dimension_semantics<core_parallel>, #tpu.dimension_semantics<subcore_parallel>], iteration_bounds = array<i64: 2, 16>, scalar_prefetch = 0 : i64, scratch_operands = 12 : i64, tpu.core_type = #tpu.core_type<sc_vector_subcore>, window_params = [{transform_indices = #map}, {transform_indices = #map}, {transform_indices = #map}, {transform_indices = #map}]} {
    %mul3A = arith.constant 2 : i32
    %mul3A_0 = arith.muli %arg1, %mul3A : i32
    %add3A = arith.addi %mul3A_0, %arg0 : i32
    %mul3A_1 = arith.constant 1024 : i32
    %mul3A_2 = arith.muli %add3A, %mul3A_1 : i32
    %jit3A = arith.constant 8 : i32
    %div3A = arith.divsi %add3A, %jit3A : i32
    %sign3A = arith.constant 0 : i32
    %sign3A_3 = arith.cmpi sgt, %add3A, %sign3A : i32
    %sign3A_4 = arith.extui %sign3A_3 : i1 to i32
    %sign3A_5 = arith.constant 0 : i32
    %sign3A_6 = arith.cmpi slt, %add3A, %sign3A_5 : i32
    %sign3A_7 = arith.extui %sign3A_6 : i1 to i32
    %sign3A_8 = arith.subi %sign3A_4, %sign3A_7 : i32
    %sign3A_9 = arith.constant 0 : i32
    %sign3A_10 = arith.cmpi sgt, %jit3A, %sign3A_9 : i32
    %sign3A_11 = arith.extui %sign3A_10 : i1 to i32
    %sign3A_12 = arith.constant 0 : i32
    %sign3A_13 = arith.cmpi slt, %jit3A, %sign3A_12 : i32
    %sign3A_14 = arith.extui %sign3A_13 : i1 to i32
    %sign3A_15 = arith.subi %sign3A_11, %sign3A_14 : i32
    %ne3A = arith.cmpi ne, %sign3A_8, %sign3A_15 : i32
    %rem3A = arith.remsi %add3A, %jit3A : i32
    %ne3A_16 = arith.constant 0 : i32
    %ne3A_17 = arith.cmpi ne, %rem3A, %ne3A_16 : i32
    %and3A = arith.andi %ne3A, %ne3A_17 : i1
    %sub3A = arith.constant 1 : i32
    %sub3A_18 = arith.subi %div3A, %sub3A : i32
    %select_n3A = arith.select %and3A, %sub3A_18, %div3A : i32
    %jit3A_19 = arith.constant 8 : i32
    %eq3A = arith.constant 0 : i32
    %eq3A_20 = arith.cmpi eq, %jit3A_19, %eq3A : i32
    %jit3A_21 = arith.constant 1 : i32
    %select_n3A_22 = arith.select %eq3A_20, %jit3A_21, %jit3A_19 : i32
    %rem3A_23 = arith.remsi %add3A, %select_n3A_22 : i32
    %ne3A_24 = arith.constant 0 : i32
    %ne3A_25 = arith.cmpi ne, %rem3A_23, %ne3A_24 : i32
    %lt3A = arith.constant 0 : i32
    %lt3A_26 = arith.cmpi slt, %rem3A_23, %lt3A : i32
    %lt3A_27 = arith.constant 0 : i32
    %lt3A_28 = arith.cmpi slt, %select_n3A_22, %lt3A_27 : i32
    %ne3A_29 = arith.xori %lt3A_26, %lt3A_28 : i1
    %and3A_30 = arith.andi %ne3A_29, %ne3A_25 : i1
    %add3A_31 = arith.addi %rem3A_23, %select_n3A_22 : i32
    %select_n3A_32 = arith.select %and3A_30, %add3A_31, %rem3A_23 : i32
    %mul3A_33 = arith.constant 1024 : i32
    %mul3A_34 = arith.muli %select_n3A_32, %mul3A_33 : i32
    "tpu.region"() ({
      %run_scoped3A = tpu.sem_alloc : memref<!tpu.dma_semaphore, #tpu.memory_space<semaphore_mem>>
      %dma_start3A = tpu.memref_slice %arg2[%select_n3A, %mul3A_34] : memref<4x8192xi32, #tpu.memory_space<hbm>> -> memref<1x1024xi32, #tpu.memory_space<hbm>>
      %dma_start3A_281 = tpu.memref_squeeze %dma_start3A : memref<1x1024xi32, #tpu.memory_space<hbm>> -> memref<1024xi32, #tpu.memory_space<hbm>>
      %dma_start3A_282 = tpu.memref_slice %arg2[%select_n3A, %mul3A_34] : memref<4x8192xi32, #tpu.memory_space<hbm>> -> memref<1x1024xi32, #tpu.memory_space<hbm>>
      %dma_start3A_283 = tpu.memref_squeeze %dma_start3A_282 : memref<1x1024xi32, #tpu.memory_space<hbm>> -> memref<1024xi32, #tpu.memory_space<hbm>>
      tpu.enqueue_dma source(%dma_start3A_283 : memref<1024xi32, #tpu.memory_space<hbm>>) target(%arg6 : memref<1024xi32, #tpu.memory_space<vmem>>) target_semaphore(%run_scoped3A : memref<!tpu.dma_semaphore, #tpu.memory_space<semaphore_mem>>)
      %dma_wait3A = tpu.memref_slice %arg2[%select_n3A, %mul3A_34] : memref<4x8192xi32, #tpu.memory_space<hbm>> -> memref<1x1024xi32, #tpu.memory_space<hbm>>
      %dma_wait3A_284 = tpu.memref_squeeze %dma_wait3A : memref<1x1024xi32, #tpu.memory_space<hbm>> -> memref<1024xi32, #tpu.memory_space<hbm>>
      %dma_wait3A_285 = tpu.memref_slice %arg2[%select_n3A, %mul3A_34] : memref<4x8192xi32, #tpu.memory_space<hbm>> -> memref<1x1024xi32, #tpu.memory_space<hbm>>
      %dma_wait3A_286 = tpu.memref_squeeze %dma_wait3A_285 : memref<1x1024xi32, #tpu.memory_space<hbm>> -> memref<1024xi32, #tpu.memory_space<hbm>>
      tpu.wait_dma2 semaphore(%run_scoped3A : memref<!tpu.dma_semaphore, #tpu.memory_space<semaphore_mem>>) src(%dma_wait3A_286 : memref<1024xi32, #tpu.memory_space<hbm>>) dst(%arg6 : memref<1024xi32, #tpu.memory_space<vmem>>)
      tpu.yield
    }) : () -> ()
    %iota3A = tpu.iota {dimensions = array<i32: 0>} : vector<16xi32>
    %scan3A = arith.constant 0 : i32
    %scan3A_35 = arith.constant 0 : i32
    %scan3A_36 = arith.constant 16 : i32
    %scan3A_37 = arith.addi %scan3A_35, %scan3A_36 : i32
    %scan3A_38 = arith.constant 1 : i32
    %scan3A_39 = scf.for %scan3A_281 = %scan3A_35 to %scan3A_37 step %scan3A_38 iter_args(%scan3A_282 = %scan3A) -> (i32)  : i32 {
      %mul3A_283 = arith.constant 16 : i32
      %mul3A_284 = arith.muli %scan3A_281, %mul3A_283 : i32
      %get3A = arith.index_cast %mul3A_284 : i32 to index
      %get3A_285 = tpu.vector_load %arg6[%get3A] {strides = array<i32>} : memref<1024xi32, #tpu.memory_space<vmem>>, vector<16xi32>,
      %ge3A = arith.constant 32000 : i32
      %ge3A_286 = vector.broadcast %ge3A : i32 to vector<16xi32>
      %ge3A_287 = arith.cmpi sge, %get3A_285, %ge3A_286 : vector<16xi32>
      %sub3A_288 = arith.constant 32000 : i32
      %sub3A_289 = vector.broadcast %sub3A_288 : i32 to vector<16xi32>
      %sub3A_290 = arith.subi %get3A_285, %sub3A_289 : vector<16xi32>
      %convert_element_type3A_291 = arith.extui %ge3A_287 : vector<16xi1> to vector<16xi32>
      %broadcast_in_dim3A_292 = arith.constant true
      %broadcast_in_dim3A_293 = vector.broadcast %broadcast_in_dim3A_292 : i1 to vector<16xi1>
      %masked_cumsum3A = tpu.scan <sum>, %convert_element_type3A_291 masked %broadcast_in_dim3A_293 : vector<16xi32>, vector<16xi1> -> vector<16xi32>
      %sub3A_294 = arith.subi %masked_cumsum3A, %convert_element_type3A_291 : vector<16xi32>
      %add3A_295 = vector.broadcast %scan3A_282 : i32 to vector<16xi32>
      %add3A_296 = arith.addi %add3A_295, %sub3A_294 : vector<16xi32>
      %mul3A_297 = arith.constant 16 : i32
      %mul3A_298 = arith.muli %scan3A_281, %mul3A_297 : i32
      %add3A_299 = arith.addi %mul3A_2, %mul3A_298 : i32
      %add3A_300 = vector.broadcast %add3A_299 : i32 to vector<16xi32>
      %add3A_301 = arith.addi %add3A_300, %iota3A : vector<16xi32>
      tpu.vector_store_idx %arg7[%add3A_296], %sub3A_290 masked %ge3A_287 : memref<1024xi32, #tpu.memory_space<vmem>>[vector<16xi32>], vector<16xi32>, vector<16xi1>
      tpu.vector_store_idx %arg8[%add3A_296], %add3A_301 masked %ge3A_287 : memref<1024xi32, #tpu.memory_space<vmem>>[vector<16xi32>], vector<16xi32>, vector<16xi1>
      %slice3A = vector.extract_strided_slice %masked_cumsum3A {offsets = [15], sizes = [1], strides = [1]} : vector<16xi32> to vector<1xi32>
      %squeeze3A = vector.extract %slice3A[0] : i32 from vector<1xi32>
      %add3A_302 = arith.addi %scan3A_282, %squeeze3A : i32
      scf.yield %add3A_302 : i32
    }
    %scan3A_40 = arith.constant 16 : i32
    %jit3A_41 = arith.constant 16 : i32
    %div3A_42 = arith.divsi %scan3A_39, %jit3A_41 : i32
    %sign3A_43 = arith.constant 0 : i32
    %sign3A_44 = arith.cmpi sgt, %scan3A_39, %sign3A_43 : i32
    %sign3A_45 = arith.extui %sign3A_44 : i1 to i32
    %sign3A_46 = arith.constant 0 : i32
    %sign3A_47 = arith.cmpi slt, %scan3A_39, %sign3A_46 : i32
    %sign3A_48 = arith.extui %sign3A_47 : i1 to i32
    %sign3A_49 = arith.subi %sign3A_45, %sign3A_48 : i32
    %sign3A_50 = arith.constant 0 : i32
    %sign3A_51 = arith.cmpi sgt, %jit3A_41, %sign3A_50 : i32
    %sign3A_52 = arith.extui %sign3A_51 : i1 to i32
    %sign3A_53 = arith.constant 0 : i32
    %sign3A_54 = arith.cmpi slt, %jit3A_41, %sign3A_53 : i32
    %sign3A_55 = arith.extui %sign3A_54 : i1 to i32
    %sign3A_56 = arith.subi %sign3A_52, %sign3A_55 : i32
    %ne3A_57 = arith.cmpi ne, %sign3A_49, %sign3A_56 : i32
    %rem3A_58 = arith.remsi %scan3A_39, %jit3A_41 : i32
    %ne3A_59 = arith.constant 0 : i32
    %ne3A_60 = arith.cmpi ne, %rem3A_58, %ne3A_59 : i32
    %and3A_61 = arith.andi %ne3A_57, %ne3A_60 : i1
    %sub3A_62 = arith.constant 1 : i32
    %sub3A_63 = arith.subi %div3A_42, %sub3A_62 : i32
    %select_n3A_64 = arith.select %and3A_61, %sub3A_63, %div3A_42 : i32
    %gt3A = arith.constant 0 : i32
    %gt3A_65 = arith.cmpi sgt, %select_n3A_64, %gt3A : i32
    %convert_element_type3A = arith.extui %gt3A_65 : i1 to i32
    %cond3A = arith.constant 0 : i32
    %cond3A_66 = arith.cmpi ne, %convert_element_type3A, %cond3A : i32
    scf.if %cond3A_66 {
      %dma_start3A = arith.constant 0 : i32
      %dma_start3A_281 = tpu.memref_slice %arg7[%dma_start3A] : memref<1024xi32, #tpu.memory_space<vmem>> -> memref<16xi32, #tpu.memory_space<vmem>>
      %dma_start3A_282 = arith.constant 0 : i32
      %dma_start3A_283 = arith.constant 0 : i32
      %dma_start3A_284 = tpu.memref_slice %arg3[%dma_start3A_282, %dma_start3A_283] : memref<8192x1024xf32, #tpu.memory_space<hbm>> -> memref<8192x1024xf32, #tpu.memory_space<hbm>>
      tpu.enqueue_indirect_dma source(%dma_start3A_284 : memref<8192x1024xf32, #tpu.memory_space<hbm>>) target(%arg9 : memref<16x1024xf32, #tpu.memory_space<vmem>>) offsets(%dma_start3A_281 : memref<16xi32, #tpu.memory_space<vmem>>) semaphore(%arg16 : memref<!tpu.dma_semaphore, #tpu.memory_space<semaphore_mem>>)
    } else {
    }
    %gt3A_67 = arith.constant 1 : i32
    %gt3A_68 = arith.cmpi sgt, %select_n3A_64, %gt3A_67 : i32
    %convert_element_type3A_69 = arith.extui %gt3A_68 : i1 to i32
    %cond3A_70 = arith.constant 0 : i32
    %cond3A_71 = arith.cmpi ne, %convert_element_type3A_69, %cond3A_70 : i32
    scf.if %cond3A_71 {
      %dma_start3A = arith.constant 16 : i32
      %dma_start3A_281 = tpu.memref_slice %arg7[%dma_start3A] : memref<1024xi32, #tpu.memory_space<vmem>> -> memref<16xi32, #tpu.memory_space<vmem>>
      %dma_start3A_282 = arith.constant 0 : i32
      %dma_start3A_283 = arith.constant 0 : i32
      %dma_start3A_284 = tpu.memref_slice %arg3[%dma_start3A_282, %dma_start3A_283] : memref<8192x1024xf32, #tpu.memory_space<hbm>> -> memref<8192x1024xf32, #tpu.memory_space<hbm>>
      tpu.enqueue_indirect_dma source(%dma_start3A_284 : memref<8192x1024xf32, #tpu.memory_space<hbm>>) target(%arg10 : memref<16x1024xf32, #tpu.memory_space<vmem>>) offsets(%dma_start3A_281 : memref<16xi32, #tpu.memory_space<vmem>>) semaphore(%arg16 : memref<!tpu.dma_semaphore, #tpu.memory_space<semaphore_mem>>)
    } else {
    }
    %gt3A_72 = arith.constant 2 : i32
    %gt3A_73 = arith.cmpi sgt, %select_n3A_64, %gt3A_72 : i32
    %convert_element_type3A_74 = arith.extui %gt3A_73 : i1 to i32
    %cond3A_75 = arith.constant 0 : i32
    %cond3A_76 = arith.cmpi ne, %convert_element_type3A_74, %cond3A_75 : i32
    scf.if %cond3A_76 {
      %dma_start3A = arith.constant 32 : i32
      %dma_start3A_281 = tpu.memref_slice %arg7[%dma_start3A] : memref<1024xi32, #tpu.memory_space<vmem>> -> memref<16xi32, #tpu.memory_space<vmem>>
      %dma_start3A_282 = arith.constant 0 : i32
      %dma_start3A_283 = arith.constant 0 : i32
      %dma_start3A_284 = tpu.memref_slice %arg3[%dma_start3A_282, %dma_start3A_283] : memref<8192x1024xf32, #tpu.memory_space<hbm>> -> memref<8192x1024xf32, #tpu.memory_space<hbm>>
      tpu.enqueue_indirect_dma source(%dma_start3A_284 : memref<8192x1024xf32, #tpu.memory_space<hbm>>) target(%arg11 : memref<16x1024xf32, #tpu.memory_space<vmem>>) offsets(%dma_start3A_281 : memref<16xi32, #tpu.memory_space<vmem>>) semaphore(%arg16 : memref<!tpu.dma_semaphore, #tpu.memory_space<semaphore_mem>>)
    } else {
    }
    %gt3A_77 = arith.constant 3 : i32
    %gt3A_78 = arith.cmpi sgt, %select_n3A_64, %gt3A_77 : i32
    %convert_element_type3A_79 = arith.extui %gt3A_78 : i1 to i32
    %cond3A_80 = arith.constant 0 : i32
    %cond3A_81 = arith.cmpi ne, %convert_element_type3A_79, %cond3A_80 : i32
    scf.if %cond3A_81 {
      %dma_start3A = arith.constant 48 : i32
      %dma_start3A_281 = tpu.memref_slice %arg7[%dma_start3A] : memref<1024xi32, #tpu.memory_space<vmem>> -> memref<16xi32, #tpu.memory_space<vmem>>
      %dma_start3A_282 = arith.constant 0 : i32
      %dma_start3A_283 = arith.constant 0 : i32
      %dma_start3A_284 = tpu.memref_slice %arg3[%dma_start3A_282, %dma_start3A_283] : memref<8192x1024xf32, #tpu.memory_space<hbm>> -> memref<8192x1024xf32, #tpu.memory_space<hbm>>
      tpu.enqueue_indirect_dma source(%dma_start3A_284 : memref<8192x1024xf32, #tpu.memory_space<hbm>>) target(%arg12 : memref<16x1024xf32, #tpu.memory_space<vmem>>) offsets(%dma_start3A_281 : memref<16xi32, #tpu.memory_space<vmem>>) semaphore(%arg16 : memref<!tpu.dma_semaphore, #tpu.memory_space<semaphore_mem>>)
    } else {
    }
    %gt3A_82 = arith.constant 4 : i32
    %gt3A_83 = arith.cmpi sgt, %select_n3A_64, %gt3A_82 : i32
    %convert_element_type3A_84 = arith.extui %gt3A_83 : i1 to i32
    %cond3A_85 = arith.constant 0 : i32
    %cond3A_86 = arith.cmpi ne, %convert_element_type3A_84, %cond3A_85 : i32
    scf.if %cond3A_86 {
      %dma_start3A = arith.constant 64 : i32
      %dma_start3A_281 = tpu.memref_slice %arg7[%dma_start3A] : memref<1024xi32, #tpu.memory_space<vmem>> -> memref<16xi32, #tpu.memory_space<vmem>>
      %dma_start3A_282 = arith.constant 0 : i32
      %dma_start3A_283 = arith.constant 0 : i32
      %dma_start3A_284 = tpu.memref_slice %arg3[%dma_start3A_282, %dma_start3A_283] : memref<8192x1024xf32, #tpu.memory_space<hbm>> -> memref<8192x1024xf32, #tpu.memory_space<hbm>>
      tpu.enqueue_indirect_dma source(%dma_start3A_284 : memref<8192x1024xf32, #tpu.memory_space<hbm>>) target(%arg13 : memref<16x1024xf32, #tpu.memory_space<vmem>>) offsets(%dma_start3A_281 : memref<16xi32, #tpu.memory_space<vmem>>) semaphore(%arg16 : memref<!tpu.dma_semaphore, #tpu.memory_space<semaphore_mem>>)
    } else {
    }
    %gt3A_87 = arith.constant 5 : i32
    %gt3A_88 = arith.cmpi sgt, %select_n3A_64, %gt3A_87 : i32
    %convert_element_type3A_89 = arith.extui %gt3A_88 : i1 to i32
    %cond3A_90 = arith.constant 0 : i32
    %cond3A_91 = arith.cmpi ne, %convert_element_type3A_89, %cond3A_90 : i32
    scf.if %cond3A_91 {
      %dma_start3A = arith.constant 80 : i32
      %dma_start3A_281 = tpu.memref_slice %arg7[%dma_start3A] : memref<1024xi32, #tpu.memory_space<vmem>> -> memref<16xi32, #tpu.memory_space<vmem>>
      %dma_start3A_282 = arith.constant 0 : i32
      %dma_start3A_283 = arith.constant 0 : i32
      %dma_start3A_284 = tpu.memref_slice %arg3[%dma_start3A_282, %dma_start3A_283] : memref<8192x1024xf32, #tpu.memory_space<hbm>> -> memref<8192x1024xf32, #tpu.memory_space<hbm>>
      tpu.enqueue_indirect_dma source(%dma_start3A_284 : memref<8192x1024xf32, #tpu.memory_space<hbm>>) target(%arg14 : memref<16x1024xf32, #tpu.memory_space<vmem>>) offsets(%dma_start3A_281 : memref<16xi32, #tpu.memory_space<vmem>>) semaphore(%arg16 : memref<!tpu.dma_semaphore, #tpu.memory_space<semaphore_mem>>)
    } else {
    }
    %gt3A_92 = arith.constant 6 : i32
    %gt3A_93 = arith.cmpi sgt, %select_n3A_64, %gt3A_92 : i32
    %convert_element_type3A_94 = arith.extui %gt3A_93 : i1 to i32
    %cond3A_95 = arith.constant 0 : i32
    %cond3A_96 = arith.cmpi ne, %convert_element_type3A_94, %cond3A_95 : i32
    scf.if %cond3A_96 {
      %dma_start3A = arith.constant 96 : i32
      %dma_start3A_281 = tpu.memref_slice %arg7[%dma_start3A] : memref<1024xi32, #tpu.memory_space<vmem>> -> memref<16xi32, #tpu.memory_space<vmem>>
      %dma_start3A_282 = arith.constant 0 : i32
      %dma_start3A_283 = arith.constant 0 : i32
      %dma_start3A_284 = tpu.memref_slice %arg3[%dma_start3A_282, %dma_start3A_283] : memref<8192x1024xf32, #tpu.memory_space<hbm>> -> memref<8192x1024xf32, #tpu.memory_space<hbm>>
      tpu.enqueue_indirect_dma source(%dma_start3A_284 : memref<8192x1024xf32, #tpu.memory_space<hbm>>) target(%arg15 : memref<16x1024xf32, #tpu.memory_space<vmem>>) offsets(%dma_start3A_281 : memref<16xi32, #tpu.memory_space<vmem>>) semaphore(%arg16 : memref<!tpu.dma_semaphore, #tpu.memory_space<semaphore_mem>>)
    } else {
    }
    %scan3A_97 = arith.constant 16 : i32
    %scan3A_98 = arith.constant 48 : i32
    %scan3A_99 = arith.addi %scan3A_97, %scan3A_98 : i32
    %scan3A_100 = arith.constant 1 : i32
    %scan3A_101 = scf.for %scan3A_281 = %scan3A_97 to %scan3A_99 step %scan3A_100 iter_args(%scan3A_282 = %scan3A_39) -> (i32)  : i32 {
      %mul3A_283 = arith.constant 16 : i32
      %mul3A_284 = arith.muli %scan3A_281, %mul3A_283 : i32
      %get3A = arith.index_cast %mul3A_284 : i32 to index
      %get3A_285 = tpu.vector_load %arg6[%get3A] {strides = array<i32>} : memref<1024xi32, #tpu.memory_space<vmem>>, vector<16xi32>,
      %ge3A = arith.constant 32000 : i32
      %ge3A_286 = vector.broadcast %ge3A : i32 to vector<16xi32>
      %ge3A_287 = arith.cmpi sge, %get3A_285, %ge3A_286 : vector<16xi32>
      %sub3A_288 = arith.constant 32000 : i32
      %sub3A_289 = vector.broadcast %sub3A_288 : i32 to vector<16xi32>
      %sub3A_290 = arith.subi %get3A_285, %sub3A_289 : vector<16xi32>
      %convert_element_type3A_291 = arith.extui %ge3A_287 : vector<16xi1> to vector<16xi32>
      %broadcast_in_dim3A_292 = arith.constant true
      %broadcast_in_dim3A_293 = vector.broadcast %broadcast_in_dim3A_292 : i1 to vector<16xi1>
      %masked_cumsum3A = tpu.scan <sum>, %convert_element_type3A_291 masked %broadcast_in_dim3A_293 : vector<16xi32>, vector<16xi1> -> vector<16xi32>
      %sub3A_294 = arith.subi %masked_cumsum3A, %convert_element_type3A_291 : vector<16xi32>
      %add3A_295 = vector.broadcast %scan3A_282 : i32 to vector<16xi32>
      %add3A_296 = arith.addi %add3A_295, %sub3A_294 : vector<16xi32>
      %mul3A_297 = arith.constant 16 : i32
      %mul3A_298 = arith.muli %scan3A_281, %mul3A_297 : i32
      %add3A_299 = arith.addi %mul3A_2, %mul3A_298 : i32
      %add3A_300 = vector.broadcast %add3A_299 : i32 to vector<16xi32>
      %add3A_301 = arith.addi %add3A_300, %iota3A : vector<16xi32>
      tpu.vector_store_idx %arg7[%add3A_296], %sub3A_290 masked %ge3A_287 : memref<1024xi32, #tpu.memory_space<vmem>>[vector<16xi32>], vector<16xi32>, vector<16xi1>
      tpu.vector_store_idx %arg8[%add3A_296], %add3A_301 masked %ge3A_287 : memref<1024xi32, #tpu.memory_space<vmem>>[vector<16xi32>], vector<16xi32>, vector<16xi1>
      %slice3A = vector.extract_strided_slice %masked_cumsum3A {offsets = [15], sizes = [1], strides = [1]} : vector<16xi32> to vector<1xi32>
      %squeeze3A = vector.extract %slice3A[0] : i32 from vector<1xi32>
      %add3A_302 = arith.addi %scan3A_282, %squeeze3A : i32
      scf.yield %add3A_302 : i32
    }
    %scan3A_102 = arith.constant 48 : i32
    %broadcast_in_dim3A = arith.constant 0 : i32
    %broadcast_in_dim3A_103 = vector.broadcast %broadcast_in_dim3A : i32 to vector<16xi32>
    %gather3A = tpu.vector_load_idx %arg7[%broadcast_in_dim3A_103] : memref<1024xi32, #tpu.memory_space<vmem>>[vector<16xi32>], vector<16xi32>,
    %gather3A_104 = tpu.vector_load_idx %arg8[%broadcast_in_dim3A_103] : memref<1024xi32, #tpu.memory_space<vmem>>[vector<16xi32>], vector<16xi32>,
    %add3A_105 = arith.constant 7 : i32
    %add3A_106 = arith.addi %scan3A_101, %add3A_105 : i32
    %and3A_107 = arith.constant -8 : i32
    %and3A_108 = arith.andi %add3A_106, %and3A_107 : i32
    %lt3A_109 = arith.constant 16 : i32
    %lt3A_110 = arith.cmpi slt, %and3A_108, %lt3A_109 : i32
    %jit3A_111 = arith.constant 16 : i32
    %select_n3A_112 = arith.select %lt3A_110, %jit3A_111, %and3A_108 : i32
    %add3A_113 = arith.constant 0 : i32
    %add3A_114 = arith.addi %scan3A_101, %add3A_113 : i32
    %add3A_115 = vector.broadcast %add3A_114 : i32 to vector<16xi32>
    %add3A_116 = arith.addi %add3A_115, %iota3A : vector<16xi32>
    %lt3A_117 = vector.broadcast %select_n3A_112 : i32 to vector<16xi32>
    %lt3A_118 = arith.cmpi slt, %add3A_116, %lt3A_117 : vector<16xi32>
    tpu.vector_store_idx %arg7[%add3A_116], %gather3A masked %lt3A_118 : memref<1024xi32, #tpu.memory_space<vmem>>[vector<16xi32>], vector<16xi32>, vector<16xi1>
    tpu.vector_store_idx %arg8[%add3A_116], %gather3A_104 masked %lt3A_118 : memref<1024xi32, #tpu.memory_space<vmem>>[vector<16xi32>], vector<16xi32>, vector<16xi1>
    %gt3A_119 = arith.constant 0 : i32
    %gt3A_120 = arith.cmpi sgt, %scan3A_101, %gt3A_119 : i32
    %jit3A_121 = arith.constant 0 : i32
    %select_n3A_122 = arith.select %gt3A_120, %select_n3A_112, %jit3A_121 : i32
    %add3A_123 = arith.constant 16 : i32
    %add3A_124 = arith.addi %select_n3A_122, %add3A_123 : i32
    %sub3A_125 = arith.constant 1 : i32
    %sub3A_126 = arith.subi %add3A_124, %sub3A_125 : i32
    %jit3A_127 = arith.constant 16 : i32
    %div3A_128 = arith.divsi %sub3A_126, %jit3A_127 : i32
    %sign3A_129 = arith.constant 0 : i32
    %sign3A_130 = arith.cmpi sgt, %sub3A_126, %sign3A_129 : i32
    %sign3A_131 = arith.extui %sign3A_130 : i1 to i32
    %sign3A_132 = arith.constant 0 : i32
    %sign3A_133 = arith.cmpi slt, %sub3A_126, %sign3A_132 : i32
    %sign3A_134 = arith.extui %sign3A_133 : i1 to i32
    %sign3A_135 = arith.subi %sign3A_131, %sign3A_134 : i32
    %sign3A_136 = arith.constant 0 : i32
    %sign3A_137 = arith.cmpi sgt, %jit3A_127, %sign3A_136 : i32
    %sign3A_138 = arith.extui %sign3A_137 : i1 to i32
    %sign3A_139 = arith.constant 0 : i32
    %sign3A_140 = arith.cmpi slt, %jit3A_127, %sign3A_139 : i32
    %sign3A_141 = arith.extui %sign3A_140 : i1 to i32
    %sign3A_142 = arith.subi %sign3A_138, %sign3A_141 : i32
    %ne3A_143 = arith.cmpi ne, %sign3A_135, %sign3A_142 : i32
    %rem3A_144 = arith.remsi %sub3A_126, %jit3A_127 : i32
    %ne3A_145 = arith.constant 0 : i32
    %ne3A_146 = arith.cmpi ne, %rem3A_144, %ne3A_145 : i32
    %and3A_147 = arith.andi %ne3A_143, %ne3A_146 : i1
    %sub3A_148 = arith.constant 1 : i32
    %sub3A_149 = arith.subi %div3A_128, %sub3A_148 : i32
    %select_n3A_150 = arith.select %and3A_147, %sub3A_149, %div3A_128 : i32
    %sub3A_151 = arith.constant 16 : i32
    %sub3A_152 = arith.subi %select_n3A_122, %sub3A_151 : i32
    %max3A = arith.constant 0 : i32
    %max3A_153 = arith.maxsi %sub3A_152, %max3A : i32
    %le3A = arith.constant 0 : i32
    %le3A_154 = arith.cmpi sle, %select_n3A_64, %le3A : i32
    %gt3A_155 = arith.constant 0 : i32
    %gt3A_156 = arith.cmpi sgt, %select_n3A_150, %gt3A_155 : i32
    %and3A_157 = arith.andi %le3A_154, %gt3A_156 : i1
    %convert_element_type3A_158 = arith.extui %and3A_157 : i1 to i32
    %cond3A_159 = arith.constant 0 : i32
    %cond3A_160 = arith.cmpi ne, %convert_element_type3A_158, %cond3A_159 : i32
    scf.if %cond3A_160 {
      %min3A = arith.constant 0 : i32
      %min3A_281 = arith.minsi %min3A, %max3A_153 : i32
      %multiple_of3A = tpu.assume_multiple %min3A_281, 8 : i32
      %dma_start3A = tpu.memref_slice %arg7[%multiple_of3A] : memref<1024xi32, #tpu.memory_space<vmem>> -> memref<16xi32, #tpu.memory_space<vmem>>
      %dma_start3A_282 = arith.constant 0 : i32
      %dma_start3A_283 = arith.constant 0 : i32
      %dma_start3A_284 = tpu.memref_slice %arg3[%dma_start3A_282, %dma_start3A_283] : memref<8192x1024xf32, #tpu.memory_space<hbm>> -> memref<8192x1024xf32, #tpu.memory_space<hbm>>
      tpu.enqueue_indirect_dma source(%dma_start3A_284 : memref<8192x1024xf32, #tpu.memory_space<hbm>>) target(%arg9 : memref<16x1024xf32, #tpu.memory_space<vmem>>) offsets(%dma_start3A : memref<16xi32, #tpu.memory_space<vmem>>) semaphore(%arg16 : memref<!tpu.dma_semaphore, #tpu.memory_space<semaphore_mem>>)
    } else {
    }
    %le3A_161 = arith.constant 1 : i32
    %le3A_162 = arith.cmpi sle, %select_n3A_64, %le3A_161 : i32
    %gt3A_163 = arith.constant 1 : i32
    %gt3A_164 = arith.cmpi sgt, %select_n3A_150, %gt3A_163 : i32
    %and3A_165 = arith.andi %le3A_162, %gt3A_164 : i1
    %convert_element_type3A_166 = arith.extui %and3A_165 : i1 to i32
    %cond3A_167 = arith.constant 0 : i32
    %cond3A_168 = arith.cmpi ne, %convert_element_type3A_166, %cond3A_167 : i32
    scf.if %cond3A_168 {
      %min3A = arith.constant 16 : i32
      %min3A_281 = arith.minsi %min3A, %max3A_153 : i32
      %multiple_of3A = tpu.assume_multiple %min3A_281, 8 : i32
      %dma_start3A = tpu.memref_slice %arg7[%multiple_of3A] : memref<1024xi32, #tpu.memory_space<vmem>> -> memref<16xi32, #tpu.memory_space<vmem>>
      %dma_start3A_282 = arith.constant 0 : i32
      %dma_start3A_283 = arith.constant 0 : i32
      %dma_start3A_284 = tpu.memref_slice %arg3[%dma_start3A_282, %dma_start3A_283] : memref<8192x1024xf32, #tpu.memory_space<hbm>> -> memref<8192x1024xf32, #tpu.memory_space<hbm>>
      tpu.enqueue_indirect_dma source(%dma_start3A_284 : memref<8192x1024xf32, #tpu.memory_space<hbm>>) target(%arg10 : memref<16x1024xf32, #tpu.memory_space<vmem>>) offsets(%dma_start3A : memref<16xi32, #tpu.memory_space<vmem>>) semaphore(%arg16 : memref<!tpu.dma_semaphore, #tpu.memory_space<semaphore_mem>>)
    } else {
    }
    %le3A_169 = arith.constant 2 : i32
    %le3A_170 = arith.cmpi sle, %select_n3A_64, %le3A_169 : i32
    %gt3A_171 = arith.constant 2 : i32
    %gt3A_172 = arith.cmpi sgt, %select_n3A_150, %gt3A_171 : i32
    %and3A_173 = arith.andi %le3A_170, %gt3A_172 : i1
    %convert_element_type3A_174 = arith.extui %and3A_173 : i1 to i32
    %cond3A_175 = arith.constant 0 : i32
    %cond3A_176 = arith.cmpi ne, %convert_element_type3A_174, %cond3A_175 : i32
    scf.if %cond3A_176 {
      %min3A = arith.constant 32 : i32
      %min3A_281 = arith.minsi %min3A, %max3A_153 : i32
      %multiple_of3A = tpu.assume_multiple %min3A_281, 8 : i32
      %dma_start3A = tpu.memref_slice %arg7[%multiple_of3A] : memref<1024xi32, #tpu.memory_space<vmem>> -> memref<16xi32, #tpu.memory_space<vmem>>
      %dma_start3A_282 = arith.constant 0 : i32
      %dma_start3A_283 = arith.constant 0 : i32
      %dma_start3A_284 = tpu.memref_slice %arg3[%dma_start3A_282, %dma_start3A_283] : memref<8192x1024xf32, #tpu.memory_space<hbm>> -> memref<8192x1024xf32, #tpu.memory_space<hbm>>
      tpu.enqueue_indirect_dma source(%dma_start3A_284 : memref<8192x1024xf32, #tpu.memory_space<hbm>>) target(%arg11 : memref<16x1024xf32, #tpu.memory_space<vmem>>) offsets(%dma_start3A : memref<16xi32, #tpu.memory_space<vmem>>) semaphore(%arg16 : memref<!tpu.dma_semaphore, #tpu.memory_space<semaphore_mem>>)
    } else {
    }
    %le3A_177 = arith.constant 3 : i32
    %le3A_178 = arith.cmpi sle, %select_n3A_64, %le3A_177 : i32
    %gt3A_179 = arith.constant 3 : i32
    %gt3A_180 = arith.cmpi sgt, %select_n3A_150, %gt3A_179 : i32
    %and3A_181 = arith.andi %le3A_178, %gt3A_180 : i1
    %convert_element_type3A_182 = arith.extui %and3A_181 : i1 to i32
    %cond3A_183 = arith.constant 0 : i32
    %cond3A_184 = arith.cmpi ne, %convert_element_type3A_182, %cond3A_183 : i32
    scf.if %cond3A_184 {
      %min3A = arith.constant 48 : i32
      %min3A_281 = arith.minsi %min3A, %max3A_153 : i32
      %multiple_of3A = tpu.assume_multiple %min3A_281, 8 : i32
      %dma_start3A = tpu.memref_slice %arg7[%multiple_of3A] : memref<1024xi32, #tpu.memory_space<vmem>> -> memref<16xi32, #tpu.memory_space<vmem>>
      %dma_start3A_282 = arith.constant 0 : i32
      %dma_start3A_283 = arith.constant 0 : i32
      %dma_start3A_284 = tpu.memref_slice %arg3[%dma_start3A_282, %dma_start3A_283] : memref<8192x1024xf32, #tpu.memory_space<hbm>> -> memref<8192x1024xf32, #tpu.memory_space<hbm>>
      tpu.enqueue_indirect_dma source(%dma_start3A_284 : memref<8192x1024xf32, #tpu.memory_space<hbm>>) target(%arg12 : memref<16x1024xf32, #tpu.memory_space<vmem>>) offsets(%dma_start3A : memref<16xi32, #tpu.memory_space<vmem>>) semaphore(%arg16 : memref<!tpu.dma_semaphore, #tpu.memory_space<semaphore_mem>>)
    } else {
    }
    %le3A_185 = arith.constant 4 : i32
    %le3A_186 = arith.cmpi sle, %select_n3A_64, %le3A_185 : i32
    %gt3A_187 = arith.constant 4 : i32
    %gt3A_188 = arith.cmpi sgt, %select_n3A_150, %gt3A_187 : i32
    %and3A_189 = arith.andi %le3A_186, %gt3A_188 : i1
    %convert_element_type3A_190 = arith.extui %and3A_189 : i1 to i32
    %cond3A_191 = arith.constant 0 : i32
    %cond3A_192 = arith.cmpi ne, %convert_element_type3A_190, %cond3A_191 : i32
    scf.if %cond3A_192 {
      %min3A = arith.constant 64 : i32
      %min3A_281 = arith.minsi %min3A, %max3A_153 : i32
      %multiple_of3A = tpu.assume_multiple %min3A_281, 8 : i32
      %dma_start3A = tpu.memref_slice %arg7[%multiple_of3A] : memref<1024xi32, #tpu.memory_space<vmem>> -> memref<16xi32, #tpu.memory_space<vmem>>
      %dma_start3A_282 = arith.constant 0 : i32
      %dma_start3A_283 = arith.constant 0 : i32
      %dma_start3A_284 = tpu.memref_slice %arg3[%dma_start3A_282, %dma_start3A_283] : memref<8192x1024xf32, #tpu.memory_space<hbm>> -> memref<8192x1024xf32, #tpu.memory_space<hbm>>
      tpu.enqueue_indirect_dma source(%dma_start3A_284 : memref<8192x1024xf32, #tpu.memory_space<hbm>>) target(%arg13 : memref<16x1024xf32, #tpu.memory_space<vmem>>) offsets(%dma_start3A : memref<16xi32, #tpu.memory_space<vmem>>) semaphore(%arg16 : memref<!tpu.dma_semaphore, #tpu.memory_space<semaphore_mem>>)
    } else {
    }
    %le3A_193 = arith.constant 5 : i32
    %le3A_194 = arith.cmpi sle, %select_n3A_64, %le3A_193 : i32
    %gt3A_195 = arith.constant 5 : i32
    %gt3A_196 = arith.cmpi sgt, %select_n3A_150, %gt3A_195 : i32
    %and3A_197 = arith.andi %le3A_194, %gt3A_196 : i1
    %convert_element_type3A_198 = arith.extui %and3A_197 : i1 to i32
    %cond3A_199 = arith.constant 0 : i32
    %cond3A_200 = arith.cmpi ne, %convert_element_type3A_198, %cond3A_199 : i32
    scf.if %cond3A_200 {
      %min3A = arith.constant 80 : i32
      %min3A_281 = arith.minsi %min3A, %max3A_153 : i32
      %multiple_of3A = tpu.assume_multiple %min3A_281, 8 : i32
      %dma_start3A = tpu.memref_slice %arg7[%multiple_of3A] : memref<1024xi32, #tpu.memory_space<vmem>> -> memref<16xi32, #tpu.memory_space<vmem>>
      %dma_start3A_282 = arith.constant 0 : i32
      %dma_start3A_283 = arith.constant 0 : i32
      %dma_start3A_284 = tpu.memref_slice %arg3[%dma_start3A_282, %dma_start3A_283] : memref<8192x1024xf32, #tpu.memory_space<hbm>> -> memref<8192x1024xf32, #tpu.memory_space<hbm>>
      tpu.enqueue_indirect_dma source(%dma_start3A_284 : memref<8192x1024xf32, #tpu.memory_space<hbm>>) target(%arg14 : memref<16x1024xf32, #tpu.memory_space<vmem>>) offsets(%dma_start3A : memref<16xi32, #tpu.memory_space<vmem>>) semaphore(%arg16 : memref<!tpu.dma_semaphore, #tpu.memory_space<semaphore_mem>>)
    } else {
    }
    %le3A_201 = arith.constant 6 : i32
    %le3A_202 = arith.cmpi sle, %select_n3A_64, %le3A_201 : i32
    %gt3A_203 = arith.constant 6 : i32
    %gt3A_204 = arith.cmpi sgt, %select_n3A_150, %gt3A_203 : i32
    %and3A_205 = arith.andi %le3A_202, %gt3A_204 : i1
    %convert_element_type3A_206 = arith.extui %and3A_205 : i1 to i32
    %cond3A_207 = arith.constant 0 : i32
    %cond3A_208 = arith.cmpi ne, %convert_element_type3A_206, %cond3A_207 : i32
    scf.if %cond3A_208 {
      %min3A = arith.constant 96 : i32
      %min3A_281 = arith.minsi %min3A, %max3A_153 : i32
      %multiple_of3A = tpu.assume_multiple %min3A_281, 8 : i32
      %dma_start3A = tpu.memref_slice %arg7[%multiple_of3A] : memref<1024xi32, #tpu.memory_space<vmem>> -> memref<16xi32, #tpu.memory_space<vmem>>
      %dma_start3A_282 = arith.constant 0 : i32
      %dma_start3A_283 = arith.constant 0 : i32
      %dma_start3A_284 = tpu.memref_slice %arg3[%dma_start3A_282, %dma_start3A_283] : memref<8192x1024xf32, #tpu.memory_space<hbm>> -> memref<8192x1024xf32, #tpu.memory_space<hbm>>
      tpu.enqueue_indirect_dma source(%dma_start3A_284 : memref<8192x1024xf32, #tpu.memory_space<hbm>>) target(%arg15 : memref<16x1024xf32, #tpu.memory_space<vmem>>) offsets(%dma_start3A : memref<16xi32, #tpu.memory_space<vmem>>) semaphore(%arg16 : memref<!tpu.dma_semaphore, #tpu.memory_space<semaphore_mem>>)
    } else {
    }
    %add3A_209 = arith.constant 7 : i32
    %add3A_210 = arith.addi %select_n3A_150, %add3A_209 : i32
    %sub3A_211 = arith.constant 1 : i32
    %sub3A_212 = arith.subi %add3A_210, %sub3A_211 : i32
    %jit3A_213 = arith.constant 7 : i32
    %div3A_214 = arith.divsi %sub3A_212, %jit3A_213 : i32
    %sign3A_215 = arith.constant 0 : i32
    %sign3A_216 = arith.cmpi sgt, %sub3A_212, %sign3A_215 : i32
    %sign3A_217 = arith.extui %sign3A_216 : i1 to i32
    %sign3A_218 = arith.constant 0 : i32
    %sign3A_219 = arith.cmpi slt, %sub3A_212, %sign3A_218 : i32
    %sign3A_220 = arith.extui %sign3A_219 : i1 to i32
    %sign3A_221 = arith.subi %sign3A_217, %sign3A_220 : i32
    %sign3A_222 = arith.constant 0 : i32
    %sign3A_223 = arith.cmpi sgt, %jit3A_213, %sign3A_222 : i32
    %sign3A_224 = arith.extui %sign3A_223 : i1 to i32
    %sign3A_225 = arith.constant 0 : i32
    %sign3A_226 = arith.cmpi slt, %jit3A_213, %sign3A_225 : i32
    %sign3A_227 = arith.extui %sign3A_226 : i1 to i32
    %sign3A_228 = arith.subi %sign3A_224, %sign3A_227 : i32
    %ne3A_229 = arith.cmpi ne, %sign3A_221, %sign3A_228 : i32
    %rem3A_230 = arith.remsi %sub3A_212, %jit3A_213 : i32
    %ne3A_231 = arith.constant 0 : i32
    %ne3A_232 = arith.cmpi ne, %rem3A_230, %ne3A_231 : i32
    %and3A_233 = arith.andi %ne3A_229, %ne3A_232 : i1
    %sub3A_234 = arith.constant 1 : i32
    %sub3A_235 = arith.subi %div3A_214, %sub3A_234 : i32
    %select_n3A_236 = arith.select %and3A_233, %sub3A_235, %div3A_214 : i32
    %while3A = arith.constant 0 : i32
    %while3A_237 = arith.constant 0 : i32
    %while3A_238 = arith.subi %select_n3A_236, %while3A_237 : i32
    %while3A_239 = arith.addi %while3A_237, %while3A_238 : i32
    %while3A_240 = arith.constant 1 : i32
    %while3A_241 = arith.divsi %while3A_238, %while3A_240 : i32
    %while3A_242 = arith.muli %while3A_241, %while3A_240 : i32
    %while3A_243 = arith.addi %while3A_237, %while3A_242 : i32
    %while3A_244 = arith.constant 1 : i32
    scf.for %while3A_281 = %while3A_237 to %while3A_243 step %while3A_244  : i32 {
      %mul3A_282 = arith.constant 7 : i32
      %mul3A_283 = arith.muli %while3A_281, %mul3A_282 : i32
      %add3A_284 = arith.constant 0 : i32
      %add3A_285 = arith.addi %mul3A_283, %add3A_284 : i32
      %lt3A_286 = arith.cmpi slt, %add3A_285, %select_n3A_150 : i32
      %convert_element_type3A_287 = arith.extui %lt3A_286 : i1 to i32
      %cond3A_288 = arith.constant 0 : i32
      %cond3A_289 = arith.cmpi ne, %convert_element_type3A_287, %cond3A_288 : i32
      scf.if %cond3A_289 {
        %dma_wait3A = arith.constant 0 : i32
        %dma_wait3A_326 = tpu.memref_slice %arg7[%dma_wait3A] : memref<1024xi32, #tpu.memory_space<vmem>> -> memref<16xi32, #tpu.memory_space<vmem>>
        %dma_wait3A_327 = arith.constant 0 : i32
        %dma_wait3A_328 = arith.constant 0 : i32
        %dma_wait3A_329 = tpu.memref_slice %arg3[%dma_wait3A_327, %dma_wait3A_328] : memref<8192x1024xf32, #tpu.memory_space<hbm>> -> memref<8192x1024xf32, #tpu.memory_space<hbm>>
        tpu.wait_indirect_dma semaphore(%arg16 : memref<!tpu.dma_semaphore, #tpu.memory_space<semaphore_mem>>) src(%dma_wait3A_329 : memref<8192x1024xf32, #tpu.memory_space<hbm>>) dst(%arg9 : memref<16x1024xf32, #tpu.memory_space<vmem>>)
        %mul3A_330 = arith.constant 16 : i32
        %mul3A_331 = arith.muli %add3A_285, %mul3A_330 : i32
        %min3A = arith.minsi %mul3A_331, %max3A_153 : i32
        %multiple_of3A = tpu.assume_multiple %min3A, 8 : i32
        %dma_start3A = tpu.memref_slice %arg8[%multiple_of3A] : memref<1024xi32, #tpu.memory_space<vmem>> -> memref<16xi32, #tpu.memory_space<vmem>>
        %dma_start3A_332 = arith.constant 0 : i32
        %dma_start3A_333 = arith.constant 0 : i32
        %dma_start3A_334 = tpu.memref_slice %arg4[%dma_start3A_332, %dma_start3A_333] : memref<32768x1024xf32, #tpu.memory_space<hbm>> -> memref<32768x1024xf32, #tpu.memory_space<hbm>>
        tpu.enqueue_indirect_dma source(%arg9 : memref<16x1024xf32, #tpu.memory_space<vmem>>) target(%dma_start3A_334 : memref<32768x1024xf32, #tpu.memory_space<hbm>>) offsets(%dma_start3A : memref<16xi32, #tpu.memory_space<vmem>>) semaphore(%arg17 : memref<!tpu.dma_semaphore, #tpu.memory_space<semaphore_mem>>)
        %add3A_335 = arith.constant 7 : i32
        %add3A_336 = arith.addi %add3A_285, %add3A_335 : i32
        %lt3A_337 = arith.cmpi slt, %add3A_336, %select_n3A_150 : i32
        %convert_element_type3A_338 = arith.extui %lt3A_337 : i1 to i32
        %cond3A_339 = arith.constant 0 : i32
        %cond3A_340 = arith.cmpi ne, %convert_element_type3A_338, %cond3A_339 : i32
        scf.if %cond3A_340 {
          %dma_wait3A_341 = arith.constant 0 : i32
          %dma_wait3A_342 = tpu.memref_slice %arg8[%dma_wait3A_341] : memref<1024xi32, #tpu.memory_space<vmem>> -> memref<16xi32, #tpu.memory_space<vmem>>
          %dma_wait3A_343 = arith.constant 0 : i32
          %dma_wait3A_344 = arith.constant 0 : i32
          %dma_wait3A_345 = tpu.memref_slice %arg4[%dma_wait3A_343, %dma_wait3A_344] : memref<32768x1024xf32, #tpu.memory_space<hbm>> -> memref<32768x1024xf32, #tpu.memory_space<hbm>>
          tpu.wait_indirect_dma semaphore(%arg17 : memref<!tpu.dma_semaphore, #tpu.memory_space<semaphore_mem>>) src(%arg9 : memref<16x1024xf32, #tpu.memory_space<vmem>>) dst(%dma_wait3A_345 : memref<32768x1024xf32, #tpu.memory_space<hbm>>)
          %add3A_346 = arith.constant 7 : i32
          %add3A_347 = arith.addi %add3A_285, %add3A_346 : i32
          %mul3A_348 = arith.constant 16 : i32
          %mul3A_349 = arith.muli %add3A_347, %mul3A_348 : i32
          %min3A_350 = arith.minsi %mul3A_349, %max3A_153 : i32
          %multiple_of3A_351 = tpu.assume_multiple %min3A_350, 8 : i32
          %dma_start3A_352 = tpu.memref_slice %arg7[%multiple_of3A_351] : memref<1024xi32, #tpu.memory_space<vmem>> -> memref<16xi32, #tpu.memory_space<vmem>>
          %dma_start3A_353 = arith.constant 0 : i32
          %dma_start3A_354 = arith.constant 0 : i32
          %dma_start3A_355 = tpu.memref_slice %arg3[%dma_start3A_353, %dma_start3A_354] : memref<8192x1024xf32, #tpu.memory_space<hbm>> -> memref<8192x1024xf32, #tpu.memory_space<hbm>>
          tpu.enqueue_indirect_dma source(%dma_start3A_355 : memref<8192x1024xf32, #tpu.memory_space<hbm>>) target(%arg9 : memref<16x1024xf32, #tpu.memory_space<vmem>>) offsets(%dma_start3A_352 : memref<16xi32, #tpu.memory_space<vmem>>) semaphore(%arg16 : memref<!tpu.dma_semaphore, #tpu.memory_space<semaphore_mem>>)
        } else {
        }
      } else {
      }
      %add3A_290 = arith.constant 1 : i32
      %add3A_291 = arith.addi %mul3A_283, %add3A_290 : i32
      %lt3A_292 = arith.cmpi slt, %add3A_291, %select_n3A_150 : i32
      %convert_element_type3A_293 = arith.extui %lt3A_292 : i1 to i32
      %cond3A_294 = arith.constant 0 : i32
      %cond3A_295 = arith.cmpi ne, %convert_element_type3A_293, %cond3A_294 : i32
      scf.if %cond3A_295 {
        %dma_wait3A = arith.constant 0 : i32
        %dma_wait3A_326 = tpu.memref_slice %arg7[%dma_wait3A] : memref<1024xi32, #tpu.memory_space<vmem>> -> memref<16xi32, #tpu.memory_space<vmem>>
        %dma_wait3A_327 = arith.constant 0 : i32
        %dma_wait3A_328 = arith.constant 0 : i32
        %dma_wait3A_329 = tpu.memref_slice %arg3[%dma_wait3A_327, %dma_wait3A_328] : memref<8192x1024xf32, #tpu.memory_space<hbm>> -> memref<8192x1024xf32, #tpu.memory_space<hbm>>
        tpu.wait_indirect_dma semaphore(%arg16 : memref<!tpu.dma_semaphore, #tpu.memory_space<semaphore_mem>>) src(%dma_wait3A_329 : memref<8192x1024xf32, #tpu.memory_space<hbm>>) dst(%arg10 : memref<16x1024xf32, #tpu.memory_space<vmem>>)
        %mul3A_330 = arith.constant 16 : i32
        %mul3A_331 = arith.muli %add3A_291, %mul3A_330 : i32
        %min3A = arith.minsi %mul3A_331, %max3A_153 : i32
        %multiple_of3A = tpu.assume_multiple %min3A, 8 : i32
        %dma_start3A = tpu.memref_slice %arg8[%multiple_of3A] : memref<1024xi32, #tpu.memory_space<vmem>> -> memref<16xi32, #tpu.memory_space<vmem>>
        %dma_start3A_332 = arith.constant 0 : i32
        %dma_start3A_333 = arith.constant 0 : i32
        %dma_start3A_334 = tpu.memref_slice %arg4[%dma_start3A_332, %dma_start3A_333] : memref<32768x1024xf32, #tpu.memory_space<hbm>> -> memref<32768x1024xf32, #tpu.memory_space<hbm>>
        tpu.enqueue_indirect_dma source(%arg10 : memref<16x1024xf32, #tpu.memory_space<vmem>>) target(%dma_start3A_334 : memref<32768x1024xf32, #tpu.memory_space<hbm>>) offsets(%dma_start3A : memref<16xi32, #tpu.memory_space<vmem>>) semaphore(%arg17 : memref<!tpu.dma_semaphore, #tpu.memory_space<semaphore_mem>>)
        %add3A_335 = arith.constant 7 : i32
        %add3A_336 = arith.addi %add3A_291, %add3A_335 : i32
        %lt3A_337 = arith.cmpi slt, %add3A_336, %select_n3A_150 : i32
        %convert_element_type3A_338 = arith.extui %lt3A_337 : i1 to i32
        %cond3A_339 = arith.constant 0 : i32
        %cond3A_340 = arith.cmpi ne, %convert_element_type3A_338, %cond3A_339 : i32
        scf.if %cond3A_340 {
          %dma_wait3A_341 = arith.constant 0 : i32
          %dma_wait3A_342 = tpu.memref_slice %arg8[%dma_wait3A_341] : memref<1024xi32, #tpu.memory_space<vmem>> -> memref<16xi32, #tpu.memory_space<vmem>>
          %dma_wait3A_343 = arith.constant 0 : i32
          %dma_wait3A_344 = arith.constant 0 : i32
          %dma_wait3A_345 = tpu.memref_slice %arg4[%dma_wait3A_343, %dma_wait3A_344] : memref<32768x1024xf32, #tpu.memory_space<hbm>> -> memref<32768x1024xf32, #tpu.memory_space<hbm>>
          tpu.wait_indirect_dma semaphore(%arg17 : memref<!tpu.dma_semaphore, #tpu.memory_space<semaphore_mem>>) src(%arg10 : memref<16x1024xf32, #tpu.memory_space<vmem>>) dst(%dma_wait3A_345 : memref<32768x1024xf32, #tpu.memory_space<hbm>>)
          %add3A_346 = arith.constant 7 : i32
          %add3A_347 = arith.addi %add3A_291, %add3A_346 : i32
          %mul3A_348 = arith.constant 16 : i32
          %mul3A_349 = arith.muli %add3A_347, %mul3A_348 : i32
          %min3A_350 = arith.minsi %mul3A_349, %max3A_153 : i32
          %multiple_of3A_351 = tpu.assume_multiple %min3A_350, 8 : i32
          %dma_start3A_352 = tpu.memref_slice %arg7[%multiple_of3A_351] : memref<1024xi32, #tpu.memory_space<vmem>> -> memref<16xi32, #tpu.memory_space<vmem>>
          %dma_start3A_353 = arith.constant 0 : i32
          %dma_start3A_354 = arith.constant 0 : i32
          %dma_start3A_355 = tpu.memref_slice %arg3[%dma_start3A_353, %dma_start3A_354] : memref<8192x1024xf32, #tpu.memory_space<hbm>> -> memref<8192x1024xf32, #tpu.memory_space<hbm>>
          tpu.enqueue_indirect_dma source(%dma_start3A_355 : memref<8192x1024xf32, #tpu.memory_space<hbm>>) target(%arg10 : memref<16x1024xf32, #tpu.memory_space<vmem>>) offsets(%dma_start3A_352 : memref<16xi32, #tpu.memory_space<vmem>>) semaphore(%arg16 : memref<!tpu.dma_semaphore, #tpu.memory_space<semaphore_mem>>)
        } else {
        }
      } else {
      }
      %add3A_296 = arith.constant 2 : i32
      %add3A_297 = arith.addi %mul3A_283, %add3A_296 : i32
      %lt3A_298 = arith.cmpi slt, %add3A_297, %select_n3A_150 : i32
      %convert_element_type3A_299 = arith.extui %lt3A_298 : i1 to i32
      %cond3A_300 = arith.constant 0 : i32
      %cond3A_301 = arith.cmpi ne, %convert_element_type3A_299, %cond3A_300 : i32
      scf.if %cond3A_301 {
        %dma_wait3A = arith.constant 0 : i32
        %dma_wait3A_326 = tpu.memref_slice %arg7[%dma_wait3A] : memref<1024xi32, #tpu.memory_space<vmem>> -> memref<16xi32, #tpu.memory_space<vmem>>
        %dma_wait3A_327 = arith.constant 0 : i32
        %dma_wait3A_328 = arith.constant 0 : i32
        %dma_wait3A_329 = tpu.memref_slice %arg3[%dma_wait3A_327, %dma_wait3A_328] : memref<8192x1024xf32, #tpu.memory_space<hbm>> -> memref<8192x1024xf32, #tpu.memory_space<hbm>>
        tpu.wait_indirect_dma semaphore(%arg16 : memref<!tpu.dma_semaphore, #tpu.memory_space<semaphore_mem>>) src(%dma_wait3A_329 : memref<8192x1024xf32, #tpu.memory_space<hbm>>) dst(%arg11 : memref<16x1024xf32, #tpu.memory_space<vmem>>)
        %mul3A_330 = arith.constant 16 : i32
        %mul3A_331 = arith.muli %add3A_297, %mul3A_330 : i32
        %min3A = arith.minsi %mul3A_331, %max3A_153 : i32
        %multiple_of3A = tpu.assume_multiple %min3A, 8 : i32
        %dma_start3A = tpu.memref_slice %arg8[%multiple_of3A] : memref<1024xi32, #tpu.memory_space<vmem>> -> memref<16xi32, #tpu.memory_space<vmem>>
        %dma_start3A_332 = arith.constant 0 : i32
        %dma_start3A_333 = arith.constant 0 : i32
        %dma_start3A_334 = tpu.memref_slice %arg4[%dma_start3A_332, %dma_start3A_333] : memref<32768x1024xf32, #tpu.memory_space<hbm>> -> memref<32768x1024xf32, #tpu.memory_space<hbm>>
        tpu.enqueue_indirect_dma source(%arg11 : memref<16x1024xf32, #tpu.memory_space<vmem>>) target(%dma_start3A_334 : memref<32768x1024xf32, #tpu.memory_space<hbm>>) offsets(%dma_start3A : memref<16xi32, #tpu.memory_space<vmem>>) semaphore(%arg17 : memref<!tpu.dma_semaphore, #tpu.memory_space<semaphore_mem>>)
        %add3A_335 = arith.constant 7 : i32
        %add3A_336 = arith.addi %add3A_297, %add3A_335 : i32
        %lt3A_337 = arith.cmpi slt, %add3A_336, %select_n3A_150 : i32
        %convert_element_type3A_338 = arith.extui %lt3A_337 : i1 to i32
        %cond3A_339 = arith.constant 0 : i32
        %cond3A_340 = arith.cmpi ne, %convert_element_type3A_338, %cond3A_339 : i32
        scf.if %cond3A_340 {
          %dma_wait3A_341 = arith.constant 0 : i32
          %dma_wait3A_342 = tpu.memref_slice %arg8[%dma_wait3A_341] : memref<1024xi32, #tpu.memory_space<vmem>> -> memref<16xi32, #tpu.memory_space<vmem>>
          %dma_wait3A_343 = arith.constant 0 : i32
          %dma_wait3A_344 = arith.constant 0 : i32
          %dma_wait3A_345 = tpu.memref_slice %arg4[%dma_wait3A_343, %dma_wait3A_344] : memref<32768x1024xf32, #tpu.memory_space<hbm>> -> memref<32768x1024xf32, #tpu.memory_space<hbm>>
          tpu.wait_indirect_dma semaphore(%arg17 : memref<!tpu.dma_semaphore, #tpu.memory_space<semaphore_mem>>) src(%arg11 : memref<16x1024xf32, #tpu.memory_space<vmem>>) dst(%dma_wait3A_345 : memref<32768x1024xf32, #tpu.memory_space<hbm>>)
          %add3A_346 = arith.constant 7 : i32
          %add3A_347 = arith.addi %add3A_297, %add3A_346 : i32
          %mul3A_348 = arith.constant 16 : i32
          %mul3A_349 = arith.muli %add3A_347, %mul3A_348 : i32
          %min3A_350 = arith.minsi %mul3A_349, %max3A_153 : i32
          %multiple_of3A_351 = tpu.assume_multiple %min3A_350, 8 : i32
          %dma_start3A_352 = tpu.memref_slice %arg7[%multiple_of3A_351] : memref<1024xi32, #tpu.memory_space<vmem>> -> memref<16xi32, #tpu.memory_space<vmem>>
          %dma_start3A_353 = arith.constant 0 : i32
          %dma_start3A_354 = arith.constant 0 : i32
          %dma_start3A_355 = tpu.memref_slice %arg3[%dma_start3A_353, %dma_start3A_354] : memref<8192x1024xf32, #tpu.memory_space<hbm>> -> memref<8192x1024xf32, #tpu.memory_space<hbm>>
          tpu.enqueue_indirect_dma source(%dma_start3A_355 : memref<8192x1024xf32, #tpu.memory_space<hbm>>) target(%arg11 : memref<16x1024xf32, #tpu.memory_space<vmem>>) offsets(%dma_start3A_352 : memref<16xi32, #tpu.memory_space<vmem>>) semaphore(%arg16 : memref<!tpu.dma_semaphore, #tpu.memory_space<semaphore_mem>>)
        } else {
        }
      } else {
      }
      %add3A_302 = arith.constant 3 : i32
      %add3A_303 = arith.addi %mul3A_283, %add3A_302 : i32
      %lt3A_304 = arith.cmpi slt, %add3A_303, %select_n3A_150 : i32
      %convert_element_type3A_305 = arith.extui %lt3A_304 : i1 to i32
      %cond3A_306 = arith.constant 0 : i32
      %cond3A_307 = arith.cmpi ne, %convert_element_type3A_305, %cond3A_306 : i32
      scf.if %cond3A_307 {
        %dma_wait3A = arith.constant 0 : i32
        %dma_wait3A_326 = tpu.memref_slice %arg7[%dma_wait3A] : memref<1024xi32, #tpu.memory_space<vmem>> -> memref<16xi32, #tpu.memory_space<vmem>>
        %dma_wait3A_327 = arith.constant 0 : i32
        %dma_wait3A_328 = arith.constant 0 : i32
        %dma_wait3A_329 = tpu.memref_slice %arg3[%dma_wait3A_327, %dma_wait3A_328] : memref<8192x1024xf32, #tpu.memory_space<hbm>> -> memref<8192x1024xf32, #tpu.memory_space<hbm>>
        tpu.wait_indirect_dma semaphore(%arg16 : memref<!tpu.dma_semaphore, #tpu.memory_space<semaphore_mem>>) src(%dma_wait3A_329 : memref<8192x1024xf32, #tpu.memory_space<hbm>>) dst(%arg12 : memref<16x1024xf32, #tpu.memory_space<vmem>>)
        %mul3A_330 = arith.constant 16 : i32
        %mul3A_331 = arith.muli %add3A_303, %mul3A_330 : i32
        %min3A = arith.minsi %mul3A_331, %max3A_153 : i32
        %multiple_of3A = tpu.assume_multiple %min3A, 8 : i32
        %dma_start3A = tpu.memref_slice %arg8[%multiple_of3A] : memref<1024xi32, #tpu.memory_space<vmem>> -> memref<16xi32, #tpu.memory_space<vmem>>
        %dma_start3A_332 = arith.constant 0 : i32
        %dma_start3A_333 = arith.constant 0 : i32
        %dma_start3A_334 = tpu.memref_slice %arg4[%dma_start3A_332, %dma_start3A_333] : memref<32768x1024xf32, #tpu.memory_space<hbm>> -> memref<32768x1024xf32, #tpu.memory_space<hbm>>
        tpu.enqueue_indirect_dma source(%arg12 : memref<16x1024xf32, #tpu.memory_space<vmem>>) target(%dma_start3A_334 : memref<32768x1024xf32, #tpu.memory_space<hbm>>) offsets(%dma_start3A : memref<16xi32, #tpu.memory_space<vmem>>) semaphore(%arg17 : memref<!tpu.dma_semaphore, #tpu.memory_space<semaphore_mem>>)
        %add3A_335 = arith.constant 7 : i32
        %add3A_336 = arith.addi %add3A_303, %add3A_335 : i32
        %lt3A_337 = arith.cmpi slt, %add3A_336, %select_n3A_150 : i32
        %convert_element_type3A_338 = arith.extui %lt3A_337 : i1 to i32
        %cond3A_339 = arith.constant 0 : i32
        %cond3A_340 = arith.cmpi ne, %convert_element_type3A_338, %cond3A_339 : i32
        scf.if %cond3A_340 {
          %dma_wait3A_341 = arith.constant 0 : i32
          %dma_wait3A_342 = tpu.memref_slice %arg8[%dma_wait3A_341] : memref<1024xi32, #tpu.memory_space<vmem>> -> memref<16xi32, #tpu.memory_space<vmem>>
          %dma_wait3A_343 = arith.constant 0 : i32
          %dma_wait3A_344 = arith.constant 0 : i32
          %dma_wait3A_345 = tpu.memref_slice %arg4[%dma_wait3A_343, %dma_wait3A_344] : memref<32768x1024xf32, #tpu.memory_space<hbm>> -> memref<32768x1024xf32, #tpu.memory_space<hbm>>
          tpu.wait_indirect_dma semaphore(%arg17 : memref<!tpu.dma_semaphore, #tpu.memory_space<semaphore_mem>>) src(%arg12 : memref<16x1024xf32, #tpu.memory_space<vmem>>) dst(%dma_wait3A_345 : memref<32768x1024xf32, #tpu.memory_space<hbm>>)
          %add3A_346 = arith.constant 7 : i32
          %add3A_347 = arith.addi %add3A_303, %add3A_346 : i32
          %mul3A_348 = arith.constant 16 : i32
          %mul3A_349 = arith.muli %add3A_347, %mul3A_348 : i32
          %min3A_350 = arith.minsi %mul3A_349, %max3A_153 : i32
          %multiple_of3A_351 = tpu.assume_multiple %min3A_350, 8 : i32
          %dma_start3A_352 = tpu.memref_slice %arg7[%multiple_of3A_351] : memref<1024xi32, #tpu.memory_space<vmem>> -> memref<16xi32, #tpu.memory_space<vmem>>
          %dma_start3A_353 = arith.constant 0 : i32
          %dma_start3A_354 = arith.constant 0 : i32
          %dma_start3A_355 = tpu.memref_slice %arg3[%dma_start3A_353, %dma_start3A_354] : memref<8192x1024xf32, #tpu.memory_space<hbm>> -> memref<8192x1024xf32, #tpu.memory_space<hbm>>
          tpu.enqueue_indirect_dma source(%dma_start3A_355 : memref<8192x1024xf32, #tpu.memory_space<hbm>>) target(%arg12 : memref<16x1024xf32, #tpu.memory_space<vmem>>) offsets(%dma_start3A_352 : memref<16xi32, #tpu.memory_space<vmem>>) semaphore(%arg16 : memref<!tpu.dma_semaphore, #tpu.memory_space<semaphore_mem>>)
        } else {
        }
      } else {
      }
      %add3A_308 = arith.constant 4 : i32
      %add3A_309 = arith.addi %mul3A_283, %add3A_308 : i32
      %lt3A_310 = arith.cmpi slt, %add3A_309, %select_n3A_150 : i32
      %convert_element_type3A_311 = arith.extui %lt3A_310 : i1 to i32
      %cond3A_312 = arith.constant 0 : i32
      %cond3A_313 = arith.cmpi ne, %convert_element_type3A_311, %cond3A_312 : i32
      scf.if %cond3A_313 {
        %dma_wait3A = arith.constant 0 : i32
        %dma_wait3A_326 = tpu.memref_slice %arg7[%dma_wait3A] : memref<1024xi32, #tpu.memory_space<vmem>> -> memref<16xi32, #tpu.memory_space<vmem>>
        %dma_wait3A_327 = arith.constant 0 : i32
        %dma_wait3A_328 = arith.constant 0 : i32
        %dma_wait3A_329 = tpu.memref_slice %arg3[%dma_wait3A_327, %dma_wait3A_328] : memref<8192x1024xf32, #tpu.memory_space<hbm>> -> memref<8192x1024xf32, #tpu.memory_space<hbm>>
        tpu.wait_indirect_dma semaphore(%arg16 : memref<!tpu.dma_semaphore, #tpu.memory_space<semaphore_mem>>) src(%dma_wait3A_329 : memref<8192x1024xf32, #tpu.memory_space<hbm>>) dst(%arg13 : memref<16x1024xf32, #tpu.memory_space<vmem>>)
        %mul3A_330 = arith.constant 16 : i32
        %mul3A_331 = arith.muli %add3A_309, %mul3A_330 : i32
        %min3A = arith.minsi %mul3A_331, %max3A_153 : i32
        %multiple_of3A = tpu.assume_multiple %min3A, 8 : i32
        %dma_start3A = tpu.memref_slice %arg8[%multiple_of3A] : memref<1024xi32, #tpu.memory_space<vmem>> -> memref<16xi32, #tpu.memory_space<vmem>>
        %dma_start3A_332 = arith.constant 0 : i32
        %dma_start3A_333 = arith.constant 0 : i32
        %dma_start3A_334 = tpu.memref_slice %arg4[%dma_start3A_332, %dma_start3A_333] : memref<32768x1024xf32, #tpu.memory_space<hbm>> -> memref<32768x1024xf32, #tpu.memory_space<hbm>>
        tpu.enqueue_indirect_dma source(%arg13 : memref<16x1024xf32, #tpu.memory_space<vmem>>) target(%dma_start3A_334 : memref<32768x1024xf32, #tpu.memory_space<hbm>>) offsets(%dma_start3A : memref<16xi32, #tpu.memory_space<vmem>>) semaphore(%arg17 : memref<!tpu.dma_semaphore, #tpu.memory_space<semaphore_mem>>)
        %add3A_335 = arith.constant 7 : i32
        %add3A_336 = arith.addi %add3A_309, %add3A_335 : i32
        %lt3A_337 = arith.cmpi slt, %add3A_336, %select_n3A_150 : i32
        %convert_element_type3A_338 = arith.extui %lt3A_337 : i1 to i32
        %cond3A_339 = arith.constant 0 : i32
        %cond3A_340 = arith.cmpi ne, %convert_element_type3A_338, %cond3A_339 : i32
        scf.if %cond3A_340 {
          %dma_wait3A_341 = arith.constant 0 : i32
          %dma_wait3A_342 = tpu.memref_slice %arg8[%dma_wait3A_341] : memref<1024xi32, #tpu.memory_space<vmem>> -> memref<16xi32, #tpu.memory_space<vmem>>
          %dma_wait3A_343 = arith.constant 0 : i32
          %dma_wait3A_344 = arith.constant 0 : i32
          %dma_wait3A_345 = tpu.memref_slice %arg4[%dma_wait3A_343, %dma_wait3A_344] : memref<32768x1024xf32, #tpu.memory_space<hbm>> -> memref<32768x1024xf32, #tpu.memory_space<hbm>>
          tpu.wait_indirect_dma semaphore(%arg17 : memref<!tpu.dma_semaphore, #tpu.memory_space<semaphore_mem>>) src(%arg13 : memref<16x1024xf32, #tpu.memory_space<vmem>>) dst(%dma_wait3A_345 : memref<32768x1024xf32, #tpu.memory_space<hbm>>)
          %add3A_346 = arith.constant 7 : i32
          %add3A_347 = arith.addi %add3A_309, %add3A_346 : i32
          %mul3A_348 = arith.constant 16 : i32
          %mul3A_349 = arith.muli %add3A_347, %mul3A_348 : i32
          %min3A_350 = arith.minsi %mul3A_349, %max3A_153 : i32
          %multiple_of3A_351 = tpu.assume_multiple %min3A_350, 8 : i32
          %dma_start3A_352 = tpu.memref_slice %arg7[%multiple_of3A_351] : memref<1024xi32, #tpu.memory_space<vmem>> -> memref<16xi32, #tpu.memory_space<vmem>>
          %dma_start3A_353 = arith.constant 0 : i32
          %dma_start3A_354 = arith.constant 0 : i32
          %dma_start3A_355 = tpu.memref_slice %arg3[%dma_start3A_353, %dma_start3A_354] : memref<8192x1024xf32, #tpu.memory_space<hbm>> -> memref<8192x1024xf32, #tpu.memory_space<hbm>>
          tpu.enqueue_indirect_dma source(%dma_start3A_355 : memref<8192x1024xf32, #tpu.memory_space<hbm>>) target(%arg13 : memref<16x1024xf32, #tpu.memory_space<vmem>>) offsets(%dma_start3A_352 : memref<16xi32, #tpu.memory_space<vmem>>) semaphore(%arg16 : memref<!tpu.dma_semaphore, #tpu.memory_space<semaphore_mem>>)
        } else {
        }
      } else {
      }
      %add3A_314 = arith.constant 5 : i32
      %add3A_315 = arith.addi %mul3A_283, %add3A_314 : i32
      %lt3A_316 = arith.cmpi slt, %add3A_315, %select_n3A_150 : i32
      %convert_element_type3A_317 = arith.extui %lt3A_316 : i1 to i32
      %cond3A_318 = arith.constant 0 : i32
      %cond3A_319 = arith.cmpi ne, %convert_element_type3A_317, %cond3A_318 : i32
      scf.if %cond3A_319 {
        %dma_wait3A = arith.constant 0 : i32
        %dma_wait3A_326 = tpu.memref_slice %arg7[%dma_wait3A] : memref<1024xi32, #tpu.memory_space<vmem>> -> memref<16xi32, #tpu.memory_space<vmem>>
        %dma_wait3A_327 = arith.constant 0 : i32
        %dma_wait3A_328 = arith.constant 0 : i32
        %dma_wait3A_329 = tpu.memref_slice %arg3[%dma_wait3A_327, %dma_wait3A_328] : memref<8192x1024xf32, #tpu.memory_space<hbm>> -> memref<8192x1024xf32, #tpu.memory_space<hbm>>
        tpu.wait_indirect_dma semaphore(%arg16 : memref<!tpu.dma_semaphore, #tpu.memory_space<semaphore_mem>>) src(%dma_wait3A_329 : memref<8192x1024xf32, #tpu.memory_space<hbm>>) dst(%arg14 : memref<16x1024xf32, #tpu.memory_space<vmem>>)
        %mul3A_330 = arith.constant 16 : i32
        %mul3A_331 = arith.muli %add3A_315, %mul3A_330 : i32
        %min3A = arith.minsi %mul3A_331, %max3A_153 : i32
        %multiple_of3A = tpu.assume_multiple %min3A, 8 : i32
        %dma_start3A = tpu.memref_slice %arg8[%multiple_of3A] : memref<1024xi32, #tpu.memory_space<vmem>> -> memref<16xi32, #tpu.memory_space<vmem>>
        %dma_start3A_332 = arith.constant 0 : i32
        %dma_start3A_333 = arith.constant 0 : i32
        %dma_start3A_334 = tpu.memref_slice %arg4[%dma_start3A_332, %dma_start3A_333] : memref<32768x1024xf32, #tpu.memory_space<hbm>> -> memref<32768x1024xf32, #tpu.memory_space<hbm>>
        tpu.enqueue_indirect_dma source(%arg14 : memref<16x1024xf32, #tpu.memory_space<vmem>>) target(%dma_start3A_334 : memref<32768x1024xf32, #tpu.memory_space<hbm>>) offsets(%dma_start3A : memref<16xi32, #tpu.memory_space<vmem>>) semaphore(%arg17 : memref<!tpu.dma_semaphore, #tpu.memory_space<semaphore_mem>>)
        %add3A_335 = arith.constant 7 : i32
        %add3A_336 = arith.addi %add3A_315, %add3A_335 : i32
        %lt3A_337 = arith.cmpi slt, %add3A_336, %select_n3A_150 : i32
        %convert_element_type3A_338 = arith.extui %lt3A_337 : i1 to i32
        %cond3A_339 = arith.constant 0 : i32
        %cond3A_340 = arith.cmpi ne, %convert_element_type3A_338, %cond3A_339 : i32
        scf.if %cond3A_340 {
          %dma_wait3A_341 = arith.constant 0 : i32
          %dma_wait3A_342 = tpu.memref_slice %arg8[%dma_wait3A_341] : memref<1024xi32, #tpu.memory_space<vmem>> -> memref<16xi32, #tpu.memory_space<vmem>>
          %dma_wait3A_343 = arith.constant 0 : i32
          %dma_wait3A_344 = arith.constant 0 : i32
          %dma_wait3A_345 = tpu.memref_slice %arg4[%dma_wait3A_343, %dma_wait3A_344] : memref<32768x1024xf32, #tpu.memory_space<hbm>> -> memref<32768x1024xf32, #tpu.memory_space<hbm>>
          tpu.wait_indirect_dma semaphore(%arg17 : memref<!tpu.dma_semaphore, #tpu.memory_space<semaphore_mem>>) src(%arg14 : memref<16x1024xf32, #tpu.memory_space<vmem>>) dst(%dma_wait3A_345 : memref<32768x1024xf32, #tpu.memory_space<hbm>>)
          %add3A_346 = arith.constant 7 : i32
          %add3A_347 = arith.addi %add3A_315, %add3A_346 : i32
          %mul3A_348 = arith.constant 16 : i32
          %mul3A_349 = arith.muli %add3A_347, %mul3A_348 : i32
          %min3A_350 = arith.minsi %mul3A_349, %max3A_153 : i32
          %multiple_of3A_351 = tpu.assume_multiple %min3A_350, 8 : i32
          %dma_start3A_352 = tpu.memref_slice %arg7[%multiple_of3A_351] : memref<1024xi32, #tpu.memory_space<vmem>> -> memref<16xi32, #tpu.memory_space<vmem>>
          %dma_start3A_353 = arith.constant 0 : i32
          %dma_start3A_354 = arith.constant 0 : i32
          %dma_start3A_355 = tpu.memref_slice %arg3[%dma_start3A_353, %dma_start3A_354] : memref<8192x1024xf32, #tpu.memory_space<hbm>> -> memref<8192x1024xf32, #tpu.memory_space<hbm>>
          tpu.enqueue_indirect_dma source(%dma_start3A_355 : memref<8192x1024xf32, #tpu.memory_space<hbm>>) target(%arg14 : memref<16x1024xf32, #tpu.memory_space<vmem>>) offsets(%dma_start3A_352 : memref<16xi32, #tpu.memory_space<vmem>>) semaphore(%arg16 : memref<!tpu.dma_semaphore, #tpu.memory_space<semaphore_mem>>)
        } else {
        }
      } else {
      }
      %add3A_320 = arith.constant 6 : i32
      %add3A_321 = arith.addi %mul3A_283, %add3A_320 : i32
      %lt3A_322 = arith.cmpi slt, %add3A_321, %select_n3A_150 : i32
      %convert_element_type3A_323 = arith.extui %lt3A_322 : i1 to i32
      %cond3A_324 = arith.constant 0 : i32
      %cond3A_325 = arith.cmpi ne, %convert_element_type3A_323, %cond3A_324 : i32
      scf.if %cond3A_325 {
        %dma_wait3A = arith.constant 0 : i32
        %dma_wait3A_326 = tpu.memref_slice %arg7[%dma_wait3A] : memref<1024xi32, #tpu.memory_space<vmem>> -> memref<16xi32, #tpu.memory_space<vmem>>
        %dma_wait3A_327 = arith.constant 0 : i32
        %dma_wait3A_328 = arith.constant 0 : i32
        %dma_wait3A_329 = tpu.memref_slice %arg3[%dma_wait3A_327, %dma_wait3A_328] : memref<8192x1024xf32, #tpu.memory_space<hbm>> -> memref<8192x1024xf32, #tpu.memory_space<hbm>>
        tpu.wait_indirect_dma semaphore(%arg16 : memref<!tpu.dma_semaphore, #tpu.memory_space<semaphore_mem>>) src(%dma_wait3A_329 : memref<8192x1024xf32, #tpu.memory_space<hbm>>) dst(%arg15 : memref<16x1024xf32, #tpu.memory_space<vmem>>)
        %mul3A_330 = arith.constant 16 : i32
        %mul3A_331 = arith.muli %add3A_321, %mul3A_330 : i32
        %min3A = arith.minsi %mul3A_331, %max3A_153 : i32
        %multiple_of3A = tpu.assume_multiple %min3A, 8 : i32
        %dma_start3A = tpu.memref_slice %arg8[%multiple_of3A] : memref<1024xi32, #tpu.memory_space<vmem>> -> memref<16xi32, #tpu.memory_space<vmem>>
        %dma_start3A_332 = arith.constant 0 : i32
        %dma_start3A_333 = arith.constant 0 : i32
        %dma_start3A_334 = tpu.memref_slice %arg4[%dma_start3A_332, %dma_start3A_333] : memref<32768x1024xf32, #tpu.memory_space<hbm>> -> memref<32768x1024xf32, #tpu.memory_space<hbm>>
        tpu.enqueue_indirect_dma source(%arg15 : memref<16x1024xf32, #tpu.memory_space<vmem>>) target(%dma_start3A_334 : memref<32768x1024xf32, #tpu.memory_space<hbm>>) offsets(%dma_start3A : memref<16xi32, #tpu.memory_space<vmem>>) semaphore(%arg17 : memref<!tpu.dma_semaphore, #tpu.memory_space<semaphore_mem>>)
        %add3A_335 = arith.constant 7 : i32
        %add3A_336 = arith.addi %add3A_321, %add3A_335 : i32
        %lt3A_337 = arith.cmpi slt, %add3A_336, %select_n3A_150 : i32
        %convert_element_type3A_338 = arith.extui %lt3A_337 : i1 to i32
        %cond3A_339 = arith.constant 0 : i32
        %cond3A_340 = arith.cmpi ne, %convert_element_type3A_338, %cond3A_339 : i32
        scf.if %cond3A_340 {
          %dma_wait3A_341 = arith.constant 0 : i32
          %dma_wait3A_342 = tpu.memref_slice %arg8[%dma_wait3A_341] : memref<1024xi32, #tpu.memory_space<vmem>> -> memref<16xi32, #tpu.memory_space<vmem>>
          %dma_wait3A_343 = arith.constant 0 : i32
          %dma_wait3A_344 = arith.constant 0 : i32
          %dma_wait3A_345 = tpu.memref_slice %arg4[%dma_wait3A_343, %dma_wait3A_344] : memref<32768x1024xf32, #tpu.memory_space<hbm>> -> memref<32768x1024xf32, #tpu.memory_space<hbm>>
          tpu.wait_indirect_dma semaphore(%arg17 : memref<!tpu.dma_semaphore, #tpu.memory_space<semaphore_mem>>) src(%arg15 : memref<16x1024xf32, #tpu.memory_space<vmem>>) dst(%dma_wait3A_345 : memref<32768x1024xf32, #tpu.memory_space<hbm>>)
          %add3A_346 = arith.constant 7 : i32
          %add3A_347 = arith.addi %add3A_321, %add3A_346 : i32
          %mul3A_348 = arith.constant 16 : i32
          %mul3A_349 = arith.muli %add3A_347, %mul3A_348 : i32
          %min3A_350 = arith.minsi %mul3A_349, %max3A_153 : i32
          %multiple_of3A_351 = tpu.assume_multiple %min3A_350, 8 : i32
          %dma_start3A_352 = tpu.memref_slice %arg7[%multiple_of3A_351] : memref<1024xi32, #tpu.memory_space<vmem>> -> memref<16xi32, #tpu.memory_space<vmem>>
          %dma_start3A_353 = arith.constant 0 : i32
          %dma_start3A_354 = arith.constant 0 : i32
          %dma_start3A_355 = tpu.memref_slice %arg3[%dma_start3A_353, %dma_start3A_354] : memref<8192x1024xf32, #tpu.memory_space<hbm>> -> memref<8192x1024xf32, #tpu.memory_space<hbm>>
          tpu.enqueue_indirect_dma source(%dma_start3A_355 : memref<8192x1024xf32, #tpu.memory_space<hbm>>) target(%arg15 : memref<16x1024xf32, #tpu.memory_space<vmem>>) offsets(%dma_start3A_352 : memref<16xi32, #tpu.memory_space<vmem>>) semaphore(%arg16 : memref<!tpu.dma_semaphore, #tpu.memory_space<semaphore_mem>>)
        } else {
        }
      } else {
      }
    }
    %while3A_245 = arith.constant 1 : i32
    scf.for %while3A_281 = %while3A_243 to %while3A_239 step %while3A_245  : i32 {
      %mul3A_282 = arith.constant 7 : i32
      %mul3A_283 = arith.muli %while3A_281, %mul3A_282 : i32
      %add3A_284 = arith.constant 0 : i32
      %add3A_285 = arith.addi %mul3A_283, %add3A_284 : i32
      %lt3A_286 = arith.cmpi slt, %add3A_285, %select_n3A_150 : i32
      %convert_element_type3A_287 = arith.extui %lt3A_286 : i1 to i32
      %cond3A_288 = arith.constant 0 : i32
      %cond3A_289 = arith.cmpi ne, %convert_element_type3A_287, %cond3A_288 : i32
      scf.if %cond3A_289 {
        %dma_wait3A = arith.constant 0 : i32
        %dma_wait3A_326 = tpu.memref_slice %arg7[%dma_wait3A] : memref<1024xi32, #tpu.memory_space<vmem>> -> memref<16xi32, #tpu.memory_space<vmem>>
        %dma_wait3A_327 = arith.constant 0 : i32
        %dma_wait3A_328 = arith.constant 0 : i32
        %dma_wait3A_329 = tpu.memref_slice %arg3[%dma_wait3A_327, %dma_wait3A_328] : memref<8192x1024xf32, #tpu.memory_space<hbm>> -> memref<8192x1024xf32, #tpu.memory_space<hbm>>
        tpu.wait_indirect_dma semaphore(%arg16 : memref<!tpu.dma_semaphore, #tpu.memory_space<semaphore_mem>>) src(%dma_wait3A_329 : memref<8192x1024xf32, #tpu.memory_space<hbm>>) dst(%arg9 : memref<16x1024xf32, #tpu.memory_space<vmem>>)
        %mul3A_330 = arith.constant 16 : i32
        %mul3A_331 = arith.muli %add3A_285, %mul3A_330 : i32
        %min3A = arith.minsi %mul3A_331, %max3A_153 : i32
        %multiple_of3A = tpu.assume_multiple %min3A, 8 : i32
        %dma_start3A = tpu.memref_slice %arg8[%multiple_of3A] : memref<1024xi32, #tpu.memory_space<vmem>> -> memref<16xi32, #tpu.memory_space<vmem>>
        %dma_start3A_332 = arith.constant 0 : i32
        %dma_start3A_333 = arith.constant 0 : i32
        %dma_start3A_334 = tpu.memref_slice %arg4[%dma_start3A_332, %dma_start3A_333] : memref<32768x1024xf32, #tpu.memory_space<hbm>> -> memref<32768x1024xf32, #tpu.memory_space<hbm>>
        tpu.enqueue_indirect_dma source(%arg9 : memref<16x1024xf32, #tpu.memory_space<vmem>>) target(%dma_start3A_334 : memref<32768x1024xf32, #tpu.memory_space<hbm>>) offsets(%dma_start3A : memref<16xi32, #tpu.memory_space<vmem>>) semaphore(%arg17 : memref<!tpu.dma_semaphore, #tpu.memory_space<semaphore_mem>>)
        %add3A_335 = arith.constant 7 : i32
        %add3A_336 = arith.addi %add3A_285, %add3A_335 : i32
        %lt3A_337 = arith.cmpi slt, %add3A_336, %select_n3A_150 : i32
        %convert_element_type3A_338 = arith.extui %lt3A_337 : i1 to i32
        %cond3A_339 = arith.constant 0 : i32
        %cond3A_340 = arith.cmpi ne, %convert_element_type3A_338, %cond3A_339 : i32
        scf.if %cond3A_340 {
          %dma_wait3A_341 = arith.constant 0 : i32
          %dma_wait3A_342 = tpu.memref_slice %arg8[%dma_wait3A_341] : memref<1024xi32, #tpu.memory_space<vmem>> -> memref<16xi32, #tpu.memory_space<vmem>>
          %dma_wait3A_343 = arith.constant 0 : i32
          %dma_wait3A_344 = arith.constant 0 : i32
          %dma_wait3A_345 = tpu.memref_slice %arg4[%dma_wait3A_343, %dma_wait3A_344] : memref<32768x1024xf32, #tpu.memory_space<hbm>> -> memref<32768x1024xf32, #tpu.memory_space<hbm>>
          tpu.wait_indirect_dma semaphore(%arg17 : memref<!tpu.dma_semaphore, #tpu.memory_space<semaphore_mem>>) src(%arg9 : memref<16x1024xf32, #tpu.memory_space<vmem>>) dst(%dma_wait3A_345 : memref<32768x1024xf32, #tpu.memory_space<hbm>>)
          %add3A_346 = arith.constant 7 : i32
          %add3A_347 = arith.addi %add3A_285, %add3A_346 : i32
          %mul3A_348 = arith.constant 16 : i32
          %mul3A_349 = arith.muli %add3A_347, %mul3A_348 : i32
          %min3A_350 = arith.minsi %mul3A_349, %max3A_153 : i32
          %multiple_of3A_351 = tpu.assume_multiple %min3A_350, 8 : i32
          %dma_start3A_352 = tpu.memref_slice %arg7[%multiple_of3A_351] : memref<1024xi32, #tpu.memory_space<vmem>> -> memref<16xi32, #tpu.memory_space<vmem>>
          %dma_start3A_353 = arith.constant 0 : i32
          %dma_start3A_354 = arith.constant 0 : i32
          %dma_start3A_355 = tpu.memref_slice %arg3[%dma_start3A_353, %dma_start3A_354] : memref<8192x1024xf32, #tpu.memory_space<hbm>> -> memref<8192x1024xf32, #tpu.memory_space<hbm>>
          tpu.enqueue_indirect_dma source(%dma_start3A_355 : memref<8192x1024xf32, #tpu.memory_space<hbm>>) target(%arg9 : memref<16x1024xf32, #tpu.memory_space<vmem>>) offsets(%dma_start3A_352 : memref<16xi32, #tpu.memory_space<vmem>>) semaphore(%arg16 : memref<!tpu.dma_semaphore, #tpu.memory_space<semaphore_mem>>)
        } else {
        }
      } else {
      }
      %add3A_290 = arith.constant 1 : i32
      %add3A_291 = arith.addi %mul3A_283, %add3A_290 : i32
      %lt3A_292 = arith.cmpi slt, %add3A_291, %select_n3A_150 : i32
      %convert_element_type3A_293 = arith.extui %lt3A_292 : i1 to i32
      %cond3A_294 = arith.constant 0 : i32
      %cond3A_295 = arith.cmpi ne, %convert_element_type3A_293, %cond3A_294 : i32
      scf.if %cond3A_295 {
        %dma_wait3A = arith.constant 0 : i32
        %dma_wait3A_326 = tpu.memref_slice %arg7[%dma_wait3A] : memref<1024xi32, #tpu.memory_space<vmem>> -> memref<16xi32, #tpu.memory_space<vmem>>
        %dma_wait3A_327 = arith.constant 0 : i32
        %dma_wait3A_328 = arith.constant 0 : i32
        %dma_wait3A_329 = tpu.memref_slice %arg3[%dma_wait3A_327, %dma_wait3A_328] : memref<8192x1024xf32, #tpu.memory_space<hbm>> -> memref<8192x1024xf32, #tpu.memory_space<hbm>>
        tpu.wait_indirect_dma semaphore(%arg16 : memref<!tpu.dma_semaphore, #tpu.memory_space<semaphore_mem>>) src(%dma_wait3A_329 : memref<8192x1024xf32, #tpu.memory_space<hbm>>) dst(%arg10 : memref<16x1024xf32, #tpu.memory_space<vmem>>)
        %mul3A_330 = arith.constant 16 : i32
        %mul3A_331 = arith.muli %add3A_291, %mul3A_330 : i32
        %min3A = arith.minsi %mul3A_331, %max3A_153 : i32
        %multiple_of3A = tpu.assume_multiple %min3A, 8 : i32
        %dma_start3A = tpu.memref_slice %arg8[%multiple_of3A] : memref<1024xi32, #tpu.memory_space<vmem>> -> memref<16xi32, #tpu.memory_space<vmem>>
        %dma_start3A_332 = arith.constant 0 : i32
        %dma_start3A_333 = arith.constant 0 : i32
        %dma_start3A_334 = tpu.memref_slice %arg4[%dma_start3A_332, %dma_start3A_333] : memref<32768x1024xf32, #tpu.memory_space<hbm>> -> memref<32768x1024xf32, #tpu.memory_space<hbm>>
        tpu.enqueue_indirect_dma source(%arg10 : memref<16x1024xf32, #tpu.memory_space<vmem>>) target(%dma_start3A_334 : memref<32768x1024xf32, #tpu.memory_space<hbm>>) offsets(%dma_start3A : memref<16xi32, #tpu.memory_space<vmem>>) semaphore(%arg17 : memref<!tpu.dma_semaphore, #tpu.memory_space<semaphore_mem>>)
        %add3A_335 = arith.constant 7 : i32
        %add3A_336 = arith.addi %add3A_291, %add3A_335 : i32
        %lt3A_337 = arith.cmpi slt, %add3A_336, %select_n3A_150 : i32
        %convert_element_type3A_338 = arith.extui %lt3A_337 : i1 to i32
        %cond3A_339 = arith.constant 0 : i32
        %cond3A_340 = arith.cmpi ne, %convert_element_type3A_338, %cond3A_339 : i32
        scf.if %cond3A_340 {
          %dma_wait3A_341 = arith.constant 0 : i32
          %dma_wait3A_342 = tpu.memref_slice %arg8[%dma_wait3A_341] : memref<1024xi32, #tpu.memory_space<vmem>> -> memref<16xi32, #tpu.memory_space<vmem>>
          %dma_wait3A_343 = arith.constant 0 : i32
          %dma_wait3A_344 = arith.constant 0 : i32
          %dma_wait3A_345 = tpu.memref_slice %arg4[%dma_wait3A_343, %dma_wait3A_344] : memref<32768x1024xf32, #tpu.memory_space<hbm>> -> memref<32768x1024xf32, #tpu.memory_space<hbm>>
          tpu.wait_indirect_dma semaphore(%arg17 : memref<!tpu.dma_semaphore, #tpu.memory_space<semaphore_mem>>) src(%arg10 : memref<16x1024xf32, #tpu.memory_space<vmem>>) dst(%dma_wait3A_345 : memref<32768x1024xf32, #tpu.memory_space<hbm>>)
          %add3A_346 = arith.constant 7 : i32
          %add3A_347 = arith.addi %add3A_291, %add3A_346 : i32
          %mul3A_348 = arith.constant 16 : i32
          %mul3A_349 = arith.muli %add3A_347, %mul3A_348 : i32
          %min3A_350 = arith.minsi %mul3A_349, %max3A_153 : i32
          %multiple_of3A_351 = tpu.assume_multiple %min3A_350, 8 : i32
          %dma_start3A_352 = tpu.memref_slice %arg7[%multiple_of3A_351] : memref<1024xi32, #tpu.memory_space<vmem>> -> memref<16xi32, #tpu.memory_space<vmem>>
          %dma_start3A_353 = arith.constant 0 : i32
          %dma_start3A_354 = arith.constant 0 : i32
          %dma_start3A_355 = tpu.memref_slice %arg3[%dma_start3A_353, %dma_start3A_354] : memref<8192x1024xf32, #tpu.memory_space<hbm>> -> memref<8192x1024xf32, #tpu.memory_space<hbm>>
          tpu.enqueue_indirect_dma source(%dma_start3A_355 : memref<8192x1024xf32, #tpu.memory_space<hbm>>) target(%arg10 : memref<16x1024xf32, #tpu.memory_space<vmem>>) offsets(%dma_start3A_352 : memref<16xi32, #tpu.memory_space<vmem>>) semaphore(%arg16 : memref<!tpu.dma_semaphore, #tpu.memory_space<semaphore_mem>>)
        } else {
        }
      } else {
      }
      %add3A_296 = arith.constant 2 : i32
      %add3A_297 = arith.addi %mul3A_283, %add3A_296 : i32
      %lt3A_298 = arith.cmpi slt, %add3A_297, %select_n3A_150 : i32
      %convert_element_type3A_299 = arith.extui %lt3A_298 : i1 to i32
      %cond3A_300 = arith.constant 0 : i32
      %cond3A_301 = arith.cmpi ne, %convert_element_type3A_299, %cond3A_300 : i32
      scf.if %cond3A_301 {
        %dma_wait3A = arith.constant 0 : i32
        %dma_wait3A_326 = tpu.memref_slice %arg7[%dma_wait3A] : memref<1024xi32, #tpu.memory_space<vmem>> -> memref<16xi32, #tpu.memory_space<vmem>>
        %dma_wait3A_327 = arith.constant 0 : i32
        %dma_wait3A_328 = arith.constant 0 : i32
        %dma_wait3A_329 = tpu.memref_slice %arg3[%dma_wait3A_327, %dma_wait3A_328] : memref<8192x1024xf32, #tpu.memory_space<hbm>> -> memref<8192x1024xf32, #tpu.memory_space<hbm>>
        tpu.wait_indirect_dma semaphore(%arg16 : memref<!tpu.dma_semaphore, #tpu.memory_space<semaphore_mem>>) src(%dma_wait3A_329 : memref<8192x1024xf32, #tpu.memory_space<hbm>>) dst(%arg11 : memref<16x1024xf32, #tpu.memory_space<vmem>>)
        %mul3A_330 = arith.constant 16 : i32
        %mul3A_331 = arith.muli %add3A_297, %mul3A_330 : i32
        %min3A = arith.minsi %mul3A_331, %max3A_153 : i32
        %multiple_of3A = tpu.assume_multiple %min3A, 8 : i32
        %dma_start3A = tpu.memref_slice %arg8[%multiple_of3A] : memref<1024xi32, #tpu.memory_space<vmem>> -> memref<16xi32, #tpu.memory_space<vmem>>
        %dma_start3A_332 = arith.constant 0 : i32
        %dma_start3A_333 = arith.constant 0 : i32
        %dma_start3A_334 = tpu.memref_slice %arg4[%dma_start3A_332, %dma_start3A_333] : memref<32768x1024xf32, #tpu.memory_space<hbm>> -> memref<32768x1024xf32, #tpu.memory_space<hbm>>
        tpu.enqueue_indirect_dma source(%arg11 : memref<16x1024xf32, #tpu.memory_space<vmem>>) target(%dma_start3A_334 : memref<32768x1024xf32, #tpu.memory_space<hbm>>) offsets(%dma_start3A : memref<16xi32, #tpu.memory_space<vmem>>) semaphore(%arg17 : memref<!tpu.dma_semaphore, #tpu.memory_space<semaphore_mem>>)
        %add3A_335 = arith.constant 7 : i32
        %add3A_336 = arith.addi %add3A_297, %add3A_335 : i32
        %lt3A_337 = arith.cmpi slt, %add3A_336, %select_n3A_150 : i32
        %convert_element_type3A_338 = arith.extui %lt3A_337 : i1 to i32
        %cond3A_339 = arith.constant 0 : i32
        %cond3A_340 = arith.cmpi ne, %convert_element_type3A_338, %cond3A_339 : i32
        scf.if %cond3A_340 {
          %dma_wait3A_341 = arith.constant 0 : i32
          %dma_wait3A_342 = tpu.memref_slice %arg8[%dma_wait3A_341] : memref<1024xi32, #tpu.memory_space<vmem>> -> memref<16xi32, #tpu.memory_space<vmem>>
          %dma_wait3A_343 = arith.constant 0 : i32
          %dma_wait3A_344 = arith.constant 0 : i32
          %dma_wait3A_345 = tpu.memref_slice %arg4[%dma_wait3A_343, %dma_wait3A_344] : memref<32768x1024xf32, #tpu.memory_space<hbm>> -> memref<32768x1024xf32, #tpu.memory_space<hbm>>
          tpu.wait_indirect_dma semaphore(%arg17 : memref<!tpu.dma_semaphore, #tpu.memory_space<semaphore_mem>>) src(%arg11 : memref<16x1024xf32, #tpu.memory_space<vmem>>) dst(%dma_wait3A_345 : memref<32768x1024xf32, #tpu.memory_space<hbm>>)
          %add3A_346 = arith.constant 7 : i32
          %add3A_347 = arith.addi %add3A_297, %add3A_346 : i32
          %mul3A_348 = arith.constant 16 : i32
          %mul3A_349 = arith.muli %add3A_347, %mul3A_348 : i32
          %min3A_350 = arith.minsi %mul3A_349, %max3A_153 : i32
          %multiple_of3A_351 = tpu.assume_multiple %min3A_350, 8 : i32
          %dma_start3A_352 = tpu.memref_slice %arg7[%multiple_of3A_351] : memref<1024xi32, #tpu.memory_space<vmem>> -> memref<16xi32, #tpu.memory_space<vmem>>
          %dma_start3A_353 = arith.constant 0 : i32
          %dma_start3A_354 = arith.constant 0 : i32
          %dma_start3A_355 = tpu.memref_slice %arg3[%dma_start3A_353, %dma_start3A_354] : memref<8192x1024xf32, #tpu.memory_space<hbm>> -> memref<8192x1024xf32, #tpu.memory_space<hbm>>
          tpu.enqueue_indirect_dma source(%dma_start3A_355 : memref<8192x1024xf32, #tpu.memory_space<hbm>>) target(%arg11 : memref<16x1024xf32, #tpu.memory_space<vmem>>) offsets(%dma_start3A_352 : memref<16xi32, #tpu.memory_space<vmem>>) semaphore(%arg16 : memref<!tpu.dma_semaphore, #tpu.memory_space<semaphore_mem>>)
        } else {
        }
      } else {
      }
      %add3A_302 = arith.constant 3 : i32
      %add3A_303 = arith.addi %mul3A_283, %add3A_302 : i32
      %lt3A_304 = arith.cmpi slt, %add3A_303, %select_n3A_150 : i32
      %convert_element_type3A_305 = arith.extui %lt3A_304 : i1 to i32
      %cond3A_306 = arith.constant 0 : i32
      %cond3A_307 = arith.cmpi ne, %convert_element_type3A_305, %cond3A_306 : i32
      scf.if %cond3A_307 {
        %dma_wait3A = arith.constant 0 : i32
        %dma_wait3A_326 = tpu.memref_slice %arg7[%dma_wait3A] : memref<1024xi32, #tpu.memory_space<vmem>> -> memref<16xi32, #tpu.memory_space<vmem>>
        %dma_wait3A_327 = arith.constant 0 : i32
        %dma_wait3A_328 = arith.constant 0 : i32
        %dma_wait3A_329 = tpu.memref_slice %arg3[%dma_wait3A_327, %dma_wait3A_328] : memref<8192x1024xf32, #tpu.memory_space<hbm>> -> memref<8192x1024xf32, #tpu.memory_space<hbm>>
        tpu.wait_indirect_dma semaphore(%arg16 : memref<!tpu.dma_semaphore, #tpu.memory_space<semaphore_mem>>) src(%dma_wait3A_329 : memref<8192x1024xf32, #tpu.memory_space<hbm>>) dst(%arg12 : memref<16x1024xf32, #tpu.memory_space<vmem>>)
        %mul3A_330 = arith.constant 16 : i32
        %mul3A_331 = arith.muli %add3A_303, %mul3A_330 : i32
        %min3A = arith.minsi %mul3A_331, %max3A_153 : i32
        %multiple_of3A = tpu.assume_multiple %min3A, 8 : i32
        %dma_start3A = tpu.memref_slice %arg8[%multiple_of3A] : memref<1024xi32, #tpu.memory_space<vmem>> -> memref<16xi32, #tpu.memory_space<vmem>>
        %dma_start3A_332 = arith.constant 0 : i32
        %dma_start3A_333 = arith.constant 0 : i32
        %dma_start3A_334 = tpu.memref_slice %arg4[%dma_start3A_332, %dma_start3A_333] : memref<32768x1024xf32, #tpu.memory_space<hbm>> -> memref<32768x1024xf32, #tpu.memory_space<hbm>>
        tpu.enqueue_indirect_dma source(%arg12 : memref<16x1024xf32, #tpu.memory_space<vmem>>) target(%dma_start3A_334 : memref<32768x1024xf32, #tpu.memory_space<hbm>>) offsets(%dma_start3A : memref<16xi32, #tpu.memory_space<vmem>>) semaphore(%arg17 : memref<!tpu.dma_semaphore, #tpu.memory_space<semaphore_mem>>)
        %add3A_335 = arith.constant 7 : i32
        %add3A_336 = arith.addi %add3A_303, %add3A_335 : i32
        %lt3A_337 = arith.cmpi slt, %add3A_336, %select_n3A_150 : i32
        %convert_element_type3A_338 = arith.extui %lt3A_337 : i1 to i32
        %cond3A_339 = arith.constant 0 : i32
        %cond3A_340 = arith.cmpi ne, %convert_element_type3A_338, %cond3A_339 : i32
        scf.if %cond3A_340 {
          %dma_wait3A_341 = arith.constant 0 : i32
          %dma_wait3A_342 = tpu.memref_slice %arg8[%dma_wait3A_341] : memref<1024xi32, #tpu.memory_space<vmem>> -> memref<16xi32, #tpu.memory_space<vmem>>
          %dma_wait3A_343 = arith.constant 0 : i32
          %dma_wait3A_344 = arith.constant 0 : i32
          %dma_wait3A_345 = tpu.memref_slice %arg4[%dma_wait3A_343, %dma_wait3A_344] : memref<32768x1024xf32, #tpu.memory_space<hbm>> -> memref<32768x1024xf32, #tpu.memory_space<hbm>>
          tpu.wait_indirect_dma semaphore(%arg17 : memref<!tpu.dma_semaphore, #tpu.memory_space<semaphore_mem>>) src(%arg12 : memref<16x1024xf32, #tpu.memory_space<vmem>>) dst(%dma_wait3A_345 : memref<32768x1024xf32, #tpu.memory_space<hbm>>)
          %add3A_346 = arith.constant 7 : i32
          %add3A_347 = arith.addi %add3A_303, %add3A_346 : i32
          %mul3A_348 = arith.constant 16 : i32
          %mul3A_349 = arith.muli %add3A_347, %mul3A_348 : i32
          %min3A_350 = arith.minsi %mul3A_349, %max3A_153 : i32
          %multiple_of3A_351 = tpu.assume_multiple %min3A_350, 8 : i32
          %dma_start3A_352 = tpu.memref_slice %arg7[%multiple_of3A_351] : memref<1024xi32, #tpu.memory_space<vmem>> -> memref<16xi32, #tpu.memory_space<vmem>>
          %dma_start3A_353 = arith.constant 0 : i32
          %dma_start3A_354 = arith.constant 0 : i32
          %dma_start3A_355 = tpu.memref_slice %arg3[%dma_start3A_353, %dma_start3A_354] : memref<8192x1024xf32, #tpu.memory_space<hbm>> -> memref<8192x1024xf32, #tpu.memory_space<hbm>>
          tpu.enqueue_indirect_dma source(%dma_start3A_355 : memref<8192x1024xf32, #tpu.memory_space<hbm>>) target(%arg12 : memref<16x1024xf32, #tpu.memory_space<vmem>>) offsets(%dma_start3A_352 : memref<16xi32, #tpu.memory_space<vmem>>) semaphore(%arg16 : memref<!tpu.dma_semaphore, #tpu.memory_space<semaphore_mem>>)
        } else {
        }
      } else {
      }
      %add3A_308 = arith.constant 4 : i32
      %add3A_309 = arith.addi %mul3A_283, %add3A_308 : i32
      %lt3A_310 = arith.cmpi slt, %add3A_309, %select_n3A_150 : i32
      %convert_element_type3A_311 = arith.extui %lt3A_310 : i1 to i32
      %cond3A_312 = arith.constant 0 : i32
      %cond3A_313 = arith.cmpi ne, %convert_element_type3A_311, %cond3A_312 : i32
      scf.if %cond3A_313 {
        %dma_wait3A = arith.constant 0 : i32
        %dma_wait3A_326 = tpu.memref_slice %arg7[%dma_wait3A] : memref<1024xi32, #tpu.memory_space<vmem>> -> memref<16xi32, #tpu.memory_space<vmem>>
        %dma_wait3A_327 = arith.constant 0 : i32
        %dma_wait3A_328 = arith.constant 0 : i32
        %dma_wait3A_329 = tpu.memref_slice %arg3[%dma_wait3A_327, %dma_wait3A_328] : memref<8192x1024xf32, #tpu.memory_space<hbm>> -> memref<8192x1024xf32, #tpu.memory_space<hbm>>
        tpu.wait_indirect_dma semaphore(%arg16 : memref<!tpu.dma_semaphore, #tpu.memory_space<semaphore_mem>>) src(%dma_wait3A_329 : memref<8192x1024xf32, #tpu.memory_space<hbm>>) dst(%arg13 : memref<16x1024xf32, #tpu.memory_space<vmem>>)
        %mul3A_330 = arith.constant 16 : i32
        %mul3A_331 = arith.muli %add3A_309, %mul3A_330 : i32
        %min3A = arith.minsi %mul3A_331, %max3A_153 : i32
        %multiple_of3A = tpu.assume_multiple %min3A, 8 : i32
        %dma_start3A = tpu.memref_slice %arg8[%multiple_of3A] : memref<1024xi32, #tpu.memory_space<vmem>> -> memref<16xi32, #tpu.memory_space<vmem>>
        %dma_start3A_332 = arith.constant 0 : i32
        %dma_start3A_333 = arith.constant 0 : i32
        %dma_start3A_334 = tpu.memref_slice %arg4[%dma_start3A_332, %dma_start3A_333] : memref<32768x1024xf32, #tpu.memory_space<hbm>> -> memref<32768x1024xf32, #tpu.memory_space<hbm>>
        tpu.enqueue_indirect_dma source(%arg13 : memref<16x1024xf32, #tpu.memory_space<vmem>>) target(%dma_start3A_334 : memref<32768x1024xf32, #tpu.memory_space<hbm>>) offsets(%dma_start3A : memref<16xi32, #tpu.memory_space<vmem>>) semaphore(%arg17 : memref<!tpu.dma_semaphore, #tpu.memory_space<semaphore_mem>>)
        %add3A_335 = arith.constant 7 : i32
        %add3A_336 = arith.addi %add3A_309, %add3A_335 : i32
        %lt3A_337 = arith.cmpi slt, %add3A_336, %select_n3A_150 : i32
        %convert_element_type3A_338 = arith.extui %lt3A_337 : i1 to i32
        %cond3A_339 = arith.constant 0 : i32
        %cond3A_340 = arith.cmpi ne, %convert_element_type3A_338, %cond3A_339 : i32
        scf.if %cond3A_340 {
          %dma_wait3A_341 = arith.constant 0 : i32
          %dma_wait3A_342 = tpu.memref_slice %arg8[%dma_wait3A_341] : memref<1024xi32, #tpu.memory_space<vmem>> -> memref<16xi32, #tpu.memory_space<vmem>>
          %dma_wait3A_343 = arith.constant 0 : i32
          %dma_wait3A_344 = arith.constant 0 : i32
          %dma_wait3A_345 = tpu.memref_slice %arg4[%dma_wait3A_343, %dma_wait3A_344] : memref<32768x1024xf32, #tpu.memory_space<hbm>> -> memref<32768x1024xf32, #tpu.memory_space<hbm>>
          tpu.wait_indirect_dma semaphore(%arg17 : memref<!tpu.dma_semaphore, #tpu.memory_space<semaphore_mem>>) src(%arg13 : memref<16x1024xf32, #tpu.memory_space<vmem>>) dst(%dma_wait3A_345 : memref<32768x1024xf32, #tpu.memory_space<hbm>>)
          %add3A_346 = arith.constant 7 : i32
          %add3A_347 = arith.addi %add3A_309, %add3A_346 : i32
          %mul3A_348 = arith.constant 16 : i32
          %mul3A_349 = arith.muli %add3A_347, %mul3A_348 : i32
          %min3A_350 = arith.minsi %mul3A_349, %max3A_153 : i32
          %multiple_of3A_351 = tpu.assume_multiple %min3A_350, 8 : i32
          %dma_start3A_352 = tpu.memref_slice %arg7[%multiple_of3A_351] : memref<1024xi32, #tpu.memory_space<vmem>> -> memref<16xi32, #tpu.memory_space<vmem>>
          %dma_start3A_353 = arith.constant 0 : i32
          %dma_start3A_354 = arith.constant 0 : i32
          %dma_start3A_355 = tpu.memref_slice %arg3[%dma_start3A_353, %dma_start3A_354] : memref<8192x1024xf32, #tpu.memory_space<hbm>> -> memref<8192x1024xf32, #tpu.memory_space<hbm>>
          tpu.enqueue_indirect_dma source(%dma_start3A_355 : memref<8192x1024xf32, #tpu.memory_space<hbm>>) target(%arg13 : memref<16x1024xf32, #tpu.memory_space<vmem>>) offsets(%dma_start3A_352 : memref<16xi32, #tpu.memory_space<vmem>>) semaphore(%arg16 : memref<!tpu.dma_semaphore, #tpu.memory_space<semaphore_mem>>)
        } else {
        }
      } else {
      }
      %add3A_314 = arith.constant 5 : i32
      %add3A_315 = arith.addi %mul3A_283, %add3A_314 : i32
      %lt3A_316 = arith.cmpi slt, %add3A_315, %select_n3A_150 : i32
      %convert_element_type3A_317 = arith.extui %lt3A_316 : i1 to i32
      %cond3A_318 = arith.constant 0 : i32
      %cond3A_319 = arith.cmpi ne, %convert_element_type3A_317, %cond3A_318 : i32
      scf.if %cond3A_319 {
        %dma_wait3A = arith.constant 0 : i32
        %dma_wait3A_326 = tpu.memref_slice %arg7[%dma_wait3A] : memref<1024xi32, #tpu.memory_space<vmem>> -> memref<16xi32, #tpu.memory_space<vmem>>
        %dma_wait3A_327 = arith.constant 0 : i32
        %dma_wait3A_328 = arith.constant 0 : i32
        %dma_wait3A_329 = tpu.memref_slice %arg3[%dma_wait3A_327, %dma_wait3A_328] : memref<8192x1024xf32, #tpu.memory_space<hbm>> -> memref<8192x1024xf32, #tpu.memory_space<hbm>>
        tpu.wait_indirect_dma semaphore(%arg16 : memref<!tpu.dma_semaphore, #tpu.memory_space<semaphore_mem>>) src(%dma_wait3A_329 : memref<8192x1024xf32, #tpu.memory_space<hbm>>) dst(%arg14 : memref<16x1024xf32, #tpu.memory_space<vmem>>)
        %mul3A_330 = arith.constant 16 : i32
        %mul3A_331 = arith.muli %add3A_315, %mul3A_330 : i32
        %min3A = arith.minsi %mul3A_331, %max3A_153 : i32
        %multiple_of3A = tpu.assume_multiple %min3A, 8 : i32
        %dma_start3A = tpu.memref_slice %arg8[%multiple_of3A] : memref<1024xi32, #tpu.memory_space<vmem>> -> memref<16xi32, #tpu.memory_space<vmem>>
        %dma_start3A_332 = arith.constant 0 : i32
        %dma_start3A_333 = arith.constant 0 : i32
        %dma_start3A_334 = tpu.memref_slice %arg4[%dma_start3A_332, %dma_start3A_333] : memref<32768x1024xf32, #tpu.memory_space<hbm>> -> memref<32768x1024xf32, #tpu.memory_space<hbm>>
        tpu.enqueue_indirect_dma source(%arg14 : memref<16x1024xf32, #tpu.memory_space<vmem>>) target(%dma_start3A_334 : memref<32768x1024xf32, #tpu.memory_space<hbm>>) offsets(%dma_start3A : memref<16xi32, #tpu.memory_space<vmem>>) semaphore(%arg17 : memref<!tpu.dma_semaphore, #tpu.memory_space<semaphore_mem>>)
        %add3A_335 = arith.constant 7 : i32
        %add3A_336 = arith.addi %add3A_315, %add3A_335 : i32
        %lt3A_337 = arith.cmpi slt, %add3A_336, %select_n3A_150 : i32
        %convert_element_type3A_338 = arith.extui %lt3A_337 : i1 to i32
        %cond3A_339 = arith.constant 0 : i32
        %cond3A_340 = arith.cmpi ne, %convert_element_type3A_338, %cond3A_339 : i32
        scf.if %cond3A_340 {
          %dma_wait3A_341 = arith.constant 0 : i32
          %dma_wait3A_342 = tpu.memref_slice %arg8[%dma_wait3A_341] : memref<1024xi32, #tpu.memory_space<vmem>> -> memref<16xi32, #tpu.memory_space<vmem>>
          %dma_wait3A_343 = arith.constant 0 : i32
          %dma_wait3A_344 = arith.constant 0 : i32
          %dma_wait3A_345 = tpu.memref_slice %arg4[%dma_wait3A_343, %dma_wait3A_344] : memref<32768x1024xf32, #tpu.memory_space<hbm>> -> memref<32768x1024xf32, #tpu.memory_space<hbm>>
          tpu.wait_indirect_dma semaphore(%arg17 : memref<!tpu.dma_semaphore, #tpu.memory_space<semaphore_mem>>) src(%arg14 : memref<16x1024xf32, #tpu.memory_space<vmem>>) dst(%dma_wait3A_345 : memref<32768x1024xf32, #tpu.memory_space<hbm>>)
          %add3A_346 = arith.constant 7 : i32
          %add3A_347 = arith.addi %add3A_315, %add3A_346 : i32
          %mul3A_348 = arith.constant 16 : i32
          %mul3A_349 = arith.muli %add3A_347, %mul3A_348 : i32
          %min3A_350 = arith.minsi %mul3A_349, %max3A_153 : i32
          %multiple_of3A_351 = tpu.assume_multiple %min3A_350, 8 : i32
          %dma_start3A_352 = tpu.memref_slice %arg7[%multiple_of3A_351] : memref<1024xi32, #tpu.memory_space<vmem>> -> memref<16xi32, #tpu.memory_space<vmem>>
          %dma_start3A_353 = arith.constant 0 : i32
          %dma_start3A_354 = arith.constant 0 : i32
          %dma_start3A_355 = tpu.memref_slice %arg3[%dma_start3A_353, %dma_start3A_354] : memref<8192x1024xf32, #tpu.memory_space<hbm>> -> memref<8192x1024xf32, #tpu.memory_space<hbm>>
          tpu.enqueue_indirect_dma source(%dma_start3A_355 : memref<8192x1024xf32, #tpu.memory_space<hbm>>) target(%arg14 : memref<16x1024xf32, #tpu.memory_space<vmem>>) offsets(%dma_start3A_352 : memref<16xi32, #tpu.memory_space<vmem>>) semaphore(%arg16 : memref<!tpu.dma_semaphore, #tpu.memory_space<semaphore_mem>>)
        } else {
        }
      } else {
      }
      %add3A_320 = arith.constant 6 : i32
      %add3A_321 = arith.addi %mul3A_283, %add3A_320 : i32
      %lt3A_322 = arith.cmpi slt, %add3A_321, %select_n3A_150 : i32
      %convert_element_type3A_323 = arith.extui %lt3A_322 : i1 to i32
      %cond3A_324 = arith.constant 0 : i32
      %cond3A_325 = arith.cmpi ne, %convert_element_type3A_323, %cond3A_324 : i32
      scf.if %cond3A_325 {
        %dma_wait3A = arith.constant 0 : i32
        %dma_wait3A_326 = tpu.memref_slice %arg7[%dma_wait3A] : memref<1024xi32, #tpu.memory_space<vmem>> -> memref<16xi32, #tpu.memory_space<vmem>>
        %dma_wait3A_327 = arith.constant 0 : i32
        %dma_wait3A_328 = arith.constant 0 : i32
        %dma_wait3A_329 = tpu.memref_slice %arg3[%dma_wait3A_327, %dma_wait3A_328] : memref<8192x1024xf32, #tpu.memory_space<hbm>> -> memref<8192x1024xf32, #tpu.memory_space<hbm>>
        tpu.wait_indirect_dma semaphore(%arg16 : memref<!tpu.dma_semaphore, #tpu.memory_space<semaphore_mem>>) src(%dma_wait3A_329 : memref<8192x1024xf32, #tpu.memory_space<hbm>>) dst(%arg15 : memref<16x1024xf32, #tpu.memory_space<vmem>>)
        %mul3A_330 = arith.constant 16 : i32
        %mul3A_331 = arith.muli %add3A_321, %mul3A_330 : i32
        %min3A = arith.minsi %mul3A_331, %max3A_153 : i32
        %multiple_of3A = tpu.assume_multiple %min3A, 8 : i32
        %dma_start3A = tpu.memref_slice %arg8[%multiple_of3A] : memref<1024xi32, #tpu.memory_space<vmem>> -> memref<16xi32, #tpu.memory_space<vmem>>
        %dma_start3A_332 = arith.constant 0 : i32
        %dma_start3A_333 = arith.constant 0 : i32
        %dma_start3A_334 = tpu.memref_slice %arg4[%dma_start3A_332, %dma_start3A_333] : memref<32768x1024xf32, #tpu.memory_space<hbm>> -> memref<32768x1024xf32, #tpu.memory_space<hbm>>
        tpu.enqueue_indirect_dma source(%arg15 : memref<16x1024xf32, #tpu.memory_space<vmem>>) target(%dma_start3A_334 : memref<32768x1024xf32, #tpu.memory_space<hbm>>) offsets(%dma_start3A : memref<16xi32, #tpu.memory_space<vmem>>) semaphore(%arg17 : memref<!tpu.dma_semaphore, #tpu.memory_space<semaphore_mem>>)
        %add3A_335 = arith.constant 7 : i32
        %add3A_336 = arith.addi %add3A_321, %add3A_335 : i32
        %lt3A_337 = arith.cmpi slt, %add3A_336, %select_n3A_150 : i32
        %convert_element_type3A_338 = arith.extui %lt3A_337 : i1 to i32
        %cond3A_339 = arith.constant 0 : i32
        %cond3A_340 = arith.cmpi ne, %convert_element_type3A_338, %cond3A_339 : i32
        scf.if %cond3A_340 {
          %dma_wait3A_341 = arith.constant 0 : i32
          %dma_wait3A_342 = tpu.memref_slice %arg8[%dma_wait3A_341] : memref<1024xi32, #tpu.memory_space<vmem>> -> memref<16xi32, #tpu.memory_space<vmem>>
          %dma_wait3A_343 = arith.constant 0 : i32
          %dma_wait3A_344 = arith.constant 0 : i32
          %dma_wait3A_345 = tpu.memref_slice %arg4[%dma_wait3A_343, %dma_wait3A_344] : memref<32768x1024xf32, #tpu.memory_space<hbm>> -> memref<32768x1024xf32, #tpu.memory_space<hbm>>
          tpu.wait_indirect_dma semaphore(%arg17 : memref<!tpu.dma_semaphore, #tpu.memory_space<semaphore_mem>>) src(%arg15 : memref<16x1024xf32, #tpu.memory_space<vmem>>) dst(%dma_wait3A_345 : memref<32768x1024xf32, #tpu.memory_space<hbm>>)
          %add3A_346 = arith.constant 7 : i32
          %add3A_347 = arith.addi %add3A_321, %add3A_346 : i32
          %mul3A_348 = arith.constant 16 : i32
          %mul3A_349 = arith.muli %add3A_347, %mul3A_348 : i32
          %min3A_350 = arith.minsi %mul3A_349, %max3A_153 : i32
          %multiple_of3A_351 = tpu.assume_multiple %min3A_350, 8 : i32
          %dma_start3A_352 = tpu.memref_slice %arg7[%multiple_of3A_351] : memref<1024xi32, #tpu.memory_space<vmem>> -> memref<16xi32, #tpu.memory_space<vmem>>
          %dma_start3A_353 = arith.constant 0 : i32
          %dma_start3A_354 = arith.constant 0 : i32
          %dma_start3A_355 = tpu.memref_slice %arg3[%dma_start3A_353, %dma_start3A_354] : memref<8192x1024xf32, #tpu.memory_space<hbm>> -> memref<8192x1024xf32, #tpu.memory_space<hbm>>
          tpu.enqueue_indirect_dma source(%dma_start3A_355 : memref<8192x1024xf32, #tpu.memory_space<hbm>>) target(%arg15 : memref<16x1024xf32, #tpu.memory_space<vmem>>) offsets(%dma_start3A_352 : memref<16xi32, #tpu.memory_space<vmem>>) semaphore(%arg16 : memref<!tpu.dma_semaphore, #tpu.memory_space<semaphore_mem>>)
        } else {
        }
      } else {
      }
    }
    %gt3A_246 = arith.constant 0 : i32
    %gt3A_247 = arith.cmpi sgt, %select_n3A_150, %gt3A_246 : i32
    %convert_element_type3A_248 = arith.extui %gt3A_247 : i1 to i32
    %cond3A_249 = arith.constant 0 : i32
    %cond3A_250 = arith.cmpi ne, %convert_element_type3A_248, %cond3A_249 : i32
    scf.if %cond3A_250 {
      %dma_wait3A = arith.constant 0 : i32
      %dma_wait3A_281 = tpu.memref_slice %arg8[%dma_wait3A] : memref<1024xi32, #tpu.memory_space<vmem>> -> memref<16xi32, #tpu.memory_space<vmem>>
      %dma_wait3A_282 = arith.constant 0 : i32
      %dma_wait3A_283 = arith.constant 0 : i32
      %dma_wait3A_284 = tpu.memref_slice %arg4[%dma_wait3A_282, %dma_wait3A_283] : memref<32768x1024xf32, #tpu.memory_space<hbm>> -> memref<32768x1024xf32, #tpu.memory_space<hbm>>
      tpu.wait_indirect_dma semaphore(%arg17 : memref<!tpu.dma_semaphore, #tpu.memory_space<semaphore_mem>>) src(%arg9 : memref<16x1024xf32, #tpu.memory_space<vmem>>) dst(%dma_wait3A_284 : memref<32768x1024xf32, #tpu.memory_space<hbm>>)
    } else {
    }
    %gt3A_251 = arith.constant 1 : i32
    %gt3A_252 = arith.cmpi sgt, %select_n3A_150, %gt3A_251 : i32
    %convert_element_type3A_253 = arith.extui %gt3A_252 : i1 to i32
    %cond3A_254 = arith.constant 0 : i32
    %cond3A_255 = arith.cmpi ne, %convert_element_type3A_253, %cond3A_254 : i32
    scf.if %cond3A_255 {
      %dma_wait3A = arith.constant 0 : i32
      %dma_wait3A_281 = tpu.memref_slice %arg8[%dma_wait3A] : memref<1024xi32, #tpu.memory_space<vmem>> -> memref<16xi32, #tpu.memory_space<vmem>>
      %dma_wait3A_282 = arith.constant 0 : i32
      %dma_wait3A_283 = arith.constant 0 : i32
      %dma_wait3A_284 = tpu.memref_slice %arg4[%dma_wait3A_282, %dma_wait3A_283] : memref<32768x1024xf32, #tpu.memory_space<hbm>> -> memref<32768x1024xf32, #tpu.memory_space<hbm>>
      tpu.wait_indirect_dma semaphore(%arg17 : memref<!tpu.dma_semaphore, #tpu.memory_space<semaphore_mem>>) src(%arg10 : memref<16x1024xf32, #tpu.memory_space<vmem>>) dst(%dma_wait3A_284 : memref<32768x1024xf32, #tpu.memory_space<hbm>>)
    } else {
    }
    %gt3A_256 = arith.constant 2 : i32
    %gt3A_257 = arith.cmpi sgt, %select_n3A_150, %gt3A_256 : i32
    %convert_element_type3A_258 = arith.extui %gt3A_257 : i1 to i32
    %cond3A_259 = arith.constant 0 : i32
    %cond3A_260 = arith.cmpi ne, %convert_element_type3A_258, %cond3A_259 : i32
    scf.if %cond3A_260 {
      %dma_wait3A = arith.constant 0 : i32
      %dma_wait3A_281 = tpu.memref_slice %arg8[%dma_wait3A] : memref<1024xi32, #tpu.memory_space<vmem>> -> memref<16xi32, #tpu.memory_space<vmem>>
      %dma_wait3A_282 = arith.constant 0 : i32
      %dma_wait3A_283 = arith.constant 0 : i32
      %dma_wait3A_284 = tpu.memref_slice %arg4[%dma_wait3A_282, %dma_wait3A_283] : memref<32768x1024xf32, #tpu.memory_space<hbm>> -> memref<32768x1024xf32, #tpu.memory_space<hbm>>
      tpu.wait_indirect_dma semaphore(%arg17 : memref<!tpu.dma_semaphore, #tpu.memory_space<semaphore_mem>>) src(%arg11 : memref<16x1024xf32, #tpu.memory_space<vmem>>) dst(%dma_wait3A_284 : memref<32768x1024xf32, #tpu.memory_space<hbm>>)
    } else {
    }
    %gt3A_261 = arith.constant 3 : i32
    %gt3A_262 = arith.cmpi sgt, %select_n3A_150, %gt3A_261 : i32
    %convert_element_type3A_263 = arith.extui %gt3A_262 : i1 to i32
    %cond3A_264 = arith.constant 0 : i32
    %cond3A_265 = arith.cmpi ne, %convert_element_type3A_263, %cond3A_264 : i32
    scf.if %cond3A_265 {
      %dma_wait3A = arith.constant 0 : i32
      %dma_wait3A_281 = tpu.memref_slice %arg8[%dma_wait3A] : memref<1024xi32, #tpu.memory_space<vmem>> -> memref<16xi32, #tpu.memory_space<vmem>>
      %dma_wait3A_282 = arith.constant 0 : i32
      %dma_wait3A_283 = arith.constant 0 : i32
      %dma_wait3A_284 = tpu.memref_slice %arg4[%dma_wait3A_282, %dma_wait3A_283] : memref<32768x1024xf32, #tpu.memory_space<hbm>> -> memref<32768x1024xf32, #tpu.memory_space<hbm>>
      tpu.wait_indirect_dma semaphore(%arg17 : memref<!tpu.dma_semaphore, #tpu.memory_space<semaphore_mem>>) src(%arg12 : memref<16x1024xf32, #tpu.memory_space<vmem>>) dst(%dma_wait3A_284 : memref<32768x1024xf32, #tpu.memory_space<hbm>>)
    } else {
    }
    %gt3A_266 = arith.constant 4 : i32
    %gt3A_267 = arith.cmpi sgt, %select_n3A_150, %gt3A_266 : i32
    %convert_element_type3A_268 = arith.extui %gt3A_267 : i1 to i32
    %cond3A_269 = arith.constant 0 : i32
    %cond3A_270 = arith.cmpi ne, %convert_element_type3A_268, %cond3A_269 : i32
    scf.if %cond3A_270 {
      %dma_wait3A = arith.constant 0 : i32
      %dma_wait3A_281 = tpu.memref_slice %arg8[%dma_wait3A] : memref<1024xi32, #tpu.memory_space<vmem>> -> memref<16xi32, #tpu.memory_space<vmem>>
      %dma_wait3A_282 = arith.constant 0 : i32
      %dma_wait3A_283 = arith.constant 0 : i32
      %dma_wait3A_284 = tpu.memref_slice %arg4[%dma_wait3A_282, %dma_wait3A_283] : memref<32768x1024xf32, #tpu.memory_space<hbm>> -> memref<32768x1024xf32, #tpu.memory_space<hbm>>
      tpu.wait_indirect_dma semaphore(%arg17 : memref<!tpu.dma_semaphore, #tpu.memory_space<semaphore_mem>>) src(%arg13 : memref<16x1024xf32, #tpu.memory_space<vmem>>) dst(%dma_wait3A_284 : memref<32768x1024xf32, #tpu.memory_space<hbm>>)
    } else {
    }
    %gt3A_271 = arith.constant 5 : i32
    %gt3A_272 = arith.cmpi sgt, %select_n3A_150, %gt3A_271 : i32
    %convert_element_type3A_273 = arith.extui %gt3A_272 : i1 to i32
    %cond3A_274 = arith.constant 0 : i32
    %cond3A_275 = arith.cmpi ne, %convert_element_type3A_273, %cond3A_274 : i32
    scf.if %cond3A_275 {
      %dma_wait3A = arith.constant 0 : i32
      %dma_wait3A_281 = tpu.memref_slice %arg8[%dma_wait3A] : memref<1024xi32, #tpu.memory_space<vmem>> -> memref<16xi32, #tpu.memory_space<vmem>>
      %dma_wait3A_282 = arith.constant 0 : i32
      %dma_wait3A_283 = arith.constant 0 : i32
      %dma_wait3A_284 = tpu.memref_slice %arg4[%dma_wait3A_282, %dma_wait3A_283] : memref<32768x1024xf32, #tpu.memory_space<hbm>> -> memref<32768x1024xf32, #tpu.memory_space<hbm>>
      tpu.wait_indirect_dma semaphore(%arg17 : memref<!tpu.dma_semaphore, #tpu.memory_space<semaphore_mem>>) src(%arg14 : memref<16x1024xf32, #tpu.memory_space<vmem>>) dst(%dma_wait3A_284 : memref<32768x1024xf32, #tpu.memory_space<hbm>>)
    } else {
    }
    %gt3A_276 = arith.constant 6 : i32
    %gt3A_277 = arith.cmpi sgt, %select_n3A_150, %gt3A_276 : i32
    %convert_element_type3A_278 = arith.extui %gt3A_277 : i1 to i32
    %cond3A_279 = arith.constant 0 : i32
    %cond3A_280 = arith.cmpi ne, %convert_element_type3A_278, %cond3A_279 : i32
    scf.if %cond3A_280 {
      %dma_wait3A = arith.constant 0 : i32
      %dma_wait3A_281 = tpu.memref_slice %arg8[%dma_wait3A] : memref<1024xi32, #tpu.memory_space<vmem>> -> memref<16xi32, #tpu.memory_space<vmem>>
      %dma_wait3A_282 = arith.constant 0 : i32
      %dma_wait3A_283 = arith.constant 0 : i32
      %dma_wait3A_284 = tpu.memref_slice %arg4[%dma_wait3A_282, %dma_wait3A_283] : memref<32768x1024xf32, #tpu.memory_space<hbm>> -> memref<32768x1024xf32, #tpu.memory_space<hbm>>
      tpu.wait_indirect_dma semaphore(%arg17 : memref<!tpu.dma_semaphore, #tpu.memory_space<semaphore_mem>>) src(%arg15 : memref<16x1024xf32, #tpu.memory_space<vmem>>) dst(%dma_wait3A_284 : memref<32768x1024xf32, #tpu.memory_space<hbm>>)
    } else {
    }
    return
  }
}

module attributes {stable_mosaic.version = 14 : i64} {
  func.func @body(%arg0: i32, %arg1: memref<512x256xf32, #tpu.memory_space<vmem>>, %arg2: memref<1024x256xf32, #tpu.memory_space<vmem>>, %arg3: memref<512x1024xf32, #tpu.memory_space<vmem>>) attributes {dimension_semantics = [#tpu.dimension_semantics<arbitrary>], iteration_bounds = array<i64: 16>, scalar_prefetch = 0 : i64, scratch_operands = 0 : i64, tpu.core_type = #tpu.core_type<tc>, window_params = [{transform_indices = @transform_0, window_bounds = array<i64: 512, 256>}, {pipeline_mode = #tpu.pipeline_mode<synchronous>, transform_indices = @transform_1, window_bounds = array<i64: 1024, 256>}, {transform_indices = @transform_2, window_bounds = array<i64: 512, 1024>}]} {
    %get3A = arith.constant 0 : index
    %get3A_0 = arith.constant 0 : index
    %get3A_1 = vector.load %arg1[%get3A, %get3A_0] : memref<512x256xf32, #tpu.memory_space<vmem>>, vector<512x256xf32>
    %get3A_2 = arith.constant 0 : index
    %get3A_3 = arith.constant 0 : index
    %get3A_4 = vector.load %arg2[%get3A_2, %get3A_3] : memref<1024x256xf32, #tpu.memory_space<vmem>>, vector<1024x256xf32>
    %dot_general3A = arith.constant dense<0.000000e+00> : vector<512x1024xf32>
    %dot_general3A_5 = tpu.matmul %get3A_1, %get3A_4, %dot_general3A {dimension_numbers = #tpu.dot_dimension_numbers<[1], [1], [0], [0], [0, 0, 1, 0], [], []>, transpose_lhs_hint = false} : vector<512x256xf32>, vector<1024x256xf32>, vector<512x1024xf32> -> vector<512x1024xf32>
    %swap3A = arith.constant 0 : index
    %swap3A_6 = arith.constant 0 : index
    %swap3A_7 = vector.load %arg3[%swap3A, %swap3A_6] : memref<512x1024xf32, #tpu.memory_space<vmem>>, vector<512x1024xf32>
    tpu.vector_store %arg3[%swap3A, %swap3A_6], %dot_general3A_5 {strides = array<i32>} : memref<512x1024xf32, #tpu.memory_space<vmem>>, vector<512x1024xf32>,
    return
  }
  func.func @transform_0(%arg0: i32) -> (i32, i32) {
    %c0_i32 = arith.constant 0 : i32
    %c0_i32_0 = arith.constant 0 : i32
    return %arg0, %c0_i32 : i32, i32
  }
  func.func @transform_1(%arg0: i32) -> (i32, i32) {
    %c0_i32 = arith.constant 0 : i32
    %c0_i32_0 = arith.constant 0 : i32
    %c0_i32_1 = arith.constant 0 : i32
    return %c0_i32, %c0_i32_0 : i32, i32
  }
  func.func @transform_2(%arg0: i32) -> (i32, i32) {
    %c0_i32 = arith.constant 0 : i32
    %c0_i32_0 = arith.constant 0 : i32
    return %arg0, %c0_i32 : i32, i32
  }
}

</mosaic_0001>

<sc_bundles>
// kernel: kernel.5.cloned.1.call-start
scs
__scs_entry_jumppad:
0x0: {  	(pc) =	sbr.rel $0x88, $3  }
0x1: {  	(tag) =	ssettag $0x0;
	lr =	simm.s32 $0x1  }
0x2: {  	[smem:$0x3F9D] =	sst lr;
	_ =	strace $0xD0000000  }
0x3: {  	_ = 	snop  }
0x4: {  	_ = 	snop  }
0x5: {  	_ = 	snop  }
0x6: {  	_ = 	snop  }
0x7: {  	_ = 	snop  }
__scs_overlays_trampoline_lowered:
0x8: {  	[smem:$0x3FAC] =	sst s0  }
0x9: {  	[smem:$0x3FAD] =	sst s1  }
0xa: {  	[smem:$0x3FAE] =	sst s2  }
0xb: {  	[smem:$0x3FAF] =	sst s3  }
0xc: {  	[smem:$0x3FB0] =	sst s4  }
0xd: {  	[smem:$0x3FB1] =	sst s5  }
0xe: {  	[smem:$0x3FB2] =	sst s6  }
0xf: {  	[smem:$0x3FB3] =	sst s7  }
0x10: {  	[smem:$0x3FB4] =	sst s8  }
0x11: {  	[smem:$0x3FB5] =	sst s9;
	s0 =	simm.s32 @!p0 $0x0  }
0x12: {  	s1 =	sld [smem:$0x3F9B];
	s0 =	simm.s32 @p0 $0x1  }
0x13: {  	[smem:$0x3FB6] =	sst s0;
	s0 =	simm.s32 @!p1 $0x0  }
0x14: {  	s2 =	sld [smem:$0x3F9A];
	s0 =	simm.s32 @p1 $0x1  }
0x15: {  	[smem:$0x3FB7] =	sst s0;
	s0 =	simm.s32 @!p2 $0x0  }
0x16: {  	s3 =	sld [smem:$0x3FDB];
	s0 =	simm.s32 @p2 $0x1  }
0x17: {  	s4 =	simm.s32 $0x1BF5;
	[smem:$0x3FB9] =	sst s0  }
0x18: {  	s0 =	sld [smem:$0x3F9C];
	_ =	swait.ge [sflag:s4], $0x0  }
0x19: {  	s7 =	sld [smem:$0x3F9D]  }
0x1a: {  	s8 =	sadd.s32 $0xFFFFE003, lr  }
0x1b: {  	s9 =	sadd.s32 $0xFFFFFEF7, lr;
	s5 =	simm.s32 $0xFFFFFFFF;
	p2 =	slt.u32 s8, $0xFFFFF086  }
0x1c: {  	p1 =	slt.u32 s9, $0xF7A;
	s5 =	simm.s32 @!p2 $0x0  }
0x1d: {  	s5 =	simm.s32 @p1 $0x1;
	p0 =	seq.s32 s7, s2  }
0x1e: {  	s7 =	smul.u32 @!p0 $0xF7A, s2;
	p2 =	seq.s32 @!p0 s5, $0x0  }
0x1f: {  	s9 =	smul.u32 $0xF7A, s1;
	s8 =	simm.s32 @!p0 $0x1BF5;
	p2 =	por !p2, p0  }
0x20: {  	[sflag:s8] =	ssyncset.s32 @!p0 $0xFFFFF086;
	s6 =	sadd.s32 @!p0 s3, s7;
	s7 =	simm.s32 @!p0 $0x108  }
0x21: {  	s3 =	sadd.s32 s3, s9;
	s6 =	sadd.s32 @!p0 $0x88, s6;
	s7 =	simm.s32 @p2 $0x1082  }
0x22: {  	[simem:s7], [sflag:s8] =	dma.local @!p0 [hbm:s6], $0xF7A  }
0x23: {  	s9 =	sor.u32 $0xD0000000, s2;
	s6 =	simm.s32 $0x108;
	_ =	swait.ge @!p0 [sflag:s8], $0x0  }
0x24: {  	s3 =	sadd.s32 $0x88, s3;
	s6 =	simm.s32 @!p1 $0x1082;
	[sflag:s4] =	ssyncset.s32 $0xFFFFF086  }
0x25: {  	[simem:s6], [sflag:s4] =	dma.local [hbm:s3], $0xF7A  }
0x26: {  	[smem:$0x3F9D] =	sst s1;
	(tag) =	ssettag s2;
	_ =	strace s9  }
0x27: {  	s1 =	sld [smem:$0x3FAD]  }
0x28: {  	s2 =	sld [smem:$0x3FAE]  }
0x29: {  	s4 =	sld [smem:$0x3FB0]  }
0x2a: {  	p0 =	seq.s32 s5, $0x0;
	s5 =	sld [smem:$0x3FB1]  }
0x2b: {  	s6 =	sld [smem:$0x3FB2]  }
0x2c: {  	s7 =	sld [smem:$0x3FB3]  }
0x2d: {  	s3 =	simm.s32 $0x108;
	s8 =	sld [smem:$0x3FB4]  }
0x2e: {  	s3 =	simm.s32 @!p0 $0x1082;
	s9 =	sld [smem:$0x3FB5]  }
0x2f: {  	lr =	sadd.s32 s0, s3;
	s0 =	sld [smem:$0x3FAC]  }
0x30: {  	s3 =	sld [smem:$0x3FAF]  }
0x31: {  	[smem:$0x3FB8] =	sst s10  }
0x32: {  	s10 =	sld [smem:$0x3FB6];
	_ =	sdelay $0x3  }
0x33: {  	p0 =	seq.s32 s10, $0x1;
	s10 =	sld [smem:$0x3FB8];
	_ =	sdelay $0x3  }
0x34: {  	[smem:$0x3FB8] =	sst s10  }
0x35: {  	s10 =	sld [smem:$0x3FB7];
	_ =	sdelay $0x3  }
0x36: {  	p1 =	seq.s32 s10, $0x1;
	s10 =	sld [smem:$0x3FB8];
	_ =	sdelay $0x3  }
0x37: {  	[smem:$0x3FB8] =	sst s10  }
0x38: {  	s10 =	sld [smem:$0x3FB9]  }
0x39: {  	_ = 	snop;
	(pc) =	sbr.ind lr, $3  }
0x3a: {  	_ = 	snop  }
0x3b: {  	_ = 	snop  }
0x3c: {  	p2 =	seq.s32 s10, $0x1;
	s10 =	sld [smem:$0x3FB8]  }
0x3d: {  	_ =	shalt  }
0x3e: {  	_ =	shalt  }
0x3f: {  	_ =	shalt  }
0x40: {  	_ =	shalt  }
0x41: {  	_ =	shalt  }
0x42: {  	_ =	shalt  }
0x43: {  	_ =	shalt  }
0x44: {  	_ =	shalt  }
0x45: {  	_ =	shalt  }
0x46: {  	_ =	shalt  }
0x47: {  	_ =	shalt  }
0x48: {  	_ =	shalt  }
0x49: {  	_ =	shalt  }
0x4a: {  	_ =	shalt  }
0x4b: {  	_ =	shalt  }
0x4c: {  	_ =	shalt  }
0x4d: {  	_ =	shalt  }
0x4e: {  	_ =	shalt  }
0x4f: {  	_ =	shalt  }
0x50: {  	_ =	shalt  }
0x51: {  	_ =	shalt  }
0x52: {  	_ =	shalt  }
0x53: {  	_ =	shalt  }
0x54: {  	_ =	shalt  }
0x55: {  	_ =	shalt  }
0x56: {  	_ =	shalt  }
0x57: {  	_ =	shalt  }
0x58: {  	_ =	shalt  }
0x59: {  	_ =	shalt  }
0x5a: {  	_ =	shalt  }
0x5b: {  	_ =	shalt  }
0x5c: {  	_ =	shalt  }
0x5d: {  	_ =	shalt  }
0x5e: {  	_ =	shalt  }
0x5f: {  	_ =	shalt  }
0x60: {  	_ =	shalt  }
0x61: {  	_ =	shalt  }
0x62: {  	_ =	shalt  }
0x63: {  	_ =	shalt  }
0x64: {  	_ =	shalt  }
0x65: {  	_ =	shalt  }
0x66: {  	_ =	shalt  }
0x67: {  	_ =	shalt  }
0x68: {  	_ =	shalt  }
0x69: {  	_ =	shalt  }
0x6a: {  	_ =	shalt  }
0x6b: {  	_ =	shalt  }
0x6c: {  	_ =	shalt  }
0x6d: {  	_ =	shalt  }
0x6e: {  	_ =	shalt  }
0x6f: {  	_ =	shalt  }
0x70: {  	_ =	shalt  }
0x71: {  	_ =	shalt  }
0x72: {  	_ =	shalt  }
0x73: {  	_ =	shalt  }
0x74: {  	_ =	shalt  }
0x75: {  	_ =	shalt  }
0x76: {  	_ =	shalt  }
0x77: {  	_ =	shalt  }
0x78: {  	_ =	shalt  }
0x79: {  	_ =	shalt  }
0x7a: {  	_ =	shalt  }
0x7b: {  	_ =	shalt  }
0x7c: {  	_ =	shalt  }
0x7d: {  	_ =	shalt  }
0x7e: {  	_ =	shalt  }
0x7f: {  	_ =	shalt  }
0x80: {  	_ =	shalt  }
0x81: {  	_ =	shalt  }
0x82: {  	_ =	shalt  }
0x83: {  	_ =	shalt  }
0x84: {  	_ =	shalt  }
0x85: {  	_ =	shalt  }
0x86: {  	_ =	shalt  }
0x87: {  	_ =	shalt  }
.Lfunc_end0:
.L_simem_size_0:
called_computation_lowered:
.L_overlay_start_0:
0x88: {  	s2 =	sld [smem:$0x3FD9]  }
0x89: {  	s3 =	sld [smem:$0x3FFE];
	_ =	sdelay $0x1  }
0x8a: {  	s1 =	srdreg.scid  }
0x8b: {  	s0 =	sand.u32 $0x1, s1  }
0x8c: {  	s18 =	sshll.u32 s0, $0xA;
	s2 =	sadd.s32 s3, s2  }
0x8d: {  	s2 =	sadd.s32 s2, s18  }
0x8e: {  	[smem:$0x3FC4] =	sst s2  }
0x8f: {  	_ = 	snop  }
0x90: {  	s2 =	sld [smem:$0x3FC9]  }
0x91: {  	s19 =	sld [smem:$0x3FC8]  }
0x92: {  	s4 =	sld [smem:$0x3FD0];
	(tm) =	ssettm $0x1  }
0x93: {  	s5 =	sld [smem:$0x3FFB];
	_ =	sdelay $0x3  }
0x94: {  	_ =	strace s5  }
0x95: {  	s5 =	sld [smem:$0x3FFC];
	_ =	sdelay $0x3  }
0x96: {  	_ =	strace s5  }
0x97: {  	s5 =	sld [smem:$0x3FFD];
	_ =	sdelay $0x3  }
0x98: {  	_ =	strace s5  }
0x99: {  	_ =	strace $0x8FFFFFFF  }
0x9a: {  	s20 =	sld [smem:$0x3FDB];
	_ =	sdelay $0x1  }
0x9b: {  	s6 =	simm.s32 $_scs_section_size  }
0x9c: {  	s7 =	simm.s32 $_size__tile_overlayer_lowered;
	s8 =	simm.s32 $_tile_overlayer_lowered  }
0x9d: {  	s23 =	simm.s32 $0x1BFF;
	s22 =	sshll.u32 s8, $0x1;
	s5 =	sadd.s32 s6, s20  }
0x9e: {  	s9 =	simm.s32 $0x0;
	s21 =	sshll.u32 s7, $0x1;
	s7 =	sadd.s32 s22, s5  }
0x9f: {  	[timem:s9], [sflag:s23] =	dma.local [hbm:s7], s21  }
0xa0: {  	_ =	swait.ge [sflag:s23], s21  }
0xa1: {  	s6 =	ssub.s32 $0x0, s21;
	[sflag:s23] =	ssyncset.done $0x0  }
0xa2: {  	[sflag:s23] =	ssyncadd.s32 s6;
	_ =	sdelay $0x1  }
0xa3: {  	s24 =	simm.s32 $0x1B8B  }
0xa4: {  	_ =	swait.ge [sflag:s24], $0x1  }
0xa5: {  	[sflag:s24] =	ssyncset.done $0x0  }
0xa6: {  	s25 =	simm.s32 $0x1B8E;
	[sflag:s24] =	ssyncadd.s32 $0xFFFFFFFF  }
0xa7: {  	s26 =	simm.s32 $execute0_lowered;
	[smem:$0x3FD2] =	sst s25  }
0xa8: {  	s6 =	sshll.u32 s26, $0x1;
	_ =	strace $0x80000046;
	[dreg:$0x1] =	wrdreg $0xFFFFFFFF  }
0xa9: {  	s28 =	simm.s32 $_size_execute0_lowered;
	s5 =	sadd.s32 s5, s6;
	[dreg:$0x0] =	wrdreg $0x0  }
0xaa: {  	s6 =	sshll.u32 s28, $0x1;
	[dreg:$0x2] =	wrdreg s5  }
0xab: {  	[dreg:$0x3] =	wrdreg s6  }
0xac: {  	[dreg:$0x4] =	wrdreg $0xC0  }
0xad: {  	_ =	task [dreg:s9], $0x5FFFF  }
0xae: {  	[dreg:$0x1] =	wrdreg $0xFFFFFFFF  }
0xaf: {  	[dreg:$0x0] =	wrdreg $0x60  }
0xb0: {  	[dreg:$0x2] =	wrdreg s2  }
0xb1: {  	[dreg:$0x3] =	wrdreg s19  }
0xb2: {  	[dreg:$0x4] =	wrdreg s4  }
0xb3: {  	[dreg:$0x5] =	wrdreg $0x9  }
0xb4: {  	_ =	task.clear_ibuf [dreg:s9], $0x6FFFF;
	_ =	strace $0x90000046  }
0xb5: {  	s29 =	simm.s32 $0x9;
	_ =	strace $0x80000048  }
0xb6: {  	_ =	swait.ge [sflag:s29], $0x1  }
0xb7: {  	[sflag:s29] =	ssyncadd.s32 $0xFFFFFFFF  }
0xb8: {  	_ =	strace $0x90000048  }
0xb9: {  	_ =	sfence  }
0xba: {  	s30 =	sld [smem:$0x0];
	_ =	sdelay $0x2  }
0xbb: {  	s31 =	sshll.u32 s1, $0xD;
	s1 =	sshrl.u32 s1, $0x2  }
0xbc: {  	s3 =	sand.u32 $0x4000, s31;
	s1 =	sadd.s32 s1, s30  }
0xbd: {  	s0 =	sor.u32 s3, s0;
	s1 =	sshll.u32 s1, $0x11  }
0xbe: {  	s0 =	sor.u32 s1, s0  }
0xbf: {  	s0 =	sadd.s32 $0x8F2B, s0  }
0xc0: {  	[sflag:s0] =	ssyncadd.remote.s32 $0x1  }
0xc1: {  	_ =	sfence.sel $0xFFFF  }
0xc2: {  	[dreg:$0x0] =	wrdreg $0xFFFFFFFF;
	(pc) =	sbr.abs _section_cstart, $3  }
0xc3: {  	[dreg:$0x1] =	wrdreg $0xFFFFFFFF  }
0xc4: {  	_ =	task.clear_ibuf [dreg:s9], $0x2FFFF;
	_ =	strace $0x9FFFFFFF  }
0xc5: {  	(tm) =	ssettm $0x7FFFFFFF  }
tec
execute0_lowered:
.L_overlay_start_1:
0x0: {  	(tag) =	ssettag $0x1  }
0x1: {  	s0 =	rddreg [dreg:$0x0]  }
0x2: {  	s1 =	rddreg [dreg:$0x1]  }
0x3: {  	s2 =	rddreg [dreg:$0x2];
	s4 =	simm.s32 $0x0;
	s3 =	srdreg.scid  }
0x4: {  	s10 =	stileid.u32;
	s18 =	simm.s32 $0x400;
	s19 =	simm.s32 $0x800  }
0x5: {  	s20 =	simm.s32 $0x1;
	s21 =	simm.s32 $0x13C00;
	s22 =	simm.s32 $0x14400  }
0x6: {  	s28 =	simm.s32 $0x16C00;
	s29 =	simm.s32 $0x17400;
	s30 =	simm.s32 $0x17C00  }
0x7: {  	s31 =	simm.s32 $0x18400;
	s13 =	simm.s32 $0x0;
	[smem:$0x7FF] =	sst s4  }
0x8: {  	s3 =	sand.u32 $0x1, s3;
	s5 =	sshll.u32 s10, $0xA;
	s7 =	sshll.u32 s10, $0x2  }
0x9: {  	s9 =	sadd.s32 $0x100, s2;
	s25 =	sshll.u32 s10, $0xB;
	s10 =	sadd.s32 $0x200, s2  }
0xa: {  	s11 =	sadd.s32 $0x300, s2;
	s6 =	sshll.u32 s3, $0x9;
	s8 =	ssub.s32 $0x2, s3  }
0xb: {  	s23 =	sand.u32 $0x30, s7;
	_ =	strace $0x80000047;
	s7 =	sadd.s32 $0x200, s1  }
0xc: {  	s3 =	sshll.u32 s3, $0xA;
	s5 =	sor.u32 s6, s5;
	s24 =	sshrl.u32 s8, $0x1  }
0xd: {  	s0 =	sadd.s32 s0, s23;
	s6 =	sadd.s32 $0x100, s1;
	s5 =	sand.u32 $0xE00, s5  }
.Ltmp0:
0xe: {  	s12 =	ssub.s32 s8, s24;
	s0 =	sadd.s32 s5, s0;
	(pc) =	sbr.rel .LBB2_1-.Ltmp0, $4  }
0xf: {  	s23 =	simm.s32 $0x14C00;
	s26 =	smax.u32 s12, $0x1;
	[dreg:$0x4] =	wrdreg s0  }
0x10: {  	s8 =	sadd.s32 $0x300, s1;
	s0 =	sor.u32 s3, s25;
	[dreg:$0x6] =	wrdreg s26  }
0x11: {  	s24 =	simm.s32 $0x15400;
	[dreg:$0x5] =	wrdreg s0;
	s0 =	sor.u32 $0x100, s0  }
0x12: {  	v0 =	vimm.s32 $0x0;
	v1 =	vlaneseq.u32;
	s25 =	simm.s32 $0x15C00;
	s26 =	simm.s32 $0x16400;
	[dreg:$0x7] =	wrdreg s0  }
.LBB2_20:
0x13: {  	p0 =	slt.s32 s17, $0x1  }
0x14: {  	p1 =	slt.s32 @!p0 s17, $0x2  }
0x15: {  	p2 =	por p1, p0  }
0x16: {  	p3 =	slt.s32 @!p2 s17, $0x3  }
0x17: {  	s3 =	simm.s32 @!p3 $0x0;
	p4 =	por @!p0 p3, p1  }
0x18: {  	s3 =	simm.s32 @p3 $0x1;
	p4 =	por p4, p0  }
0x19: {  	s0 =	simm.s32 @!p0 $0x2;
	[smem:$0x7FD] =	sst s3;
	p5 =	slt.s32 @!p4 s17, $0x4  }
0x1a: {  	_ =	swait.ge @!p0 [sflag:s0], $0x6000;
	s3 =	simm.s32 @!p5 $0x0  }
0x1b: {  	[sflag:s0] =	ssyncset.done @!p0 $0x0;
	s3 =	simm.s32 @p5 $0x1  }
0x1c: {  	[sflag:s0] =	ssyncadd.s32 @!p0 $0xFFFFA000;
	s0 =	simm.s32 @!p2 $0x2;
	[smem:$0x7FC] =	sst s3  }
0x1d: {  	_ =	swait.ge @!p2 [sflag:s0], $0x6000  }
0x1e: {  	[sflag:s0] =	ssyncset.done @!p2 $0x0  }
0x1f: {  	[sflag:s0] =	ssyncadd.s32 @!p2 $0xFFFFA000;
	s0 =	simm.s32 @!p4 $0x2  }
0x20: {  	_ =	swait.ge @!p4 [sflag:s0], $0x6000  }
0x21: {  	p6 =	por @!p2 p5, p3;
	s15 =	sld [smem:$0x7FC]  }
0x22: {  	p6 =	por @!p0 p6, p1;
	s16 =	sld [smem:$0x7FD]  }
0x23: {  	p6 =	por p6, p0  }
0x24: {  	p5 =	slt.s32 @!p6 s17, $0x5;
	p3 =	seq.s32 s15, $0x1  }
0x25: {  	[sflag:s0] =	ssyncset.done @!p4 $0x0;
	p5 =	por @!p4 p5, p3;
	p3 =	seq.s32 s16, $0x1  }
0x26: {  	[sflag:s0] =	ssyncadd.s32 @!p4 $0xFFFFA000;
	s0 =	simm.s32 @!p6 $0x2;
	p2 =	por @!p2 p5, p3  }
0x27: {  	_ =	swait.ge @!p6 [sflag:s0], $0x6000;
	p1 =	por @!p0 p2, p1  }
0x28: {  	[sflag:s0] =	ssyncset.done @!p6 $0x0;
	p0 =	por p1, p0  }
0x29: {  	[sflag:s0] =	ssyncadd.s32 @!p6 $0xFFFFA000;
	s0 =	simm.s32 @!p0 $0x2  }
0x2a: {  	_ =	swait.ge @!p0 [sflag:s0], $0x6000  }
0x2b: {  	s13 =	sadd.s32 $0x1, s13;
	s17 =	rddreg [dreg:$0x6]  }
0x2c: {  	p1 =	sne.s32 s13, s17  }
.Ltmp1:
0x2d: {  	_ = 	snop;
	(pc) =	sbr.rel @!p1 .LBB2_21-.Ltmp1, $3  }
0x2e: {  	_ =	sdelay $0x1  }
0x2f: {  	[sflag:s0] =	ssyncset.done @!p0 $0x0  }
0x30: {  	[sflag:s0] =	ssyncadd.s32 @!p0 $0xFFFFA000  }
.LBB2_1:
0x31: {  	s0 =	rddreg [dreg:$0x4]  }
0x32: {  	s3 =	simm.s32 $0x80;
	s5 =	simm.s32 $0x200;
	s15 =	simm.s32 $0x3  }
0x33: {  	[tilespmem:s4], [sflag:$0x3] =	stream.strided.gather [hbm4b:s0+s3], $0x400, s5, s3, $0x38;
	[tilespmem:$0x1EC00] =	vst v63  }
0x34: {  	_ =	swait.ge [sflag:s15], $0x400  }
0x35: {  	[sflag:s15] =	ssyncset.done $0x0  }
0x36: {  	s16 =	simm.s32 $0x0;
	[sflag:s15] =	ssyncadd.s32 $0xFFFFFC00  }
0x37: {  	v2 =	vld [tilespmem:s16+$0x0];
	_ =	sdelay $0x4  }
0x38: {  	vm0 =	vlt.s32 v2, $0x7D00  }
0x39: {  	v3 =	vsel vm0, $0x1, v0  }
0x3a: {  	(xrf0) =	vadd.scan.msk.s32 $0xffff, v3;
	_ =	sdelay $0x5  }
0x3b: {  	v4, _, _ =	vpop (xrf0)  }
0x3c: {  	v3 =	vsub.s32 v4, v3;
	(v2sf) =	vpush v4, $0xF  }
0x3d: {  	v3 =	vadd.s32 s4, v3;
	_ =	sdelay $0x3  }
0x3e: {  	s3 =	rddreg [dreg:$0x5]  }
0x3f: {  	v4 =	vor.u32 s3, v1;
	[tilespmem:v3+s18+$0x0] =	vst.idx.msk vm0, v2  }
0x40: {  	s17 =	simm.s32 $0x10;
	[tilespmem:v3+s19+$0x0] =	vst.idx.msk vm0, v4  }
0x41: {  	v2 =	vld [tilespmem:s17+$0x0];
	_ =	sdelay $0x4  }
0x42: {  	vm0 =	vlt.s32 v2, $0x7D00  }
0x43: {  	v3 =	vsel vm0, $0x1, v0  }
0x44: {  	s0 =	simm.s32 $0x0;
	s15 =	simm.s32 $0x80;
	(xrf0) =	vadd.scan.msk.s32 $0xffff, v3;
	s16 =	spop (v2sf)  }
.LBB2_2:
0x45: {  	s0 =	sadd.s32 s0, s16  }
0x46: {  	s3 =	sadd.s32 $0x10, s3;
	s16 =	smov.u32 s15;
	s17 =	sadd.s32 $0x40, s15  }
0x47: {  	p0 =	sne.s32 s15, $0x3C0;
	_ =	sdelay $0x3  }
0x48: {  	v4, _, _ =	vpop (xrf0)  }
0x49: {  	v3 =	vsub.s32 v4, v3;
	(v2sf) =	vpush v4, $0xF  }
0x4a: {  	v3 =	vadd.s32 s0, v3;
	_ =	sdelay $0x4  }
0x4b: {  	v4 =	vor.u32 s3, v1;
	[tilespmem:v3+s18+$0x0] =	vst.idx.msk vm0, v2  }
0x4c: {  	s15 =	sshra.s32 s16, $0x2;
	[tilespmem:v3+s19+$0x0] =	vst.idx.msk vm0, v4  }
0x4d: {  	v2 =	vld [tilespmem:s15+$0x0];
	_ =	sdelay $0x2  }
.Ltmp2:
0x4e: {  	(pc) =	sbr.rel @p0 .LBB2_2-.Ltmp2, $4  }
0x4f: {  	_ = 	snop  }
0x50: {  	vm0 =	vlt.s32 v2, $0x7D00  }
0x51: {  	v3 =	vsel vm0, $0x1, v0  }
0x52: {  	s15 =	smov.u32 s17;
	(xrf0) =	vadd.scan.msk.s32 $0xffff, v3;
	s16 =	spop (v2sf)  }
0x53: {  	_ =	sdelay $0x4  }
0x54: {  	v4, _, _ =	vpop (xrf0)  }
0x55: {  	(v2sf) =	vpush v4, $0xF;
	_ =	sdelay $0xe  }
0x56: {  	s15 =	sadd.s32 s0, s16;
	s5 =	spop (v2sf)  }
0x57: {  	s0 =	sadd.s32 s15, s5  }
0x58: {  	s12 =	smulhi.u32 $0x2AAAAAAB, s0;
	s17 =	sshra.s32 s0, $0x1F  }
0x59: {  	s17 =	smul.u32 $0x2AAAAAAB, s17;
	_ =	sdelay $0x1  }
0x5a: {  	s16 =	sadd.s32 s17, s12  }
0x5b: {  	s17 =	sshrl.u32 s16, $0x1F;
	s16 =	sshra.s32 s16, $0x2  }
0x5c: {  	s16 =	sadd.s32 s17, s16  }
0x5d: {  	v3 =	vsub.s32 v4, v3;
	s17 =	smul.u32 $0xFFFFFFE8, s16  }
0x5e: {  	v3 =	vadd.s32 s15, v3;
	s14 =	ssub.s32 $0x0, s0  }
0x5f: {  	p1 =	slt.s32 s0, $0x1;
	p0 =	sne.s32 s17, s14  }
0x60: {  	p0 =	por !p1, !p0  }
0x61: {  	s15 =	simm.s32 $0x1;
	p0 =	por !p0, !p0  }
0x62: {  	s3 =	sadd.s32 $0x10, s3;
	s15 =	simm.s32 @!p0 $0x0  }
0x63: {  	v63 =	vor.u32 s3, v1;
	[tilespmem:v3+s18+$0x0] =	vst.idx.msk vm0, v2;
	s3 =	ssub.s32 s16, s15  }
0x64: {  	[tilespmem:v3+s19+$0x0] =	vst.idx.msk vm0, v63;
	p0 =	slt.s32 s3, $0x1  }
0x65: {  	v2 =	vld @!p0 [tilespmem:$0x400];
	_ =	sdelay $0x4  }
0x66: {  	v3 =	vshll.u32 @!p0 v2, $0x3  }
0x67: {  	v4 =	vlaneseq.u32 @!p0;
	v2 =	vand.u32 @!p0 $0x7, v2;
	v3 =	vand.u32 @!p0 $0xFFFFFFC0, v3  }
0x68: {  	v5 =	vshrl.u32 @!p0 v4, $0x3;
	v2 =	vor.u32 @!p0 v2, v3;
	v3 =	vand.u32 @!p0 $0x7, v4  }
0x69: {  	v5 =	vmul.u32 @!p0 $0x8, v5;
	v6 =	vperm.xlane @!p0 v2, v3;
	_ =	sdelay $0x1  }
0x6a: {  	v6 =	vadd.s32 @!p0 v5, v6;
	_ =	sdelay $0x3  }
0x6b: {  	vm0 =	vmmov @!p0 $0xffff;
	s15 =	simm.s32 @!p0 $0x0;
	s16 =	simm.s32 @!p0 $0xC00  }
0x6c: {  	v4 =	vor.u32 @!p0 $0x8, v4;
	[tilespmem:s16], [sflag:$0x1] =	stream.indirect_vreg.gather @!p0 [hbm4b:s1+s15], $0x80, v6, vm0, $0xb8;
	[tilespmem:$0x1EC00] =	vst v63  }
0x6d: {  	v2 =	vperm.xlane @!p0 v2, v4;
	s16 =	simm.s32 @!p0 $0x1400  }
0x6e: {  	[tilespmem:s16], [sflag:$0x1] =	stream.indirect_vreg.gather @!p0 [hbm4b:s6+s15], $0x80, v6, vm0, $0xb8;
	[tilespmem:$0x1EC00] =	vst v63  }
0x6f: {  	v2 =	vadd.s32 @!p0 v5, v2;
	s16 =	simm.s32 @!p0 $0x1C00  }
0x70: {  	[tilespmem:s16], [sflag:$0x1] =	stream.indirect_vreg.gather @!p0 [hbm4b:s7+s15], $0x80, v6, vm0, $0xb8;
	[tilespmem:$0x1EC00] =	vst v63  }
0x71: {  	s16 =	simm.s32 @!p0 $0x2400  }
0x72: {  	[tilespmem:s16], [sflag:$0x1] =	stream.indirect_vreg.gather @!p0 [hbm4b:s8+s15], $0x80, v6, vm0, $0xb8;
	[tilespmem:$0x1EC00] =	vst v63  }
0x73: {  	s16 =	simm.s32 @!p0 $0x2C00  }
0x74: {  	[tilespmem:s16], [sflag:$0x1] =	stream.indirect_vreg.gather @!p0 [hbm4b:s1+s15], $0x80, v2, vm0, $0xb8;
	[tilespmem:$0x1EC00] =	vst v63  }
0x75: {  	s16 =	simm.s32 @!p0 $0x3400  }
0x76: {  	[tilespmem:s16], [sflag:$0x1] =	stream.indirect_vreg.gather @!p0 [hbm4b:s6+s15], $0x80, v2, vm0, $0xb8;
	[tilespmem:$0x1EC00] =	vst v63  }
0x77: {  	s16 =	simm.s32 @!p0 $0x3C00  }
0x78: {  	[tilespmem:s16], [sflag:$0x1] =	stream.indirect_vreg.gather @!p0 [hbm4b:s7+s15], $0x80, v2, vm0, $0xb8;
	[tilespmem:$0x1EC00] =	vst v63  }
0x79: {  	s16 =	simm.s32 @!p0 $0x4400  }
0x7a: {  	[tilespmem:s16], [sflag:$0x1] =	stream.indirect_vreg.gather @!p0 [hbm4b:s8+s15], $0x80, v2, vm0, $0xb8;
	[tilespmem:$0x1EC00] =	vst v63  }
0x7b: {  	v2 =	vld.msk @!p0 [tilespmem:$0x410], $0xff;
	_ =	sdelay $0x4  }
0x7c: {  	v4 =	vshll.u32 @!p0 v2, $0x3  }
0x7d: {  	v2 =	vand.u32 @!p0 $0x7, v2;
	v4 =	vand.u32 @!p0 $0xFFFFFFC0, v4  }
0x7e: {  	v2 =	vor.u32 @!p0 v2, v4  }
0x7f: {  	v2 =	vperm.xlane @!p0 v2, v3;
	_ =	sdelay $0x1  }
0x80: {  	v2 =	vadd.s32 @!p0 v5, v2;
	_ =	sdelay $0x3  }
0x81: {  	s16 =	simm.s32 @!p0 $0x4C00  }
0x82: {  	[tilespmem:s16], [sflag:$0x1] =	stream.indirect_vreg.gather @!p0 [hbm4b:s1+s15], $0x80, v2, vm0, $0xb8;
	[tilespmem:$0x1EC00] =	vst v63  }
0x83: {  	s16 =	simm.s32 @!p0 $0x5400  }
0x84: {  	[tilespmem:s16], [sflag:$0x1] =	stream.indirect_vreg.gather @!p0 [hbm4b:s6+s15], $0x80, v2, vm0, $0xb8;
	[tilespmem:$0x1EC00] =	vst v63  }
0x85: {  	s16 =	simm.s32 @!p0 $0x5C00  }
0x86: {  	[tilespmem:s16], [sflag:$0x1] =	stream.indirect_vreg.gather @!p0 [hbm4b:s7+s15], $0x80, v2, vm0, $0xb8;
	[tilespmem:$0x1EC00] =	vst v63  }
0x87: {  	p1 =	seq.s32 @!p0 s3, $0x1;
	s16 =	simm.s32 @!p0 $0x6400  }
0x88: {  	[tilespmem:s16], [sflag:$0x1] =	stream.indirect_vreg.gather @!p0 [hbm4b:s8+s15], $0x80, v2, vm0, $0xb8;
	[tilespmem:$0x1EC00] =	vst v63  }
0x89: {  	p0 =	por p0, p1  }
0x8a: {  	v2 =	vld @!p0 [tilespmem:$0x418];
	_ =	sdelay $0x4  }
0x8b: {  	v3 =	vshll.u32 @!p0 v2, $0x3  }
0x8c: {  	v4 =	vlaneseq.u32 @!p0;
	v2 =	vand.u32 @!p0 $0x7, v2;
	v3 =	vand.u32 @!p0 $0xFFFFFFC0, v3  }
0x8d: {  	v5 =	vshrl.u32 @!p0 v4, $0x3;
	v2 =	vor.u32 @!p0 v2, v3;
	v3 =	vand.u32 @!p0 $0x7, v4  }
0x8e: {  	v5 =	vmul.u32 @!p0 $0x8, v5;
	v6 =	vperm.xlane @!p0 v2, v3;
	_ =	sdelay $0x1  }
0x8f: {  	v6 =	vadd.s32 @!p0 v5, v6;
	_ =	sdelay $0x3  }
0x90: {  	vm0 =	vmmov @!p0 $0xffff;
	s15 =	simm.s32 @!p0 $0x0;
	s16 =	simm.s32 @!p0 $0x6C00  }
0x91: {  	v4 =	vor.u32 @!p0 $0x8, v4;
	[tilespmem:s16], [sflag:$0x1] =	stream.indirect_vreg.gather @!p0 [hbm4b:s1+s15], $0x80, v6, vm0, $0xb8;
	[tilespmem:$0x1EC00] =	vst v63  }
0x92: {  	v2 =	vperm.xlane @!p0 v2, v4;
	s16 =	simm.s32 @!p0 $0x7400  }
0x93: {  	[tilespmem:s16], [sflag:$0x1] =	stream.indirect_vreg.gather @!p0 [hbm4b:s6+s15], $0x80, v6, vm0, $0xb8;
	[tilespmem:$0x1EC00] =	vst v63  }
0x94: {  	v2 =	vadd.s32 @!p0 v5, v2;
	s16 =	simm.s32 @!p0 $0x7C00  }
0x95: {  	[tilespmem:s16], [sflag:$0x1] =	stream.indirect_vreg.gather @!p0 [hbm4b:s7+s15], $0x80, v6, vm0, $0xb8;
	[tilespmem:$0x1EC00] =	vst v63  }
0x96: {  	s16 =	simm.s32 @!p0 $0x8400  }
0x97: {  	[tilespmem:s16], [sflag:$0x1] =	stream.indirect_vreg.gather @!p0 [hbm4b:s8+s15], $0x80, v6, vm0, $0xb8;
	[tilespmem:$0x1EC00] =	vst v63  }
0x98: {  	s16 =	simm.s32 @!p0 $0x8C00  }
0x99: {  	[tilespmem:s16], [sflag:$0x1] =	stream.indirect_vreg.gather @!p0 [hbm4b:s1+s15], $0x80, v2, vm0, $0xb8;
	[tilespmem:$0x1EC00] =	vst v63  }
0x9a: {  	s16 =	simm.s32 @!p0 $0x9400  }
0x9b: {  	[tilespmem:s16], [sflag:$0x1] =	stream.indirect_vreg.gather @!p0 [hbm4b:s6+s15], $0x80, v2, vm0, $0xb8;
	[tilespmem:$0x1EC00] =	vst v63  }
0x9c: {  	s16 =	simm.s32 @!p0 $0x9C00  }
0x9d: {  	[tilespmem:s16], [sflag:$0x1] =	stream.indirect_vreg.gather @!p0 [hbm4b:s7+s15], $0x80, v2, vm0, $0xb8;
	[tilespmem:$0x1EC00] =	vst v63  }
0x9e: {  	s16 =	simm.s32 @!p0 $0xA400  }
0x9f: {  	[tilespmem:s16], [sflag:$0x1] =	stream.indirect_vreg.gather @!p0 [hbm4b:s8+s15], $0x80, v2, vm0, $0xb8;
	[tilespmem:$0x1EC00] =	vst v63  }
0xa0: {  	v2 =	vld.msk @!p0 [tilespmem:$0x428], $0xff;
	_ =	sdelay $0x4  }
0xa1: {  	v4 =	vshll.u32 @!p0 v2, $0x3  }
0xa2: {  	v2 =	vand.u32 @!p0 $0x7, v2;
	v4 =	vand.u32 @!p0 $0xFFFFFFC0, v4  }
0xa3: {  	v2 =	vor.u32 @!p0 v2, v4  }
0xa4: {  	v2 =	vperm.xlane @!p0 v2, v3;
	_ =	sdelay $0x1  }
0xa5: {  	v2 =	vadd.s32 @!p0 v5, v2;
	_ =	sdelay $0x3  }
0xa6: {  	s16 =	simm.s32 @!p0 $0xAC00  }
0xa7: {  	[tilespmem:s16], [sflag:$0x1] =	stream.indirect_vreg.gather @!p0 [hbm4b:s1+s15], $0x80, v2, vm0, $0xb8;
	[tilespmem:$0x1EC00] =	vst v63  }
0xa8: {  	s16 =	simm.s32 @!p0 $0xB400  }
0xa9: {  	[tilespmem:s16], [sflag:$0x1] =	stream.indirect_vreg.gather @!p0 [hbm4b:s6+s15], $0x80, v2, vm0, $0xb8;
	[tilespmem:$0x1EC00] =	vst v63  }
0xaa: {  	s16 =	simm.s32 @!p0 $0xBC00  }
0xab: {  	[tilespmem:s16], [sflag:$0x1] =	stream.indirect_vreg.gather @!p0 [hbm4b:s7+s15], $0x80, v2, vm0, $0xb8;
	[tilespmem:$0x1EC00] =	vst v63  }
0xac: {  	p1 =	slt.u32 @!p0 s3, $0x3;
	s16 =	simm.s32 @!p0 $0xC400  }
0xad: {  	[tilespmem:s16], [sflag:$0x1] =	stream.indirect_vreg.gather @!p0 [hbm4b:s8+s15], $0x80, v2, vm0, $0xb8;
	[tilespmem:$0x1EC00] =	vst v63  }
0xae: {  	p0 =	por p0, p1  }
0xaf: {  	v2 =	vld @!p0 [tilespmem:$0x430];
	_ =	sdelay $0x4  }
0xb0: {  	v3 =	vshll.u32 @!p0 v2, $0x3  }
0xb1: {  	v4 =	vlaneseq.u32 @!p0;
	v2 =	vand.u32 @!p0 $0x7, v2;
	v3 =	vand.u32 @!p0 $0xFFFFFFC0, v3  }
0xb2: {  	v5 =	vshrl.u32 @!p0 v4, $0x3;
	v2 =	vor.u32 @!p0 v2, v3;
	v3 =	vand.u32 @!p0 $0x7, v4  }
0xb3: {  	v5 =	vmul.u32 @!p0 $0x8, v5;
	v6 =	vperm.xlane @!p0 v2, v3;
	_ =	sdelay $0x1  }
0xb4: {  	v6 =	vadd.s32 @!p0 v5, v6;
	_ =	sdelay $0x3  }
0xb5: {  	vm0 =	vmmov @!p0 $0xffff;
	s15 =	simm.s32 @!p0 $0x0;
	s16 =	simm.s32 @!p0 $0xCC00  }
0xb6: {  	v4 =	vor.u32 @!p0 $0x8, v4;
	[tilespmem:s16], [sflag:$0x1] =	stream.indirect_vreg.gather @!p0 [hbm4b:s1+s15], $0x80, v6, vm0, $0xb8;
	[tilespmem:$0x1EC00] =	vst v63  }
0xb7: {  	v2 =	vperm.xlane @!p0 v2, v4;
	s16 =	simm.s32 @!p0 $0xD400  }
0xb8: {  	[tilespmem:s16], [sflag:$0x1] =	stream.indirect_vreg.gather @!p0 [hbm4b:s6+s15], $0x80, v6, vm0, $0xb8;
	[tilespmem:$0x1EC00] =	vst v63  }
0xb9: {  	v2 =	vadd.s32 @!p0 v5, v2;
	s16 =	simm.s32 @!p0 $0xDC00  }
0xba: {  	[tilespmem:s16], [sflag:$0x1] =	stream.indirect_vreg.gather @!p0 [hbm4b:s7+s15], $0x80, v6, vm0, $0xb8;
	[tilespmem:$0x1EC00] =	vst v63  }
0xbb: {  	s16 =	simm.s32 @!p0 $0xE400  }
0xbc: {  	[tilespmem:s16], [sflag:$0x1] =	stream.indirect_vreg.gather @!p0 [hbm4b:s8+s15], $0x80, v6, vm0, $0xb8;
	[tilespmem:$0x1EC00] =	vst v63  }
0xbd: {  	s16 =	simm.s32 @!p0 $0xEC00  }
0xbe: {  	[tilespmem:s16], [sflag:$0x1] =	stream.indirect_vreg.gather @!p0 [hbm4b:s1+s15], $0x80, v2, vm0, $0xb8;
	[tilespmem:$0x1EC00] =	vst v63  }
0xbf: {  	s16 =	simm.s32 @!p0 $0xF400  }
0xc0: {  	[tilespmem:s16], [sflag:$0x1] =	stream.indirect_vreg.gather @!p0 [hbm4b:s6+s15], $0x80, v2, vm0, $0xb8;
	[tilespmem:$0x1EC00] =	vst v63  }
0xc1: {  	s16 =	simm.s32 @!p0 $0xFC00  }
0xc2: {  	[tilespmem:s16], [sflag:$0x1] =	stream.indirect_vreg.gather @!p0 [hbm4b:s7+s15], $0x80, v2, vm0, $0xb8;
	[tilespmem:$0x1EC00] =	vst v63  }
0xc3: {  	s16 =	simm.s32 @!p0 $0x10400  }
0xc4: {  	[tilespmem:s16], [sflag:$0x1] =	stream.indirect_vreg.gather @!p0 [hbm4b:s8+s15], $0x80, v2, vm0, $0xb8;
	[tilespmem:$0x1EC00] =	vst v63  }
0xc5: {  	v2 =	vld.msk @!p0 [tilespmem:$0x440], $0xff;
	_ =	sdelay $0x4  }
0xc6: {  	v4 =	vshll.u32 @!p0 v2, $0x3  }
0xc7: {  	v2 =	vand.u32 @!p0 $0x7, v2;
	v4 =	vand.u32 @!p0 $0xFFFFFFC0, v4  }
0xc8: {  	v2 =	vor.u32 @!p0 v2, v4  }
0xc9: {  	v2 =	vperm.xlane @!p0 v2, v3;
	_ =	sdelay $0x1  }
0xca: {  	v2 =	vadd.s32 @!p0 v5, v2;
	_ =	sdelay $0x3  }
0xcb: {  	s16 =	simm.s32 @!p0 $0x10C00  }
0xcc: {  	[tilespmem:s16], [sflag:$0x1] =	stream.indirect_vreg.gather @!p0 [hbm4b:s1+s15], $0x80, v2, vm0, $0xb8;
	[tilespmem:$0x1EC00] =	vst v63  }
0xcd: {  	s16 =	simm.s32 @!p0 $0x11400  }
0xce: {  	[tilespmem:s16], [sflag:$0x1] =	stream.indirect_vreg.gather @!p0 [hbm4b:s6+s15], $0x80, v2, vm0, $0xb8;
	[tilespmem:$0x1EC00] =	vst v63  }
0xcf: {  	s16 =	simm.s32 @!p0 $0x11C00  }
0xd0: {  	[tilespmem:s16], [sflag:$0x1] =	stream.indirect_vreg.gather @!p0 [hbm4b:s7+s15], $0x80, v2, vm0, $0xb8;
	[tilespmem:$0x1EC00] =	vst v63  }
0xd1: {  	p1 =	seq.s32 @!p0 s3, $0x3;
	s16 =	simm.s32 @!p0 $0x12400  }
0xd2: {  	[tilespmem:s16], [sflag:$0x1] =	stream.indirect_vreg.gather @!p0 [hbm4b:s8+s15], $0x80, v2, vm0, $0xb8;
	[tilespmem:$0x1EC00] =	vst v63  }
0xd3: {  	p0 =	por p0, p1  }
.Ltmp3:
0xd4: {  	_ = 	snop;
	(pc) =	sbr.rel @p0 .LBB2_5-.Ltmp3, $1  }
0xd5: {  	_ =	sdelay $0x3  }
0xd6: {  	v2 =	vld [tilespmem:$0x448];
	_ =	sdelay $0x4  }
0xd7: {  	v3 =	vshll.u32 v2, $0x3  }
0xd8: {  	v2 =	vand.u32 $0x7, v2;
	v3 =	vand.u32 $0xFFFFFFC0, v3  }
0xd9: {  	v4 =	vshrl.u32 v1, $0x3;
	v2 =	vor.u32 v2, v3;
	v3 =	vand.u32 $0x7, v1  }
0xda: {  	v4 =	vmul.u32 $0x8, v4;
	v5 =	vperm.xlane v2, v3;
	_ =	sdelay $0x1  }
0xdb: {  	v5 =	vadd.s32 v4, v5;
	_ =	sdelay $0x3  }
0xdc: {  	vm0 =	vmmov $0xffff;
	s5 =	simm.s32 $0x12C00  }
0xdd: {  	v6 =	vor.u32 $0x8, v1;
	[tilespmem:s5], [sflag:$0x1] =	stream.indirect_vreg.gather [hbm4b:s1+s4], $0x80, v5, vm0, $0xb8;
	[tilespmem:$0x1EC00] =	vst v63  }
0xde: {  	s17 =	simm.s32 $0x13400;
	v2 =	vperm.xlane v2, v6  }
0xdf: {  	[tilespmem:s17], [sflag:$0x1] =	stream.indirect_vreg.gather [hbm4b:s6+s4], $0x80, v5, vm0, $0xb8;
	[tilespmem:$0x1EC00] =	vst v63  }
0xe0: {  	v2 =	vadd.s32 v4, v2  }
0xe1: {  	[tilespmem:s21], [sflag:$0x1] =	stream.indirect_vreg.gather [hbm4b:s7+s4], $0x80, v5, vm0, $0xb8;
	[tilespmem:$0x1EC00] =	vst v63  }
0xe2: {  	_ = 	snop  }
0xe3: {  	[tilespmem:s22], [sflag:$0x1] =	stream.indirect_vreg.gather [hbm4b:s8+s4], $0x80, v5, vm0, $0xb8;
	[tilespmem:$0x1EC00] =	vst v63  }
0xe4: {  	_ = 	snop  }
0xe5: {  	[tilespmem:s23], [sflag:$0x1] =	stream.indirect_vreg.gather [hbm4b:s1+s4], $0x80, v2, vm0, $0xb8;
	[tilespmem:$0x1EC00] =	vst v63  }
0xe6: {  	_ = 	snop  }
0xe7: {  	[tilespmem:s24], [sflag:$0x1] =	stream.indirect_vreg.gather [hbm4b:s6+s4], $0x80, v2, vm0, $0xb8;
	[tilespmem:$0x1EC00] =	vst v63  }
0xe8: {  	_ = 	snop  }
0xe9: {  	[tilespmem:s25], [sflag:$0x1] =	stream.indirect_vreg.gather [hbm4b:s7+s4], $0x80, v2, vm0, $0xb8;
	[tilespmem:$0x1EC00] =	vst v63  }
0xea: {  	_ = 	snop  }
0xeb: {  	[tilespmem:s26], [sflag:$0x1] =	stream.indirect_vreg.gather [hbm4b:s8+s4], $0x80, v2, vm0, $0xb8;
	[tilespmem:$0x1EC00] =	vst v63  }
0xec: {  	v2 =	vld.msk [tilespmem:$0x458], $0xff;
	_ =	sdelay $0x4  }
0xed: {  	v63 =	vshll.u32 v2, $0x3  }
0xee: {  	v2 =	vand.u32 $0x7, v2;
	v5 =	vand.u32 $0xFFFFFFC0, v63  }
0xef: {  	v2 =	vor.u32 v2, v5  }
0xf0: {  	v2 =	vperm.xlane v2, v3;
	_ =	sdelay $0x1  }
0xf1: {  	v2 =	vadd.s32 v4, v2;
	_ =	sdelay $0x4  }
0xf2: {  	[tilespmem:s28], [sflag:$0x1] =	stream.indirect_vreg.gather [hbm4b:s1+s4], $0x80, v2, vm0, $0xb8;
	[tilespmem:$0x1EC00] =	vst v63  }
0xf3: {  	_ = 	snop  }
0xf4: {  	[tilespmem:s29], [sflag:$0x1] =	stream.indirect_vreg.gather [hbm4b:s6+s4], $0x80, v2, vm0, $0xb8;
	[tilespmem:$0x1EC00] =	vst v63  }
0xf5: {  	_ = 	snop  }
0xf6: {  	[tilespmem:s30], [sflag:$0x1] =	stream.indirect_vreg.gather [hbm4b:s7+s4], $0x80, v2, vm0, $0xb8;
	[tilespmem:$0x1EC00] =	vst v63  }
0xf7: {  	p0 =	slt.u32 s3, $0x5  }
0xf8: {  	[tilespmem:s31], [sflag:$0x1] =	stream.indirect_vreg.gather [hbm4b:s8+s4], $0x80, v2, vm0, $0xb8;
	[tilespmem:$0x1EC00] =	vst v63  }
0xf9: {  	v2 =	vld @!p0 [tilespmem:$0x460];
	_ =	sdelay $0x4  }
0xfa: {  	v3 =	vshll.u32 @!p0 v2, $0x3  }
0xfb: {  	v4 =	vlaneseq.u32 @!p0;
	v2 =	vand.u32 @!p0 $0x7, v2;
	v3 =	vand.u32 @!p0 $0xFFFFFFC0, v3  }
0xfc: {  	v5 =	vshrl.u32 @!p0 v4, $0x3;
	v2 =	vor.u32 @!p0 v2, v3;
	v3 =	vand.u32 @!p0 $0x7, v4  }
0xfd: {  	v5 =	vmul.u32 @!p0 $0x8, v5;
	v6 =	vperm.xlane @!p0 v2, v3;
	_ =	sdelay $0x1  }
0xfe: {  	v6 =	vadd.s32 @!p0 v5, v6;
	_ =	sdelay $0x3  }
0xff: {  	s15 =	simm.s32 @!p0 $0x0;
	s16 =	simm.s32 @!p0 $0x18C00;
	vm0 =	vmmov @!p0 $0xffff  }
0x100: {  	v4 =	vor.u32 @!p0 $0x8, v4;
	[tilespmem:s16], [sflag:$0x1] =	stream.indirect_vreg.gather @!p0 [hbm4b:s1+s15], $0x80, v6, vm0, $0xb8;
	[tilespmem:$0x1EC00] =	vst v63  }
0x101: {  	v2 =	vperm.xlane @!p0 v2, v4;
	s16 =	simm.s32 @!p0 $0x19400  }
0x102: {  	[tilespmem:s16], [sflag:$0x1] =	stream.indirect_vreg.gather @!p0 [hbm4b:s6+s15], $0x80, v6, vm0, $0xb8;
	[tilespmem:$0x1EC00] =	vst v63  }
0x103: {  	v2 =	vadd.s32 @!p0 v5, v2;
	s16 =	simm.s32 @!p0 $0x19C00  }
0x104: {  	[tilespmem:s16], [sflag:$0x1] =	stream.indirect_vreg.gather @!p0 [hbm4b:s7+s15], $0x80, v6, vm0, $0xb8;
	[tilespmem:$0x1EC00] =	vst v63  }
0x105: {  	s16 =	simm.s32 @!p0 $0x1A400  }
0x106: {  	[tilespmem:s16], [sflag:$0x1] =	stream.indirect_vreg.gather @!p0 [hbm4b:s8+s15], $0x80, v6, vm0, $0xb8;
	[tilespmem:$0x1EC00] =	vst v63  }
0x107: {  	s16 =	simm.s32 @!p0 $0x1AC00  }
0x108: {  	[tilespmem:s16], [sflag:$0x1] =	stream.indirect_vreg.gather @!p0 [hbm4b:s1+s15], $0x80, v2, vm0, $0xb8;
	[tilespmem:$0x1EC00] =	vst v63  }
0x109: {  	s16 =	simm.s32 @!p0 $0x1B400  }
0x10a: {  	[tilespmem:s16], [sflag:$0x1] =	stream.indirect_vreg.gather @!p0 [hbm4b:s6+s15], $0x80, v2, vm0, $0xb8;
	[tilespmem:$0x1EC00] =	vst v63  }
0x10b: {  	s16 =	simm.s32 @!p0 $0x1BC00  }
0x10c: {  	[tilespmem:s16], [sflag:$0x1] =	stream.indirect_vreg.gather @!p0 [hbm4b:s7+s15], $0x80, v2, vm0, $0xb8;
	[tilespmem:$0x1EC00] =	vst v63  }
0x10d: {  	s16 =	simm.s32 @!p0 $0x1C400  }
0x10e: {  	[tilespmem:s16], [sflag:$0x1] =	stream.indirect_vreg.gather @!p0 [hbm4b:s8+s15], $0x80, v2, vm0, $0xb8;
	[tilespmem:$0x1EC00] =	vst v63  }
0x10f: {  	v2 =	vld.msk @!p0 [tilespmem:$0x470], $0xff;
	_ =	sdelay $0x4  }
0x110: {  	v4 =	vshll.u32 @!p0 v2, $0x3  }
0x111: {  	v2 =	vand.u32 @!p0 $0x7, v2;
	v4 =	vand.u32 @!p0 $0xFFFFFFC0, v4  }
0x112: {  	v2 =	vor.u32 @!p0 v2, v4  }
0x113: {  	v2 =	vperm.xlane @!p0 v2, v3;
	_ =	sdelay $0x1  }
0x114: {  	v2 =	vadd.s32 @!p0 v5, v2;
	_ =	sdelay $0x3  }
0x115: {  	s16 =	simm.s32 @!p0 $0x1CC00  }
0x116: {  	[tilespmem:s16], [sflag:$0x1] =	stream.indirect_vreg.gather @!p0 [hbm4b:s1+s15], $0x80, v2, vm0, $0xb8;
	[tilespmem:$0x1EC00] =	vst v63  }
0x117: {  	s16 =	simm.s32 @!p0 $0x1D400  }
0x118: {  	[tilespmem:s16], [sflag:$0x1] =	stream.indirect_vreg.gather @!p0 [hbm4b:s6+s15], $0x80, v2, vm0, $0xb8;
	[tilespmem:$0x1EC00] =	vst v63  }
0x119: {  	s16 =	simm.s32 @!p0 $0x1DC00  }
0x11a: {  	[tilespmem:s16], [sflag:$0x1] =	stream.indirect_vreg.gather @!p0 [hbm4b:s7+s15], $0x80, v2, vm0, $0xb8;
	[tilespmem:$0x1EC00] =	vst v63  }
0x11b: {  	s16 =	simm.s32 @!p0 $0x1E400  }
0x11c: {  	[tilespmem:s16], [sflag:$0x1] =	stream.indirect_vreg.gather @!p0 [hbm4b:s8+s15], $0x80, v2, vm0, $0xb8;
	[tilespmem:$0x1EC00] =	vst v63  }
.LBB2_5:
0x11d: {  	s15 =	simm.s32 $0x100  }
0x11e: {  	v2 =	vld [tilespmem:s15+$0x0];
	_ =	sdelay $0x4  }
0x11f: {  	vm0 =	vlt.s32 v2, $0x7D00  }
0x120: {  	v3 =	vsel vm0, $0x1, v0  }
0x121: {  	(xrf0) =	vadd.scan.msk.s32 $0xffff, v3;
	_ =	sdelay $0x5  }
0x122: {  	v4, _, _ =	vpop (xrf0)  }
0x123: {  	v3 =	vsub.s32 v4, v3;
	(v2sf) =	vpush v4, $0xF  }
0x124: {  	v3 =	vadd.s32 s0, v3;
	_ =	sdelay $0x3  }
0x125: {  	s5 =	rddreg [dreg:$0x7]  }
0x126: {  	v4 =	vor.u32 s5, v1;
	[tilespmem:v3+s18+$0x0] =	vst.idx.msk vm0, v2  }
0x127: {  	s17 =	simm.s32 $0x110;
	[tilespmem:v3+s19+$0x0] =	vst.idx.msk vm0, v4  }
0x128: {  	v2 =	vld [tilespmem:s17+$0x0];
	_ =	sdelay $0x4  }
0x129: {  	vm0 =	vlt.s32 v2, $0x7D00  }
0x12a: {  	v3 =	vsel vm0, $0x1, v0  }
0x12b: {  	s16 =	simm.s32 $0x480;
	s15 =	smov.u32 s5;
	(xrf0) =	vadd.scan.msk.s32 $0xffff, v3;
	s17 =	spop (v2sf)  }
.LBB2_6:
0x12c: {  	s0 =	sadd.s32 s0, s17  }
0x12d: {  	s15 =	sadd.s32 $0x10, s15;
	s17 =	smov.u32 s16;
	s5 =	sadd.s32 $0x40, s16  }
0x12e: {  	p0 =	sne.s32 s16, $0xFC0;
	_ =	sdelay $0x3  }
0x12f: {  	v4, _, _ =	vpop (xrf0)  }
0x130: {  	v3 =	vsub.s32 v4, v3;
	(v2sf) =	vpush v4, $0xF  }
0x131: {  	v3 =	vadd.s32 s0, v3;
	_ =	sdelay $0x4  }
0x132: {  	v4 =	vor.u32 s15, v1;
	[tilespmem:v3+s18+$0x0] =	vst.idx.msk vm0, v2  }
0x133: {  	s16 =	sshra.s32 s17, $0x2;
	[tilespmem:v3+s19+$0x0] =	vst.idx.msk vm0, v4  }
0x134: {  	v2 =	vld [tilespmem:s16+$0x0];
	_ =	sdelay $0x2  }
.Ltmp4:
0x135: {  	(pc) =	sbr.rel @p0 .LBB2_6-.Ltmp4, $4  }
0x136: {  	_ = 	snop  }
0x137: {  	vm0 =	vlt.s32 v2, $0x7D00  }
0x138: {  	v3 =	vsel vm0, $0x1, v0  }
0x139: {  	s16 =	smov.u32 s5;
	(xrf0) =	vadd.scan.msk.s32 $0xffff, v3;
	s17 =	spop (v2sf)  }
0x13a: {  	_ =	sdelay $0x4  }
0x13b: {  	v4, _, _ =	vpop (xrf0)  }
0x13c: {  	(v2sf) =	vpush v4, $0xF;
	_ =	sdelay $0xe  }
0x13d: {  	s5 =	sadd.s32 s0, s17;
	s17 =	spop (v2sf)  }
0x13e: {  	s16 =	sadd.s32 s5, s17  }
0x13f: {  	v3 =	vsub.s32 v4, v3;
	s0 =	sadd.s32 $0x7, s16  }
0x140: {  	v3 =	vadd.s32 s5, v3;
	s0 =	sand.u32 $0xFFFFFFF8, s0  }
0x141: {  	p0 =	sgt.s32 s0, $0x18  }
0x142: {  	v63 =	vadd.s32 s16, v1;
	s0 =	simm.s32 @!p0 $0x18;
	p0 =	sgt.s32 s16, $0x0  }
0x143: {  	vm1 =	vlt.s32 v63, s0;
	s0 =	simm.s32 @!p0 $0x0  }
0x144: {  	s12 =	sadd.s32 $0x10, s15;
	s14 =	sadd.s32 $0x17, s0  }
0x145: {  	v5 =	vor.u32 s12, v1;
	[tilespmem:v3+s18+$0x0] =	vst.idx.msk vm0, v2;
	s16 =	smulhi.u32 $0x2AAAAAAB, s14;
	s15 =	sshra.s32 s14, $0x1F  }
0x146: {  	[tilespmem:v3+s19+$0x0] =	vst.idx.msk vm0, v5;
	s17 =	smul.u32 $0x2AAAAAAB, s15  }
0x147: {  	v2 =	vld.msk [tilespmem:s18+$0x0], $0xffff  }
0x148: {  	v3 =	vld.msk [tilespmem:s19+$0x0], $0xffff;
	s5 =	sadd.s32 s17, s16  }
0x149: {  	s16 =	sshrl.u32 s5, $0x1F;
	s5 =	sshra.s32 s5, $0x2  }
0x14a: {  	s5 =	sadd.s32 s16, s5  }
0x14b: {  	p0 =	sgt.s32 s3, $0x0;
	s17 =	sadd.s32 s15, s5  }
0x14c: {  	[tilespmem:v63+s18+$0x0] =	vst.idx.msk vm1, v2;
	p1 =	slt.s32 @!p0 s17, $0x1  }
0x14d: {  	[tilespmem:v63+s19+$0x0] =	vst.idx.msk vm1, v3;
	p0 =	por p1, p0  }
0x14e: {  	v2 =	vld @!p0 [tilespmem:$0x400];
	_ =	sdelay $0x4  }
0x14f: {  	v3 =	vshll.u32 @!p0 v2, $0x3  }
0x150: {  	v4 =	vlaneseq.u32 @!p0;
	v2 =	vand.u32 @!p0 $0x7, v2;
	v3 =	vand.u32 @!p0 $0xFFFFFFC0, v3  }
0x151: {  	v5 =	vshrl.u32 @!p0 v4, $0x3;
	v2 =	vor.u32 @!p0 v2, v3;
	v3 =	vand.u32 @!p0 $0x7, v4  }
0x152: {  	v5 =	vmul.u32 @!p0 $0x8, v5;
	v6 =	vperm.xlane @!p0 v2, v3;
	_ =	sdelay $0x1  }
0x153: {  	v6 =	vadd.s32 @!p0 v5, v6;
	_ =	sdelay $0x3  }
0x154: {  	vm0 =	vmmov @!p0 $0xffff;
	s5 =	simm.s32 @!p0 $0x0;
	s15 =	simm.s32 @!p0 $0xC00  }
0x155: {  	v4 =	vor.u32 @!p0 $0x8, v4;
	[tilespmem:s15], [sflag:$0x1] =	stream.indirect_vreg.gather @!p0 [hbm4b:s1+s5], $0x80, v6, vm0, $0xb8;
	[tilespmem:$0x1EC00] =	vst v63  }
0x156: {  	v2 =	vperm.xlane @!p0 v2, v4;
	s15 =	simm.s32 @!p0 $0x1400  }
0x157: {  	[tilespmem:s15], [sflag:$0x1] =	stream.indirect_vreg.gather @!p0 [hbm4b:s6+s5], $0x80, v6, vm0, $0xb8;
	[tilespmem:$0x1EC00] =	vst v63  }
0x158: {  	v2 =	vadd.s32 @!p0 v5, v2;
	s15 =	simm.s32 @!p0 $0x1C00  }
0x159: {  	[tilespmem:s15], [sflag:$0x1] =	stream.indirect_vreg.gather @!p0 [hbm4b:s7+s5], $0x80, v6, vm0, $0xb8;
	[tilespmem:$0x1EC00] =	vst v63  }
0x15a: {  	s15 =	simm.s32 @!p0 $0x2400  }
0x15b: {  	[tilespmem:s15], [sflag:$0x1] =	stream.indirect_vreg.gather @!p0 [hbm4b:s8+s5], $0x80, v6, vm0, $0xb8;
	[tilespmem:$0x1EC00] =	vst v63  }
0x15c: {  	s15 =	simm.s32 @!p0 $0x2C00  }
0x15d: {  	[tilespmem:s15], [sflag:$0x1] =	stream.indirect_vreg.gather @!p0 [hbm4b:s1+s5], $0x80, v2, vm0, $0xb8;
	[tilespmem:$0x1EC00] =	vst v63  }
0x15e: {  	s15 =	simm.s32 @!p0 $0x3400  }
0x15f: {  	[tilespmem:s15], [sflag:$0x1] =	stream.indirect_vreg.gather @!p0 [hbm4b:s6+s5], $0x80, v2, vm0, $0xb8;
	[tilespmem:$0x1EC00] =	vst v63  }
0x160: {  	s15 =	simm.s32 @!p0 $0x3C00  }
0x161: {  	[tilespmem:s15], [sflag:$0x1] =	stream.indirect_vreg.gather @!p0 [hbm4b:s7+s5], $0x80, v2, vm0, $0xb8;
	[tilespmem:$0x1EC00] =	vst v63  }
0x162: {  	s15 =	simm.s32 @!p0 $0x4400  }
0x163: {  	[tilespmem:s15], [sflag:$0x1] =	stream.indirect_vreg.gather @!p0 [hbm4b:s8+s5], $0x80, v2, vm0, $0xb8;
	[tilespmem:$0x1EC00] =	vst v63  }
0x164: {  	v2 =	vld.msk @!p0 [tilespmem:$0x410], $0xff;
	_ =	sdelay $0x4  }
0x165: {  	v4 =	vshll.u32 @!p0 v2, $0x3  }
0x166: {  	v2 =	vand.u32 @!p0 $0x7, v2;
	v4 =	vand.u32 @!p0 $0xFFFFFFC0, v4  }
0x167: {  	v2 =	vor.u32 @!p0 v2, v4  }
0x168: {  	v2 =	vperm.xlane @!p0 v2, v3;
	_ =	sdelay $0x1  }
0x169: {  	v2 =	vadd.s32 @!p0 v5, v2;
	_ =	sdelay $0x3  }
0x16a: {  	s15 =	simm.s32 @!p0 $0x4C00  }
0x16b: {  	[tilespmem:s15], [sflag:$0x1] =	stream.indirect_vreg.gather @!p0 [hbm4b:s1+s5], $0x80, v2, vm0, $0xb8;
	[tilespmem:$0x1EC00] =	vst v63  }
0x16c: {  	s15 =	simm.s32 @!p0 $0x5400  }
0x16d: {  	[tilespmem:s15], [sflag:$0x1] =	stream.indirect_vreg.gather @!p0 [hbm4b:s6+s5], $0x80, v2, vm0, $0xb8;
	[tilespmem:$0x1EC00] =	vst v63  }
0x16e: {  	s15 =	simm.s32 @!p0 $0x5C00  }
0x16f: {  	[tilespmem:s15], [sflag:$0x1] =	stream.indirect_vreg.gather @!p0 [hbm4b:s7+s5], $0x80, v2, vm0, $0xb8;
	[tilespmem:$0x1EC00] =	vst v63  }
0x170: {  	s15 =	simm.s32 @!p0 $0x6400  }
0x171: {  	[tilespmem:s15], [sflag:$0x1] =	stream.indirect_vreg.gather @!p0 [hbm4b:s8+s5], $0x80, v2, vm0, $0xb8;
	[tilespmem:$0x1EC00] =	vst v63  }
0x172: {  	p0 =	sgt.s32 s3, $0x1  }
0x173: {  	s0 =	smax.u32 s0, $0x18;
	p1 =	slt.s32 @!p0 s17, $0x2  }
0x174: {  	s0 =	sadd.s32 $0xFFFFFFE8, s0;
	p0 =	por p1, p0  }
0x175: {  	s5 =	smin.u32 @!p0 s0, $0x18  }
0x176: {  	v2 =	vld @!p0 [tilespmem:s5+$0x400];
	_ =	sdelay $0x4  }
0x177: {  	v3 =	vshll.u32 @!p0 v2, $0x3  }
0x178: {  	v4 =	vlaneseq.u32 @!p0;
	v2 =	vand.u32 @!p0 $0x7, v2;
	v3 =	vand.u32 @!p0 $0xFFFFFFC0, v3  }
0x179: {  	v5 =	vshrl.u32 @!p0 v4, $0x3;
	v2 =	vor.u32 @!p0 v2, v3;
	v3 =	vand.u32 @!p0 $0x7, v4  }
0x17a: {  	v5 =	vmul.u32 @!p0 $0x8, v5;
	v6 =	vperm.xlane @!p0 v2, v3;
	_ =	sdelay $0x1  }
0x17b: {  	v6 =	vadd.s32 @!p0 v5, v6;
	_ =	sdelay $0x3  }
0x17c: {  	vm0 =	vmmov @!p0 $0xffff;
	s15 =	simm.s32 @!p0 $0x0;
	s16 =	simm.s32 @!p0 $0x6C00  }
0x17d: {  	v4 =	vor.u32 @!p0 $0x8, v4;
	[tilespmem:s16], [sflag:$0x1] =	stream.indirect_vreg.gather @!p0 [hbm4b:s1+s15], $0x80, v6, vm0, $0xb8;
	[tilespmem:$0x1EC00] =	vst v63  }
0x17e: {  	v2 =	vperm.xlane @!p0 v2, v4;
	s16 =	simm.s32 @!p0 $0x7400  }
0x17f: {  	[tilespmem:s16], [sflag:$0x1] =	stream.indirect_vreg.gather @!p0 [hbm4b:s6+s15], $0x80, v6, vm0, $0xb8;
	[tilespmem:$0x1EC00] =	vst v63  }
0x180: {  	v2 =	vadd.s32 @!p0 v5, v2;
	s16 =	simm.s32 @!p0 $0x7C00  }
0x181: {  	[tilespmem:s16], [sflag:$0x1] =	stream.indirect_vreg.gather @!p0 [hbm4b:s7+s15], $0x80, v6, vm0, $0xb8;
	[tilespmem:$0x1EC00] =	vst v63  }
0x182: {  	s16 =	simm.s32 @!p0 $0x8400  }
0x183: {  	[tilespmem:s16], [sflag:$0x1] =	stream.indirect_vreg.gather @!p0 [hbm4b:s8+s15], $0x80, v6, vm0, $0xb8;
	[tilespmem:$0x1EC00] =	vst v63  }
0x184: {  	s16 =	simm.s32 @!p0 $0x8C00  }
0x185: {  	[tilespmem:s16], [sflag:$0x1] =	stream.indirect_vreg.gather @!p0 [hbm4b:s1+s15], $0x80, v2, vm0, $0xb8;
	[tilespmem:$0x1EC00] =	vst v63  }
0x186: {  	s16 =	simm.s32 @!p0 $0x9400  }
0x187: {  	[tilespmem:s16], [sflag:$0x1] =	stream.indirect_vreg.gather @!p0 [hbm4b:s6+s15], $0x80, v2, vm0, $0xb8;
	[tilespmem:$0x1EC00] =	vst v63  }
0x188: {  	s16 =	simm.s32 @!p0 $0x9C00  }
0x189: {  	[tilespmem:s16], [sflag:$0x1] =	stream.indirect_vreg.gather @!p0 [hbm4b:s7+s15], $0x80, v2, vm0, $0xb8;
	[tilespmem:$0x1EC00] =	vst v63  }
0x18a: {  	s16 =	simm.s32 @!p0 $0xA400  }
0x18b: {  	[tilespmem:s16], [sflag:$0x1] =	stream.indirect_vreg.gather @!p0 [hbm4b:s8+s15], $0x80, v2, vm0, $0xb8;
	[tilespmem:$0x1EC00] =	vst v63  }
0x18c: {  	v2 =	vld.msk @!p0 [tilespmem:s5+$0x410], $0xff;
	_ =	sdelay $0x4  }
0x18d: {  	v4 =	vshll.u32 @!p0 v2, $0x3  }
0x18e: {  	v2 =	vand.u32 @!p0 $0x7, v2;
	v4 =	vand.u32 @!p0 $0xFFFFFFC0, v4  }
0x18f: {  	v2 =	vor.u32 @!p0 v2, v4  }
0x190: {  	v2 =	vperm.xlane @!p0 v2, v3;
	_ =	sdelay $0x1  }
0x191: {  	v2 =	vadd.s32 @!p0 v5, v2;
	_ =	sdelay $0x3  }
0x192: {  	s5 =	simm.s32 @!p0 $0xAC00  }
0x193: {  	[tilespmem:s5], [sflag:$0x1] =	stream.indirect_vreg.gather @!p0 [hbm4b:s1+s15], $0x80, v2, vm0, $0xb8;
	[tilespmem:$0x1EC00] =	vst v63  }
0x194: {  	s5 =	simm.s32 @!p0 $0xB400  }
0x195: {  	[tilespmem:s5], [sflag:$0x1] =	stream.indirect_vreg.gather @!p0 [hbm4b:s6+s15], $0x80, v2, vm0, $0xb8;
	[tilespmem:$0x1EC00] =	vst v63  }
0x196: {  	s5 =	simm.s32 @!p0 $0xBC00  }
0x197: {  	[tilespmem:s5], [sflag:$0x1] =	stream.indirect_vreg.gather @!p0 [hbm4b:s7+s15], $0x80, v2, vm0, $0xb8;
	[tilespmem:$0x1EC00] =	vst v63  }
0x198: {  	s5 =	simm.s32 @!p0 $0xC400  }
0x199: {  	[tilespmem:s5], [sflag:$0x1] =	stream.indirect_vreg.gather @!p0 [hbm4b:s8+s15], $0x80, v2, vm0, $0xb8;
	[tilespmem:$0x1EC00] =	vst v63  }
0x19a: {  	p0 =	sgt.s32 s3, $0x2  }
0x19b: {  	p1 =	slt.s32 @!p0 s17, $0x3  }
0x19c: {  	p0 =	por p1, p0  }
0x19d: {  	s5 =	smin.u32 @!p0 s0, $0x30  }
0x19e: {  	v2 =	vld @!p0 [tilespmem:s5+$0x400];
	_ =	sdelay $0x4  }
0x19f: {  	v3 =	vshll.u32 @!p0 v2, $0x3  }
0x1a0: {  	v4 =	vlaneseq.u32 @!p0;
	v2 =	vand.u32 @!p0 $0x7, v2;
	v3 =	vand.u32 @!p0 $0xFFFFFFC0, v3  }
0x1a1: {  	v5 =	vshrl.u32 @!p0 v4, $0x3;
	v2 =	vor.u32 @!p0 v2, v3;
	v3 =	vand.u32 @!p0 $0x7, v4  }
0x1a2: {  	v5 =	vmul.u32 @!p0 $0x8, v5;
	v6 =	vperm.xlane @!p0 v2, v3;
	_ =	sdelay $0x1  }
0x1a3: {  	v6 =	vadd.s32 @!p0 v5, v6;
	_ =	sdelay $0x3  }
0x1a4: {  	vm0 =	vmmov @!p0 $0xffff;
	s15 =	simm.s32 @!p0 $0x0;
	s16 =	simm.s32 @!p0 $0xCC00  }
0x1a5: {  	v4 =	vor.u32 @!p0 $0x8, v4;
	[tilespmem:s16], [sflag:$0x1] =	stream.indirect_vreg.gather @!p0 [hbm4b:s1+s15], $0x80, v6, vm0, $0xb8;
	[tilespmem:$0x1EC00] =	vst v63  }
0x1a6: {  	v2 =	vperm.xlane @!p0 v2, v4;
	s16 =	simm.s32 @!p0 $0xD400  }
0x1a7: {  	[tilespmem:s16], [sflag:$0x1] =	stream.indirect_vreg.gather @!p0 [hbm4b:s6+s15], $0x80, v6, vm0, $0xb8;
	[tilespmem:$0x1EC00] =	vst v63  }
0x1a8: {  	v2 =	vadd.s32 @!p0 v5, v2;
	s16 =	simm.s32 @!p0 $0xDC00  }
0x1a9: {  	[tilespmem:s16], [sflag:$0x1] =	stream.indirect_vreg.gather @!p0 [hbm4b:s7+s15], $0x80, v6, vm0, $0xb8;
	[tilespmem:$0x1EC00] =	vst v63  }
0x1aa: {  	s16 =	simm.s32 @!p0 $0xE400  }
0x1ab: {  	[tilespmem:s16], [sflag:$0x1] =	stream.indirect_vreg.gather @!p0 [hbm4b:s8+s15], $0x80, v6, vm0, $0xb8;
	[tilespmem:$0x1EC00] =	vst v63  }
0x1ac: {  	s16 =	simm.s32 @!p0 $0xEC00  }
0x1ad: {  	[tilespmem:s16], [sflag:$0x1] =	stream.indirect_vreg.gather @!p0 [hbm4b:s1+s15], $0x80, v2, vm0, $0xb8;
	[tilespmem:$0x1EC00] =	vst v63  }
0x1ae: {  	s16 =	simm.s32 @!p0 $0xF400  }
0x1af: {  	[tilespmem:s16], [sflag:$0x1] =	stream.indirect_vreg.gather @!p0 [hbm4b:s6+s15], $0x80, v2, vm0, $0xb8;
	[tilespmem:$0x1EC00] =	vst v63  }
0x1b0: {  	s16 =	simm.s32 @!p0 $0xFC00  }
0x1b1: {  	[tilespmem:s16], [sflag:$0x1] =	stream.indirect_vreg.gather @!p0 [hbm4b:s7+s15], $0x80, v2, vm0, $0xb8;
	[tilespmem:$0x1EC00] =	vst v63  }
0x1b2: {  	s16 =	simm.s32 @!p0 $0x10400  }
0x1b3: {  	[tilespmem:s16], [sflag:$0x1] =	stream.indirect_vreg.gather @!p0 [hbm4b:s8+s15], $0x80, v2, vm0, $0xb8;
	[tilespmem:$0x1EC00] =	vst v63  }
0x1b4: {  	v2 =	vld.msk @!p0 [tilespmem:s5+$0x410], $0xff;
	_ =	sdelay $0x4  }
0x1b5: {  	v4 =	vshll.u32 @!p0 v2, $0x3  }
0x1b6: {  	v2 =	vand.u32 @!p0 $0x7, v2;
	v4 =	vand.u32 @!p0 $0xFFFFFFC0, v4  }
0x1b7: {  	v2 =	vor.u32 @!p0 v2, v4  }
0x1b8: {  	v2 =	vperm.xlane @!p0 v2, v3;
	_ =	sdelay $0x1  }
0x1b9: {  	v2 =	vadd.s32 @!p0 v5, v2;
	_ =	sdelay $0x3  }
0x1ba: {  	s5 =	simm.s32 @!p0 $0x10C00  }
0x1bb: {  	[tilespmem:s5], [sflag:$0x1] =	stream.indirect_vreg.gather @!p0 [hbm4b:s1+s15], $0x80, v2, vm0, $0xb8;
	[tilespmem:$0x1EC00] =	vst v63  }
0x1bc: {  	s5 =	simm.s32 @!p0 $0x11400  }
0x1bd: {  	[tilespmem:s5], [sflag:$0x1] =	stream.indirect_vreg.gather @!p0 [hbm4b:s6+s15], $0x80, v2, vm0, $0xb8;
	[tilespmem:$0x1EC00] =	vst v63  }
0x1be: {  	s5 =	simm.s32 @!p0 $0x11C00  }
0x1bf: {  	[tilespmem:s5], [sflag:$0x1] =	stream.indirect_vreg.gather @!p0 [hbm4b:s7+s15], $0x80, v2, vm0, $0xb8;
	[tilespmem:$0x1EC00] =	vst v63  }
0x1c0: {  	s5 =	simm.s32 @!p0 $0x12400  }
0x1c1: {  	[tilespmem:s5], [sflag:$0x1] =	stream.indirect_vreg.gather @!p0 [hbm4b:s8+s15], $0x80, v2, vm0, $0xb8;
	[tilespmem:$0x1EC00] =	vst v63  }
0x1c2: {  	p0 =	sgt.s32 s3, $0x3  }
0x1c3: {  	p1 =	slt.s32 @!p0 s17, $0x4  }
0x1c4: {  	p0 =	por p1, p0  }
0x1c5: {  	s5 =	smin.u32 @!p0 s0, $0x48  }
0x1c6: {  	v2 =	vld @!p0 [tilespmem:s5+$0x400];
	_ =	sdelay $0x4  }
0x1c7: {  	v3 =	vshll.u32 @!p0 v2, $0x3  }
0x1c8: {  	v4 =	vlaneseq.u32 @!p0;
	v2 =	vand.u32 @!p0 $0x7, v2;
	v3 =	vand.u32 @!p0 $0xFFFFFFC0, v3  }
0x1c9: {  	v5 =	vshrl.u32 @!p0 v4, $0x3;
	v2 =	vor.u32 @!p0 v2, v3;
	v3 =	vand.u32 @!p0 $0x7, v4  }
0x1ca: {  	v5 =	vmul.u32 @!p0 $0x8, v5;
	v6 =	vperm.xlane @!p0 v2, v3;
	_ =	sdelay $0x1  }
0x1cb: {  	v6 =	vadd.s32 @!p0 v5, v6;
	_ =	sdelay $0x3  }
0x1cc: {  	vm0 =	vmmov @!p0 $0xffff;
	s15 =	simm.s32 @!p0 $0x0;
	s16 =	simm.s32 @!p0 $0x12C00  }
0x1cd: {  	v4 =	vor.u32 @!p0 $0x8, v4;
	[tilespmem:s16], [sflag:$0x1] =	stream.indirect_vreg.gather @!p0 [hbm4b:s1+s15], $0x80, v6, vm0, $0xb8;
	[tilespmem:$0x1EC00] =	vst v63  }
0x1ce: {  	v2 =	vperm.xlane @!p0 v2, v4;
	s16 =	simm.s32 @!p0 $0x13400  }
0x1cf: {  	[tilespmem:s16], [sflag:$0x1] =	stream.indirect_vreg.gather @!p0 [hbm4b:s6+s15], $0x80, v6, vm0, $0xb8;
	[tilespmem:$0x1EC00] =	vst v63  }
0x1d0: {  	v2 =	vadd.s32 @!p0 v5, v2;
	s16 =	simm.s32 @!p0 $0x13C00  }
0x1d1: {  	[tilespmem:s16], [sflag:$0x1] =	stream.indirect_vreg.gather @!p0 [hbm4b:s7+s15], $0x80, v6, vm0, $0xb8;
	[tilespmem:$0x1EC00] =	vst v63  }
0x1d2: {  	s16 =	simm.s32 @!p0 $0x14400  }
0x1d3: {  	[tilespmem:s16], [sflag:$0x1] =	stream.indirect_vreg.gather @!p0 [hbm4b:s8+s15], $0x80, v6, vm0, $0xb8;
	[tilespmem:$0x1EC00] =	vst v63  }
0x1d4: {  	s16 =	simm.s32 @!p0 $0x14C00  }
0x1d5: {  	[tilespmem:s16], [sflag:$0x1] =	stream.indirect_vreg.gather @!p0 [hbm4b:s1+s15], $0x80, v2, vm0, $0xb8;
	[tilespmem:$0x1EC00] =	vst v63  }
0x1d6: {  	s16 =	simm.s32 @!p0 $0x15400  }
0x1d7: {  	[tilespmem:s16], [sflag:$0x1] =	stream.indirect_vreg.gather @!p0 [hbm4b:s6+s15], $0x80, v2, vm0, $0xb8;
	[tilespmem:$0x1EC00] =	vst v63  }
0x1d8: {  	s16 =	simm.s32 @!p0 $0x15C00  }
0x1d9: {  	[tilespmem:s16], [sflag:$0x1] =	stream.indirect_vreg.gather @!p0 [hbm4b:s7+s15], $0x80, v2, vm0, $0xb8;
	[tilespmem:$0x1EC00] =	vst v63  }
0x1da: {  	s16 =	simm.s32 @!p0 $0x16400  }
0x1db: {  	[tilespmem:s16], [sflag:$0x1] =	stream.indirect_vreg.gather @!p0 [hbm4b:s8+s15], $0x80, v2, vm0, $0xb8;
	[tilespmem:$0x1EC00] =	vst v63  }
0x1dc: {  	v2 =	vld.msk @!p0 [tilespmem:s5+$0x410], $0xff;
	_ =	sdelay $0x4  }
0x1dd: {  	v4 =	vshll.u32 @!p0 v2, $0x3  }
0x1de: {  	v2 =	vand.u32 @!p0 $0x7, v2;
	v4 =	vand.u32 @!p0 $0xFFFFFFC0, v4  }
0x1df: {  	v2 =	vor.u32 @!p0 v2, v4  }
0x1e0: {  	v2 =	vperm.xlane @!p0 v2, v3;
	_ =	sdelay $0x1  }
0x1e1: {  	v2 =	vadd.s32 @!p0 v5, v2;
	_ =	sdelay $0x3  }
0x1e2: {  	s5 =	simm.s32 @!p0 $0x16C00  }
0x1e3: {  	[tilespmem:s5], [sflag:$0x1] =	stream.indirect_vreg.gather @!p0 [hbm4b:s1+s15], $0x80, v2, vm0, $0xb8;
	[tilespmem:$0x1EC00] =	vst v63  }
0x1e4: {  	s5 =	simm.s32 @!p0 $0x17400  }
0x1e5: {  	[tilespmem:s5], [sflag:$0x1] =	stream.indirect_vreg.gather @!p0 [hbm4b:s6+s15], $0x80, v2, vm0, $0xb8;
	[tilespmem:$0x1EC00] =	vst v63  }
0x1e6: {  	s5 =	simm.s32 @!p0 $0x17C00  }
0x1e7: {  	[tilespmem:s5], [sflag:$0x1] =	stream.indirect_vreg.gather @!p0 [hbm4b:s7+s15], $0x80, v2, vm0, $0xb8;
	[tilespmem:$0x1EC00] =	vst v63  }
0x1e8: {  	s5 =	simm.s32 @!p0 $0x18400  }
0x1e9: {  	[tilespmem:s5], [sflag:$0x1] =	stream.indirect_vreg.gather @!p0 [hbm4b:s8+s15], $0x80, v2, vm0, $0xb8;
	[tilespmem:$0x1EC00] =	vst v63  }
0x1ea: {  	p0 =	sgt.s32 s3, $0x4  }
0x1eb: {  	p1 =	slt.s32 @!p0 s17, $0x5  }
0x1ec: {  	p0 =	por p1, p0  }
0x1ed: {  	s3 =	smin.u32 @!p0 s0, $0x60  }
0x1ee: {  	v2 =	vld @!p0 [tilespmem:s3+$0x400];
	_ =	sdelay $0x4  }
0x1ef: {  	v3 =	vshll.u32 @!p0 v2, $0x3  }
0x1f0: {  	v4 =	vlaneseq.u32 @!p0;
	v2 =	vand.u32 @!p0 $0x7, v2;
	v3 =	vand.u32 @!p0 $0xFFFFFFC0, v3  }
0x1f1: {  	v5 =	vshrl.u32 @!p0 v4, $0x3;
	v2 =	vor.u32 @!p0 v2, v3;
	v3 =	vand.u32 @!p0 $0x7, v4  }
0x1f2: {  	v5 =	vmul.u32 @!p0 $0x8, v5;
	v6 =	vperm.xlane @!p0 v2, v3;
	_ =	sdelay $0x1  }
0x1f3: {  	v6 =	vadd.s32 @!p0 v5, v6;
	_ =	sdelay $0x3  }
0x1f4: {  	vm0 =	vmmov @!p0 $0xffff;
	s5 =	simm.s32 @!p0 $0x0;
	s15 =	simm.s32 @!p0 $0x18C00  }
0x1f5: {  	v4 =	vor.u32 @!p0 $0x8, v4;
	[tilespmem:s15], [sflag:$0x1] =	stream.indirect_vreg.gather @!p0 [hbm4b:s1+s5], $0x80, v6, vm0, $0xb8;
	[tilespmem:$0x1EC00] =	vst v63  }
0x1f6: {  	v2 =	vperm.xlane @!p0 v2, v4;
	s15 =	simm.s32 @!p0 $0x19400  }
0x1f7: {  	[tilespmem:s15], [sflag:$0x1] =	stream.indirect_vreg.gather @!p0 [hbm4b:s6+s5], $0x80, v6, vm0, $0xb8;
	[tilespmem:$0x1EC00] =	vst v63  }
0x1f8: {  	v2 =	vadd.s32 @!p0 v5, v2;
	s15 =	simm.s32 @!p0 $0x19C00  }
0x1f9: {  	[tilespmem:s15], [sflag:$0x1] =	stream.indirect_vreg.gather @!p0 [hbm4b:s7+s5], $0x80, v6, vm0, $0xb8;
	[tilespmem:$0x1EC00] =	vst v63  }
0x1fa: {  	s15 =	simm.s32 @!p0 $0x1A400  }
0x1fb: {  	[tilespmem:s15], [sflag:$0x1] =	stream.indirect_vreg.gather @!p0 [hbm4b:s8+s5], $0x80, v6, vm0, $0xb8;
	[tilespmem:$0x1EC00] =	vst v63  }
0x1fc: {  	s15 =	simm.s32 @!p0 $0x1AC00  }
0x1fd: {  	[tilespmem:s15], [sflag:$0x1] =	stream.indirect_vreg.gather @!p0 [hbm4b:s1+s5], $0x80, v2, vm0, $0xb8;
	[tilespmem:$0x1EC00] =	vst v63  }
0x1fe: {  	s15 =	simm.s32 @!p0 $0x1B400  }
0x1ff: {  	[tilespmem:s15], [sflag:$0x1] =	stream.indirect_vreg.gather @!p0 [hbm4b:s6+s5], $0x80, v2, vm0, $0xb8;
	[tilespmem:$0x1EC00] =	vst v63  }
0x200: {  	s15 =	simm.s32 @!p0 $0x1BC00  }
0x201: {  	[tilespmem:s15], [sflag:$0x1] =	stream.indirect_vreg.gather @!p0 [hbm4b:s7+s5], $0x80, v2, vm0, $0xb8;
	[tilespmem:$0x1EC00] =	vst v63  }
0x202: {  	s15 =	simm.s32 @!p0 $0x1C400  }
0x203: {  	[tilespmem:s15], [sflag:$0x1] =	stream.indirect_vreg.gather @!p0 [hbm4b:s8+s5], $0x80, v2, vm0, $0xb8;
	[tilespmem:$0x1EC00] =	vst v63  }
0x204: {  	v2 =	vld.msk @!p0 [tilespmem:s3+$0x410], $0xff;
	_ =	sdelay $0x4  }
0x205: {  	v4 =	vshll.u32 @!p0 v2, $0x3  }
0x206: {  	v2 =	vand.u32 @!p0 $0x7, v2;
	v4 =	vand.u32 @!p0 $0xFFFFFFC0, v4  }
0x207: {  	v2 =	vor.u32 @!p0 v2, v4  }
0x208: {  	v2 =	vperm.xlane @!p0 v2, v3;
	_ =	sdelay $0x1  }
0x209: {  	v2 =	vadd.s32 @!p0 v5, v2;
	_ =	sdelay $0x3  }
0x20a: {  	s3 =	simm.s32 @!p0 $0x1CC00  }
0x20b: {  	[tilespmem:s3], [sflag:$0x1] =	stream.indirect_vreg.gather @!p0 [hbm4b:s1+s5], $0x80, v2, vm0, $0xb8;
	[tilespmem:$0x1EC00] =	vst v63  }
0x20c: {  	s3 =	simm.s32 @!p0 $0x1D400  }
0x20d: {  	[tilespmem:s3], [sflag:$0x1] =	stream.indirect_vreg.gather @!p0 [hbm4b:s6+s5], $0x80, v2, vm0, $0xb8;
	[tilespmem:$0x1EC00] =	vst v63  }
0x20e: {  	s12 =	sadd.s32 $0x4, s17;
	s3 =	simm.s32 @!p0 $0x1DC00  }
0x20f: {  	[tilespmem:s3], [sflag:$0x1] =	stream.indirect_vreg.gather @!p0 [hbm4b:s7+s5], $0x80, v2, vm0, $0xb8;
	[tilespmem:$0x1EC00] =	vst v63  }
0x210: {  	s14 =	smulhi.u32 $0x66666667, s12;
	s3 =	sshra.s32 s12, $0x1F  }
0x211: {  	s16 =	simm.s32 @!p0 $0x1E400;
	s3 =	smul.u32 $0x66666667, s3  }
0x212: {  	[tilespmem:s16], [sflag:$0x1] =	stream.indirect_vreg.gather @!p0 [hbm4b:s8+s5], $0x80, v2, vm0, $0xb8;
	[tilespmem:$0x1EC00] =	vst v63  }
0x213: {  	s3 =	sadd.s32 s3, s14  }
0x214: {  	s15 =	sshrl.u32 s3, $0x1F;
	s3 =	sshra.s32 s3, $0x1  }
0x215: {  	s3 =	sadd.s32 s15, s3  }
0x216: {  	s5 =	smul.u32 $0xFFFFFFFB, s3  }
0x217: {  	s16 =	ssub.s32 $0xFFFFFFFC, s17  }
0x218: {  	p5 =	slt.s32 s17, $0xFFFFFFFD;
	p6 =	sne.s32 s5, s16  }
0x219: {  	p0 =	por !p5, !p6  }
0x21a: {  	s5 =	simm.s32 $0x1;
	p0 =	por !p0, !p0  }
0x21b: {  	s5 =	simm.s32 @!p0 $0x0  }
0x21c: {  	s3 =	ssub.s32 s3, s5  }
0x21d: {  	p0 =	slt.s32 s3, $0x1  }
.Ltmp5:
0x21e: {  	_ = 	snop;
	(pc) =	sbr.rel @p0 .LBB2_20-.Ltmp5, $1  }
0x21f: {  	_ =	sdelay $0x3  }
.Ltmp6:
0x220: {  	(pc) =	sbr.rel .LBB2_9-.Ltmp6, $2  }
0x221: {  	_ =	sdelay $0x2  }
0x222: {  	s15 =	simm.s32 $0x0;
	s16 =	simm.s32 $0x9  }
.LBB2_19:
0x223: {  	s3 =	sadd.s32 $0xFFFFFFFF, s3  }
0x224: {  	p0 =	sne.s32 s3, $0x0  }
.Ltmp7:
0x225: {  	_ = 	snop;
	(pc) =	sbr.rel @!p0 .LBB2_20-.Ltmp7, $2  }
0x226: {  	_ =	sdelay $0x2  }
0x227: {  	s15 =	sadd.s32 $0x78, s15;
	s16 =	sadd.s32 $0x5, s16  }
.LBB2_9:
0x228: {  	s5 =	sadd.s32 $0xFFFFFFF7, s16  }
0x229: {  	p0 =	sge.s32 s5, s17  }
.Ltmp8:
0x22a: {  	_ = 	snop;
	(pc) =	sbr.rel @p0 .LBB2_11-.Ltmp8, $1  }
0x22b: {  	_ =	sdelay $0x3  }
0x22c: {  	_ =	swait.ge [sflag:s20], $0x6000  }
0x22d: {  	p0 =	slt.s32 s15, s0;
	s5 =	smov.u32 s0;
	[sflag:s20] =	ssyncset.done $0x0  }
0x22e: {  	s5 =	smov.u32 @p0 s15;
	[sflag:s20] =	ssyncadd.s32 $0xFFFFA000  }
0x22f: {  	v2 =	vld [tilespmem:s5+$0x800];
	_ =	sdelay $0x4  }
0x230: {  	v3 =	vshll.u32 v2, $0x3  }
0x231: {  	v2 =	vand.u32 $0x7, v2;
	v3 =	vand.u32 $0xFFFFFFC0, v3  }
0x232: {  	v4 =	vshrl.u32 v1, $0x3;
	v2 =	vor.u32 v2, v3;
	v3 =	vand.u32 $0x7, v1  }
0x233: {  	v4 =	vmul.u32 $0x8, v4;
	v5 =	vperm.xlane v2, v3;
	_ =	sdelay $0x1  }
0x234: {  	v5 =	vadd.s32 v4, v5;
	_ =	sdelay $0x3  }
0x235: {  	vm0 =	vmmov $0xffff;
	s12 =	simm.s32 $0xC00  }
0x236: {  	v6 =	vor.u32 $0x8, v1;
	[hbm4b:s2+s4] =	stream.indirect_vreg.scatter [tilespmem:s12], [sflag:$0x2], $0x80, v5, vm0, $0xb8;
	[tilespmem:$0x1EC00] =	vst v63  }
0x237: {  	s14 =	simm.s32 $0x1400;
	v2 =	vperm.xlane v2, v6  }
0x238: {  	[hbm4b:s9+s4] =	stream.indirect_vreg.scatter [tilespmem:s14], [sflag:$0x2], $0x80, v5, vm0, $0xb8;
	[tilespmem:$0x1EC00] =	vst v63  }
0x239: {  	v2 =	vadd.s32 v4, v2;
	s14 =	simm.s32 $0x1C00  }
0x23a: {  	[hbm4b:s10+s4] =	stream.indirect_vreg.scatter [tilespmem:s14], [sflag:$0x2], $0x80, v5, vm0, $0xb8;
	[tilespmem:$0x1EC00] =	vst v63  }
0x23b: {  	s14 =	simm.s32 $0x2400  }
0x23c: {  	[hbm4b:s11+s4] =	stream.indirect_vreg.scatter [tilespmem:s14], [sflag:$0x2], $0x80, v5, vm0, $0xb8;
	[tilespmem:$0x1EC00] =	vst v63  }
0x23d: {  	s14 =	simm.s32 $0x2C00  }
0x23e: {  	[hbm4b:s2+s4] =	stream.indirect_vreg.scatter [tilespmem:s14], [sflag:$0x2], $0x80, v2, vm0, $0xb8;
	[tilespmem:$0x1EC00] =	vst v63  }
0x23f: {  	s14 =	simm.s32 $0x3400  }
0x240: {  	[hbm4b:s9+s4] =	stream.indirect_vreg.scatter [tilespmem:s14], [sflag:$0x2], $0x80, v2, vm0, $0xb8;
	[tilespmem:$0x1EC00] =	vst v63  }
0x241: {  	s14 =	simm.s32 $0x3C00  }
0x242: {  	[hbm4b:s10+s4] =	stream.indirect_vreg.scatter [tilespmem:s14], [sflag:$0x2], $0x80, v2, vm0, $0xb8;
	[tilespmem:$0x1EC00] =	vst v63  }
0x243: {  	s14 =	simm.s32 $0x4400  }
0x244: {  	[hbm4b:s11+s4] =	stream.indirect_vreg.scatter [tilespmem:s14], [sflag:$0x2], $0x80, v2, vm0, $0xb8;
	[tilespmem:$0x1EC00] =	vst v63  }
0x245: {  	v2 =	vld.msk [tilespmem:s5+$0x810], $0xff;
	_ =	sdelay $0x4  }
0x246: {  	v63 =	vshll.u32 v2, $0x3  }
0x247: {  	v2 =	vand.u32 $0x7, v2;
	v5 =	vand.u32 $0xFFFFFFC0, v63  }
0x248: {  	v2 =	vor.u32 v2, v5  }
0x249: {  	v2 =	vperm.xlane v2, v3;
	_ =	sdelay $0x1  }
0x24a: {  	v2 =	vadd.s32 v4, v2;
	_ =	sdelay $0x3  }
0x24b: {  	s14 =	simm.s32 $0x4C00  }
0x24c: {  	[hbm4b:s2+s4] =	stream.indirect_vreg.scatter [tilespmem:s14], [sflag:$0x2], $0x80, v2, vm0, $0xb8;
	[tilespmem:$0x1EC00] =	vst v63  }
0x24d: {  	s12 =	simm.s32 $0x5400  }
0x24e: {  	[hbm4b:s9+s4] =	stream.indirect_vreg.scatter [tilespmem:s12], [sflag:$0x2], $0x80, v2, vm0, $0xb8;
	[tilespmem:$0x1EC00] =	vst v63  }
0x24f: {  	s14 =	simm.s32 $0x5C00  }
0x250: {  	[hbm4b:s10+s4] =	stream.indirect_vreg.scatter [tilespmem:s14], [sflag:$0x2], $0x80, v2, vm0, $0xb8;
	[tilespmem:$0x1EC00] =	vst v63  }
0x251: {  	s14 =	sadd.s32 $0xFFFFFFFC, s16  }
0x252: {  	s12 =	simm.s32 $0x6400;
	p0 =	sge.u32 s14, s17  }
0x253: {  	[hbm4b:s11+s4] =	stream.indirect_vreg.scatter [tilespmem:s12], [sflag:$0x2], $0x80, v2, vm0, $0xb8;
	[tilespmem:$0x1EC00] =	vst v63  }
0x254: {  	s5 =	simm.s32 @!p0 $0x2;
	s14 =	sadd.s32 @!p0 $0x78, s15  }
0x255: {  	_ =	swait.ge @!p0 [sflag:s5], $0x6000;
	p1 =	slt.s32 @!p0 s14, s0  }
0x256: {  	[sflag:s5] =	ssyncset.done @!p0 $0x0;
	p1 =	por !p1, p0  }
0x257: {  	[sflag:s5] =	ssyncadd.s32 @!p0 $0xFFFFA000;
	s14 =	smov.u32 @p1 s0  }
0x258: {  	v2 =	vld @!p0 [tilespmem:s14+$0x400];
	_ =	sdelay $0x4  }
0x259: {  	v3 =	vshll.u32 @!p0 v2, $0x3  }
0x25a: {  	v4 =	vlaneseq.u32 @!p0;
	v2 =	vand.u32 @!p0 $0x7, v2;
	v3 =	vand.u32 @!p0 $0xFFFFFFC0, v3  }
0x25b: {  	v5 =	vshrl.u32 @!p0 v4, $0x3;
	v2 =	vor.u32 @!p0 v2, v3;
	v3 =	vand.u32 @!p0 $0x7, v4  }
0x25c: {  	v5 =	vmul.u32 @!p0 $0x8, v5;
	v6 =	vperm.xlane @!p0 v2, v3;
	_ =	sdelay $0x1  }
0x25d: {  	v6 =	vadd.s32 @!p0 v5, v6;
	_ =	sdelay $0x3  }
0x25e: {  	vm0 =	vmmov @!p0 $0xffff;
	s12 =	simm.s32 @!p0 $0xC00;
	s5 =	simm.s32 @!p0 $0x0  }
0x25f: {  	v4 =	vor.u32 @!p0 $0x8, v4;
	[tilespmem:s12], [sflag:$0x1] =	stream.indirect_vreg.gather @!p0 [hbm4b:s1+s5], $0x80, v6, vm0, $0xb8;
	[tilespmem:$0x1EC00] =	vst v63  }
0x260: {  	v2 =	vperm.xlane @!p0 v2, v4;
	s12 =	simm.s32 @!p0 $0x1400  }
0x261: {  	[tilespmem:s12], [sflag:$0x1] =	stream.indirect_vreg.gather @!p0 [hbm4b:s6+s5], $0x80, v6, vm0, $0xb8;
	[tilespmem:$0x1EC00] =	vst v63  }
0x262: {  	v2 =	vadd.s32 @!p0 v5, v2;
	s12 =	simm.s32 @!p0 $0x1C00  }
0x263: {  	[tilespmem:s12], [sflag:$0x1] =	stream.indirect_vreg.gather @!p0 [hbm4b:s7+s5], $0x80, v6, vm0, $0xb8;
	[tilespmem:$0x1EC00] =	vst v63  }
0x264: {  	s12 =	simm.s32 @!p0 $0x2400  }
0x265: {  	[tilespmem:s12], [sflag:$0x1] =	stream.indirect_vreg.gather @!p0 [hbm4b:s8+s5], $0x80, v6, vm0, $0xb8;
	[tilespmem:$0x1EC00] =	vst v63  }
0x266: {  	s12 =	simm.s32 @!p0 $0x2C00  }
0x267: {  	[tilespmem:s12], [sflag:$0x1] =	stream.indirect_vreg.gather @!p0 [hbm4b:s1+s5], $0x80, v2, vm0, $0xb8;
	[tilespmem:$0x1EC00] =	vst v63  }
0x268: {  	s12 =	simm.s32 @!p0 $0x3400  }
0x269: {  	[tilespmem:s12], [sflag:$0x1] =	stream.indirect_vreg.gather @!p0 [hbm4b:s6+s5], $0x80, v2, vm0, $0xb8;
	[tilespmem:$0x1EC00] =	vst v63  }
0x26a: {  	s12 =	simm.s32 @!p0 $0x3C00  }
0x26b: {  	[tilespmem:s12], [sflag:$0x1] =	stream.indirect_vreg.gather @!p0 [hbm4b:s7+s5], $0x80, v2, vm0, $0xb8;
	[tilespmem:$0x1EC00] =	vst v63  }
0x26c: {  	s12 =	simm.s32 @!p0 $0x4400  }
0x26d: {  	[tilespmem:s12], [sflag:$0x1] =	stream.indirect_vreg.gather @!p0 [hbm4b:s8+s5], $0x80, v2, vm0, $0xb8;
	[tilespmem:$0x1EC00] =	vst v63  }
0x26e: {  	v2 =	vld.msk @!p0 [tilespmem:s14+$0x410], $0xff;
	_ =	sdelay $0x4  }
0x26f: {  	v4 =	vshll.u32 @!p0 v2, $0x3  }
0x270: {  	v2 =	vand.u32 @!p0 $0x7, v2;
	v4 =	vand.u32 @!p0 $0xFFFFFFC0, v4  }
0x271: {  	v2 =	vor.u32 @!p0 v2, v4  }
0x272: {  	v2 =	vperm.xlane @!p0 v2, v3;
	_ =	sdelay $0x1  }
0x273: {  	v2 =	vadd.s32 @!p0 v5, v2;
	_ =	sdelay $0x3  }
0x274: {  	s12 =	simm.s32 @!p0 $0x4C00  }
0x275: {  	[tilespmem:s12], [sflag:$0x1] =	stream.indirect_vreg.gather @!p0 [hbm4b:s1+s5], $0x80, v2, vm0, $0xb8;
	[tilespmem:$0x1EC00] =	vst v63  }
0x276: {  	s12 =	simm.s32 @!p0 $0x5400  }
0x277: {  	[tilespmem:s12], [sflag:$0x1] =	stream.indirect_vreg.gather @!p0 [hbm4b:s6+s5], $0x80, v2, vm0, $0xb8;
	[tilespmem:$0x1EC00] =	vst v63  }
0x278: {  	s12 =	simm.s32 @!p0 $0x5C00  }
0x279: {  	[tilespmem:s12], [sflag:$0x1] =	stream.indirect_vreg.gather @!p0 [hbm4b:s7+s5], $0x80, v2, vm0, $0xb8;
	[tilespmem:$0x1EC00] =	vst v63  }
0x27a: {  	s12 =	simm.s32 @!p0 $0x6400  }
0x27b: {  	[tilespmem:s12], [sflag:$0x1] =	stream.indirect_vreg.gather @!p0 [hbm4b:s8+s5], $0x80, v2, vm0, $0xb8;
	[tilespmem:$0x1EC00] =	vst v63  }
.LBB2_11:
0x27c: {  	s5 =	sadd.s32 $0xFFFFFFF8, s16  }
0x27d: {  	p0 =	sge.s32 s5, s17  }
.Ltmp9:
0x27e: {  	_ = 	snop;
	(pc) =	sbr.rel @p0 .LBB2_13-.Ltmp9, $1  }
0x27f: {  	_ =	sdelay $0x3  }
0x280: {  	_ =	swait.ge [sflag:s20], $0x6000;
	s5 =	sadd.s32 $0x18, s15  }
0x281: {  	s12 =	smov.u32 s0;
	[sflag:s20] =	ssyncset.done $0x0;
	p0 =	slt.s32 s5, s0  }
0x282: {  	[sflag:s20] =	ssyncadd.s32 $0xFFFFA000;
	s12 =	smov.u32 @p0 s5  }
0x283: {  	v2 =	vld [tilespmem:s12+$0x800];
	_ =	sdelay $0x4  }
0x284: {  	v3 =	vshll.u32 v2, $0x3  }
0x285: {  	v2 =	vand.u32 $0x7, v2;
	v3 =	vand.u32 $0xFFFFFFC0, v3  }
0x286: {  	v4 =	vshrl.u32 v1, $0x3;
	v2 =	vor.u32 v2, v3;
	v3 =	vand.u32 $0x7, v1  }
0x287: {  	v4 =	vmul.u32 $0x8, v4;
	v5 =	vperm.xlane v2, v3;
	_ =	sdelay $0x1  }
0x288: {  	v5 =	vadd.s32 v4, v5;
	_ =	sdelay $0x3  }
0x289: {  	vm0 =	vmmov $0xffff;
	s14 =	simm.s32 $0x6C00  }
0x28a: {  	v6 =	vor.u32 $0x8, v1;
	[hbm4b:s2+s4] =	stream.indirect_vreg.scatter [tilespmem:s14], [sflag:$0x2], $0x80, v5, vm0, $0xb8;
	[tilespmem:$0x1EC00] =	vst v63  }
0x28b: {  	v2 =	vperm.xlane v2, v6;
	s14 =	simm.s32 $0x7400  }
0x28c: {  	[hbm4b:s9+s4] =	stream.indirect_vreg.scatter [tilespmem:s14], [sflag:$0x2], $0x80, v5, vm0, $0xb8;
	[tilespmem:$0x1EC00] =	vst v63  }
0x28d: {  	v2 =	vadd.s32 v4, v2;
	s14 =	simm.s32 $0x7C00  }
0x28e: {  	[hbm4b:s10+s4] =	stream.indirect_vreg.scatter [tilespmem:s14], [sflag:$0x2], $0x80, v5, vm0, $0xb8;
	[tilespmem:$0x1EC00] =	vst v63  }
0x28f: {  	s14 =	simm.s32 $0x8400  }
0x290: {  	[hbm4b:s11+s4] =	stream.indirect_vreg.scatter [tilespmem:s14], [sflag:$0x2], $0x80, v5, vm0, $0xb8;
	[tilespmem:$0x1EC00] =	vst v63  }
0x291: {  	s14 =	simm.s32 $0x8C00  }
0x292: {  	[hbm4b:s2+s4] =	stream.indirect_vreg.scatter [tilespmem:s14], [sflag:$0x2], $0x80, v2, vm0, $0xb8;
	[tilespmem:$0x1EC00] =	vst v63  }
0x293: {  	s14 =	simm.s32 $0x9400  }
0x294: {  	[hbm4b:s9+s4] =	stream.indirect_vreg.scatter [tilespmem:s14], [sflag:$0x2], $0x80, v2, vm0, $0xb8;
	[tilespmem:$0x1EC00] =	vst v63  }
0x295: {  	s14 =	simm.s32 $0x9C00  }
0x296: {  	[hbm4b:s10+s4] =	stream.indirect_vreg.scatter [tilespmem:s14], [sflag:$0x2], $0x80, v2, vm0, $0xb8;
	[tilespmem:$0x1EC00] =	vst v63  }
0x297: {  	s14 =	simm.s32 $0xA400  }
0x298: {  	[hbm4b:s11+s4] =	stream.indirect_vreg.scatter [tilespmem:s14], [sflag:$0x2], $0x80, v2, vm0, $0xb8;
	[tilespmem:$0x1EC00] =	vst v63  }
0x299: {  	v2 =	vld.msk [tilespmem:s12+$0x810], $0xff;
	_ =	sdelay $0x4  }
0x29a: {  	v63 =	vshll.u32 v2, $0x3  }
0x29b: {  	v2 =	vand.u32 $0x7, v2;
	v5 =	vand.u32 $0xFFFFFFC0, v63  }
0x29c: {  	v2 =	vor.u32 v2, v5  }
0x29d: {  	v2 =	vperm.xlane v2, v3;
	_ =	sdelay $0x1  }
0x29e: {  	v2 =	vadd.s32 v4, v2;
	_ =	sdelay $0x3  }
0x29f: {  	s14 =	simm.s32 $0xAC00  }
0x2a0: {  	[hbm4b:s2+s4] =	stream.indirect_vreg.scatter [tilespmem:s14], [sflag:$0x2], $0x80, v2, vm0, $0xb8;
	[tilespmem:$0x1EC00] =	vst v63  }
0x2a1: {  	s12 =	simm.s32 $0xB400  }
0x2a2: {  	[hbm4b:s9+s4] =	stream.indirect_vreg.scatter [tilespmem:s12], [sflag:$0x2], $0x80, v2, vm0, $0xb8;
	[tilespmem:$0x1EC00] =	vst v63  }
0x2a3: {  	s14 =	simm.s32 $0xBC00  }
0x2a4: {  	[hbm4b:s10+s4] =	stream.indirect_vreg.scatter [tilespmem:s14], [sflag:$0x2], $0x80, v2, vm0, $0xb8;
	[tilespmem:$0x1EC00] =	vst v63  }
0x2a5: {  	s14 =	sadd.s32 $0xFFFFFFFD, s16  }
0x2a6: {  	s12 =	simm.s32 $0xC400;
	p0 =	sge.s32 s14, s17  }
0x2a7: {  	[hbm4b:s11+s4] =	stream.indirect_vreg.scatter [tilespmem:s12], [sflag:$0x2], $0x80, v2, vm0, $0xb8;
	[tilespmem:$0x1EC00] =	vst v63  }
0x2a8: {  	s5 =	simm.s32 @!p0 $0x2;
	s12 =	sadd.s32 @!p0 $0x90, s15  }
0x2a9: {  	_ =	swait.ge @!p0 [sflag:s5], $0x6000;
	p1 =	slt.s32 @!p0 s12, s0  }
0x2aa: {  	[sflag:s5] =	ssyncset.done @!p0 $0x0;
	p1 =	por !p1, p0  }
0x2ab: {  	[sflag:s5] =	ssyncadd.s32 @!p0 $0xFFFFA000;
	s12 =	smov.u32 @p1 s0  }
0x2ac: {  	v2 =	vld @!p0 [tilespmem:s12+$0x400];
	_ =	sdelay $0x4  }
0x2ad: {  	v3 =	vshll.u32 @!p0 v2, $0x3  }
0x2ae: {  	v4 =	vlaneseq.u32 @!p0;
	v2 =	vand.u32 @!p0 $0x7, v2;
	v3 =	vand.u32 @!p0 $0xFFFFFFC0, v3  }
0x2af: {  	v5 =	vshrl.u32 @!p0 v4, $0x3;
	v2 =	vor.u32 @!p0 v2, v3;
	v3 =	vand.u32 @!p0 $0x7, v4  }
0x2b0: {  	v5 =	vmul.u32 @!p0 $0x8, v5;
	v6 =	vperm.xlane @!p0 v2, v3;
	_ =	sdelay $0x1  }
0x2b1: {  	v6 =	vadd.s32 @!p0 v5, v6;
	_ =	sdelay $0x3  }
0x2b2: {  	vm0 =	vmmov @!p0 $0xffff;
	s14 =	simm.s32 @!p0 $0x6C00;
	s5 =	simm.s32 @!p0 $0x0  }
0x2b3: {  	v4 =	vor.u32 @!p0 $0x8, v4;
	[tilespmem:s14], [sflag:$0x1] =	stream.indirect_vreg.gather @!p0 [hbm4b:s1+s5], $0x80, v6, vm0, $0xb8;
	[tilespmem:$0x1EC00] =	vst v63  }
0x2b4: {  	v2 =	vperm.xlane @!p0 v2, v4;
	s14 =	simm.s32 @!p0 $0x7400  }
0x2b5: {  	[tilespmem:s14], [sflag:$0x1] =	stream.indirect_vreg.gather @!p0 [hbm4b:s6+s5], $0x80, v6, vm0, $0xb8;
	[tilespmem:$0x1EC00] =	vst v63  }
0x2b6: {  	v2 =	vadd.s32 @!p0 v5, v2;
	s14 =	simm.s32 @!p0 $0x7C00  }
0x2b7: {  	[tilespmem:s14], [sflag:$0x1] =	stream.indirect_vreg.gather @!p0 [hbm4b:s7+s5], $0x80, v6, vm0, $0xb8;
	[tilespmem:$0x1EC00] =	vst v63  }
0x2b8: {  	s14 =	simm.s32 @!p0 $0x8400  }
0x2b9: {  	[tilespmem:s14], [sflag:$0x1] =	stream.indirect_vreg.gather @!p0 [hbm4b:s8+s5], $0x80, v6, vm0, $0xb8;
	[tilespmem:$0x1EC00] =	vst v63  }
0x2ba: {  	s14 =	simm.s32 @!p0 $0x8C00  }
0x2bb: {  	[tilespmem:s14], [sflag:$0x1] =	stream.indirect_vreg.gather @!p0 [hbm4b:s1+s5], $0x80, v2, vm0, $0xb8;
	[tilespmem:$0x1EC00] =	vst v63  }
0x2bc: {  	s14 =	simm.s32 @!p0 $0x9400  }
0x2bd: {  	[tilespmem:s14], [sflag:$0x1] =	stream.indirect_vreg.gather @!p0 [hbm4b:s6+s5], $0x80, v2, vm0, $0xb8;
	[tilespmem:$0x1EC00] =	vst v63  }
0x2be: {  	s14 =	simm.s32 @!p0 $0x9C00  }
0x2bf: {  	[tilespmem:s14], [sflag:$0x1] =	stream.indirect_vreg.gather @!p0 [hbm4b:s7+s5], $0x80, v2, vm0, $0xb8;
	[tilespmem:$0x1EC00] =	vst v63  }
0x2c0: {  	s14 =	simm.s32 @!p0 $0xA400  }
0x2c1: {  	[tilespmem:s14], [sflag:$0x1] =	stream.indirect_vreg.gather @!p0 [hbm4b:s8+s5], $0x80, v2, vm0, $0xb8;
	[tilespmem:$0x1EC00] =	vst v63  }
0x2c2: {  	v2 =	vld.msk @!p0 [tilespmem:s12+$0x410], $0xff;
	_ =	sdelay $0x4  }
0x2c3: {  	v4 =	vshll.u32 @!p0 v2, $0x3  }
0x2c4: {  	v2 =	vand.u32 @!p0 $0x7, v2;
	v4 =	vand.u32 @!p0 $0xFFFFFFC0, v4  }
0x2c5: {  	v2 =	vor.u32 @!p0 v2, v4  }
0x2c6: {  	v2 =	vperm.xlane @!p0 v2, v3;
	_ =	sdelay $0x1  }
0x2c7: {  	v2 =	vadd.s32 @!p0 v5, v2;
	_ =	sdelay $0x3  }
0x2c8: {  	s12 =	simm.s32 @!p0 $0xAC00  }
0x2c9: {  	[tilespmem:s12], [sflag:$0x1] =	stream.indirect_vreg.gather @!p0 [hbm4b:s1+s5], $0x80, v2, vm0, $0xb8;
	[tilespmem:$0x1EC00] =	vst v63  }
0x2ca: {  	s12 =	simm.s32 @!p0 $0xB400  }
0x2cb: {  	[tilespmem:s12], [sflag:$0x1] =	stream.indirect_vreg.gather @!p0 [hbm4b:s6+s5], $0x80, v2, vm0, $0xb8;
	[tilespmem:$0x1EC00] =	vst v63  }
0x2cc: {  	s12 =	simm.s32 @!p0 $0xBC00  }
0x2cd: {  	[tilespmem:s12], [sflag:$0x1] =	stream.indirect_vreg.gather @!p0 [hbm4b:s7+s5], $0x80, v2, vm0, $0xb8;
	[tilespmem:$0x1EC00] =	vst v63  }
0x2ce: {  	s12 =	simm.s32 @!p0 $0xC400  }
0x2cf: {  	[tilespmem:s12], [sflag:$0x1] =	stream.indirect_vreg.gather @!p0 [hbm4b:s8+s5], $0x80, v2, vm0, $0xb8;
	[tilespmem:$0x1EC00] =	vst v63  }
.LBB2_13:
0x2d0: {  	s5 =	sadd.s32 $0xFFFFFFF9, s16  }
0x2d1: {  	p0 =	sge.s32 s5, s17  }
.Ltmp10:
0x2d2: {  	_ = 	snop;
	(pc) =	sbr.rel @p0 .LBB2_15-.Ltmp10, $1  }
0x2d3: {  	_ =	sdelay $0x3  }
0x2d4: {  	_ =	swait.ge [sflag:s20], $0x6000;
	s5 =	sadd.s32 $0x30, s15  }
0x2d5: {  	s12 =	smov.u32 s0;
	[sflag:s20] =	ssyncset.done $0x0;
	p0 =	slt.s32 s5, s0  }
0x2d6: {  	[sflag:s20] =	ssyncadd.s32 $0xFFFFA000;
	s12 =	smov.u32 @p0 s5  }
0x2d7: {  	v2 =	vld [tilespmem:s12+$0x800];
	_ =	sdelay $0x4  }
0x2d8: {  	v3 =	vshll.u32 v2, $0x3  }
0x2d9: {  	v2 =	vand.u32 $0x7, v2;
	v3 =	vand.u32 $0xFFFFFFC0, v3  }
0x2da: {  	v4 =	vshrl.u32 v1, $0x3;
	v2 =	vor.u32 v2, v3;
	v3 =	vand.u32 $0x7, v1  }
0x2db: {  	v4 =	vmul.u32 $0x8, v4;
	v5 =	vperm.xlane v2, v3;
	_ =	sdelay $0x1  }
0x2dc: {  	v5 =	vadd.s32 v4, v5;
	_ =	sdelay $0x3  }
0x2dd: {  	vm0 =	vmmov $0xffff;
	s14 =	simm.s32 $0xCC00  }
0x2de: {  	v6 =	vor.u32 $0x8, v1;
	[hbm4b:s2+s4] =	stream.indirect_vreg.scatter [tilespmem:s14], [sflag:$0x2], $0x80, v5, vm0, $0xb8;
	[tilespmem:$0x1EC00] =	vst v63  }
0x2df: {  	v2 =	vperm.xlane v2, v6;
	s14 =	simm.s32 $0xD400  }
0x2e0: {  	[hbm4b:s9+s4] =	stream.indirect_vreg.scatter [tilespmem:s14], [sflag:$0x2], $0x80, v5, vm0, $0xb8;
	[tilespmem:$0x1EC00] =	vst v63  }
0x2e1: {  	v2 =	vadd.s32 v4, v2;
	s14 =	simm.s32 $0xDC00  }
0x2e2: {  	[hbm4b:s10+s4] =	stream.indirect_vreg.scatter [tilespmem:s14], [sflag:$0x2], $0x80, v5, vm0, $0xb8;
	[tilespmem:$0x1EC00] =	vst v63  }
0x2e3: {  	s14 =	simm.s32 $0xE400  }
0x2e4: {  	[hbm4b:s11+s4] =	stream.indirect_vreg.scatter [tilespmem:s14], [sflag:$0x2], $0x80, v5, vm0, $0xb8;
	[tilespmem:$0x1EC00] =	vst v63  }
0x2e5: {  	s14 =	simm.s32 $0xEC00  }
0x2e6: {  	[hbm4b:s2+s4] =	stream.indirect_vreg.scatter [tilespmem:s14], [sflag:$0x2], $0x80, v2, vm0, $0xb8;
	[tilespmem:$0x1EC00] =	vst v63  }
0x2e7: {  	s14 =	simm.s32 $0xF400  }
0x2e8: {  	[hbm4b:s9+s4] =	stream.indirect_vreg.scatter [tilespmem:s14], [sflag:$0x2], $0x80, v2, vm0, $0xb8;
	[tilespmem:$0x1EC00] =	vst v63  }
0x2e9: {  	s14 =	simm.s32 $0xFC00  }
0x2ea: {  	[hbm4b:s10+s4] =	stream.indirect_vreg.scatter [tilespmem:s14], [sflag:$0x2], $0x80, v2, vm0, $0xb8;
	[tilespmem:$0x1EC00] =	vst v63  }
0x2eb: {  	s14 =	simm.s32 $0x10400  }
0x2ec: {  	[hbm4b:s11+s4] =	stream.indirect_vreg.scatter [tilespmem:s14], [sflag:$0x2], $0x80, v2, vm0, $0xb8;
	[tilespmem:$0x1EC00] =	vst v63  }
0x2ed: {  	v2 =	vld.msk [tilespmem:s12+$0x810], $0xff;
	_ =	sdelay $0x4  }
0x2ee: {  	v63 =	vshll.u32 v2, $0x3  }
0x2ef: {  	v2 =	vand.u32 $0x7, v2;
	v5 =	vand.u32 $0xFFFFFFC0, v63  }
0x2f0: {  	v2 =	vor.u32 v2, v5  }
0x2f1: {  	v2 =	vperm.xlane v2, v3;
	_ =	sdelay $0x1  }
0x2f2: {  	v2 =	vadd.s32 v4, v2;
	_ =	sdelay $0x3  }
0x2f3: {  	s14 =	simm.s32 $0x10C00  }
0x2f4: {  	[hbm4b:s2+s4] =	stream.indirect_vreg.scatter [tilespmem:s14], [sflag:$0x2], $0x80, v2, vm0, $0xb8;
	[tilespmem:$0x1EC00] =	vst v63  }
0x2f5: {  	s12 =	simm.s32 $0x11400  }
0x2f6: {  	[hbm4b:s9+s4] =	stream.indirect_vreg.scatter [tilespmem:s12], [sflag:$0x2], $0x80, v2, vm0, $0xb8;
	[tilespmem:$0x1EC00] =	vst v63  }
0x2f7: {  	s14 =	simm.s32 $0x11C00  }
0x2f8: {  	[hbm4b:s10+s4] =	stream.indirect_vreg.scatter [tilespmem:s14], [sflag:$0x2], $0x80, v2, vm0, $0xb8;
	[tilespmem:$0x1EC00] =	vst v63  }
0x2f9: {  	s14 =	sadd.s32 $0xFFFFFFFE, s16  }
0x2fa: {  	s12 =	simm.s32 $0x12400;
	p0 =	sge.s32 s14, s17  }
0x2fb: {  	[hbm4b:s11+s4] =	stream.indirect_vreg.scatter [tilespmem:s12], [sflag:$0x2], $0x80, v2, vm0, $0xb8;
	[tilespmem:$0x1EC00] =	vst v63  }
0x2fc: {  	s5 =	simm.s32 @!p0 $0x2;
	s12 =	sadd.s32 @!p0 $0xA8, s15  }
0x2fd: {  	_ =	swait.ge @!p0 [sflag:s5], $0x6000;
	p1 =	slt.s32 @!p0 s12, s0  }
0x2fe: {  	[sflag:s5] =	ssyncset.done @!p0 $0x0;
	p1 =	por !p1, p0  }
0x2ff: {  	[sflag:s5] =	ssyncadd.s32 @!p0 $0xFFFFA000;
	s12 =	smov.u32 @p1 s0  }
0x300: {  	v2 =	vld @!p0 [tilespmem:s12+$0x400];
	_ =	sdelay $0x4  }
0x301: {  	v3 =	vshll.u32 @!p0 v2, $0x3  }
0x302: {  	v4 =	vlaneseq.u32 @!p0;
	v2 =	vand.u32 @!p0 $0x7, v2;
	v3 =	vand.u32 @!p0 $0xFFFFFFC0, v3  }
0x303: {  	v5 =	vshrl.u32 @!p0 v4, $0x3;
	v2 =	vor.u32 @!p0 v2, v3;
	v3 =	vand.u32 @!p0 $0x7, v4  }
0x304: {  	v5 =	vmul.u32 @!p0 $0x8, v5;
	v6 =	vperm.xlane @!p0 v2, v3;
	_ =	sdelay $0x1  }
0x305: {  	v6 =	vadd.s32 @!p0 v5, v6;
	_ =	sdelay $0x3  }
0x306: {  	vm0 =	vmmov @!p0 $0xffff;
	s14 =	simm.s32 @!p0 $0xCC00;
	s5 =	simm.s32 @!p0 $0x0  }
0x307: {  	v4 =	vor.u32 @!p0 $0x8, v4;
	[tilespmem:s14], [sflag:$0x1] =	stream.indirect_vreg.gather @!p0 [hbm4b:s1+s5], $0x80, v6, vm0, $0xb8;
	[tilespmem:$0x1EC00] =	vst v63  }
0x308: {  	v2 =	vperm.xlane @!p0 v2, v4;
	s14 =	simm.s32 @!p0 $0xD400  }
0x309: {  	[tilespmem:s14], [sflag:$0x1] =	stream.indirect_vreg.gather @!p0 [hbm4b:s6+s5], $0x80, v6, vm0, $0xb8;
	[tilespmem:$0x1EC00] =	vst v63  }
0x30a: {  	v2 =	vadd.s32 @!p0 v5, v2;
	s14 =	simm.s32 @!p0 $0xDC00  }
0x30b: {  	[tilespmem:s14], [sflag:$0x1] =	stream.indirect_vreg.gather @!p0 [hbm4b:s7+s5], $0x80, v6, vm0, $0xb8;
	[tilespmem:$0x1EC00] =	vst v63  }
0x30c: {  	s14 =	simm.s32 @!p0 $0xE400  }
0x30d: {  	[tilespmem:s14], [sflag:$0x1] =	stream.indirect_vreg.gather @!p0 [hbm4b:s8+s5], $0x80, v6, vm0, $0xb8;
	[tilespmem:$0x1EC00] =	vst v63  }
0x30e: {  	s14 =	simm.s32 @!p0 $0xEC00  }
0x30f: {  	[tilespmem:s14], [sflag:$0x1] =	stream.indirect_vreg.gather @!p0 [hbm4b:s1+s5], $0x80, v2, vm0, $0xb8;
	[tilespmem:$0x1EC00] =	vst v63  }
0x310: {  	s14 =	simm.s32 @!p0 $0xF400  }
0x311: {  	[tilespmem:s14], [sflag:$0x1] =	stream.indirect_vreg.gather @!p0 [hbm4b:s6+s5], $0x80, v2, vm0, $0xb8;
	[tilespmem:$0x1EC00] =	vst v63  }
0x312: {  	s14 =	simm.s32 @!p0 $0xFC00  }
0x313: {  	[tilespmem:s14], [sflag:$0x1] =	stream.indirect_vreg.gather @!p0 [hbm4b:s7+s5], $0x80, v2, vm0, $0xb8;
	[tilespmem:$0x1EC00] =	vst v63  }
0x314: {  	s14 =	simm.s32 @!p0 $0x10400  }
0x315: {  	[tilespmem:s14], [sflag:$0x1] =	stream.indirect_vreg.gather @!p0 [hbm4b:s8+s5], $0x80, v2, vm0, $0xb8;
	[tilespmem:$0x1EC00] =	vst v63  }
0x316: {  	v2 =	vld.msk @!p0 [tilespmem:s12+$0x410], $0xff;
	_ =	sdelay $0x4  }
0x317: {  	v4 =	vshll.u32 @!p0 v2, $0x3  }
0x318: {  	v2 =	vand.u32 @!p0 $0x7, v2;
	v4 =	vand.u32 @!p0 $0xFFFFFFC0, v4  }
0x319: {  	v2 =	vor.u32 @!p0 v2, v4  }
0x31a: {  	v2 =	vperm.xlane @!p0 v2, v3;
	_ =	sdelay $0x1  }
0x31b: {  	v2 =	vadd.s32 @!p0 v5, v2;
	_ =	sdelay $0x3  }
0x31c: {  	s12 =	simm.s32 @!p0 $0x10C00  }
0x31d: {  	[tilespmem:s12], [sflag:$0x1] =	stream.indirect_vreg.gather @!p0 [hbm4b:s1+s5], $0x80, v2, vm0, $0xb8;
	[tilespmem:$0x1EC00] =	vst v63  }
0x31e: {  	s12 =	simm.s32 @!p0 $0x11400  }
0x31f: {  	[tilespmem:s12], [sflag:$0x1] =	stream.indirect_vreg.gather @!p0 [hbm4b:s6+s5], $0x80, v2, vm0, $0xb8;
	[tilespmem:$0x1EC00] =	vst v63  }
0x320: {  	s12 =	simm.s32 @!p0 $0x11C00  }
0x321: {  	[tilespmem:s12], [sflag:$0x1] =	stream.indirect_vreg.gather @!p0 [hbm4b:s7+s5], $0x80, v2, vm0, $0xb8;
	[tilespmem:$0x1EC00] =	vst v63  }
0x322: {  	s12 =	simm.s32 @!p0 $0x12400  }
0x323: {  	[tilespmem:s12], [sflag:$0x1] =	stream.indirect_vreg.gather @!p0 [hbm4b:s8+s5], $0x80, v2, vm0, $0xb8;
	[tilespmem:$0x1EC00] =	vst v63  }
.LBB2_15:
0x324: {  	s5 =	sadd.s32 $0xFFFFFFFA, s16  }
0x325: {  	p0 =	sge.s32 s5, s17  }
.Ltmp11:
0x326: {  	_ = 	snop;
	(pc) =	sbr.rel @p0 .LBB2_17-.Ltmp11, $1  }
0x327: {  	_ =	sdelay $0x3  }
0x328: {  	_ =	swait.ge [sflag:s20], $0x6000;
	s5 =	sadd.s32 $0x48, s15  }
0x329: {  	s12 =	smov.u32 s0;
	[sflag:s20] =	ssyncset.done $0x0;
	p0 =	slt.s32 s5, s0  }
0x32a: {  	[sflag:s20] =	ssyncadd.s32 $0xFFFFA000;
	s12 =	smov.u32 @p0 s5  }
0x32b: {  	v2 =	vld [tilespmem:s12+$0x800];
	_ =	sdelay $0x4  }
0x32c: {  	v3 =	vshll.u32 v2, $0x3  }
0x32d: {  	v2 =	vand.u32 $0x7, v2;
	v3 =	vand.u32 $0xFFFFFFC0, v3  }
0x32e: {  	v4 =	vshrl.u32 v1, $0x3;
	v2 =	vor.u32 v2, v3;
	v3 =	vand.u32 $0x7, v1  }
0x32f: {  	v4 =	vmul.u32 $0x8, v4;
	v5 =	vperm.xlane v2, v3;
	_ =	sdelay $0x1  }
0x330: {  	v5 =	vadd.s32 v4, v5;
	_ =	sdelay $0x3  }
0x331: {  	vm0 =	vmmov $0xffff;
	s14 =	simm.s32 $0x12C00  }
0x332: {  	v6 =	vor.u32 $0x8, v1;
	[hbm4b:s2+s4] =	stream.indirect_vreg.scatter [tilespmem:s14], [sflag:$0x2], $0x80, v5, vm0, $0xb8;
	[tilespmem:$0x1EC00] =	vst v63  }
0x333: {  	v2 =	vperm.xlane v2, v6;
	s14 =	simm.s32 $0x13400  }
0x334: {  	[hbm4b:s9+s4] =	stream.indirect_vreg.scatter [tilespmem:s14], [sflag:$0x2], $0x80, v5, vm0, $0xb8;
	[tilespmem:$0x1EC00] =	vst v63  }
0x335: {  	v2 =	vadd.s32 v4, v2  }
0x336: {  	[hbm4b:s10+s4] =	stream.indirect_vreg.scatter [tilespmem:s21], [sflag:$0x2], $0x80, v5, vm0, $0xb8;
	[tilespmem:$0x1EC00] =	vst v63  }
0x337: {  	_ = 	snop  }
0x338: {  	[hbm4b:s11+s4] =	stream.indirect_vreg.scatter [tilespmem:s22], [sflag:$0x2], $0x80, v5, vm0, $0xb8;
	[tilespmem:$0x1EC00] =	vst v63  }
0x339: {  	_ = 	snop  }
0x33a: {  	[hbm4b:s2+s4] =	stream.indirect_vreg.scatter [tilespmem:s23], [sflag:$0x2], $0x80, v2, vm0, $0xb8;
	[tilespmem:$0x1EC00] =	vst v63  }
0x33b: {  	_ = 	snop  }
0x33c: {  	[hbm4b:s9+s4] =	stream.indirect_vreg.scatter [tilespmem:s24], [sflag:$0x2], $0x80, v2, vm0, $0xb8;
	[tilespmem:$0x1EC00] =	vst v63  }
0x33d: {  	_ = 	snop  }
0x33e: {  	[hbm4b:s10+s4] =	stream.indirect_vreg.scatter [tilespmem:s25], [sflag:$0x2], $0x80, v2, vm0, $0xb8;
	[tilespmem:$0x1EC00] =	vst v63  }
0x33f: {  	_ = 	snop  }
0x340: {  	[hbm4b:s11+s4] =	stream.indirect_vreg.scatter [tilespmem:s26], [sflag:$0x2], $0x80, v2, vm0, $0xb8;
	[tilespmem:$0x1EC00] =	vst v63  }
0x341: {  	v2 =	vld.msk [tilespmem:s12+$0x810], $0xff;
	_ =	sdelay $0x4  }
0x342: {  	v63 =	vshll.u32 v2, $0x3  }
0x343: {  	v2 =	vand.u32 $0x7, v2;
	v5 =	vand.u32 $0xFFFFFFC0, v63  }
0x344: {  	v2 =	vor.u32 v2, v5  }
0x345: {  	v2 =	vperm.xlane v2, v3;
	_ =	sdelay $0x1  }
0x346: {  	v2 =	vadd.s32 v4, v2;
	_ =	sdelay $0x4  }
0x347: {  	[hbm4b:s2+s4] =	stream.indirect_vreg.scatter [tilespmem:s28], [sflag:$0x2], $0x80, v2, vm0, $0xb8;
	[tilespmem:$0x1EC00] =	vst v63  }
0x348: {  	s14 =	sadd.s32 $0xFFFFFFFF, s16  }
0x349: {  	[hbm4b:s9+s4] =	stream.indirect_vreg.scatter [tilespmem:s29], [sflag:$0x2], $0x80, v2, vm0, $0xb8;
	[tilespmem:$0x1EC00] =	vst v63  }
0x34a: {  	p0 =	sge.s32 s14, s17  }
0x34b: {  	[hbm4b:s10+s4] =	stream.indirect_vreg.scatter [tilespmem:s30], [sflag:$0x2], $0x80, v2, vm0, $0xb8;
	[tilespmem:$0x1EC00] =	vst v63  }
0x34c: {  	s5 =	simm.s32 @!p0 $0x2;
	s12 =	sadd.s32 @!p0 $0xC0, s15  }
0x34d: {  	[hbm4b:s11+s4] =	stream.indirect_vreg.scatter [tilespmem:s31], [sflag:$0x2], $0x80, v2, vm0, $0xb8;
	[tilespmem:$0x1EC00] =	vst v63  }
0x34e: {  	p1 =	slt.s32 @!p0 s12, s0;
	_ =	swait.ge @!p0 [sflag:s5], $0x6000  }
0x34f: {  	p1 =	por !p1, p0;
	[sflag:s5] =	ssyncset.done @!p0 $0x0  }
0x350: {  	s12 =	smov.u32 @p1 s0;
	[sflag:s5] =	ssyncadd.s32 @!p0 $0xFFFFA000  }
0x351: {  	v2 =	vld @!p0 [tilespmem:s12+$0x400];
	_ =	sdelay $0x4  }
0x352: {  	v3 =	vshll.u32 @!p0 v2, $0x3  }
0x353: {  	v4 =	vlaneseq.u32 @!p0;
	v2 =	vand.u32 @!p0 $0x7, v2;
	v3 =	vand.u32 @!p0 $0xFFFFFFC0, v3  }
0x354: {  	v5 =	vshrl.u32 @!p0 v4, $0x3;
	v2 =	vor.u32 @!p0 v2, v3;
	v3 =	vand.u32 @!p0 $0x7, v4  }
0x355: {  	v5 =	vmul.u32 @!p0 $0x8, v5;
	v6 =	vperm.xlane @!p0 v2, v3;
	_ =	sdelay $0x1  }
0x356: {  	v6 =	vadd.s32 @!p0 v5, v6;
	_ =	sdelay $0x3  }
0x357: {  	s14 =	simm.s32 @!p0 $0x12C00;
	vm0 =	vmmov @!p0 $0xffff;
	s5 =	simm.s32 @!p0 $0x0  }
0x358: {  	v4 =	vor.u32 @!p0 $0x8, v4;
	[tilespmem:s14], [sflag:$0x1] =	stream.indirect_vreg.gather @!p0 [hbm4b:s1+s5], $0x80, v6, vm0, $0xb8;
	[tilespmem:$0x1EC00] =	vst v63  }
0x359: {  	v2 =	vperm.xlane @!p0 v2, v4;
	s14 =	simm.s32 @!p0 $0x13400  }
0x35a: {  	[tilespmem:s14], [sflag:$0x1] =	stream.indirect_vreg.gather @!p0 [hbm4b:s6+s5], $0x80, v6, vm0, $0xb8;
	[tilespmem:$0x1EC00] =	vst v63  }
0x35b: {  	v2 =	vadd.s32 @!p0 v5, v2;
	s14 =	simm.s32 @!p0 $0x13C00  }
0x35c: {  	[tilespmem:s14], [sflag:$0x1] =	stream.indirect_vreg.gather @!p0 [hbm4b:s7+s5], $0x80, v6, vm0, $0xb8;
	[tilespmem:$0x1EC00] =	vst v63  }
0x35d: {  	s14 =	simm.s32 @!p0 $0x14400  }
0x35e: {  	[tilespmem:s14], [sflag:$0x1] =	stream.indirect_vreg.gather @!p0 [hbm4b:s8+s5], $0x80, v6, vm0, $0xb8;
	[tilespmem:$0x1EC00] =	vst v63  }
0x35f: {  	s14 =	simm.s32 @!p0 $0x14C00  }
0x360: {  	[tilespmem:s14], [sflag:$0x1] =	stream.indirect_vreg.gather @!p0 [hbm4b:s1+s5], $0x80, v2, vm0, $0xb8;
	[tilespmem:$0x1EC00] =	vst v63  }
0x361: {  	s14 =	simm.s32 @!p0 $0x15400  }
0x362: {  	[tilespmem:s14], [sflag:$0x1] =	stream.indirect_vreg.gather @!p0 [hbm4b:s6+s5], $0x80, v2, vm0, $0xb8;
	[tilespmem:$0x1EC00] =	vst v63  }
0x363: {  	s14 =	simm.s32 @!p0 $0x15C00  }
0x364: {  	[tilespmem:s14], [sflag:$0x1] =	stream.indirect_vreg.gather @!p0 [hbm4b:s7+s5], $0x80, v2, vm0, $0xb8;
	[tilespmem:$0x1EC00] =	vst v63  }
0x365: {  	s14 =	simm.s32 @!p0 $0x16400  }
0x366: {  	[tilespmem:s14], [sflag:$0x1] =	stream.indirect_vreg.gather @!p0 [hbm4b:s8+s5], $0x80, v2, vm0, $0xb8;
	[tilespmem:$0x1EC00] =	vst v63  }
0x367: {  	v2 =	vld.msk @!p0 [tilespmem:s12+$0x410], $0xff;
	_ =	sdelay $0x4  }
0x368: {  	v4 =	vshll.u32 @!p0 v2, $0x3  }
0x369: {  	v2 =	vand.u32 @!p0 $0x7, v2;
	v4 =	vand.u32 @!p0 $0xFFFFFFC0, v4  }
0x36a: {  	v2 =	vor.u32 @!p0 v2, v4  }
0x36b: {  	v2 =	vperm.xlane @!p0 v2, v3;
	_ =	sdelay $0x1  }
0x36c: {  	v2 =	vadd.s32 @!p0 v5, v2;
	_ =	sdelay $0x3  }
0x36d: {  	s12 =	simm.s32 @!p0 $0x16C00  }
0x36e: {  	[tilespmem:s12], [sflag:$0x1] =	stream.indirect_vreg.gather @!p0 [hbm4b:s1+s5], $0x80, v2, vm0, $0xb8;
	[tilespmem:$0x1EC00] =	vst v63  }
0x36f: {  	s12 =	simm.s32 @!p0 $0x17400  }
0x370: {  	[tilespmem:s12], [sflag:$0x1] =	stream.indirect_vreg.gather @!p0 [hbm4b:s6+s5], $0x80, v2, vm0, $0xb8;
	[tilespmem:$0x1EC00] =	vst v63  }
0x371: {  	s12 =	simm.s32 @!p0 $0x17C00  }
0x372: {  	[tilespmem:s12], [sflag:$0x1] =	stream.indirect_vreg.gather @!p0 [hbm4b:s7+s5], $0x80, v2, vm0, $0xb8;
	[tilespmem:$0x1EC00] =	vst v63  }
0x373: {  	s12 =	simm.s32 @!p0 $0x18400  }
0x374: {  	[tilespmem:s12], [sflag:$0x1] =	stream.indirect_vreg.gather @!p0 [hbm4b:s8+s5], $0x80, v2, vm0, $0xb8;
	[tilespmem:$0x1EC00] =	vst v63  }
.LBB2_17:
0x375: {  	s5 =	sadd.s32 $0xFFFFFFFB, s16  }
0x376: {  	p0 =	sge.s32 s5, s17  }
.Ltmp12:
0x377: {  	_ = 	snop;
	(pc) =	sbr.rel @p0 .LBB2_19-.Ltmp12, $1  }
0x378: {  	_ =	sdelay $0x3  }
0x379: {  	_ =	swait.ge [sflag:s20], $0x6000;
	s5 =	sadd.s32 $0x60, s15  }
0x37a: {  	s12 =	smov.u32 s0;
	[sflag:s20] =	ssyncset.done $0x0;
	p0 =	slt.s32 s5, s0  }
0x37b: {  	[sflag:s20] =	ssyncadd.s32 $0xFFFFA000;
	s12 =	smov.u32 @p0 s5  }
0x37c: {  	v2 =	vld [tilespmem:s12+$0x800];
	_ =	sdelay $0x4  }
0x37d: {  	v3 =	vshll.u32 v2, $0x3  }
0x37e: {  	v2 =	vand.u32 $0x7, v2;
	v3 =	vand.u32 $0xFFFFFFC0, v3  }
0x37f: {  	v4 =	vshrl.u32 v1, $0x3;
	v2 =	vor.u32 v2, v3;
	v3 =	vand.u32 $0x7, v1  }
0x380: {  	v4 =	vmul.u32 $0x8, v4;
	v5 =	vperm.xlane v2, v3;
	_ =	sdelay $0x1  }
0x381: {  	v5 =	vadd.s32 v4, v5;
	_ =	sdelay $0x3  }
0x382: {  	vm0 =	vmmov $0xffff;
	s14 =	simm.s32 $0x18C00  }
0x383: {  	v6 =	vor.u32 $0x8, v1;
	[hbm4b:s2+s4] =	stream.indirect_vreg.scatter [tilespmem:s14], [sflag:$0x2], $0x80, v5, vm0, $0xb8;
	[tilespmem:$0x1EC00] =	vst v63  }
0x384: {  	v2 =	vperm.xlane v2, v6;
	s14 =	simm.s32 $0x19400  }
0x385: {  	[hbm4b:s9+s4] =	stream.indirect_vreg.scatter [tilespmem:s14], [sflag:$0x2], $0x80, v5, vm0, $0xb8;
	[tilespmem:$0x1EC00] =	vst v63  }
0x386: {  	v2 =	vadd.s32 v4, v2;
	s14 =	simm.s32 $0x19C00  }
0x387: {  	[hbm4b:s10+s4] =	stream.indirect_vreg.scatter [tilespmem:s14], [sflag:$0x2], $0x80, v5, vm0, $0xb8;
	[tilespmem:$0x1EC00] =	vst v63  }
0x388: {  	s14 =	simm.s32 $0x1A400  }
0x389: {  	[hbm4b:s11+s4] =	stream.indirect_vreg.scatter [tilespmem:s14], [sflag:$0x2], $0x80, v5, vm0, $0xb8;
	[tilespmem:$0x1EC00] =	vst v63  }
0x38a: {  	s14 =	simm.s32 $0x1AC00  }
0x38b: {  	[hbm4b:s2+s4] =	stream.indirect_vreg.scatter [tilespmem:s14], [sflag:$0x2], $0x80, v2, vm0, $0xb8;
	[tilespmem:$0x1EC00] =	vst v63  }
0x38c: {  	s14 =	simm.s32 $0x1B400  }
0x38d: {  	[hbm4b:s9+s4] =	stream.indirect_vreg.scatter [tilespmem:s14], [sflag:$0x2], $0x80, v2, vm0, $0xb8;
	[tilespmem:$0x1EC00] =	vst v63  }
0x38e: {  	s14 =	simm.s32 $0x1BC00  }
0x38f: {  	[hbm4b:s10+s4] =	stream.indirect_vreg.scatter [tilespmem:s14], [sflag:$0x2], $0x80, v2, vm0, $0xb8;
	[tilespmem:$0x1EC00] =	vst v63  }
0x390: {  	s14 =	simm.s32 $0x1C400  }
0x391: {  	[hbm4b:s11+s4] =	stream.indirect_vreg.scatter [tilespmem:s14], [sflag:$0x2], $0x80, v2, vm0, $0xb8;
	[tilespmem:$0x1EC00] =	vst v63  }
0x392: {  	v2 =	vld.msk [tilespmem:s12+$0x810], $0xff;
	_ =	sdelay $0x4  }
0x393: {  	v63 =	vshll.u32 v2, $0x3  }
0x394: {  	v2 =	vand.u32 $0x7, v2;
	v5 =	vand.u32 $0xFFFFFFC0, v63  }
0x395: {  	v2 =	vor.u32 v2, v5  }
0x396: {  	v2 =	vperm.xlane v2, v3;
	_ =	sdelay $0x1  }
0x397: {  	v2 =	vadd.s32 v4, v2;
	_ =	sdelay $0x3  }
0x398: {  	s12 =	simm.s32 $0x1CC00  }
0x399: {  	[hbm4b:s2+s4] =	stream.indirect_vreg.scatter [tilespmem:s12], [sflag:$0x2], $0x80, v2, vm0, $0xb8;
	[tilespmem:$0x1EC00] =	vst v63  }
0x39a: {  	s14 =	simm.s32 $0x1D400  }
0x39b: {  	[hbm4b:s9+s4] =	stream.indirect_vreg.scatter [tilespmem:s14], [sflag:$0x2], $0x80, v2, vm0, $0xb8;
	[tilespmem:$0x1EC00] =	vst v63  }
0x39c: {  	p0 =	sge.s32 s16, s17;
	s12 =	simm.s32 $0x1DC00  }
0x39d: {  	[hbm4b:s10+s4] =	stream.indirect_vreg.scatter [tilespmem:s12], [sflag:$0x2], $0x80, v2, vm0, $0xb8;
	[tilespmem:$0x1EC00] =	vst v63  }
0x39e: {  	s5 =	simm.s32 @!p0 $0x2;
	s14 =	simm.s32 $0x1E400;
	s12 =	sadd.s32 @!p0 $0xD8, s15  }
0x39f: {  	[hbm4b:s11+s4] =	stream.indirect_vreg.scatter [tilespmem:s14], [sflag:$0x2], $0x80, v2, vm0, $0xb8;
	[tilespmem:$0x1EC00] =	vst v63  }
0x3a0: {  	p1 =	slt.s32 @!p0 s12, s0;
	_ =	swait.ge @!p0 [sflag:s5], $0x6000  }
0x3a1: {  	p1 =	por !p1, p0;
	[sflag:s5] =	ssyncset.done @!p0 $0x0  }
0x3a2: {  	s12 =	smov.u32 @p1 s0;
	[sflag:s5] =	ssyncadd.s32 @!p0 $0xFFFFA000  }
0x3a3: {  	v2 =	vld @!p0 [tilespmem:s12+$0x400];
	_ =	sdelay $0x4  }
0x3a4: {  	v3 =	vshll.u32 @!p0 v2, $0x3  }
0x3a5: {  	v4 =	vlaneseq.u32 @!p0;
	v2 =	vand.u32 @!p0 $0x7, v2;
	v3 =	vand.u32 @!p0 $0xFFFFFFC0, v3  }
0x3a6: {  	v5 =	vshrl.u32 @!p0 v4, $0x3;
	v2 =	vor.u32 @!p0 v2, v3;
	v3 =	vand.u32 @!p0 $0x7, v4  }
0x3a7: {  	v5 =	vmul.u32 @!p0 $0x8, v5;
	v6 =	vperm.xlane @!p0 v2, v3;
	_ =	sdelay $0x1  }
0x3a8: {  	v6 =	vadd.s32 @!p0 v5, v6;
	_ =	sdelay $0x3  }
0x3a9: {  	vm0 =	vmmov @!p0 $0xffff;
	s14 =	simm.s32 @!p0 $0x18C00;
	s5 =	simm.s32 @!p0 $0x0  }
0x3aa: {  	v4 =	vor.u32 @!p0 $0x8, v4;
	[tilespmem:s14], [sflag:$0x1] =	stream.indirect_vreg.gather @!p0 [hbm4b:s1+s5], $0x80, v6, vm0, $0xb8;
	[tilespmem:$0x1EC00] =	vst v63  }
0x3ab: {  	v2 =	vperm.xlane @!p0 v2, v4;
	s14 =	simm.s32 @!p0 $0x19400  }
0x3ac: {  	[tilespmem:s14], [sflag:$0x1] =	stream.indirect_vreg.gather @!p0 [hbm4b:s6+s5], $0x80, v6, vm0, $0xb8;
	[tilespmem:$0x1EC00] =	vst v63  }
0x3ad: {  	v2 =	vadd.s32 @!p0 v5, v2;
	s14 =	simm.s32 @!p0 $0x19C00  }
0x3ae: {  	[tilespmem:s14], [sflag:$0x1] =	stream.indirect_vreg.gather @!p0 [hbm4b:s7+s5], $0x80, v6, vm0, $0xb8;
	[tilespmem:$0x1EC00] =	vst v63  }
0x3af: {  	s14 =	simm.s32 @!p0 $0x1A400  }
0x3b0: {  	[tilespmem:s14], [sflag:$0x1] =	stream.indirect_vreg.gather @!p0 [hbm4b:s8+s5], $0x80, v6, vm0, $0xb8;
	[tilespmem:$0x1EC00] =	vst v63  }
0x3b1: {  	s14 =	simm.s32 @!p0 $0x1AC00  }
0x3b2: {  	[tilespmem:s14], [sflag:$0x1] =	stream.indirect_vreg.gather @!p0 [hbm4b:s1+s5], $0x80, v2, vm0, $0xb8;
	[tilespmem:$0x1EC00] =	vst v63  }
0x3b3: {  	s14 =	simm.s32 @!p0 $0x1B400  }
0x3b4: {  	[tilespmem:s14], [sflag:$0x1] =	stream.indirect_vreg.gather @!p0 [hbm4b:s6+s5], $0x80, v2, vm0, $0xb8;
	[tilespmem:$0x1EC00] =	vst v63  }
0x3b5: {  	s14 =	simm.s32 @!p0 $0x1BC00  }
0x3b6: {  	[tilespmem:s14], [sflag:$0x1] =	stream.indirect_vreg.gather @!p0 [hbm4b:s7+s5], $0x80, v2, vm0, $0xb8;
	[tilespmem:$0x1EC00] =	vst v63  }
0x3b7: {  	s14 =	simm.s32 @!p0 $0x1C400  }
0x3b8: {  	[tilespmem:s14], [sflag:$0x1] =	stream.indirect_vreg.gather @!p0 [hbm4b:s8+s5], $0x80, v2, vm0, $0xb8;
	[tilespmem:$0x1EC00] =	vst v63  }
0x3b9: {  	v2 =	vld.msk @!p0 [tilespmem:s12+$0x410], $0xff;
	_ =	sdelay $0x4  }
0x3ba: {  	v4 =	vshll.u32 @!p0 v2, $0x3  }
0x3bb: {  	v2 =	vand.u32 @!p0 $0x7, v2;
	v4 =	vand.u32 @!p0 $0xFFFFFFC0, v4  }
0x3bc: {  	v2 =	vor.u32 @!p0 v2, v4  }
0x3bd: {  	v2 =	vperm.xlane @!p0 v2, v3;
	_ =	sdelay $0x1  }
0x3be: {  	v2 =	vadd.s32 @!p0 v5, v2;
	_ =	sdelay $0x3  }
0x3bf: {  	s12 =	simm.s32 @!p0 $0x1CC00  }
0x3c0: {  	[tilespmem:s12], [sflag:$0x1] =	stream.indirect_vreg.gather @!p0 [hbm4b:s1+s5], $0x80, v2, vm0, $0xb8;
	[tilespmem:$0x1EC00] =	vst v63  }
0x3c1: {  	s12 =	simm.s32 @!p0 $0x1D400  }
0x3c2: {  	[tilespmem:s12], [sflag:$0x1] =	stream.indirect_vreg.gather @!p0 [hbm4b:s6+s5], $0x80, v2, vm0, $0xb8;
	[tilespmem:$0x1EC00] =	vst v63  }
.Ltmp13:
0x3c3: {  	_ = 	snop;
	(pc) =	sbr.rel .LBB2_19-.Ltmp13, $4  }
0x3c4: {  	s12 =	simm.s32 @!p0 $0x1DC00  }
0x3c5: {  	[tilespmem:s12], [sflag:$0x1] =	stream.indirect_vreg.gather @!p0 [hbm4b:s7+s5], $0x80, v2, vm0, $0xb8;
	[tilespmem:$0x1EC00] =	vst v63  }
0x3c6: {  	s12 =	simm.s32 @!p0 $0x1E400  }
0x3c7: {  	[tilespmem:s12], [sflag:$0x1] =	stream.indirect_vreg.gather @!p0 [hbm4b:s8+s5], $0x80, v2, vm0, $0xb8;
	[tilespmem:$0x1EC00] =	vst v63  }
.LBB2_21:
0x3c8: {  	_ =	sfence.sel $0x180000  }
0x3c9: {  	[bflag:$0x0] =	sbarrier.arrive $0xFFFF  }
0x3ca: {  	_ =	strace $0x90000047  }
0x3cb: {  	s0 =	stileid.u32;
	[bflag:$0x2] =	sbarrier.arrive $0xFFFF  }
0x3cc: {  	p0 =	sne.s32 s0, $0x0;
	s0 =	rddreg [dreg:$0x3]  }
0x3cd: {  	s0 =	sadd.s32 @!p0 $0x100000, s0  }
0x3ce: {  	[sflag:s0] =	ssyncadd.tile.s32 @!p0 $0x1;
	_ =	shalt  }
.Lfunc_end2:
_tile_overlayer_lowered:
.L_overlay_start_2:
0x3cf: {  	(tag) =	ssettag $0x2  }
0x3d0: {  	s0 =	rddreg [dreg:$0x0];
	s2 =	stileid.u32  }
0x3d1: {  	s1 =	rddreg [dreg:$0x1];
	p0 =	sne.s32 s2, $0x0  }
0x3d2: {  	s3 =	rddreg [dreg:$0x2];
	[bflag:$0x3] =	sbarrier.arrive $0xFFFF;
	s2 =	simm.s32 @!p0 $0x1C03  }
0x3d3: {  	[timem:s3], [sflag:s2] =	dma.local @!p0 [hbm:s0], s1  }
0x3d4: {  	s0 =	simm.s32 @!p0 $0x3  }
0x3d5: {  	_ =	swait.ge @!p0 [sflag:s0], s1  }
0x3d6: {  	s1 =	ssub.s32 @!p0 $0x0, s1;
	[sflag:s0] =	ssyncset.done @!p0 $0x0  }
0x3d7: {  	[sflag:s0] =	ssyncadd.s32 @!p0 s1  }
0x3d8: {  	[bflag:$0x3] =	sbarrier.arrive $0xFFFF  }
0x3d9: {  	_ =	shalt  }

// kernel: kernel.8.cloned.1.call-start
scs
__scs_entry_jumppad:
0x0: {  	(pc) =	sbr.rel $0x88, $3  }
0x1: {  	(tag) =	ssettag $0x0;
	lr =	simm.s32 $0x1  }
0x2: {  	[smem:$0x3F9D] =	sst lr;
	_ =	strace $0xD0000000  }
0x3: {  	_ = 	snop  }
0x4: {  	_ = 	snop  }
0x5: {  	_ = 	snop  }
0x6: {  	_ = 	snop  }
0x7: {  	_ = 	snop  }
__scs_overlays_trampoline_lowered:
0x8: {  	[smem:$0x3FAC] =	sst s0  }
0x9: {  	[smem:$0x3FAD] =	sst s1  }
0xa: {  	[smem:$0x3FAE] =	sst s2  }
0xb: {  	[smem:$0x3FAF] =	sst s3  }
0xc: {  	[smem:$0x3FB0] =	sst s4  }
0xd: {  	[smem:$0x3FB1] =	sst s5  }
0xe: {  	[smem:$0x3FB2] =	sst s6  }
0xf: {  	[smem:$0x3FB3] =	sst s7  }
0x10: {  	[smem:$0x3FB4] =	sst s8  }
0x11: {  	[smem:$0x3FB5] =	sst s9;
	s0 =	simm.s32 @!p0 $0x0  }
0x12: {  	s1 =	sld [smem:$0x3F9B];
	s0 =	simm.s32 @p0 $0x1  }
0x13: {  	[smem:$0x3FB6] =	sst s0;
	s0 =	simm.s32 @!p1 $0x0  }
0x14: {  	s2 =	sld [smem:$0x3F9A];
	s0 =	simm.s32 @p1 $0x1  }
0x15: {  	[smem:$0x3FB7] =	sst s0;
	s0 =	simm.s32 @!p2 $0x0  }
0x16: {  	s3 =	sld [smem:$0x3FDB];
	s0 =	simm.s32 @p2 $0x1  }
0x17: {  	s4 =	simm.s32 $0x1BF5;
	[smem:$0x3FB9] =	sst s0  }
0x18: {  	s0 =	sld [smem:$0x3F9C];
	_ =	swait.ge [sflag:s4], $0x0  }
0x19: {  	s7 =	sld [smem:$0x3F9D]  }
0x1a: {  	s8 =	sadd.s32 $0xFFFFE003, lr  }
0x1b: {  	s9 =	sadd.s32 $0xFFFFFEF7, lr;
	s5 =	simm.s32 $0xFFFFFFFF;
	p2 =	slt.u32 s8, $0xFFFFF086  }
0x1c: {  	p1 =	slt.u32 s9, $0xF7A;
	s5 =	simm.s32 @!p2 $0x0  }
0x1d: {  	s5 =	simm.s32 @p1 $0x1;
	p0 =	seq.s32 s7, s2  }
0x1e: {  	s7 =	smul.u32 @!p0 $0xF7A, s2;
	p2 =	seq.s32 @!p0 s5, $0x0  }
0x1f: {  	s9 =	smul.u32 $0xF7A, s1;
	s8 =	simm.s32 @!p0 $0x1BF5;
	p2 =	por !p2, p0  }
0x20: {  	[sflag:s8] =	ssyncset.s32 @!p0 $0xFFFFF086;
	s6 =	sadd.s32 @!p0 s3, s7;
	s7 =	simm.s32 @!p0 $0x108  }
0x21: {  	s3 =	sadd.s32 s3, s9;
	s6 =	sadd.s32 @!p0 $0x88, s6;
	s7 =	simm.s32 @p2 $0x1082  }
0x22: {  	[simem:s7], [sflag:s8] =	dma.local @!p0 [hbm:s6], $0xF7A  }
0x23: {  	s9 =	sor.u32 $0xD0000000, s2;
	s6 =	simm.s32 $0x108;
	_ =	swait.ge @!p0 [sflag:s8], $0x0  }
0x24: {  	s3 =	sadd.s32 $0x88, s3;
	s6 =	simm.s32 @!p1 $0x1082;
	[sflag:s4] =	ssyncset.s32 $0xFFFFF086  }
0x25: {  	[simem:s6], [sflag:s4] =	dma.local [hbm:s3], $0xF7A  }
0x26: {  	[smem:$0x3F9D] =	sst s1;
	(tag) =	ssettag s2;
	_ =	strace s9  }
0x27: {  	s1 =	sld [smem:$0x3FAD]  }
0x28: {  	s2 =	sld [smem:$0x3FAE]  }
0x29: {  	s4 =	sld [smem:$0x3FB0]  }
0x2a: {  	p0 =	seq.s32 s5, $0x0;
	s5 =	sld [smem:$0x3FB1]  }
0x2b: {  	s6 =	sld [smem:$0x3FB2]  }
0x2c: {  	s7 =	sld [smem:$0x3FB3]  }
0x2d: {  	s3 =	simm.s32 $0x108;
	s8 =	sld [smem:$0x3FB4]  }
0x2e: {  	s3 =	simm.s32 @!p0 $0x1082;
	s9 =	sld [smem:$0x3FB5]  }
0x2f: {  	lr =	sadd.s32 s0, s3;
	s0 =	sld [smem:$0x3FAC]  }
0x30: {  	s3 =	sld [smem:$0x3FAF]  }
0x31: {  	[smem:$0x3FB8] =	sst s10  }
0x32: {  	s10 =	sld [smem:$0x3FB6];
	_ =	sdelay $0x3  }
0x33: {  	p0 =	seq.s32 s10, $0x1;
	s10 =	sld [smem:$0x3FB8];
	_ =	sdelay $0x3  }
0x34: {  	[smem:$0x3FB8] =	sst s10  }
0x35: {  	s10 =	sld [smem:$0x3FB7];
	_ =	sdelay $0x3  }
0x36: {  	p1 =	seq.s32 s10, $0x1;
	s10 =	sld [smem:$0x3FB8];
	_ =	sdelay $0x3  }
0x37: {  	[smem:$0x3FB8] =	sst s10  }
0x38: {  	s10 =	sld [smem:$0x3FB9]  }
0x39: {  	_ = 	snop;
	(pc) =	sbr.ind lr, $3  }
0x3a: {  	_ = 	snop  }
0x3b: {  	_ = 	snop  }
0x3c: {  	p2 =	seq.s32 s10, $0x1;
	s10 =	sld [smem:$0x3FB8]  }
0x3d: {  	_ =	shalt  }
0x3e: {  	_ =	shalt  }
0x3f: {  	_ =	shalt  }
0x40: {  	_ =	shalt  }
0x41: {  	_ =	shalt  }
0x42: {  	_ =	shalt  }
0x43: {  	_ =	shalt  }
0x44: {  	_ =	shalt  }
0x45: {  	_ =	shalt  }
0x46: {  	_ =	shalt  }
0x47: {  	_ =	shalt  }
0x48: {  	_ =	shalt  }
0x49: {  	_ =	shalt  }
0x4a: {  	_ =	shalt  }
0x4b: {  	_ =	shalt  }
0x4c: {  	_ =	shalt  }
0x4d: {  	_ =	shalt  }
0x4e: {  	_ =	shalt  }
0x4f: {  	_ =	shalt  }
0x50: {  	_ =	shalt  }
0x51: {  	_ =	shalt  }
0x52: {  	_ =	shalt  }
0x53: {  	_ =	shalt  }
0x54: {  	_ =	shalt  }
0x55: {  	_ =	shalt  }
0x56: {  	_ =	shalt  }
0x57: {  	_ =	shalt  }
0x58: {  	_ =	shalt  }
0x59: {  	_ =	shalt  }
0x5a: {  	_ =	shalt  }
0x5b: {  	_ =	shalt  }
0x5c: {  	_ =	shalt  }
0x5d: {  	_ =	shalt  }
0x5e: {  	_ =	shalt  }
0x5f: {  	_ =	shalt  }
0x60: {  	_ =	shalt  }
0x61: {  	_ =	shalt  }
0x62: {  	_ =	shalt  }
0x63: {  	_ =	shalt  }
0x64: {  	_ =	shalt  }
0x65: {  	_ =	shalt  }
0x66: {  	_ =	shalt  }
0x67: {  	_ =	shalt  }
0x68: {  	_ =	shalt  }
0x69: {  	_ =	shalt  }
0x6a: {  	_ =	shalt  }
0x6b: {  	_ =	shalt  }
0x6c: {  	_ =	shalt  }
0x6d: {  	_ =	shalt  }
0x6e: {  	_ =	shalt  }
0x6f: {  	_ =	shalt  }
0x70: {  	_ =	shalt  }
0x71: {  	_ =	shalt  }
0x72: {  	_ =	shalt  }
0x73: {  	_ =	shalt  }
0x74: {  	_ =	shalt  }
0x75: {  	_ =	shalt  }
0x76: {  	_ =	shalt  }
0x77: {  	_ =	shalt  }
0x78: {  	_ =	shalt  }
0x79: {  	_ =	shalt  }
0x7a: {  	_ =	shalt  }
0x7b: {  	_ =	shalt  }
0x7c: {  	_ =	shalt  }
0x7d: {  	_ =	shalt  }
0x7e: {  	_ =	shalt  }
0x7f: {  	_ =	shalt  }
0x80: {  	_ =	shalt  }
0x81: {  	_ =	shalt  }
0x82: {  	_ =	shalt  }
0x83: {  	_ =	shalt  }
0x84: {  	_ =	shalt  }
0x85: {  	_ =	shalt  }
0x86: {  	_ =	shalt  }
0x87: {  	_ =	shalt  }
.Lfunc_end0:
.L_simem_size_0:
called_computation.1_lowered:
.L_overlay_start_0:
0x88: {  	s2 =	sld [smem:$0x3FD9]  }
0x89: {  	s3 =	sld [smem:$0x3FFE];
	_ =	sdelay $0x1  }
0x8a: {  	s1 =	srdreg.scid  }
0x8b: {  	s0 =	sand.u32 $0x1, s1  }
0x8c: {  	s17 =	sshll.u32 s0, $0xA;
	s2 =	sadd.s32 s3, s2  }
0x8d: {  	s2 =	sadd.s32 s2, s17  }
0x8e: {  	[smem:$0x3FC4] =	sst s2  }
0x8f: {  	_ = 	snop  }
0x90: {  	s2 =	sld [smem:$0x3FC9]  }
0x91: {  	s18 =	sld [smem:$0x3FD0];
	(tm) =	ssettm $0x1  }
0x92: {  	s4 =	sld [smem:$0x3FFB];
	_ =	sdelay $0x3  }
0x93: {  	_ =	strace s4  }
0x94: {  	s4 =	sld [smem:$0x3FFC];
	_ =	sdelay $0x3  }
0x95: {  	_ =	strace s4  }
0x96: {  	s4 =	sld [smem:$0x3FFD];
	_ =	sdelay $0x3  }
0x97: {  	_ =	strace s4  }
0x98: {  	_ =	strace $0x8FFFFFFF  }
0x99: {  	s19 =	sld [smem:$0x3FDB];
	_ =	sdelay $0x1  }
0x9a: {  	s5 =	simm.s32 $_scs_section_size  }
0x9b: {  	s6 =	simm.s32 $_size__tile_overlayer_lowered;
	s7 =	simm.s32 $_tile_overlayer_lowered  }
0x9c: {  	s22 =	simm.s32 $0x1BFF;
	s21 =	sshll.u32 s7, $0x1;
	s4 =	sadd.s32 s5, s19  }
0x9d: {  	s8 =	simm.s32 $0x0;
	s20 =	sshll.u32 s6, $0x1;
	s6 =	sadd.s32 s21, s4  }
0x9e: {  	[timem:s8], [sflag:s22] =	dma.local [hbm:s6], s20  }
0x9f: {  	_ =	swait.ge [sflag:s22], s20  }
0xa0: {  	s5 =	ssub.s32 $0x0, s20;
	[sflag:s22] =	ssyncset.done $0x0  }
0xa1: {  	[sflag:s22] =	ssyncadd.s32 s5;
	_ =	sdelay $0x1  }
0xa2: {  	s23 =	simm.s32 $0x1B8B  }
0xa3: {  	_ =	swait.ge [sflag:s23], $0x1  }
0xa4: {  	[sflag:s23] =	ssyncset.done $0x0  }
0xa5: {  	s25 =	simm.s32 $0x1B8E;
	s24 =	sld [smem:$0x3FFE];
	[sflag:s23] =	ssyncadd.s32 $0xFFFFFFFF  }
0xa6: {  	s26 =	simm.s32 $execute0_lowered;
	[smem:$0x3FD2] =	sst s25  }
0xa7: {  	s6 =	sshll.u32 s26, $0x1;
	_ =	strace $0x80000049;
	[dreg:$0x1] =	wrdreg $0xFFFFFFFF  }
0xa8: {  	s28 =	simm.s32 $_size_execute0_lowered;
	s4 =	sadd.s32 s4, s6;
	[dreg:$0x0] =	wrdreg $0x0  }
0xa9: {  	s6 =	sshll.u32 s28, $0x1;
	[dreg:$0x2] =	wrdreg s4  }
0xaa: {  	[dreg:$0x3] =	wrdreg s6  }
0xab: {  	[dreg:$0x4] =	wrdreg $0xC0  }
0xac: {  	_ =	task [dreg:s8], $0x5FFFF  }
0xad: {  	[dreg:$0x1] =	wrdreg $0xFFFFFFFF  }
0xae: {  	[dreg:$0x0] =	wrdreg $0x60  }
0xaf: {  	[dreg:$0x2] =	wrdreg s2  }
0xb0: {  	[dreg:$0x3] =	wrdreg s24  }
0xb1: {  	[dreg:$0x4] =	wrdreg s18  }
0xb2: {  	[dreg:$0x5] =	wrdreg $0x9  }
0xb3: {  	_ =	task.clear_ibuf [dreg:s8], $0x6FFFF;
	_ =	strace $0x90000049  }
0xb4: {  	s29 =	simm.s32 $0x9;
	_ =	strace $0x8000004B  }
0xb5: {  	_ =	swait.ge [sflag:s29], $0x1  }
0xb6: {  	[sflag:s29] =	ssyncadd.s32 $0xFFFFFFFF  }
0xb7: {  	_ =	strace $0x9000004B  }
0xb8: {  	_ =	sfence  }
0xb9: {  	s30 =	sld [smem:$0x0];
	_ =	sdelay $0x2  }
0xba: {  	s31 =	sshll.u32 s1, $0xD;
	s1 =	sshrl.u32 s1, $0x2  }
0xbb: {  	s3 =	sand.u32 $0x4000, s31;
	s1 =	sadd.s32 s1, s30  }
0xbc: {  	s0 =	sor.u32 s3, s0;
	s1 =	sshll.u32 s1, $0x11  }
0xbd: {  	s0 =	sor.u32 s1, s0  }
0xbe: {  	s0 =	sadd.s32 $0x8F2B, s0  }
0xbf: {  	[sflag:s0] =	ssyncadd.remote.s32 $0x1  }
0xc0: {  	_ =	sfence.sel $0xFFFF  }
0xc1: {  	[dreg:$0x0] =	wrdreg $0xFFFFFFFF;
	(pc) =	sbr.abs _section_cstart, $3  }
0xc2: {  	[dreg:$0x1] =	wrdreg $0xFFFFFFFF  }
0xc3: {  	_ =	task.clear_ibuf [dreg:s8], $0x2FFFF;
	_ =	strace $0x9FFFFFFF  }
0xc4: {  	(tm) =	ssettm $0x7FFFFFFF  }
0xc5: {  	_ =	shalt  }
tec
execute0_lowered:
.L_overlay_start_1:
0x0: {  	(tag) =	ssettag $0x1  }
0x1: {  	s0 =	rddreg [dreg:$0x0]  }
0x2: {  	s2 =	rddreg [dreg:$0x1]  }
0x3: {  	s1 =	rddreg [dreg:$0x2];
	s3 =	simm.s32 $0x0  }
0x4: {  	s4 =	srdreg.scid;
	s10 =	stileid.u32;
	s18 =	simm.s32 $0x400  }
0x5: {  	s19 =	simm.s32 $0x800;
	s20 =	simm.s32 $0x1;
	s28 =	simm.s32 $0x16C00  }
0x6: {  	s29 =	simm.s32 $0x17400;
	s30 =	simm.s32 $0x17C00;
	s31 =	simm.s32 $0x18400  }
0x7: {  	s13 =	simm.s32 $0x1B400;
	s17 =	simm.s32 $0x1BC00;
	s14 =	simm.s32 $0x1C400  }
0x8: {  	[smem:$0x7FF] =	sst s3;
	s5 =	sand.u32 $0x1, s4;
	s21 =	sshll.u32 s10, $0xA  }
0x9: {  	s7 =	sshll.u32 s10, $0x2;
	s24 =	sshll.u32 s10, $0xB;
	s10 =	sadd.s32 $0x200, s1  }
0xa: {  	s11 =	sadd.s32 $0x300, s1;
	_ =	strace $0x8000004A;
	s6 =	sshll.u32 s5, $0x9  }
0xb: {  	s8 =	ssub.s32 $0x2, s5;
	s22 =	sand.u32 $0x30, s7;
	s7 =	sadd.s32 $0xE00, s2  }
0xc: {  	s25 =	sshll.u32 s5, $0xA;
	s4 =	sor.u32 s6, s21;
	s23 =	sshrl.u32 s8, $0x1  }
0xd: {  	s0 =	sadd.s32 s0, s22;
	s6 =	sadd.s32 $0xD00, s2;
	s9 =	sand.u32 $0xE00, s4  }
0xe: {  	s4 =	sadd.s32 $0xC00, s2;
	s12 =	ssub.s32 s8, s23;
	s8 =	sadd.s32 $0xF00, s2  }
.Ltmp0:
0xf: {  	s23 =	simm.s32 $0x14C00;
	s0 =	sadd.s32 s9, s0;
	(pc) =	sbr.rel .LBB2_1-.Ltmp0, $4  }
0x10: {  	s9 =	sadd.s32 $0x100, s1;
	s26 =	smax.u32 s12, $0x1;
	[dreg:$0x4] =	wrdreg s0  }
0x11: {  	s12 =	simm.s32 $0x0;
	s0 =	sor.u32 s25, s24;
	[dreg:$0x6] =	wrdreg s26  }
0x12: {  	s24 =	simm.s32 $0x15400;
	[dreg:$0x5] =	wrdreg s0;
	s0 =	sor.u32 $0x100, s0  }
0x13: {  	v0 =	vimm.s32 $0x0;
	v1 =	vlaneseq.u32;
	s25 =	simm.s32 $0x15C00;
	s26 =	simm.s32 $0x16400;
	[dreg:$0x7] =	wrdreg s0  }
.LBB2_26:
0x14: {  	s12 =	sadd.s32 $0x1, s12;
	s0 =	rddreg [dreg:$0x6]  }
0x15: {  	p0 =	sne.s32 s12, s0  }
.Ltmp1:
0x16: {  	_ = 	snop;
	(pc) =	sbr.rel @!p0 .LBB2_27-.Ltmp1, $1  }
0x17: {  	_ =	sdelay $0x3  }
.LBB2_1:
0x18: {  	s0 =	rddreg [dreg:$0x4];
	s2 =	simm.s32 $0x80;
	s5 =	simm.s32 $0x200  }
0x19: {  	[tilespmem:s3], [sflag:$0x3] =	stream.strided.gather [hbm4b:s0+s2], $0x400, s5, s2, $0x38;
	[tilespmem:$0x1CC00] =	vst v63  }
0x1a: {  	s5 =	simm.s32 $0x3  }
0x1b: {  	_ =	swait.ge [sflag:s5], $0x400  }
0x1c: {  	[sflag:s5] =	ssyncset.done $0x0  }
0x1d: {  	s15 =	simm.s32 $0x0;
	[sflag:s5] =	ssyncadd.s32 $0xFFFFFC00  }
0x1e: {  	v2 =	vld [tilespmem:s15+$0x0];
	_ =	sdelay $0x4  }
0x1f: {  	vm0 =	vgt.s32 v2, $0x7CFF  }
0x20: {  	v3 =	vsel vm0, $0x1, v0  }
0x21: {  	(xrf0) =	vadd.scan.msk.s32 $0xffff, v3;
	_ =	sdelay $0x5  }
0x22: {  	v4, _, _ =	vpop (xrf0)  }
0x23: {  	v3 =	vsub.s32 v4, v3;
	(v2sf) =	vpush v4, $0xF  }
0x24: {  	v3 =	vadd.s32 s3, v3;
	_ =	sdelay $0x3  }
0x25: {  	s16 =	rddreg [dreg:$0x5];
	v2 =	vadd.s32 $0xFFFF8300, v2  }
0x26: {  	v4 =	vor.u32 s16, v1;
	[tilespmem:v3+s18+$0x0] =	vst.idx.msk vm0, v2  }
0x27: {  	s22 =	simm.s32 $0x10;
	[tilespmem:v3+s19+$0x0] =	vst.idx.msk vm0, v4  }
0x28: {  	v2 =	vld [tilespmem:s22+$0x0];
	_ =	sdelay $0x4  }
0x29: {  	vm0 =	vgt.s32 v2, $0x7CFF  }
0x2a: {  	s2 =	simm.s32 $0x0;
	v3 =	vsel vm0, $0x1, v0  }
0x2b: {  	s0 =	smov.u32 s16;
	s15 =	simm.s32 $0x80;
	(xrf0) =	vadd.scan.msk.s32 $0xffff, v3;
	s21 =	spop (v2sf)  }
.LBB2_2:
0x2c: {  	s2 =	sadd.s32 s2, s21  }
0x2d: {  	s0 =	sadd.s32 $0x10, s0;
	s21 =	smov.u32 s15;
	s22 =	sadd.s32 $0x40, s15  }
0x2e: {  	p0 =	sne.s32 s15, $0x3C0;
	_ =	sdelay $0x3  }
0x2f: {  	v4, _, _ =	vpop (xrf0)  }
0x30: {  	v3 =	vsub.s32 v4, v3;
	(v2sf) =	vpush v4, $0xF  }
0x31: {  	v3 =	vadd.s32 s2, v3;
	_ =	sdelay $0x3  }
0x32: {  	v2 =	vadd.s32 $0xFFFF8300, v2  }
0x33: {  	v4 =	vor.u32 s0, v1;
	[tilespmem:v3+s18+$0x0] =	vst.idx.msk vm0, v2  }
0x34: {  	s15 =	sshra.s32 s21, $0x2;
	[tilespmem:v3+s19+$0x0] =	vst.idx.msk vm0, v4  }
0x35: {  	v2 =	vld [tilespmem:s15+$0x0];
	_ =	sdelay $0x2  }
.Ltmp2:
0x36: {  	(pc) =	sbr.rel @p0 .LBB2_2-.Ltmp2, $4  }
0x37: {  	_ = 	snop  }
0x38: {  	vm0 =	vgt.s32 v2, $0x7CFF  }
0x39: {  	v3 =	vsel vm0, $0x1, v0  }
0x3a: {  	s15 =	smov.u32 s22;
	(xrf0) =	vadd.scan.msk.s32 $0xffff, v3;
	s21 =	spop (v2sf)  }
0x3b: {  	_ =	sdelay $0x4  }
0x3c: {  	v4, _, _ =	vpop (xrf0)  }
0x3d: {  	(v2sf) =	vpush v4, $0xF;
	_ =	sdelay $0xe  }
0x3e: {  	s15 =	sadd.s32 s2, s21;
	s22 =	spop (v2sf)  }
0x3f: {  	v3 =	vsub.s32 v4, v3;
	s2 =	sadd.s32 s15, s22  }
0x40: {  	v3 =	vadd.s32 s15, v3;
	s5 =	sand.u32 $0xF, s2  }
0x41: {  	s16 =	sshra.s32 s2, $0x1F;
	p0 =	slt.s32 s2, $0x1;
	p1 =	sne.s32 s5, $0x0  }
0x42: {  	s22 =	sshrl.u32 s16, $0x1C;
	p0 =	por !p0, !p1  }
0x43: {  	s21 =	simm.s32 $0x1;
	s15 =	sadd.s32 s22, s2;
	p0 =	por !p0, !p0  }
0x44: {  	s0 =	sadd.s32 $0x10, s0;
	v2 =	vadd.s32 $0xFFFF8300, v2;
	s15 =	sshra.s32 s15, $0x4;
	s21 =	simm.s32 @!p0 $0x0  }
0x45: {  	v63 =	vor.u32 s0, v1;
	[tilespmem:v3+s18+$0x0] =	vst.idx.msk vm0, v2;
	s0 =	ssub.s32 s15, s21  }
0x46: {  	[tilespmem:v3+s19+$0x0] =	vst.idx.msk vm0, v63;
	p0 =	slt.s32 s0, $0x1  }
0x47: {  	v2 =	vld @!p0 [tilespmem:$0x400];
	_ =	sdelay $0x4  }
0x48: {  	v3 =	vshll.u32 @!p0 v2, $0x3  }
0x49: {  	v4 =	vlaneseq.u32 @!p0;
	v2 =	vand.u32 @!p0 $0x7, v2;
	v3 =	vand.u32 @!p0 $0xFFFFFFC0, v3  }
0x4a: {  	v5 =	vshrl.u32 @!p0 v4, $0x3;
	v2 =	vor.u32 @!p0 v2, v3;
	v3 =	vand.u32 @!p0 $0x7, v4  }
0x4b: {  	v5 =	vmul.u32 @!p0 $0x8, v5;
	v3 =	vperm.xlane @!p0 v2, v3;
	_ =	sdelay $0x1  }
0x4c: {  	v3 =	vadd.s32 @!p0 v5, v3;
	_ =	sdelay $0x3  }
0x4d: {  	vm0 =	vmmov @!p0 $0xffff;
	s15 =	simm.s32 @!p0 $0x0;
	s21 =	simm.s32 @!p0 $0xC00  }
0x4e: {  	v4 =	vor.u32 @!p0 $0x8, v4;
	[tilespmem:s21], [sflag:$0x1] =	stream.indirect_vreg.gather @!p0 [hbm4b:s4+s15], $0x80, v3, vm0, $0xb8;
	[tilespmem:$0x1CC00] =	vst v63  }
0x4f: {  	v2 =	vperm.xlane @!p0 v2, v4;
	s21 =	simm.s32 @!p0 $0x1400  }
0x50: {  	[tilespmem:s21], [sflag:$0x1] =	stream.indirect_vreg.gather @!p0 [hbm4b:s6+s15], $0x80, v3, vm0, $0xb8;
	[tilespmem:$0x1CC00] =	vst v63  }
0x51: {  	v2 =	vadd.s32 @!p0 v5, v2;
	s21 =	simm.s32 @!p0 $0x1C00  }
0x52: {  	[tilespmem:s21], [sflag:$0x1] =	stream.indirect_vreg.gather @!p0 [hbm4b:s7+s15], $0x80, v3, vm0, $0xb8;
	[tilespmem:$0x1CC00] =	vst v63  }
0x53: {  	s21 =	simm.s32 @!p0 $0x2400  }
0x54: {  	[tilespmem:s21], [sflag:$0x1] =	stream.indirect_vreg.gather @!p0 [hbm4b:s8+s15], $0x80, v3, vm0, $0xb8;
	[tilespmem:$0x1CC00] =	vst v63  }
0x55: {  	s21 =	simm.s32 @!p0 $0x2C00  }
0x56: {  	[tilespmem:s21], [sflag:$0x1] =	stream.indirect_vreg.gather @!p0 [hbm4b:s4+s15], $0x80, v2, vm0, $0xb8;
	[tilespmem:$0x1CC00] =	vst v63  }
0x57: {  	s21 =	simm.s32 @!p0 $0x3400  }
0x58: {  	[tilespmem:s21], [sflag:$0x1] =	stream.indirect_vreg.gather @!p0 [hbm4b:s6+s15], $0x80, v2, vm0, $0xb8;
	[tilespmem:$0x1CC00] =	vst v63  }
0x59: {  	s21 =	simm.s32 @!p0 $0x3C00  }
0x5a: {  	[tilespmem:s21], [sflag:$0x1] =	stream.indirect_vreg.gather @!p0 [hbm4b:s7+s15], $0x80, v2, vm0, $0xb8;
	[tilespmem:$0x1CC00] =	vst v63  }
0x5b: {  	p1 =	seq.s32 @!p0 s0, $0x1;
	s21 =	simm.s32 @!p0 $0x4400  }
0x5c: {  	[tilespmem:s21], [sflag:$0x1] =	stream.indirect_vreg.gather @!p0 [hbm4b:s8+s15], $0x80, v2, vm0, $0xb8;
	[tilespmem:$0x1CC00] =	vst v63  }
0x5d: {  	p0 =	por p0, p1  }
0x5e: {  	v2 =	vld @!p0 [tilespmem:$0x410];
	_ =	sdelay $0x4  }
0x5f: {  	v3 =	vshll.u32 @!p0 v2, $0x3  }
0x60: {  	v4 =	vlaneseq.u32 @!p0;
	v2 =	vand.u32 @!p0 $0x7, v2;
	v3 =	vand.u32 @!p0 $0xFFFFFFC0, v3  }
0x61: {  	v5 =	vshrl.u32 @!p0 v4, $0x3;
	v2 =	vor.u32 @!p0 v2, v3;
	v3 =	vand.u32 @!p0 $0x7, v4  }
0x62: {  	v5 =	vmul.u32 @!p0 $0x8, v5;
	v3 =	vperm.xlane @!p0 v2, v3;
	_ =	sdelay $0x1  }
0x63: {  	v3 =	vadd.s32 @!p0 v5, v3;
	_ =	sdelay $0x3  }
0x64: {  	vm0 =	vmmov @!p0 $0xffff;
	s15 =	simm.s32 @!p0 $0x0;
	s21 =	simm.s32 @!p0 $0x4C00  }
0x65: {  	v4 =	vor.u32 @!p0 $0x8, v4;
	[tilespmem:s21], [sflag:$0x1] =	stream.indirect_vreg.gather @!p0 [hbm4b:s4+s15], $0x80, v3, vm0, $0xb8;
	[tilespmem:$0x1CC00] =	vst v63  }
0x66: {  	v2 =	vperm.xlane @!p0 v2, v4;
	s21 =	simm.s32 @!p0 $0x5400  }
0x67: {  	[tilespmem:s21], [sflag:$0x1] =	stream.indirect_vreg.gather @!p0 [hbm4b:s6+s15], $0x80, v3, vm0, $0xb8;
	[tilespmem:$0x1CC00] =	vst v63  }
0x68: {  	v2 =	vadd.s32 @!p0 v5, v2;
	s21 =	simm.s32 @!p0 $0x5C00  }
0x69: {  	[tilespmem:s21], [sflag:$0x1] =	stream.indirect_vreg.gather @!p0 [hbm4b:s7+s15], $0x80, v3, vm0, $0xb8;
	[tilespmem:$0x1CC00] =	vst v63  }
0x6a: {  	s21 =	simm.s32 @!p0 $0x6400  }
0x6b: {  	[tilespmem:s21], [sflag:$0x1] =	stream.indirect_vreg.gather @!p0 [hbm4b:s8+s15], $0x80, v3, vm0, $0xb8;
	[tilespmem:$0x1CC00] =	vst v63  }
0x6c: {  	s21 =	simm.s32 @!p0 $0x6C00  }
0x6d: {  	[tilespmem:s21], [sflag:$0x1] =	stream.indirect_vreg.gather @!p0 [hbm4b:s4+s15], $0x80, v2, vm0, $0xb8;
	[tilespmem:$0x1CC00] =	vst v63  }
0x6e: {  	s21 =	simm.s32 @!p0 $0x7400  }
0x6f: {  	[tilespmem:s21], [sflag:$0x1] =	stream.indirect_vreg.gather @!p0 [hbm4b:s6+s15], $0x80, v2, vm0, $0xb8;
	[tilespmem:$0x1CC00] =	vst v63  }
0x70: {  	s21 =	simm.s32 @!p0 $0x7C00  }
0x71: {  	[tilespmem:s21], [sflag:$0x1] =	stream.indirect_vreg.gather @!p0 [hbm4b:s7+s15], $0x80, v2, vm0, $0xb8;
	[tilespmem:$0x1CC00] =	vst v63  }
0x72: {  	p1 =	slt.u32 @!p0 s0, $0x3;
	s21 =	simm.s32 @!p0 $0x8400  }
0x73: {  	[tilespmem:s21], [sflag:$0x1] =	stream.indirect_vreg.gather @!p0 [hbm4b:s8+s15], $0x80, v2, vm0, $0xb8;
	[tilespmem:$0x1CC00] =	vst v63  }
0x74: {  	p0 =	por p0, p1  }
0x75: {  	v2 =	vld @!p0 [tilespmem:$0x420];
	_ =	sdelay $0x4  }
0x76: {  	v3 =	vshll.u32 @!p0 v2, $0x3  }
0x77: {  	v4 =	vlaneseq.u32 @!p0;
	v2 =	vand.u32 @!p0 $0x7, v2;
	v3 =	vand.u32 @!p0 $0xFFFFFFC0, v3  }
0x78: {  	v5 =	vshrl.u32 @!p0 v4, $0x3;
	v2 =	vor.u32 @!p0 v2, v3;
	v3 =	vand.u32 @!p0 $0x7, v4  }
0x79: {  	v5 =	vmul.u32 @!p0 $0x8, v5;
	v3 =	vperm.xlane @!p0 v2, v3;
	_ =	sdelay $0x1  }
0x7a: {  	v3 =	vadd.s32 @!p0 v5, v3;
	_ =	sdelay $0x3  }
0x7b: {  	vm0 =	vmmov @!p0 $0xffff;
	s15 =	simm.s32 @!p0 $0x0;
	s21 =	simm.s32 @!p0 $0x8C00  }
0x7c: {  	v4 =	vor.u32 @!p0 $0x8, v4;
	[tilespmem:s21], [sflag:$0x1] =	stream.indirect_vreg.gather @!p0 [hbm4b:s4+s15], $0x80, v3, vm0, $0xb8;
	[tilespmem:$0x1CC00] =	vst v63  }
0x7d: {  	v2 =	vperm.xlane @!p0 v2, v4;
	s21 =	simm.s32 @!p0 $0x9400  }
0x7e: {  	[tilespmem:s21], [sflag:$0x1] =	stream.indirect_vreg.gather @!p0 [hbm4b:s6+s15], $0x80, v3, vm0, $0xb8;
	[tilespmem:$0x1CC00] =	vst v63  }
0x7f: {  	v2 =	vadd.s32 @!p0 v5, v2;
	s21 =	simm.s32 @!p0 $0x9C00  }
0x80: {  	[tilespmem:s21], [sflag:$0x1] =	stream.indirect_vreg.gather @!p0 [hbm4b:s7+s15], $0x80, v3, vm0, $0xb8;
	[tilespmem:$0x1CC00] =	vst v63  }
0x81: {  	s21 =	simm.s32 @!p0 $0xA400  }
0x82: {  	[tilespmem:s21], [sflag:$0x1] =	stream.indirect_vreg.gather @!p0 [hbm4b:s8+s15], $0x80, v3, vm0, $0xb8;
	[tilespmem:$0x1CC00] =	vst v63  }
0x83: {  	s21 =	simm.s32 @!p0 $0xAC00  }
0x84: {  	[tilespmem:s21], [sflag:$0x1] =	stream.indirect_vreg.gather @!p0 [hbm4b:s4+s15], $0x80, v2, vm0, $0xb8;
	[tilespmem:$0x1CC00] =	vst v63  }
0x85: {  	s21 =	simm.s32 @!p0 $0xB400  }
0x86: {  	[tilespmem:s21], [sflag:$0x1] =	stream.indirect_vreg.gather @!p0 [hbm4b:s6+s15], $0x80, v2, vm0, $0xb8;
	[tilespmem:$0x1CC00] =	vst v63  }
0x87: {  	s21 =	simm.s32 @!p0 $0xBC00  }
0x88: {  	[tilespmem:s21], [sflag:$0x1] =	stream.indirect_vreg.gather @!p0 [hbm4b:s7+s15], $0x80, v2, vm0, $0xb8;
	[tilespmem:$0x1CC00] =	vst v63  }
0x89: {  	p1 =	seq.s32 @!p0 s0, $0x3;
	s21 =	simm.s32 @!p0 $0xC400  }
0x8a: {  	[tilespmem:s21], [sflag:$0x1] =	stream.indirect_vreg.gather @!p0 [hbm4b:s8+s15], $0x80, v2, vm0, $0xb8;
	[tilespmem:$0x1CC00] =	vst v63  }
0x8b: {  	p0 =	por p0, p1  }
0x8c: {  	v2 =	vld @!p0 [tilespmem:$0x430];
	_ =	sdelay $0x4  }
0x8d: {  	v3 =	vshll.u32 @!p0 v2, $0x3  }
0x8e: {  	v4 =	vlaneseq.u32 @!p0;
	v2 =	vand.u32 @!p0 $0x7, v2;
	v3 =	vand.u32 @!p0 $0xFFFFFFC0, v3  }
0x8f: {  	v5 =	vshrl.u32 @!p0 v4, $0x3;
	v2 =	vor.u32 @!p0 v2, v3;
	v3 =	vand.u32 @!p0 $0x7, v4  }
0x90: {  	v5 =	vmul.u32 @!p0 $0x8, v5;
	v3 =	vperm.xlane @!p0 v2, v3;
	_ =	sdelay $0x1  }
0x91: {  	v3 =	vadd.s32 @!p0 v5, v3;
	_ =	sdelay $0x3  }
0x92: {  	vm0 =	vmmov @!p0 $0xffff;
	s15 =	simm.s32 @!p0 $0x0;
	s21 =	simm.s32 @!p0 $0xCC00  }
0x93: {  	v4 =	vor.u32 @!p0 $0x8, v4;
	[tilespmem:s21], [sflag:$0x1] =	stream.indirect_vreg.gather @!p0 [hbm4b:s4+s15], $0x80, v3, vm0, $0xb8;
	[tilespmem:$0x1CC00] =	vst v63  }
0x94: {  	v2 =	vperm.xlane @!p0 v2, v4;
	s21 =	simm.s32 @!p0 $0xD400  }
0x95: {  	[tilespmem:s21], [sflag:$0x1] =	stream.indirect_vreg.gather @!p0 [hbm4b:s6+s15], $0x80, v3, vm0, $0xb8;
	[tilespmem:$0x1CC00] =	vst v63  }
0x96: {  	v2 =	vadd.s32 @!p0 v5, v2;
	s21 =	simm.s32 @!p0 $0xDC00  }
0x97: {  	[tilespmem:s21], [sflag:$0x1] =	stream.indirect_vreg.gather @!p0 [hbm4b:s7+s15], $0x80, v3, vm0, $0xb8;
	[tilespmem:$0x1CC00] =	vst v63  }
0x98: {  	s21 =	simm.s32 @!p0 $0xE400  }
0x99: {  	[tilespmem:s21], [sflag:$0x1] =	stream.indirect_vreg.gather @!p0 [hbm4b:s8+s15], $0x80, v3, vm0, $0xb8;
	[tilespmem:$0x1CC00] =	vst v63  }
0x9a: {  	s21 =	simm.s32 @!p0 $0xEC00  }
0x9b: {  	[tilespmem:s21], [sflag:$0x1] =	stream.indirect_vreg.gather @!p0 [hbm4b:s4+s15], $0x80, v2, vm0, $0xb8;
	[tilespmem:$0x1CC00] =	vst v63  }
0x9c: {  	s21 =	simm.s32 @!p0 $0xF400  }
0x9d: {  	[tilespmem:s21], [sflag:$0x1] =	stream.indirect_vreg.gather @!p0 [hbm4b:s6+s15], $0x80, v2, vm0, $0xb8;
	[tilespmem:$0x1CC00] =	vst v63  }
0x9e: {  	s21 =	simm.s32 @!p0 $0xFC00  }
0x9f: {  	[tilespmem:s21], [sflag:$0x1] =	stream.indirect_vreg.gather @!p0 [hbm4b:s7+s15], $0x80, v2, vm0, $0xb8;
	[tilespmem:$0x1CC00] =	vst v63  }
0xa0: {  	p1 =	slt.u32 @!p0 s0, $0x5;
	s21 =	simm.s32 @!p0 $0x10400  }
0xa1: {  	[tilespmem:s21], [sflag:$0x1] =	stream.indirect_vreg.gather @!p0 [hbm4b:s8+s15], $0x80, v2, vm0, $0xb8;
	[tilespmem:$0x1CC00] =	vst v63  }
0xa2: {  	p0 =	por p0, p1  }
0xa3: {  	v2 =	vld @!p0 [tilespmem:$0x440];
	_ =	sdelay $0x4  }
0xa4: {  	v3 =	vshll.u32 @!p0 v2, $0x3  }
0xa5: {  	v4 =	vlaneseq.u32 @!p0;
	v2 =	vand.u32 @!p0 $0x7, v2;
	v3 =	vand.u32 @!p0 $0xFFFFFFC0, v3  }
0xa6: {  	v5 =	vshrl.u32 @!p0 v4, $0x3;
	v2 =	vor.u32 @!p0 v2, v3;
	v3 =	vand.u32 @!p0 $0x7, v4  }
0xa7: {  	v5 =	vmul.u32 @!p0 $0x8, v5;
	v3 =	vperm.xlane @!p0 v2, v3;
	_ =	sdelay $0x1  }
0xa8: {  	v3 =	vadd.s32 @!p0 v5, v3;
	_ =	sdelay $0x3  }
0xa9: {  	vm0 =	vmmov @!p0 $0xffff;
	s15 =	simm.s32 @!p0 $0x0;
	s21 =	simm.s32 @!p0 $0x10C00  }
0xaa: {  	v4 =	vor.u32 @!p0 $0x8, v4;
	[tilespmem:s21], [sflag:$0x1] =	stream.indirect_vreg.gather @!p0 [hbm4b:s4+s15], $0x80, v3, vm0, $0xb8;
	[tilespmem:$0x1CC00] =	vst v63  }
0xab: {  	v2 =	vperm.xlane @!p0 v2, v4;
	s21 =	simm.s32 @!p0 $0x11400  }
0xac: {  	[tilespmem:s21], [sflag:$0x1] =	stream.indirect_vreg.gather @!p0 [hbm4b:s6+s15], $0x80, v3, vm0, $0xb8;
	[tilespmem:$0x1CC00] =	vst v63  }
0xad: {  	v2 =	vadd.s32 @!p0 v5, v2;
	s21 =	simm.s32 @!p0 $0x11C00  }
0xae: {  	[tilespmem:s21], [sflag:$0x1] =	stream.indirect_vreg.gather @!p0 [hbm4b:s7+s15], $0x80, v3, vm0, $0xb8;
	[tilespmem:$0x1CC00] =	vst v63  }
0xaf: {  	s21 =	simm.s32 @!p0 $0x12400  }
0xb0: {  	[tilespmem:s21], [sflag:$0x1] =	stream.indirect_vreg.gather @!p0 [hbm4b:s8+s15], $0x80, v3, vm0, $0xb8;
	[tilespmem:$0x1CC00] =	vst v63  }
0xb1: {  	s21 =	simm.s32 @!p0 $0x12C00  }
0xb2: {  	[tilespmem:s21], [sflag:$0x1] =	stream.indirect_vreg.gather @!p0 [hbm4b:s4+s15], $0x80, v2, vm0, $0xb8;
	[tilespmem:$0x1CC00] =	vst v63  }
0xb3: {  	s21 =	simm.s32 @!p0 $0x13400  }
0xb4: {  	[tilespmem:s21], [sflag:$0x1] =	stream.indirect_vreg.gather @!p0 [hbm4b:s6+s15], $0x80, v2, vm0, $0xb8;
	[tilespmem:$0x1CC00] =	vst v63  }
0xb5: {  	s21 =	simm.s32 @!p0 $0x13C00  }
0xb6: {  	[tilespmem:s21], [sflag:$0x1] =	stream.indirect_vreg.gather @!p0 [hbm4b:s7+s15], $0x80, v2, vm0, $0xb8;
	[tilespmem:$0x1CC00] =	vst v63  }
0xb7: {  	p1 =	seq.s32 @!p0 s0, $0x5;
	s21 =	simm.s32 @!p0 $0x14400  }
0xb8: {  	[tilespmem:s21], [sflag:$0x1] =	stream.indirect_vreg.gather @!p0 [hbm4b:s8+s15], $0x80, v2, vm0, $0xb8;
	[tilespmem:$0x1CC00] =	vst v63  }
0xb9: {  	p0 =	por p0, p1  }
.Ltmp3:
0xba: {  	_ = 	snop;
	(pc) =	sbr.rel @p0 .LBB2_5-.Ltmp3, $1  }
0xbb: {  	_ =	sdelay $0x3  }
0xbc: {  	v2 =	vld [tilespmem:$0x450];
	_ =	sdelay $0x4  }
0xbd: {  	v3 =	vshll.u32 v2, $0x3  }
0xbe: {  	v2 =	vand.u32 $0x7, v2;
	v3 =	vand.u32 $0xFFFFFFC0, v3  }
0xbf: {  	v4 =	vshrl.u32 v1, $0x3;
	v2 =	vor.u32 v2, v3;
	v3 =	vand.u32 $0x7, v1  }
0xc0: {  	v4 =	vmul.u32 $0x8, v4;
	v3 =	vperm.xlane v2, v3;
	_ =	sdelay $0x1  }
0xc1: {  	v3 =	vadd.s32 v4, v3;
	_ =	sdelay $0x3  }
0xc2: {  	vm0 =	vmmov $0xffff  }
0xc3: {  	v5 =	vor.u32 $0x8, v1;
	[tilespmem:s23], [sflag:$0x1] =	stream.indirect_vreg.gather [hbm4b:s4+s3], $0x80, v3, vm0, $0xb8;
	[tilespmem:$0x1CC00] =	vst v63  }
0xc4: {  	v2 =	vperm.xlane v2, v5  }
0xc5: {  	[tilespmem:s24], [sflag:$0x1] =	stream.indirect_vreg.gather [hbm4b:s6+s3], $0x80, v3, vm0, $0xb8;
	[tilespmem:$0x1CC00] =	vst v63  }
0xc6: {  	v2 =	vadd.s32 v4, v2  }
0xc7: {  	[tilespmem:s25], [sflag:$0x1] =	stream.indirect_vreg.gather [hbm4b:s7+s3], $0x80, v3, vm0, $0xb8;
	[tilespmem:$0x1CC00] =	vst v63  }
0xc8: {  	_ = 	snop  }
0xc9: {  	[tilespmem:s26], [sflag:$0x1] =	stream.indirect_vreg.gather [hbm4b:s8+s3], $0x80, v3, vm0, $0xb8;
	[tilespmem:$0x1CC00] =	vst v63  }
0xca: {  	_ = 	snop  }
0xcb: {  	[tilespmem:s28], [sflag:$0x1] =	stream.indirect_vreg.gather [hbm4b:s4+s3], $0x80, v2, vm0, $0xb8;
	[tilespmem:$0x1CC00] =	vst v63  }
0xcc: {  	_ = 	snop  }
0xcd: {  	[tilespmem:s29], [sflag:$0x1] =	stream.indirect_vreg.gather [hbm4b:s6+s3], $0x80, v2, vm0, $0xb8;
	[tilespmem:$0x1CC00] =	vst v63  }
0xce: {  	_ = 	snop  }
0xcf: {  	[tilespmem:s30], [sflag:$0x1] =	stream.indirect_vreg.gather [hbm4b:s7+s3], $0x80, v2, vm0, $0xb8;
	[tilespmem:$0x1CC00] =	vst v63  }
0xd0: {  	p0 =	slt.u32 s0, $0x7  }
0xd1: {  	[tilespmem:s31], [sflag:$0x1] =	stream.indirect_vreg.gather [hbm4b:s8+s3], $0x80, v2, vm0, $0xb8;
	[tilespmem:$0x1CC00] =	vst v63  }
0xd2: {  	v2 =	vld @!p0 [tilespmem:$0x460];
	_ =	sdelay $0x4  }
0xd3: {  	v3 =	vshll.u32 @!p0 v2, $0x3  }
0xd4: {  	v4 =	vlaneseq.u32 @!p0;
	v2 =	vand.u32 @!p0 $0x7, v2;
	v3 =	vand.u32 @!p0 $0xFFFFFFC0, v3  }
0xd5: {  	v5 =	vshrl.u32 @!p0 v4, $0x3;
	v2 =	vor.u32 @!p0 v2, v3;
	v3 =	vand.u32 @!p0 $0x7, v4  }
0xd6: {  	v5 =	vmul.u32 @!p0 $0x8, v5;
	v3 =	vperm.xlane @!p0 v2, v3;
	_ =	sdelay $0x1  }
0xd7: {  	v3 =	vadd.s32 @!p0 v5, v3;
	_ =	sdelay $0x3  }
0xd8: {  	s15 =	simm.s32 @!p0 $0x0;
	s21 =	simm.s32 @!p0 $0x18C00;
	vm0 =	vmmov @!p0 $0xffff  }
0xd9: {  	v4 =	vor.u32 @!p0 $0x8, v4;
	[tilespmem:s21], [sflag:$0x1] =	stream.indirect_vreg.gather @!p0 [hbm4b:s4+s15], $0x80, v3, vm0, $0xb8;
	[tilespmem:$0x1CC00] =	vst v63  }
0xda: {  	v2 =	vperm.xlane @!p0 v2, v4;
	s21 =	simm.s32 @!p0 $0x19400  }
0xdb: {  	[tilespmem:s21], [sflag:$0x1] =	stream.indirect_vreg.gather @!p0 [hbm4b:s6+s15], $0x80, v3, vm0, $0xb8;
	[tilespmem:$0x1CC00] =	vst v63  }
0xdc: {  	v2 =	vadd.s32 @!p0 v5, v2;
	s21 =	simm.s32 @!p0 $0x19C00  }
0xdd: {  	[tilespmem:s21], [sflag:$0x1] =	stream.indirect_vreg.gather @!p0 [hbm4b:s7+s15], $0x80, v3, vm0, $0xb8;
	[tilespmem:$0x1CC00] =	vst v63  }
0xde: {  	s21 =	simm.s32 @!p0 $0x1A400  }
0xdf: {  	[tilespmem:s21], [sflag:$0x1] =	stream.indirect_vreg.gather @!p0 [hbm4b:s8+s15], $0x80, v3, vm0, $0xb8;
	[tilespmem:$0x1CC00] =	vst v63  }
0xe0: {  	s21 =	simm.s32 @!p0 $0x1AC00  }
0xe1: {  	[tilespmem:s21], [sflag:$0x1] =	stream.indirect_vreg.gather @!p0 [hbm4b:s4+s15], $0x80, v2, vm0, $0xb8;
	[tilespmem:$0x1CC00] =	vst v63  }
0xe2: {  	s21 =	simm.s32 @!p0 $0x1B400  }
0xe3: {  	[tilespmem:s21], [sflag:$0x1] =	stream.indirect_vreg.gather @!p0 [hbm4b:s6+s15], $0x80, v2, vm0, $0xb8;
	[tilespmem:$0x1CC00] =	vst v63  }
0xe4: {  	s21 =	simm.s32 @!p0 $0x1BC00  }
0xe5: {  	[tilespmem:s21], [sflag:$0x1] =	stream.indirect_vreg.gather @!p0 [hbm4b:s7+s15], $0x80, v2, vm0, $0xb8;
	[tilespmem:$0x1CC00] =	vst v63  }
0xe6: {  	s21 =	simm.s32 @!p0 $0x1C400  }
0xe7: {  	[tilespmem:s21], [sflag:$0x1] =	stream.indirect_vreg.gather @!p0 [hbm4b:s8+s15], $0x80, v2, vm0, $0xb8;
	[tilespmem:$0x1CC00] =	vst v63  }
.LBB2_5:
0xe8: {  	s15 =	simm.s32 $0x100  }
0xe9: {  	v2 =	vld [tilespmem:s15+$0x0];
	_ =	sdelay $0x4  }
0xea: {  	vm0 =	vgt.s32 v2, $0x7CFF  }
0xeb: {  	v3 =	vsel vm0, $0x1, v0  }
0xec: {  	(xrf0) =	vadd.scan.msk.s32 $0xffff, v3;
	_ =	sdelay $0x5  }
0xed: {  	v4, _, _ =	vpop (xrf0)  }
0xee: {  	v3 =	vsub.s32 v4, v3;
	(v2sf) =	vpush v4, $0xF  }
0xef: {  	v3 =	vadd.s32 s2, v3;
	_ =	sdelay $0x3  }
0xf0: {  	s5 =	rddreg [dreg:$0x7];
	v2 =	vadd.s32 $0xFFFF8300, v2  }
0xf1: {  	v4 =	vor.u32 s5, v1;
	[tilespmem:v3+s18+$0x0] =	vst.idx.msk vm0, v2  }
0xf2: {  	s22 =	simm.s32 $0x110;
	[tilespmem:v3+s19+$0x0] =	vst.idx.msk vm0, v4  }
0xf3: {  	v2 =	vld [tilespmem:s22+$0x0];
	_ =	sdelay $0x4  }
0xf4: {  	vm0 =	vgt.s32 v2, $0x7CFF  }
0xf5: {  	v3 =	vsel vm0, $0x1, v0  }
0xf6: {  	s21 =	simm.s32 $0x480;
	s15 =	smov.u32 s5;
	(xrf0) =	vadd.scan.msk.s32 $0xffff, v3;
	s22 =	spop (v2sf)  }
.LBB2_6:
0xf7: {  	s2 =	sadd.s32 s2, s22  }
0xf8: {  	s15 =	sadd.s32 $0x10, s15;
	s22 =	smov.u32 s21;
	s16 =	sadd.s32 $0x40, s21  }
0xf9: {  	p0 =	sne.s32 s21, $0xFC0;
	_ =	sdelay $0x3  }
0xfa: {  	v4, _, _ =	vpop (xrf0)  }
0xfb: {  	v3 =	vsub.s32 v4, v3;
	(v2sf) =	vpush v4, $0xF  }
0xfc: {  	v3 =	vadd.s32 s2, v3;
	_ =	sdelay $0x3  }
0xfd: {  	v2 =	vadd.s32 $0xFFFF8300, v2  }
0xfe: {  	v4 =	vor.u32 s15, v1;
	[tilespmem:v3+s18+$0x0] =	vst.idx.msk vm0, v2  }
0xff: {  	s21 =	sshra.s32 s22, $0x2;
	[tilespmem:v3+s19+$0x0] =	vst.idx.msk vm0, v4  }
0x100: {  	v2 =	vld [tilespmem:s21+$0x0];
	_ =	sdelay $0x2  }
.Ltmp4:
0x101: {  	(pc) =	sbr.rel @p0 .LBB2_6-.Ltmp4, $4  }
0x102: {  	_ = 	snop  }
0x103: {  	vm0 =	vgt.s32 v2, $0x7CFF  }
0x104: {  	v3 =	vsel vm0, $0x1, v0  }
0x105: {  	s21 =	smov.u32 s16;
	(xrf0) =	vadd.scan.msk.s32 $0xffff, v3;
	s22 =	spop (v2sf)  }
0x106: {  	_ =	sdelay $0x4  }
0x107: {  	v4, _, _ =	vpop (xrf0)  }
0x108: {  	(v2sf) =	vpush v4, $0xF;
	_ =	sdelay $0xe  }
0x109: {  	s2 =	sadd.s32 s2, s22;
	v3 =	vsub.s32 v4, v3;
	s16 =	spop (v2sf)  }
0x10a: {  	v3 =	vadd.s32 s2, v3;
	s16 =	sadd.s32 s2, s16  }
0x10b: {  	s5 =	sadd.s32 $0x7, s16  }
0x10c: {  	s2 =	sand.u32 $0xFFFFFFF8, s5  }
0x10d: {  	p0 =	sgt.s32 s2, $0x10  }
0x10e: {  	s15 =	sadd.s32 $0x10, s15;
	v2 =	vadd.s32 $0xFFFF8300, v2;
	v63 =	vadd.s32 s16, v1;
	s2 =	simm.s32 @!p0 $0x10;
	p0 =	sgt.s32 s16, $0x0  }
0x10f: {  	[tilespmem:v3+s18+$0x0] =	vst.idx.msk vm0, v2;
	v2 =	vor.u32 s15, v1;
	vm1 =	vlt.s32 v63, s2;
	s2 =	simm.s32 @!p0 $0x0  }
0x110: {  	[tilespmem:v3+s19+$0x0] =	vst.idx.msk vm0, v2;
	s16 =	sadd.s32 $0xF, s2  }
0x111: {  	v2 =	vld.msk [tilespmem:s18+$0x0], $0xffff;
	s22 =	sshra.s32 s16, $0x1F  }
0x112: {  	v3 =	vld.msk [tilespmem:s19+$0x0], $0xffff;
	s21 =	sshrl.u32 s22, $0x1C  }
0x113: {  	s15 =	sadd.s32 s21, s16  }
0x114: {  	s15 =	sshra.s32 s15, $0x4  }
0x115: {  	p0 =	sgt.s32 s0, $0x0;
	s21 =	sadd.s32 s22, s15  }
0x116: {  	[tilespmem:v63+s18+$0x0] =	vst.idx.msk vm1, v2;
	p1 =	slt.s32 @!p0 s21, $0x1  }
0x117: {  	[tilespmem:v63+s19+$0x0] =	vst.idx.msk vm1, v3;
	p0 =	por p1, p0  }
0x118: {  	v2 =	vld @!p0 [tilespmem:$0x400];
	_ =	sdelay $0x4  }
0x119: {  	v3 =	vshll.u32 @!p0 v2, $0x3  }
0x11a: {  	v4 =	vlaneseq.u32 @!p0;
	v2 =	vand.u32 @!p0 $0x7, v2;
	v3 =	vand.u32 @!p0 $0xFFFFFFC0, v3  }
0x11b: {  	v5 =	vshrl.u32 @!p0 v4, $0x3;
	v2 =	vor.u32 @!p0 v2, v3;
	v3 =	vand.u32 @!p0 $0x7, v4  }
0x11c: {  	v5 =	vmul.u32 @!p0 $0x8, v5;
	v3 =	vperm.xlane @!p0 v2, v3;
	_ =	sdelay $0x1  }
0x11d: {  	v3 =	vadd.s32 @!p0 v5, v3;
	_ =	sdelay $0x3  }
0x11e: {  	vm0 =	vmmov @!p0 $0xffff;
	s15 =	simm.s32 @!p0 $0x0;
	s16 =	simm.s32 @!p0 $0xC00  }
0x11f: {  	v4 =	vor.u32 @!p0 $0x8, v4;
	[tilespmem:s16], [sflag:$0x1] =	stream.indirect_vreg.gather @!p0 [hbm4b:s4+s15], $0x80, v3, vm0, $0xb8;
	[tilespmem:$0x1CC00] =	vst v63  }
0x120: {  	v2 =	vperm.xlane @!p0 v2, v4;
	s16 =	simm.s32 @!p0 $0x1400  }
0x121: {  	[tilespmem:s16], [sflag:$0x1] =	stream.indirect_vreg.gather @!p0 [hbm4b:s6+s15], $0x80, v3, vm0, $0xb8;
	[tilespmem:$0x1CC00] =	vst v63  }
0x122: {  	v2 =	vadd.s32 @!p0 v5, v2;
	s16 =	simm.s32 @!p0 $0x1C00  }
0x123: {  	[tilespmem:s16], [sflag:$0x1] =	stream.indirect_vreg.gather @!p0 [hbm4b:s7+s15], $0x80, v3, vm0, $0xb8;
	[tilespmem:$0x1CC00] =	vst v63  }
0x124: {  	s16 =	simm.s32 @!p0 $0x2400  }
0x125: {  	[tilespmem:s16], [sflag:$0x1] =	stream.indirect_vreg.gather @!p0 [hbm4b:s8+s15], $0x80, v3, vm0, $0xb8;
	[tilespmem:$0x1CC00] =	vst v63  }
0x126: {  	s16 =	simm.s32 @!p0 $0x2C00  }
0x127: {  	[tilespmem:s16], [sflag:$0x1] =	stream.indirect_vreg.gather @!p0 [hbm4b:s4+s15], $0x80, v2, vm0, $0xb8;
	[tilespmem:$0x1CC00] =	vst v63  }
0x128: {  	s16 =	simm.s32 @!p0 $0x3400  }
0x129: {  	[tilespmem:s16], [sflag:$0x1] =	stream.indirect_vreg.gather @!p0 [hbm4b:s6+s15], $0x80, v2, vm0, $0xb8;
	[tilespmem:$0x1CC00] =	vst v63  }
0x12a: {  	s16 =	simm.s32 @!p0 $0x3C00  }
0x12b: {  	[tilespmem:s16], [sflag:$0x1] =	stream.indirect_vreg.gather @!p0 [hbm4b:s7+s15], $0x80, v2, vm0, $0xb8;
	[tilespmem:$0x1CC00] =	vst v63  }
0x12c: {  	s16 =	simm.s32 @!p0 $0x4400  }
0x12d: {  	[tilespmem:s16], [sflag:$0x1] =	stream.indirect_vreg.gather @!p0 [hbm4b:s8+s15], $0x80, v2, vm0, $0xb8;
	[tilespmem:$0x1CC00] =	vst v63  }
0x12e: {  	p0 =	sgt.s32 s0, $0x1  }
0x12f: {  	s2 =	smax.u32 s2, $0x10;
	p1 =	slt.s32 @!p0 s21, $0x2  }
0x130: {  	s22 =	sadd.s32 $0xFFFFFFF0, s2;
	p0 =	por p1, p0  }
0x131: {  	s2 =	smin.u32 @!p0 s22, $0x10  }
0x132: {  	v2 =	vld @!p0 [tilespmem:s2+$0x400];
	_ =	sdelay $0x4  }
0x133: {  	v3 =	vshll.u32 @!p0 v2, $0x3  }
0x134: {  	v4 =	vlaneseq.u32 @!p0;
	v2 =	vand.u32 @!p0 $0x7, v2;
	v3 =	vand.u32 @!p0 $0xFFFFFFC0, v3  }
0x135: {  	v5 =	vshrl.u32 @!p0 v4, $0x3;
	v2 =	vor.u32 @!p0 v2, v3;
	v3 =	vand.u32 @!p0 $0x7, v4  }
0x136: {  	v5 =	vmul.u32 @!p0 $0x8, v5;
	v3 =	vperm.xlane @!p0 v2, v3;
	_ =	sdelay $0x1  }
0x137: {  	v3 =	vadd.s32 @!p0 v5, v3;
	_ =	sdelay $0x3  }
0x138: {  	vm0 =	vmmov @!p0 $0xffff;
	s15 =	simm.s32 @!p0 $0x4C00;
	s2 =	simm.s32 @!p0 $0x0  }
0x139: {  	v4 =	vor.u32 @!p0 $0x8, v4;
	[tilespmem:s15], [sflag:$0x1] =	stream.indirect_vreg.gather @!p0 [hbm4b:s4+s2], $0x80, v3, vm0, $0xb8;
	[tilespmem:$0x1CC00] =	vst v63  }
0x13a: {  	v2 =	vperm.xlane @!p0 v2, v4;
	s15 =	simm.s32 @!p0 $0x5400  }
0x13b: {  	[tilespmem:s15], [sflag:$0x1] =	stream.indirect_vreg.gather @!p0 [hbm4b:s6+s2], $0x80, v3, vm0, $0xb8;
	[tilespmem:$0x1CC00] =	vst v63  }
0x13c: {  	v2 =	vadd.s32 @!p0 v5, v2;
	s15 =	simm.s32 @!p0 $0x5C00  }
0x13d: {  	[tilespmem:s15], [sflag:$0x1] =	stream.indirect_vreg.gather @!p0 [hbm4b:s7+s2], $0x80, v3, vm0, $0xb8;
	[tilespmem:$0x1CC00] =	vst v63  }
0x13e: {  	s15 =	simm.s32 @!p0 $0x6400  }
0x13f: {  	[tilespmem:s15], [sflag:$0x1] =	stream.indirect_vreg.gather @!p0 [hbm4b:s8+s2], $0x80, v3, vm0, $0xb8;
	[tilespmem:$0x1CC00] =	vst v63  }
0x140: {  	s15 =	simm.s32 @!p0 $0x6C00  }
0x141: {  	[tilespmem:s15], [sflag:$0x1] =	stream.indirect_vreg.gather @!p0 [hbm4b:s4+s2], $0x80, v2, vm0, $0xb8;
	[tilespmem:$0x1CC00] =	vst v63  }
0x142: {  	s15 =	simm.s32 @!p0 $0x7400  }
0x143: {  	[tilespmem:s15], [sflag:$0x1] =	stream.indirect_vreg.gather @!p0 [hbm4b:s6+s2], $0x80, v2, vm0, $0xb8;
	[tilespmem:$0x1CC00] =	vst v63  }
0x144: {  	s15 =	simm.s32 @!p0 $0x7C00  }
0x145: {  	[tilespmem:s15], [sflag:$0x1] =	stream.indirect_vreg.gather @!p0 [hbm4b:s7+s2], $0x80, v2, vm0, $0xb8;
	[tilespmem:$0x1CC00] =	vst v63  }
0x146: {  	s15 =	simm.s32 @!p0 $0x8400  }
0x147: {  	[tilespmem:s15], [sflag:$0x1] =	stream.indirect_vreg.gather @!p0 [hbm4b:s8+s2], $0x80, v2, vm0, $0xb8;
	[tilespmem:$0x1CC00] =	vst v63  }
0x148: {  	p0 =	sgt.s32 s0, $0x2  }
0x149: {  	p1 =	slt.s32 @!p0 s21, $0x3  }
0x14a: {  	p0 =	por p1, p0  }
0x14b: {  	s2 =	smin.u32 @!p0 s22, $0x20  }
0x14c: {  	v2 =	vld @!p0 [tilespmem:s2+$0x400];
	_ =	sdelay $0x4  }
0x14d: {  	v3 =	vshll.u32 @!p0 v2, $0x3  }
0x14e: {  	v4 =	vlaneseq.u32 @!p0;
	v2 =	vand.u32 @!p0 $0x7, v2;
	v3 =	vand.u32 @!p0 $0xFFFFFFC0, v3  }
0x14f: {  	v5 =	vshrl.u32 @!p0 v4, $0x3;
	v2 =	vor.u32 @!p0 v2, v3;
	v3 =	vand.u32 @!p0 $0x7, v4  }
0x150: {  	v5 =	vmul.u32 @!p0 $0x8, v5;
	v3 =	vperm.xlane @!p0 v2, v3;
	_ =	sdelay $0x1  }
0x151: {  	v3 =	vadd.s32 @!p0 v5, v3;
	_ =	sdelay $0x3  }
0x152: {  	vm0 =	vmmov @!p0 $0xffff;
	s15 =	simm.s32 @!p0 $0x8C00;
	s2 =	simm.s32 @!p0 $0x0  }
0x153: {  	v4 =	vor.u32 @!p0 $0x8, v4;
	[tilespmem:s15], [sflag:$0x1] =	stream.indirect_vreg.gather @!p0 [hbm4b:s4+s2], $0x80, v3, vm0, $0xb8;
	[tilespmem:$0x1CC00] =	vst v63  }
0x154: {  	v2 =	vperm.xlane @!p0 v2, v4;
	s15 =	simm.s32 @!p0 $0x9400  }
0x155: {  	[tilespmem:s15], [sflag:$0x1] =	stream.indirect_vreg.gather @!p0 [hbm4b:s6+s2], $0x80, v3, vm0, $0xb8;
	[tilespmem:$0x1CC00] =	vst v63  }
0x156: {  	v2 =	vadd.s32 @!p0 v5, v2;
	s15 =	simm.s32 @!p0 $0x9C00  }
0x157: {  	[tilespmem:s15], [sflag:$0x1] =	stream.indirect_vreg.gather @!p0 [hbm4b:s7+s2], $0x80, v3, vm0, $0xb8;
	[tilespmem:$0x1CC00] =	vst v63  }
0x158: {  	s15 =	simm.s32 @!p0 $0xA400  }
0x159: {  	[tilespmem:s15], [sflag:$0x1] =	stream.indirect_vreg.gather @!p0 [hbm4b:s8+s2], $0x80, v3, vm0, $0xb8;
	[tilespmem:$0x1CC00] =	vst v63  }
0x15a: {  	s15 =	simm.s32 @!p0 $0xAC00  }
0x15b: {  	[tilespmem:s15], [sflag:$0x1] =	stream.indirect_vreg.gather @!p0 [hbm4b:s4+s2], $0x80, v2, vm0, $0xb8;
	[tilespmem:$0x1CC00] =	vst v63  }
0x15c: {  	s15 =	simm.s32 @!p0 $0xB400  }
0x15d: {  	[tilespmem:s15], [sflag:$0x1] =	stream.indirect_vreg.gather @!p0 [hbm4b:s6+s2], $0x80, v2, vm0, $0xb8;
	[tilespmem:$0x1CC00] =	vst v63  }
0x15e: {  	s15 =	simm.s32 @!p0 $0xBC00  }
0x15f: {  	[tilespmem:s15], [sflag:$0x1] =	stream.indirect_vreg.gather @!p0 [hbm4b:s7+s2], $0x80, v2, vm0, $0xb8;
	[tilespmem:$0x1CC00] =	vst v63  }
0x160: {  	s15 =	simm.s32 @!p0 $0xC400  }
0x161: {  	[tilespmem:s15], [sflag:$0x1] =	stream.indirect_vreg.gather @!p0 [hbm4b:s8+s2], $0x80, v2, vm0, $0xb8;
	[tilespmem:$0x1CC00] =	vst v63  }
0x162: {  	p0 =	sgt.s32 s0, $0x3  }
0x163: {  	p1 =	slt.s32 @!p0 s21, $0x4  }
0x164: {  	p0 =	por p1, p0  }
0x165: {  	s2 =	smin.u32 @!p0 s22, $0x30  }
0x166: {  	v2 =	vld @!p0 [tilespmem:s2+$0x400];
	_ =	sdelay $0x4  }
0x167: {  	v3 =	vshll.u32 @!p0 v2, $0x3  }
0x168: {  	v4 =	vlaneseq.u32 @!p0;
	v2 =	vand.u32 @!p0 $0x7, v2;
	v3 =	vand.u32 @!p0 $0xFFFFFFC0, v3  }
0x169: {  	v5 =	vshrl.u32 @!p0 v4, $0x3;
	v2 =	vor.u32 @!p0 v2, v3;
	v3 =	vand.u32 @!p0 $0x7, v4  }
0x16a: {  	v5 =	vmul.u32 @!p0 $0x8, v5;
	v3 =	vperm.xlane @!p0 v2, v3;
	_ =	sdelay $0x1  }
0x16b: {  	v3 =	vadd.s32 @!p0 v5, v3;
	_ =	sdelay $0x3  }
0x16c: {  	vm0 =	vmmov @!p0 $0xffff;
	s15 =	simm.s32 @!p0 $0xCC00;
	s2 =	simm.s32 @!p0 $0x0  }
0x16d: {  	v4 =	vor.u32 @!p0 $0x8, v4;
	[tilespmem:s15], [sflag:$0x1] =	stream.indirect_vreg.gather @!p0 [hbm4b:s4+s2], $0x80, v3, vm0, $0xb8;
	[tilespmem:$0x1CC00] =	vst v63  }
0x16e: {  	v2 =	vperm.xlane @!p0 v2, v4;
	s15 =	simm.s32 @!p0 $0xD400  }
0x16f: {  	[tilespmem:s15], [sflag:$0x1] =	stream.indirect_vreg.gather @!p0 [hbm4b:s6+s2], $0x80, v3, vm0, $0xb8;
	[tilespmem:$0x1CC00] =	vst v63  }
0x170: {  	v2 =	vadd.s32 @!p0 v5, v2;
	s15 =	simm.s32 @!p0 $0xDC00  }
0x171: {  	[tilespmem:s15], [sflag:$0x1] =	stream.indirect_vreg.gather @!p0 [hbm4b:s7+s2], $0x80, v3, vm0, $0xb8;
	[tilespmem:$0x1CC00] =	vst v63  }
0x172: {  	s15 =	simm.s32 @!p0 $0xE400  }
0x173: {  	[tilespmem:s15], [sflag:$0x1] =	stream.indirect_vreg.gather @!p0 [hbm4b:s8+s2], $0x80, v3, vm0, $0xb8;
	[tilespmem:$0x1CC00] =	vst v63  }
0x174: {  	s15 =	simm.s32 @!p0 $0xEC00  }
0x175: {  	[tilespmem:s15], [sflag:$0x1] =	stream.indirect_vreg.gather @!p0 [hbm4b:s4+s2], $0x80, v2, vm0, $0xb8;
	[tilespmem:$0x1CC00] =	vst v63  }
0x176: {  	s15 =	simm.s32 @!p0 $0xF400  }
0x177: {  	[tilespmem:s15], [sflag:$0x1] =	stream.indirect_vreg.gather @!p0 [hbm4b:s6+s2], $0x80, v2, vm0, $0xb8;
	[tilespmem:$0x1CC00] =	vst v63  }
0x178: {  	s15 =	simm.s32 @!p0 $0xFC00  }
0x179: {  	[tilespmem:s15], [sflag:$0x1] =	stream.indirect_vreg.gather @!p0 [hbm4b:s7+s2], $0x80, v2, vm0, $0xb8;
	[tilespmem:$0x1CC00] =	vst v63  }
0x17a: {  	s15 =	simm.s32 @!p0 $0x10400  }
0x17b: {  	[tilespmem:s15], [sflag:$0x1] =	stream.indirect_vreg.gather @!p0 [hbm4b:s8+s2], $0x80, v2, vm0, $0xb8;
	[tilespmem:$0x1CC00] =	vst v63  }
0x17c: {  	p0 =	sgt.s32 s0, $0x4  }
0x17d: {  	p1 =	slt.s32 @!p0 s21, $0x5  }
0x17e: {  	p0 =	por p1, p0  }
0x17f: {  	s2 =	smin.u32 @!p0 s22, $0x40  }
0x180: {  	v2 =	vld @!p0 [tilespmem:s2+$0x400];
	_ =	sdelay $0x4  }
0x181: {  	v3 =	vshll.u32 @!p0 v2, $0x3  }
0x182: {  	v4 =	vlaneseq.u32 @!p0;
	v2 =	vand.u32 @!p0 $0x7, v2;
	v3 =	vand.u32 @!p0 $0xFFFFFFC0, v3  }
0x183: {  	v5 =	vshrl.u32 @!p0 v4, $0x3;
	v2 =	vor.u32 @!p0 v2, v3;
	v3 =	vand.u32 @!p0 $0x7, v4  }
0x184: {  	v5 =	vmul.u32 @!p0 $0x8, v5;
	v3 =	vperm.xlane @!p0 v2, v3;
	_ =	sdelay $0x1  }
0x185: {  	v3 =	vadd.s32 @!p0 v5, v3;
	_ =	sdelay $0x3  }
0x186: {  	vm0 =	vmmov @!p0 $0xffff;
	s15 =	simm.s32 @!p0 $0x10C00;
	s2 =	simm.s32 @!p0 $0x0  }
0x187: {  	v4 =	vor.u32 @!p0 $0x8, v4;
	[tilespmem:s15], [sflag:$0x1] =	stream.indirect_vreg.gather @!p0 [hbm4b:s4+s2], $0x80, v3, vm0, $0xb8;
	[tilespmem:$0x1CC00] =	vst v63  }
0x188: {  	v2 =	vperm.xlane @!p0 v2, v4;
	s15 =	simm.s32 @!p0 $0x11400  }
0x189: {  	[tilespmem:s15], [sflag:$0x1] =	stream.indirect_vreg.gather @!p0 [hbm4b:s6+s2], $0x80, v3, vm0, $0xb8;
	[tilespmem:$0x1CC00] =	vst v63  }
0x18a: {  	v2 =	vadd.s32 @!p0 v5, v2;
	s15 =	simm.s32 @!p0 $0x11C00  }
0x18b: {  	[tilespmem:s15], [sflag:$0x1] =	stream.indirect_vreg.gather @!p0 [hbm4b:s7+s2], $0x80, v3, vm0, $0xb8;
	[tilespmem:$0x1CC00] =	vst v63  }
0x18c: {  	s15 =	simm.s32 @!p0 $0x12400  }
0x18d: {  	[tilespmem:s15], [sflag:$0x1] =	stream.indirect_vreg.gather @!p0 [hbm4b:s8+s2], $0x80, v3, vm0, $0xb8;
	[tilespmem:$0x1CC00] =	vst v63  }
0x18e: {  	s15 =	simm.s32 @!p0 $0x12C00  }
0x18f: {  	[tilespmem:s15], [sflag:$0x1] =	stream.indirect_vreg.gather @!p0 [hbm4b:s4+s2], $0x80, v2, vm0, $0xb8;
	[tilespmem:$0x1CC00] =	vst v63  }
0x190: {  	s15 =	simm.s32 @!p0 $0x13400  }
0x191: {  	[tilespmem:s15], [sflag:$0x1] =	stream.indirect_vreg.gather @!p0 [hbm4b:s6+s2], $0x80, v2, vm0, $0xb8;
	[tilespmem:$0x1CC00] =	vst v63  }
0x192: {  	s15 =	simm.s32 @!p0 $0x13C00  }
0x193: {  	[tilespmem:s15], [sflag:$0x1] =	stream.indirect_vreg.gather @!p0 [hbm4b:s7+s2], $0x80, v2, vm0, $0xb8;
	[tilespmem:$0x1CC00] =	vst v63  }
0x194: {  	s15 =	simm.s32 @!p0 $0x14400  }
0x195: {  	[tilespmem:s15], [sflag:$0x1] =	stream.indirect_vreg.gather @!p0 [hbm4b:s8+s2], $0x80, v2, vm0, $0xb8;
	[tilespmem:$0x1CC00] =	vst v63  }
0x196: {  	p0 =	sgt.s32 s0, $0x5  }
0x197: {  	p1 =	slt.s32 @!p0 s21, $0x6  }
0x198: {  	p0 =	por p1, p0  }
0x199: {  	s2 =	smin.u32 @!p0 s22, $0x50  }
0x19a: {  	v2 =	vld @!p0 [tilespmem:s2+$0x400];
	_ =	sdelay $0x4  }
0x19b: {  	v3 =	vshll.u32 @!p0 v2, $0x3  }
0x19c: {  	v4 =	vlaneseq.u32 @!p0;
	v2 =	vand.u32 @!p0 $0x7, v2;
	v3 =	vand.u32 @!p0 $0xFFFFFFC0, v3  }
0x19d: {  	v5 =	vshrl.u32 @!p0 v4, $0x3;
	v2 =	vor.u32 @!p0 v2, v3;
	v3 =	vand.u32 @!p0 $0x7, v4  }
0x19e: {  	v5 =	vmul.u32 @!p0 $0x8, v5;
	v3 =	vperm.xlane @!p0 v2, v3;
	_ =	sdelay $0x1  }
0x19f: {  	v3 =	vadd.s32 @!p0 v5, v3;
	_ =	sdelay $0x3  }
0x1a0: {  	vm0 =	vmmov @!p0 $0xffff;
	s15 =	simm.s32 @!p0 $0x14C00;
	s2 =	simm.s32 @!p0 $0x0  }
0x1a1: {  	v4 =	vor.u32 @!p0 $0x8, v4;
	[tilespmem:s15], [sflag:$0x1] =	stream.indirect_vreg.gather @!p0 [hbm4b:s4+s2], $0x80, v3, vm0, $0xb8;
	[tilespmem:$0x1CC00] =	vst v63  }
0x1a2: {  	v2 =	vperm.xlane @!p0 v2, v4;
	s15 =	simm.s32 @!p0 $0x15400  }
0x1a3: {  	[tilespmem:s15], [sflag:$0x1] =	stream.indirect_vreg.gather @!p0 [hbm4b:s6+s2], $0x80, v3, vm0, $0xb8;
	[tilespmem:$0x1CC00] =	vst v63  }
0x1a4: {  	v2 =	vadd.s32 @!p0 v5, v2;
	s15 =	simm.s32 @!p0 $0x15C00  }
0x1a5: {  	[tilespmem:s15], [sflag:$0x1] =	stream.indirect_vreg.gather @!p0 [hbm4b:s7+s2], $0x80, v3, vm0, $0xb8;
	[tilespmem:$0x1CC00] =	vst v63  }
0x1a6: {  	s15 =	simm.s32 @!p0 $0x16400  }
0x1a7: {  	[tilespmem:s15], [sflag:$0x1] =	stream.indirect_vreg.gather @!p0 [hbm4b:s8+s2], $0x80, v3, vm0, $0xb8;
	[tilespmem:$0x1CC00] =	vst v63  }
0x1a8: {  	s15 =	simm.s32 @!p0 $0x16C00  }
0x1a9: {  	[tilespmem:s15], [sflag:$0x1] =	stream.indirect_vreg.gather @!p0 [hbm4b:s4+s2], $0x80, v2, vm0, $0xb8;
	[tilespmem:$0x1CC00] =	vst v63  }
0x1aa: {  	s15 =	simm.s32 @!p0 $0x17400  }
0x1ab: {  	[tilespmem:s15], [sflag:$0x1] =	stream.indirect_vreg.gather @!p0 [hbm4b:s6+s2], $0x80, v2, vm0, $0xb8;
	[tilespmem:$0x1CC00] =	vst v63  }
0x1ac: {  	s15 =	simm.s32 @!p0 $0x17C00  }
0x1ad: {  	[tilespmem:s15], [sflag:$0x1] =	stream.indirect_vreg.gather @!p0 [hbm4b:s7+s2], $0x80, v2, vm0, $0xb8;
	[tilespmem:$0x1CC00] =	vst v63  }
0x1ae: {  	s15 =	simm.s32 @!p0 $0x18400  }
0x1af: {  	[tilespmem:s15], [sflag:$0x1] =	stream.indirect_vreg.gather @!p0 [hbm4b:s8+s2], $0x80, v2, vm0, $0xb8;
	[tilespmem:$0x1CC00] =	vst v63  }
0x1b0: {  	p0 =	sgt.s32 s0, $0x6  }
0x1b1: {  	p1 =	slt.s32 @!p0 s21, $0x7  }
0x1b2: {  	p0 =	por p1, p0  }
0x1b3: {  	s0 =	smin.u32 @!p0 s22, $0x60  }
0x1b4: {  	v2 =	vld @!p0 [tilespmem:s0+$0x400];
	_ =	sdelay $0x4  }
0x1b5: {  	v3 =	vshll.u32 @!p0 v2, $0x3  }
0x1b6: {  	v4 =	vlaneseq.u32 @!p0;
	v2 =	vand.u32 @!p0 $0x7, v2;
	v3 =	vand.u32 @!p0 $0xFFFFFFC0, v3  }
0x1b7: {  	v5 =	vshrl.u32 @!p0 v4, $0x3;
	v2 =	vor.u32 @!p0 v2, v3;
	v3 =	vand.u32 @!p0 $0x7, v4  }
0x1b8: {  	v5 =	vmul.u32 @!p0 $0x8, v5;
	v3 =	vperm.xlane @!p0 v2, v3;
	_ =	sdelay $0x1  }
0x1b9: {  	v3 =	vadd.s32 @!p0 v5, v3;
	_ =	sdelay $0x3  }
0x1ba: {  	vm0 =	vmmov @!p0 $0xffff;
	s2 =	simm.s32 @!p0 $0x18C00;
	s0 =	simm.s32 @!p0 $0x0  }
0x1bb: {  	v4 =	vor.u32 @!p0 $0x8, v4;
	[tilespmem:s2], [sflag:$0x1] =	stream.indirect_vreg.gather @!p0 [hbm4b:s4+s0], $0x80, v3, vm0, $0xb8;
	[tilespmem:$0x1CC00] =	vst v63  }
0x1bc: {  	v2 =	vperm.xlane @!p0 v2, v4;
	s2 =	simm.s32 @!p0 $0x19400  }
0x1bd: {  	[tilespmem:s2], [sflag:$0x1] =	stream.indirect_vreg.gather @!p0 [hbm4b:s6+s0], $0x80, v3, vm0, $0xb8;
	[tilespmem:$0x1CC00] =	vst v63  }
0x1be: {  	v2 =	vadd.s32 @!p0 v5, v2;
	s2 =	simm.s32 @!p0 $0x19C00  }
0x1bf: {  	[tilespmem:s2], [sflag:$0x1] =	stream.indirect_vreg.gather @!p0 [hbm4b:s7+s0], $0x80, v3, vm0, $0xb8;
	[tilespmem:$0x1CC00] =	vst v63  }
0x1c0: {  	s2 =	simm.s32 @!p0 $0x1A400  }
0x1c1: {  	[tilespmem:s2], [sflag:$0x1] =	stream.indirect_vreg.gather @!p0 [hbm4b:s8+s0], $0x80, v3, vm0, $0xb8;
	[tilespmem:$0x1CC00] =	vst v63  }
0x1c2: {  	s2 =	simm.s32 @!p0 $0x1AC00  }
0x1c3: {  	[tilespmem:s2], [sflag:$0x1] =	stream.indirect_vreg.gather @!p0 [hbm4b:s4+s0], $0x80, v2, vm0, $0xb8;
	[tilespmem:$0x1CC00] =	vst v63  }
0x1c4: {  	s2 =	simm.s32 @!p0 $0x1B400  }
0x1c5: {  	[tilespmem:s2], [sflag:$0x1] =	stream.indirect_vreg.gather @!p0 [hbm4b:s6+s0], $0x80, v2, vm0, $0xb8;
	[tilespmem:$0x1CC00] =	vst v63  }
0x1c6: {  	s2 =	simm.s32 @!p0 $0x1BC00  }
0x1c7: {  	[tilespmem:s2], [sflag:$0x1] =	stream.indirect_vreg.gather @!p0 [hbm4b:s7+s0], $0x80, v2, vm0, $0xb8;
	[tilespmem:$0x1CC00] =	vst v63  }
0x1c8: {  	s2 =	sadd.s32 $0x6, s21  }
0x1c9: {  	s15 =	smulhi.u32 $0x92492493, s2;
	s16 =	sshra.s32 s2, $0x1F  }
0x1ca: {  	s5 =	ssub.s32 $0xFFFFFFFA, s21;
	s16 =	smul.u32 $0x92492493, s16  }
0x1cb: {  	s15 =	sadd.s32 s5, s15  }
0x1cc: {  	s15 =	sadd.s32 s16, s15  }
0x1cd: {  	s2 =	sadd.s32 s2, s15  }
0x1ce: {  	s15 =	sshrl.u32 s2, $0x1F;
	s2 =	sshra.s32 s2, $0x2  }
0x1cf: {  	s2 =	sadd.s32 s15, s2  }
0x1d0: {  	s15 =	simm.s32 @!p0 $0x1C400;
	s16 =	smul.u32 $0xFFFFFFF9, s2  }
0x1d1: {  	[tilespmem:s15], [sflag:$0x1] =	stream.indirect_vreg.gather @!p0 [hbm4b:s8+s0], $0x80, v2, vm0, $0xb8;
	[tilespmem:$0x1CC00] =	vst v63  }
0x1d2: {  	p5 =	slt.s32 s21, $0xFFFFFFFB;
	p6 =	sne.s32 s16, s5  }
0x1d3: {  	p0 =	por !p5, !p6  }
0x1d4: {  	s0 =	simm.s32 $0x1;
	p0 =	por !p0, !p0  }
0x1d5: {  	s0 =	simm.s32 @!p0 $0x0  }
0x1d6: {  	s0 =	ssub.s32 s2, s0  }
0x1d7: {  	p0 =	slt.s32 s0, $0x1  }
.Ltmp5:
0x1d8: {  	_ = 	snop;
	(pc) =	sbr.rel @p0 .LBB2_24-.Ltmp5, $1  }
0x1d9: {  	_ =	sdelay $0x3  }
.Ltmp6:
0x1da: {  	(pc) =	sbr.rel .LBB2_9-.Ltmp6, $2  }
0x1db: {  	_ =	sdelay $0x2  }
0x1dc: {  	s2 =	simm.s32 $0x0;
	s15 =	simm.s32 $0xD  }
.LBB2_23:
0x1dd: {  	s0 =	sadd.s32 $0xFFFFFFFF, s0  }
0x1de: {  	p0 =	sne.s32 s0, $0x0  }
.Ltmp7:
0x1df: {  	_ = 	snop;
	(pc) =	sbr.rel @!p0 .LBB2_24-.Ltmp7, $2  }
0x1e0: {  	_ =	sdelay $0x2  }
0x1e1: {  	s2 =	sadd.s32 $0x70, s2;
	s15 =	sadd.s32 $0x7, s15  }
.LBB2_9:
0x1e2: {  	s5 =	sadd.s32 $0xFFFFFFF3, s15  }
0x1e3: {  	p0 =	sge.s32 s5, s21  }
.Ltmp8:
0x1e4: {  	_ = 	snop;
	(pc) =	sbr.rel @p0 .LBB2_11-.Ltmp8, $1  }
0x1e5: {  	_ =	sdelay $0x3  }
0x1e6: {  	_ =	swait.ge [sflag:s20], $0x4000  }
0x1e7: {  	p0 =	slt.s32 s2, s22;
	s5 =	smov.u32 s22;
	[sflag:s20] =	ssyncset.done $0x0  }
0x1e8: {  	s5 =	smov.u32 @p0 s2;
	[sflag:s20] =	ssyncadd.s32 $0xFFFFC000  }
0x1e9: {  	v2 =	vld [tilespmem:s5+$0x800];
	_ =	sdelay $0x4  }
0x1ea: {  	v3 =	vshll.u32 v2, $0x3  }
0x1eb: {  	v2 =	vand.u32 $0x7, v2;
	v3 =	vand.u32 $0xFFFFFFC0, v3  }
0x1ec: {  	v4 =	vshrl.u32 v1, $0x3;
	v2 =	vor.u32 v2, v3;
	v3 =	vand.u32 $0x7, v1  }
0x1ed: {  	v4 =	vmul.u32 $0x8, v4;
	v3 =	vperm.xlane v2, v3;
	_ =	sdelay $0x1  }
0x1ee: {  	v3 =	vadd.s32 v4, v3;
	_ =	sdelay $0x3  }
0x1ef: {  	vm0 =	vmmov $0xffff;
	s16 =	simm.s32 $0xC00  }
0x1f0: {  	v5 =	vor.u32 $0x8, v1;
	[hbm4b:s1+s3] =	stream.indirect_vreg.scatter [tilespmem:s16], [sflag:$0x2], $0x80, v3, vm0, $0xb8;
	[tilespmem:$0x1CC00] =	vst v63  }
0x1f1: {  	v2 =	vperm.xlane v2, v5;
	s16 =	simm.s32 $0x1400  }
0x1f2: {  	[hbm4b:s9+s3] =	stream.indirect_vreg.scatter [tilespmem:s16], [sflag:$0x2], $0x80, v3, vm0, $0xb8;
	[tilespmem:$0x1CC00] =	vst v63  }
0x1f3: {  	v2 =	vadd.s32 v4, v2;
	s16 =	simm.s32 $0x1C00  }
0x1f4: {  	[hbm4b:s10+s3] =	stream.indirect_vreg.scatter [tilespmem:s16], [sflag:$0x2], $0x80, v3, vm0, $0xb8;
	[tilespmem:$0x1CC00] =	vst v63  }
0x1f5: {  	s16 =	simm.s32 $0x2400  }
0x1f6: {  	[hbm4b:s11+s3] =	stream.indirect_vreg.scatter [tilespmem:s16], [sflag:$0x2], $0x80, v3, vm0, $0xb8;
	[tilespmem:$0x1CC00] =	vst v63  }
0x1f7: {  	s16 =	simm.s32 $0x2C00  }
0x1f8: {  	[hbm4b:s1+s3] =	stream.indirect_vreg.scatter [tilespmem:s16], [sflag:$0x2], $0x80, v2, vm0, $0xb8;
	[tilespmem:$0x1CC00] =	vst v63  }
0x1f9: {  	s16 =	simm.s32 $0x3400  }
0x1fa: {  	[hbm4b:s9+s3] =	stream.indirect_vreg.scatter [tilespmem:s16], [sflag:$0x2], $0x80, v2, vm0, $0xb8;
	[tilespmem:$0x1CC00] =	vst v63  }
0x1fb: {  	s16 =	simm.s32 $0x3C00  }
0x1fc: {  	[hbm4b:s10+s3] =	stream.indirect_vreg.scatter [tilespmem:s16], [sflag:$0x2], $0x80, v2, vm0, $0xb8;
	[tilespmem:$0x1CC00] =	vst v63  }
0x1fd: {  	s16 =	simm.s32 $0x4400  }
0x1fe: {  	[hbm4b:s11+s3] =	stream.indirect_vreg.scatter [tilespmem:s16], [sflag:$0x2], $0x80, v2, vm0, $0xb8;
	[tilespmem:$0x1CC00] =	vst v63  }
0x1ff: {  	s16 =	sadd.s32 $0xFFFFFFFA, s15  }
0x200: {  	p0 =	sge.u32 s16, s21  }
0x201: {  	s5 =	simm.s32 @!p0 $0x2;
	s16 =	sadd.s32 @!p0 $0x70, s2  }
0x202: {  	_ =	swait.ge @!p0 [sflag:s5], $0x4000;
	p1 =	slt.s32 @!p0 s16, s22  }
0x203: {  	[sflag:s5] =	ssyncset.done @!p0 $0x0;
	p1 =	por !p1, p0  }
0x204: {  	[sflag:s5] =	ssyncadd.s32 @!p0 $0xFFFFC000;
	s16 =	smov.u32 @p1 s22  }
0x205: {  	v2 =	vld @!p0 [tilespmem:s16+$0x400];
	_ =	sdelay $0x4  }
0x206: {  	v3 =	vshll.u32 @!p0 v2, $0x3  }
0x207: {  	v4 =	vlaneseq.u32 @!p0;
	v2 =	vand.u32 @!p0 $0x7, v2;
	v3 =	vand.u32 @!p0 $0xFFFFFFC0, v3  }
0x208: {  	v5 =	vshrl.u32 @!p0 v4, $0x3;
	v2 =	vor.u32 @!p0 v2, v3;
	v3 =	vand.u32 @!p0 $0x7, v4  }
0x209: {  	v5 =	vmul.u32 @!p0 $0x8, v5;
	v3 =	vperm.xlane @!p0 v2, v3;
	_ =	sdelay $0x1  }
0x20a: {  	v3 =	vadd.s32 @!p0 v5, v3;
	_ =	sdelay $0x3  }
0x20b: {  	vm0 =	vmmov @!p0 $0xffff;
	s5 =	simm.s32 @!p0 $0x0;
	s16 =	simm.s32 @!p0 $0xC00  }
0x20c: {  	v4 =	vor.u32 @!p0 $0x8, v4;
	[tilespmem:s16], [sflag:$0x1] =	stream.indirect_vreg.gather @!p0 [hbm4b:s4+s5], $0x80, v3, vm0, $0xb8;
	[tilespmem:$0x1CC00] =	vst v63  }
0x20d: {  	v2 =	vperm.xlane @!p0 v2, v4;
	s16 =	simm.s32 @!p0 $0x1400  }
0x20e: {  	[tilespmem:s16], [sflag:$0x1] =	stream.indirect_vreg.gather @!p0 [hbm4b:s6+s5], $0x80, v3, vm0, $0xb8;
	[tilespmem:$0x1CC00] =	vst v63  }
0x20f: {  	v2 =	vadd.s32 @!p0 v5, v2;
	s16 =	simm.s32 @!p0 $0x1C00  }
0x210: {  	[tilespmem:s16], [sflag:$0x1] =	stream.indirect_vreg.gather @!p0 [hbm4b:s7+s5], $0x80, v3, vm0, $0xb8;
	[tilespmem:$0x1CC00] =	vst v63  }
0x211: {  	s16 =	simm.s32 @!p0 $0x2400  }
0x212: {  	[tilespmem:s16], [sflag:$0x1] =	stream.indirect_vreg.gather @!p0 [hbm4b:s8+s5], $0x80, v3, vm0, $0xb8;
	[tilespmem:$0x1CC00] =	vst v63  }
0x213: {  	s16 =	simm.s32 @!p0 $0x2C00  }
0x214: {  	[tilespmem:s16], [sflag:$0x1] =	stream.indirect_vreg.gather @!p0 [hbm4b:s4+s5], $0x80, v2, vm0, $0xb8;
	[tilespmem:$0x1CC00] =	vst v63  }
0x215: {  	s16 =	simm.s32 @!p0 $0x3400  }
0x216: {  	[tilespmem:s16], [sflag:$0x1] =	stream.indirect_vreg.gather @!p0 [hbm4b:s6+s5], $0x80, v2, vm0, $0xb8;
	[tilespmem:$0x1CC00] =	vst v63  }
0x217: {  	s16 =	simm.s32 @!p0 $0x3C00  }
0x218: {  	[tilespmem:s16], [sflag:$0x1] =	stream.indirect_vreg.gather @!p0 [hbm4b:s7+s5], $0x80, v2, vm0, $0xb8;
	[tilespmem:$0x1CC00] =	vst v63  }
0x219: {  	s16 =	simm.s32 @!p0 $0x4400  }
0x21a: {  	[tilespmem:s16], [sflag:$0x1] =	stream.indirect_vreg.gather @!p0 [hbm4b:s8+s5], $0x80, v2, vm0, $0xb8;
	[tilespmem:$0x1CC00] =	vst v63  }
.LBB2_11:
0x21b: {  	s5 =	sadd.s32 $0xFFFFFFF4, s15  }
0x21c: {  	p0 =	sge.s32 s5, s21  }
.Ltmp9:
0x21d: {  	_ = 	snop;
	(pc) =	sbr.rel @p0 .LBB2_13-.Ltmp9, $1  }
0x21e: {  	_ =	sdelay $0x3  }
0x21f: {  	_ =	swait.ge [sflag:s20], $0x4000;
	s5 =	sadd.s32 $0x10, s2  }
0x220: {  	s16 =	smov.u32 s22;
	[sflag:s20] =	ssyncset.done $0x0;
	p0 =	slt.s32 s5, s22  }
0x221: {  	[sflag:s20] =	ssyncadd.s32 $0xFFFFC000;
	s16 =	smov.u32 @p0 s5  }
0x222: {  	v2 =	vld [tilespmem:s16+$0x800];
	_ =	sdelay $0x4  }
0x223: {  	v3 =	vshll.u32 v2, $0x3  }
0x224: {  	v2 =	vand.u32 $0x7, v2;
	v3 =	vand.u32 $0xFFFFFFC0, v3  }
0x225: {  	v4 =	vshrl.u32 v1, $0x3;
	v2 =	vor.u32 v2, v3;
	v3 =	vand.u32 $0x7, v1  }
0x226: {  	v4 =	vmul.u32 $0x8, v4;
	v3 =	vperm.xlane v2, v3;
	_ =	sdelay $0x1  }
0x227: {  	v3 =	vadd.s32 v4, v3;
	_ =	sdelay $0x3  }
0x228: {  	vm0 =	vmmov $0xffff;
	s16 =	simm.s32 $0x4C00  }
0x229: {  	v5 =	vor.u32 $0x8, v1;
	[hbm4b:s1+s3] =	stream.indirect_vreg.scatter [tilespmem:s16], [sflag:$0x2], $0x80, v3, vm0, $0xb8;
	[tilespmem:$0x1CC00] =	vst v63  }
0x22a: {  	v2 =	vperm.xlane v2, v5;
	s16 =	simm.s32 $0x5400  }
0x22b: {  	[hbm4b:s9+s3] =	stream.indirect_vreg.scatter [tilespmem:s16], [sflag:$0x2], $0x80, v3, vm0, $0xb8;
	[tilespmem:$0x1CC00] =	vst v63  }
0x22c: {  	v2 =	vadd.s32 v4, v2;
	s16 =	simm.s32 $0x5C00  }
0x22d: {  	[hbm4b:s10+s3] =	stream.indirect_vreg.scatter [tilespmem:s16], [sflag:$0x2], $0x80, v3, vm0, $0xb8;
	[tilespmem:$0x1CC00] =	vst v63  }
0x22e: {  	s16 =	simm.s32 $0x6400  }
0x22f: {  	[hbm4b:s11+s3] =	stream.indirect_vreg.scatter [tilespmem:s16], [sflag:$0x2], $0x80, v3, vm0, $0xb8;
	[tilespmem:$0x1CC00] =	vst v63  }
0x230: {  	s16 =	simm.s32 $0x6C00  }
0x231: {  	[hbm4b:s1+s3] =	stream.indirect_vreg.scatter [tilespmem:s16], [sflag:$0x2], $0x80, v2, vm0, $0xb8;
	[tilespmem:$0x1CC00] =	vst v63  }
0x232: {  	s16 =	simm.s32 $0x7400  }
0x233: {  	[hbm4b:s9+s3] =	stream.indirect_vreg.scatter [tilespmem:s16], [sflag:$0x2], $0x80, v2, vm0, $0xb8;
	[tilespmem:$0x1CC00] =	vst v63  }
0x234: {  	s16 =	simm.s32 $0x7C00  }
0x235: {  	[hbm4b:s10+s3] =	stream.indirect_vreg.scatter [tilespmem:s16], [sflag:$0x2], $0x80, v2, vm0, $0xb8;
	[tilespmem:$0x1CC00] =	vst v63  }
0x236: {  	s16 =	simm.s32 $0x8400  }
0x237: {  	[hbm4b:s11+s3] =	stream.indirect_vreg.scatter [tilespmem:s16], [sflag:$0x2], $0x80, v2, vm0, $0xb8;
	[tilespmem:$0x1CC00] =	vst v63  }
0x238: {  	s16 =	sadd.s32 $0xFFFFFFFB, s15  }
0x239: {  	p0 =	sge.s32 s16, s21  }
0x23a: {  	s5 =	simm.s32 @!p0 $0x2;
	s16 =	sadd.s32 @!p0 $0x80, s2  }
0x23b: {  	_ =	swait.ge @!p0 [sflag:s5], $0x4000;
	p1 =	slt.s32 @!p0 s16, s22  }
0x23c: {  	[sflag:s5] =	ssyncset.done @!p0 $0x0;
	p1 =	por !p1, p0  }
0x23d: {  	[sflag:s5] =	ssyncadd.s32 @!p0 $0xFFFFC000;
	s16 =	smov.u32 @p1 s22  }
0x23e: {  	v2 =	vld @!p0 [tilespmem:s16+$0x400];
	_ =	sdelay $0x4  }
0x23f: {  	v3 =	vshll.u32 @!p0 v2, $0x3  }
0x240: {  	v4 =	vlaneseq.u32 @!p0;
	v2 =	vand.u32 @!p0 $0x7, v2;
	v3 =	vand.u32 @!p0 $0xFFFFFFC0, v3  }
0x241: {  	v5 =	vshrl.u32 @!p0 v4, $0x3;
	v2 =	vor.u32 @!p0 v2, v3;
	v3 =	vand.u32 @!p0 $0x7, v4  }
0x242: {  	v5 =	vmul.u32 @!p0 $0x8, v5;
	v3 =	vperm.xlane @!p0 v2, v3;
	_ =	sdelay $0x1  }
0x243: {  	v3 =	vadd.s32 @!p0 v5, v3;
	_ =	sdelay $0x3  }
0x244: {  	vm0 =	vmmov @!p0 $0xffff;
	s5 =	simm.s32 @!p0 $0x0;
	s16 =	simm.s32 @!p0 $0x4C00  }
0x245: {  	v4 =	vor.u32 @!p0 $0x8, v4;
	[tilespmem:s16], [sflag:$0x1] =	stream.indirect_vreg.gather @!p0 [hbm4b:s4+s5], $0x80, v3, vm0, $0xb8;
	[tilespmem:$0x1CC00] =	vst v63  }
0x246: {  	v2 =	vperm.xlane @!p0 v2, v4;
	s16 =	simm.s32 @!p0 $0x5400  }
0x247: {  	[tilespmem:s16], [sflag:$0x1] =	stream.indirect_vreg.gather @!p0 [hbm4b:s6+s5], $0x80, v3, vm0, $0xb8;
	[tilespmem:$0x1CC00] =	vst v63  }
0x248: {  	v2 =	vadd.s32 @!p0 v5, v2;
	s16 =	simm.s32 @!p0 $0x5C00  }
0x249: {  	[tilespmem:s16], [sflag:$0x1] =	stream.indirect_vreg.gather @!p0 [hbm4b:s7+s5], $0x80, v3, vm0, $0xb8;
	[tilespmem:$0x1CC00] =	vst v63  }
0x24a: {  	s16 =	simm.s32 @!p0 $0x6400  }
0x24b: {  	[tilespmem:s16], [sflag:$0x1] =	stream.indirect_vreg.gather @!p0 [hbm4b:s8+s5], $0x80, v3, vm0, $0xb8;
	[tilespmem:$0x1CC00] =	vst v63  }
0x24c: {  	s16 =	simm.s32 @!p0 $0x6C00  }
0x24d: {  	[tilespmem:s16], [sflag:$0x1] =	stream.indirect_vreg.gather @!p0 [hbm4b:s4+s5], $0x80, v2, vm0, $0xb8;
	[tilespmem:$0x1CC00] =	vst v63  }
0x24e: {  	s16 =	simm.s32 @!p0 $0x7400  }
0x24f: {  	[tilespmem:s16], [sflag:$0x1] =	stream.indirect_vreg.gather @!p0 [hbm4b:s6+s5], $0x80, v2, vm0, $0xb8;
	[tilespmem:$0x1CC00] =	vst v63  }
0x250: {  	s16 =	simm.s32 @!p0 $0x7C00  }
0x251: {  	[tilespmem:s16], [sflag:$0x1] =	stream.indirect_vreg.gather @!p0 [hbm4b:s7+s5], $0x80, v2, vm0, $0xb8;
	[tilespmem:$0x1CC00] =	vst v63  }
0x252: {  	s16 =	simm.s32 @!p0 $0x8400  }
0x253: {  	[tilespmem:s16], [sflag:$0x1] =	stream.indirect_vreg.gather @!p0 [hbm4b:s8+s5], $0x80, v2, vm0, $0xb8;
	[tilespmem:$0x1CC00] =	vst v63  }
.LBB2_13:
0x254: {  	s5 =	sadd.s32 $0xFFFFFFF5, s15  }
0x255: {  	p0 =	sge.s32 s5, s21  }
.Ltmp10:
0x256: {  	_ = 	snop;
	(pc) =	sbr.rel @p0 .LBB2_15-.Ltmp10, $1  }
0x257: {  	_ =	sdelay $0x3  }
0x258: {  	_ =	swait.ge [sflag:s20], $0x4000;
	s5 =	sadd.s32 $0x20, s2  }
0x259: {  	s16 =	smov.u32 s22;
	[sflag:s20] =	ssyncset.done $0x0;
	p0 =	slt.s32 s5, s22  }
0x25a: {  	[sflag:s20] =	ssyncadd.s32 $0xFFFFC000;
	s16 =	smov.u32 @p0 s5  }
0x25b: {  	v2 =	vld [tilespmem:s16+$0x800];
	_ =	sdelay $0x4  }
0x25c: {  	v3 =	vshll.u32 v2, $0x3  }
0x25d: {  	v2 =	vand.u32 $0x7, v2;
	v3 =	vand.u32 $0xFFFFFFC0, v3  }
0x25e: {  	v4 =	vshrl.u32 v1, $0x3;
	v2 =	vor.u32 v2, v3;
	v3 =	vand.u32 $0x7, v1  }
0x25f: {  	v4 =	vmul.u32 $0x8, v4;
	v3 =	vperm.xlane v2, v3;
	_ =	sdelay $0x1  }
0x260: {  	v3 =	vadd.s32 v4, v3;
	_ =	sdelay $0x3  }
0x261: {  	vm0 =	vmmov $0xffff;
	s16 =	simm.s32 $0x8C00  }
0x262: {  	v5 =	vor.u32 $0x8, v1;
	[hbm4b:s1+s3] =	stream.indirect_vreg.scatter [tilespmem:s16], [sflag:$0x2], $0x80, v3, vm0, $0xb8;
	[tilespmem:$0x1CC00] =	vst v63  }
0x263: {  	v2 =	vperm.xlane v2, v5;
	s16 =	simm.s32 $0x9400  }
0x264: {  	[hbm4b:s9+s3] =	stream.indirect_vreg.scatter [tilespmem:s16], [sflag:$0x2], $0x80, v3, vm0, $0xb8;
	[tilespmem:$0x1CC00] =	vst v63  }
0x265: {  	v2 =	vadd.s32 v4, v2;
	s16 =	simm.s32 $0x9C00  }
0x266: {  	[hbm4b:s10+s3] =	stream.indirect_vreg.scatter [tilespmem:s16], [sflag:$0x2], $0x80, v3, vm0, $0xb8;
	[tilespmem:$0x1CC00] =	vst v63  }
0x267: {  	s16 =	simm.s32 $0xA400  }
0x268: {  	[hbm4b:s11+s3] =	stream.indirect_vreg.scatter [tilespmem:s16], [sflag:$0x2], $0x80, v3, vm0, $0xb8;
	[tilespmem:$0x1CC00] =	vst v63  }
0x269: {  	s16 =	simm.s32 $0xAC00  }
0x26a: {  	[hbm4b:s1+s3] =	stream.indirect_vreg.scatter [tilespmem:s16], [sflag:$0x2], $0x80, v2, vm0, $0xb8;
	[tilespmem:$0x1CC00] =	vst v63  }
0x26b: {  	s16 =	simm.s32 $0xB400  }
0x26c: {  	[hbm4b:s9+s3] =	stream.indirect_vreg.scatter [tilespmem:s16], [sflag:$0x2], $0x80, v2, vm0, $0xb8;
	[tilespmem:$0x1CC00] =	vst v63  }
0x26d: {  	s16 =	simm.s32 $0xBC00  }
0x26e: {  	[hbm4b:s10+s3] =	stream.indirect_vreg.scatter [tilespmem:s16], [sflag:$0x2], $0x80, v2, vm0, $0xb8;
	[tilespmem:$0x1CC00] =	vst v63  }
0x26f: {  	s16 =	simm.s32 $0xC400  }
0x270: {  	[hbm4b:s11+s3] =	stream.indirect_vreg.scatter [tilespmem:s16], [sflag:$0x2], $0x80, v2, vm0, $0xb8;
	[tilespmem:$0x1CC00] =	vst v63  }
0x271: {  	s16 =	sadd.s32 $0xFFFFFFFC, s15  }
0x272: {  	p0 =	sge.s32 s16, s21  }
0x273: {  	s5 =	simm.s32 @!p0 $0x2;
	s16 =	sadd.s32 @!p0 $0x90, s2  }
0x274: {  	_ =	swait.ge @!p0 [sflag:s5], $0x4000;
	p1 =	slt.s32 @!p0 s16, s22  }
0x275: {  	[sflag:s5] =	ssyncset.done @!p0 $0x0;
	p1 =	por !p1, p0  }
0x276: {  	[sflag:s5] =	ssyncadd.s32 @!p0 $0xFFFFC000;
	s16 =	smov.u32 @p1 s22  }
0x277: {  	v2 =	vld @!p0 [tilespmem:s16+$0x400];
	_ =	sdelay $0x4  }
0x278: {  	v3 =	vshll.u32 @!p0 v2, $0x3  }
0x279: {  	v4 =	vlaneseq.u32 @!p0;
	v2 =	vand.u32 @!p0 $0x7, v2;
	v3 =	vand.u32 @!p0 $0xFFFFFFC0, v3  }
0x27a: {  	v5 =	vshrl.u32 @!p0 v4, $0x3;
	v2 =	vor.u32 @!p0 v2, v3;
	v3 =	vand.u32 @!p0 $0x7, v4  }
0x27b: {  	v5 =	vmul.u32 @!p0 $0x8, v5;
	v3 =	vperm.xlane @!p0 v2, v3;
	_ =	sdelay $0x1  }
0x27c: {  	v3 =	vadd.s32 @!p0 v5, v3;
	_ =	sdelay $0x3  }
0x27d: {  	vm0 =	vmmov @!p0 $0xffff;
	s5 =	simm.s32 @!p0 $0x0;
	s16 =	simm.s32 @!p0 $0x8C00  }
0x27e: {  	v4 =	vor.u32 @!p0 $0x8, v4;
	[tilespmem:s16], [sflag:$0x1] =	stream.indirect_vreg.gather @!p0 [hbm4b:s4+s5], $0x80, v3, vm0, $0xb8;
	[tilespmem:$0x1CC00] =	vst v63  }
0x27f: {  	v2 =	vperm.xlane @!p0 v2, v4;
	s16 =	simm.s32 @!p0 $0x9400  }
0x280: {  	[tilespmem:s16], [sflag:$0x1] =	stream.indirect_vreg.gather @!p0 [hbm4b:s6+s5], $0x80, v3, vm0, $0xb8;
	[tilespmem:$0x1CC00] =	vst v63  }
0x281: {  	v2 =	vadd.s32 @!p0 v5, v2;
	s16 =	simm.s32 @!p0 $0x9C00  }
0x282: {  	[tilespmem:s16], [sflag:$0x1] =	stream.indirect_vreg.gather @!p0 [hbm4b:s7+s5], $0x80, v3, vm0, $0xb8;
	[tilespmem:$0x1CC00] =	vst v63  }
0x283: {  	s16 =	simm.s32 @!p0 $0xA400  }
0x284: {  	[tilespmem:s16], [sflag:$0x1] =	stream.indirect_vreg.gather @!p0 [hbm4b:s8+s5], $0x80, v3, vm0, $0xb8;
	[tilespmem:$0x1CC00] =	vst v63  }
0x285: {  	s16 =	simm.s32 @!p0 $0xAC00  }
0x286: {  	[tilespmem:s16], [sflag:$0x1] =	stream.indirect_vreg.gather @!p0 [hbm4b:s4+s5], $0x80, v2, vm0, $0xb8;
	[tilespmem:$0x1CC00] =	vst v63  }
0x287: {  	s16 =	simm.s32 @!p0 $0xB400  }
0x288: {  	[tilespmem:s16], [sflag:$0x1] =	stream.indirect_vreg.gather @!p0 [hbm4b:s6+s5], $0x80, v2, vm0, $0xb8;
	[tilespmem:$0x1CC00] =	vst v63  }
0x289: {  	s16 =	simm.s32 @!p0 $0xBC00  }
0x28a: {  	[tilespmem:s16], [sflag:$0x1] =	stream.indirect_vreg.gather @!p0 [hbm4b:s7+s5], $0x80, v2, vm0, $0xb8;
	[tilespmem:$0x1CC00] =	vst v63  }
0x28b: {  	s16 =	simm.s32 @!p0 $0xC400  }
0x28c: {  	[tilespmem:s16], [sflag:$0x1] =	stream.indirect_vreg.gather @!p0 [hbm4b:s8+s5], $0x80, v2, vm0, $0xb8;
	[tilespmem:$0x1CC00] =	vst v63  }
.LBB2_15:
0x28d: {  	s5 =	sadd.s32 $0xFFFFFFF6, s15  }
0x28e: {  	p0 =	sge.s32 s5, s21  }
.Ltmp11:
0x28f: {  	_ = 	snop;
	(pc) =	sbr.rel @p0 .LBB2_17-.Ltmp11, $1  }
0x290: {  	_ =	sdelay $0x3  }
0x291: {  	_ =	swait.ge [sflag:s20], $0x4000;
	s5 =	sadd.s32 $0x30, s2  }
0x292: {  	s16 =	smov.u32 s22;
	[sflag:s20] =	ssyncset.done $0x0;
	p0 =	slt.s32 s5, s22  }
0x293: {  	[sflag:s20] =	ssyncadd.s32 $0xFFFFC000;
	s16 =	smov.u32 @p0 s5  }
0x294: {  	v2 =	vld [tilespmem:s16+$0x800];
	_ =	sdelay $0x4  }
0x295: {  	v3 =	vshll.u32 v2, $0x3  }
0x296: {  	v2 =	vand.u32 $0x7, v2;
	v3 =	vand.u32 $0xFFFFFFC0, v3  }
0x297: {  	v4 =	vshrl.u32 v1, $0x3;
	v2 =	vor.u32 v2, v3;
	v3 =	vand.u32 $0x7, v1  }
0x298: {  	v4 =	vmul.u32 $0x8, v4;
	v3 =	vperm.xlane v2, v3;
	_ =	sdelay $0x1  }
0x299: {  	v3 =	vadd.s32 v4, v3;
	_ =	sdelay $0x3  }
0x29a: {  	vm0 =	vmmov $0xffff;
	s16 =	simm.s32 $0xCC00  }
0x29b: {  	v5 =	vor.u32 $0x8, v1;
	[hbm4b:s1+s3] =	stream.indirect_vreg.scatter [tilespmem:s16], [sflag:$0x2], $0x80, v3, vm0, $0xb8;
	[tilespmem:$0x1CC00] =	vst v63  }
0x29c: {  	v2 =	vperm.xlane v2, v5;
	s16 =	simm.s32 $0xD400  }
0x29d: {  	[hbm4b:s9+s3] =	stream.indirect_vreg.scatter [tilespmem:s16], [sflag:$0x2], $0x80, v3, vm0, $0xb8;
	[tilespmem:$0x1CC00] =	vst v63  }
0x29e: {  	v2 =	vadd.s32 v4, v2;
	s16 =	simm.s32 $0xDC00  }
0x29f: {  	[hbm4b:s10+s3] =	stream.indirect_vreg.scatter [tilespmem:s16], [sflag:$0x2], $0x80, v3, vm0, $0xb8;
	[tilespmem:$0x1CC00] =	vst v63  }
0x2a0: {  	s16 =	simm.s32 $0xE400  }
0x2a1: {  	[hbm4b:s11+s3] =	stream.indirect_vreg.scatter [tilespmem:s16], [sflag:$0x2], $0x80, v3, vm0, $0xb8;
	[tilespmem:$0x1CC00] =	vst v63  }
0x2a2: {  	s16 =	simm.s32 $0xEC00  }
0x2a3: {  	[hbm4b:s1+s3] =	stream.indirect_vreg.scatter [tilespmem:s16], [sflag:$0x2], $0x80, v2, vm0, $0xb8;
	[tilespmem:$0x1CC00] =	vst v63  }
0x2a4: {  	s16 =	simm.s32 $0xF400  }
0x2a5: {  	[hbm4b:s9+s3] =	stream.indirect_vreg.scatter [tilespmem:s16], [sflag:$0x2], $0x80, v2, vm0, $0xb8;
	[tilespmem:$0x1CC00] =	vst v63  }
0x2a6: {  	s16 =	simm.s32 $0xFC00  }
0x2a7: {  	[hbm4b:s10+s3] =	stream.indirect_vreg.scatter [tilespmem:s16], [sflag:$0x2], $0x80, v2, vm0, $0xb8;
	[tilespmem:$0x1CC00] =	vst v63  }
0x2a8: {  	s16 =	simm.s32 $0x10400  }
0x2a9: {  	[hbm4b:s11+s3] =	stream.indirect_vreg.scatter [tilespmem:s16], [sflag:$0x2], $0x80, v2, vm0, $0xb8;
	[tilespmem:$0x1CC00] =	vst v63  }
0x2aa: {  	s16 =	sadd.s32 $0xFFFFFFFD, s15  }
0x2ab: {  	p0 =	sge.s32 s16, s21  }
0x2ac: {  	s5 =	simm.s32 @!p0 $0x2;
	s16 =	sadd.s32 @!p0 $0xA0, s2  }
0x2ad: {  	_ =	swait.ge @!p0 [sflag:s5], $0x4000;
	p1 =	slt.s32 @!p0 s16, s22  }
0x2ae: {  	[sflag:s5] =	ssyncset.done @!p0 $0x0;
	p1 =	por !p1, p0  }
0x2af: {  	[sflag:s5] =	ssyncadd.s32 @!p0 $0xFFFFC000;
	s16 =	smov.u32 @p1 s22  }
0x2b0: {  	v2 =	vld @!p0 [tilespmem:s16+$0x400];
	_ =	sdelay $0x4  }
0x2b1: {  	v3 =	vshll.u32 @!p0 v2, $0x3  }
0x2b2: {  	v4 =	vlaneseq.u32 @!p0;
	v2 =	vand.u32 @!p0 $0x7, v2;
	v3 =	vand.u32 @!p0 $0xFFFFFFC0, v3  }
0x2b3: {  	v5 =	vshrl.u32 @!p0 v4, $0x3;
	v2 =	vor.u32 @!p0 v2, v3;
	v3 =	vand.u32 @!p0 $0x7, v4  }
0x2b4: {  	v5 =	vmul.u32 @!p0 $0x8, v5;
	v3 =	vperm.xlane @!p0 v2, v3;
	_ =	sdelay $0x1  }
0x2b5: {  	v3 =	vadd.s32 @!p0 v5, v3;
	_ =	sdelay $0x3  }
0x2b6: {  	vm0 =	vmmov @!p0 $0xffff;
	s5 =	simm.s32 @!p0 $0x0;
	s16 =	simm.s32 @!p0 $0xCC00  }
0x2b7: {  	v4 =	vor.u32 @!p0 $0x8, v4;
	[tilespmem:s16], [sflag:$0x1] =	stream.indirect_vreg.gather @!p0 [hbm4b:s4+s5], $0x80, v3, vm0, $0xb8;
	[tilespmem:$0x1CC00] =	vst v63  }
0x2b8: {  	v2 =	vperm.xlane @!p0 v2, v4;
	s16 =	simm.s32 @!p0 $0xD400  }
0x2b9: {  	[tilespmem:s16], [sflag:$0x1] =	stream.indirect_vreg.gather @!p0 [hbm4b:s6+s5], $0x80, v3, vm0, $0xb8;
	[tilespmem:$0x1CC00] =	vst v63  }
0x2ba: {  	v2 =	vadd.s32 @!p0 v5, v2;
	s16 =	simm.s32 @!p0 $0xDC00  }
0x2bb: {  	[tilespmem:s16], [sflag:$0x1] =	stream.indirect_vreg.gather @!p0 [hbm4b:s7+s5], $0x80, v3, vm0, $0xb8;
	[tilespmem:$0x1CC00] =	vst v63  }
0x2bc: {  	s16 =	simm.s32 @!p0 $0xE400  }
0x2bd: {  	[tilespmem:s16], [sflag:$0x1] =	stream.indirect_vreg.gather @!p0 [hbm4b:s8+s5], $0x80, v3, vm0, $0xb8;
	[tilespmem:$0x1CC00] =	vst v63  }
0x2be: {  	s16 =	simm.s32 @!p0 $0xEC00  }
0x2bf: {  	[tilespmem:s16], [sflag:$0x1] =	stream.indirect_vreg.gather @!p0 [hbm4b:s4+s5], $0x80, v2, vm0, $0xb8;
	[tilespmem:$0x1CC00] =	vst v63  }
0x2c0: {  	s16 =	simm.s32 @!p0 $0xF400  }
0x2c1: {  	[tilespmem:s16], [sflag:$0x1] =	stream.indirect_vreg.gather @!p0 [hbm4b:s6+s5], $0x80, v2, vm0, $0xb8;
	[tilespmem:$0x1CC00] =	vst v63  }
0x2c2: {  	s16 =	simm.s32 @!p0 $0xFC00  }
0x2c3: {  	[tilespmem:s16], [sflag:$0x1] =	stream.indirect_vreg.gather @!p0 [hbm4b:s7+s5], $0x80, v2, vm0, $0xb8;
	[tilespmem:$0x1CC00] =	vst v63  }
0x2c4: {  	s16 =	simm.s32 @!p0 $0x10400  }
0x2c5: {  	[tilespmem:s16], [sflag:$0x1] =	stream.indirect_vreg.gather @!p0 [hbm4b:s8+s5], $0x80, v2, vm0, $0xb8;
	[tilespmem:$0x1CC00] =	vst v63  }
.LBB2_17:
0x2c6: {  	s5 =	sadd.s32 $0xFFFFFFF7, s15  }
0x2c7: {  	p0 =	sge.s32 s5, s21  }
.Ltmp12:
0x2c8: {  	_ = 	snop;
	(pc) =	sbr.rel @p0 .LBB2_19-.Ltmp12, $1  }
0x2c9: {  	_ =	sdelay $0x3  }
0x2ca: {  	_ =	swait.ge [sflag:s20], $0x4000;
	s5 =	sadd.s32 $0x40, s2  }
0x2cb: {  	s16 =	smov.u32 s22;
	[sflag:s20] =	ssyncset.done $0x0;
	p0 =	slt.s32 s5, s22  }
0x2cc: {  	[sflag:s20] =	ssyncadd.s32 $0xFFFFC000;
	s16 =	smov.u32 @p0 s5  }
0x2cd: {  	v2 =	vld [tilespmem:s16+$0x800];
	_ =	sdelay $0x4  }
0x2ce: {  	v3 =	vshll.u32 v2, $0x3  }
0x2cf: {  	v2 =	vand.u32 $0x7, v2;
	v3 =	vand.u32 $0xFFFFFFC0, v3  }
0x2d0: {  	v4 =	vshrl.u32 v1, $0x3;
	v2 =	vor.u32 v2, v3;
	v3 =	vand.u32 $0x7, v1  }
0x2d1: {  	v4 =	vmul.u32 $0x8, v4;
	v3 =	vperm.xlane v2, v3;
	_ =	sdelay $0x1  }
0x2d2: {  	v3 =	vadd.s32 v4, v3;
	_ =	sdelay $0x3  }
0x2d3: {  	vm0 =	vmmov $0xffff;
	s16 =	simm.s32 $0x10C00  }
0x2d4: {  	v5 =	vor.u32 $0x8, v1;
	[hbm4b:s1+s3] =	stream.indirect_vreg.scatter [tilespmem:s16], [sflag:$0x2], $0x80, v3, vm0, $0xb8;
	[tilespmem:$0x1CC00] =	vst v63  }
0x2d5: {  	v2 =	vperm.xlane v2, v5;
	s16 =	simm.s32 $0x11400  }
0x2d6: {  	[hbm4b:s9+s3] =	stream.indirect_vreg.scatter [tilespmem:s16], [sflag:$0x2], $0x80, v3, vm0, $0xb8;
	[tilespmem:$0x1CC00] =	vst v63  }
0x2d7: {  	v2 =	vadd.s32 v4, v2;
	s16 =	simm.s32 $0x11C00  }
0x2d8: {  	[hbm4b:s10+s3] =	stream.indirect_vreg.scatter [tilespmem:s16], [sflag:$0x2], $0x80, v3, vm0, $0xb8;
	[tilespmem:$0x1CC00] =	vst v63  }
0x2d9: {  	s16 =	simm.s32 $0x12400  }
0x2da: {  	[hbm4b:s11+s3] =	stream.indirect_vreg.scatter [tilespmem:s16], [sflag:$0x2], $0x80, v3, vm0, $0xb8;
	[tilespmem:$0x1CC00] =	vst v63  }
0x2db: {  	s16 =	simm.s32 $0x12C00  }
0x2dc: {  	[hbm4b:s1+s3] =	stream.indirect_vreg.scatter [tilespmem:s16], [sflag:$0x2], $0x80, v2, vm0, $0xb8;
	[tilespmem:$0x1CC00] =	vst v63  }
0x2dd: {  	s16 =	simm.s32 $0x13400  }
0x2de: {  	[hbm4b:s9+s3] =	stream.indirect_vreg.scatter [tilespmem:s16], [sflag:$0x2], $0x80, v2, vm0, $0xb8;
	[tilespmem:$0x1CC00] =	vst v63  }
0x2df: {  	s16 =	simm.s32 $0x13C00  }
0x2e0: {  	[hbm4b:s10+s3] =	stream.indirect_vreg.scatter [tilespmem:s16], [sflag:$0x2], $0x80, v2, vm0, $0xb8;
	[tilespmem:$0x1CC00] =	vst v63  }
0x2e1: {  	s16 =	simm.s32 $0x14400  }
0x2e2: {  	[hbm4b:s11+s3] =	stream.indirect_vreg.scatter [tilespmem:s16], [sflag:$0x2], $0x80, v2, vm0, $0xb8;
	[tilespmem:$0x1CC00] =	vst v63  }
0x2e3: {  	s16 =	sadd.s32 $0xFFFFFFFE, s15  }
0x2e4: {  	p0 =	sge.s32 s16, s21  }
0x2e5: {  	s5 =	simm.s32 @!p0 $0x2;
	s16 =	sadd.s32 @!p0 $0xB0, s2  }
0x2e6: {  	_ =	swait.ge @!p0 [sflag:s5], $0x4000;
	p1 =	slt.s32 @!p0 s16, s22  }
0x2e7: {  	[sflag:s5] =	ssyncset.done @!p0 $0x0;
	p1 =	por !p1, p0  }
0x2e8: {  	[sflag:s5] =	ssyncadd.s32 @!p0 $0xFFFFC000;
	s16 =	smov.u32 @p1 s22  }
0x2e9: {  	v2 =	vld @!p0 [tilespmem:s16+$0x400];
	_ =	sdelay $0x4  }
0x2ea: {  	v3 =	vshll.u32 @!p0 v2, $0x3  }
0x2eb: {  	v4 =	vlaneseq.u32 @!p0;
	v2 =	vand.u32 @!p0 $0x7, v2;
	v3 =	vand.u32 @!p0 $0xFFFFFFC0, v3  }
0x2ec: {  	v5 =	vshrl.u32 @!p0 v4, $0x3;
	v2 =	vor.u32 @!p0 v2, v3;
	v3 =	vand.u32 @!p0 $0x7, v4  }
0x2ed: {  	v5 =	vmul.u32 @!p0 $0x8, v5;
	v3 =	vperm.xlane @!p0 v2, v3;
	_ =	sdelay $0x1  }
0x2ee: {  	v3 =	vadd.s32 @!p0 v5, v3;
	_ =	sdelay $0x3  }
0x2ef: {  	vm0 =	vmmov @!p0 $0xffff;
	s5 =	simm.s32 @!p0 $0x0;
	s16 =	simm.s32 @!p0 $0x10C00  }
0x2f0: {  	v4 =	vor.u32 @!p0 $0x8, v4;
	[tilespmem:s16], [sflag:$0x1] =	stream.indirect_vreg.gather @!p0 [hbm4b:s4+s5], $0x80, v3, vm0, $0xb8;
	[tilespmem:$0x1CC00] =	vst v63  }
0x2f1: {  	v2 =	vperm.xlane @!p0 v2, v4;
	s16 =	simm.s32 @!p0 $0x11400  }
0x2f2: {  	[tilespmem:s16], [sflag:$0x1] =	stream.indirect_vreg.gather @!p0 [hbm4b:s6+s5], $0x80, v3, vm0, $0xb8;
	[tilespmem:$0x1CC00] =	vst v63  }
0x2f3: {  	v2 =	vadd.s32 @!p0 v5, v2;
	s16 =	simm.s32 @!p0 $0x11C00  }
0x2f4: {  	[tilespmem:s16], [sflag:$0x1] =	stream.indirect_vreg.gather @!p0 [hbm4b:s7+s5], $0x80, v3, vm0, $0xb8;
	[tilespmem:$0x1CC00] =	vst v63  }
0x2f5: {  	s16 =	simm.s32 @!p0 $0x12400  }
0x2f6: {  	[tilespmem:s16], [sflag:$0x1] =	stream.indirect_vreg.gather @!p0 [hbm4b:s8+s5], $0x80, v3, vm0, $0xb8;
	[tilespmem:$0x1CC00] =	vst v63  }
0x2f7: {  	s16 =	simm.s32 @!p0 $0x12C00  }
0x2f8: {  	[tilespmem:s16], [sflag:$0x1] =	stream.indirect_vreg.gather @!p0 [hbm4b:s4+s5], $0x80, v2, vm0, $0xb8;
	[tilespmem:$0x1CC00] =	vst v63  }
0x2f9: {  	s16 =	simm.s32 @!p0 $0x13400  }
0x2fa: {  	[tilespmem:s16], [sflag:$0x1] =	stream.indirect_vreg.gather @!p0 [hbm4b:s6+s5], $0x80, v2, vm0, $0xb8;
	[tilespmem:$0x1CC00] =	vst v63  }
0x2fb: {  	s16 =	simm.s32 @!p0 $0x13C00  }
0x2fc: {  	[tilespmem:s16], [sflag:$0x1] =	stream.indirect_vreg.gather @!p0 [hbm4b:s7+s5], $0x80, v2, vm0, $0xb8;
	[tilespmem:$0x1CC00] =	vst v63  }
0x2fd: {  	s16 =	simm.s32 @!p0 $0x14400  }
0x2fe: {  	[tilespmem:s16], [sflag:$0x1] =	stream.indirect_vreg.gather @!p0 [hbm4b:s8+s5], $0x80, v2, vm0, $0xb8;
	[tilespmem:$0x1CC00] =	vst v63  }
.LBB2_19:
0x2ff: {  	s5 =	sadd.s32 $0xFFFFFFF8, s15  }
0x300: {  	p0 =	sge.s32 s5, s21  }
.Ltmp13:
0x301: {  	_ = 	snop;
	(pc) =	sbr.rel @p0 .LBB2_21-.Ltmp13, $1  }
0x302: {  	_ =	sdelay $0x3  }
0x303: {  	_ =	swait.ge [sflag:s20], $0x4000;
	s5 =	sadd.s32 $0x50, s2  }
0x304: {  	s16 =	smov.u32 s22;
	[sflag:s20] =	ssyncset.done $0x0;
	p0 =	slt.s32 s5, s22  }
0x305: {  	[sflag:s20] =	ssyncadd.s32 $0xFFFFC000;
	s16 =	smov.u32 @p0 s5  }
0x306: {  	v2 =	vld [tilespmem:s16+$0x800];
	_ =	sdelay $0x4  }
0x307: {  	v3 =	vshll.u32 v2, $0x3  }
0x308: {  	v2 =	vand.u32 $0x7, v2;
	v3 =	vand.u32 $0xFFFFFFC0, v3  }
0x309: {  	v4 =	vshrl.u32 v1, $0x3;
	v2 =	vor.u32 v2, v3;
	v3 =	vand.u32 $0x7, v1  }
0x30a: {  	v4 =	vmul.u32 $0x8, v4;
	v3 =	vperm.xlane v2, v3;
	_ =	sdelay $0x1  }
0x30b: {  	v3 =	vadd.s32 v4, v3;
	_ =	sdelay $0x3  }
0x30c: {  	vm0 =	vmmov $0xffff  }
0x30d: {  	v5 =	vor.u32 $0x8, v1;
	[hbm4b:s1+s3] =	stream.indirect_vreg.scatter [tilespmem:s23], [sflag:$0x2], $0x80, v3, vm0, $0xb8;
	[tilespmem:$0x1CC00] =	vst v63  }
0x30e: {  	v2 =	vperm.xlane v2, v5  }
0x30f: {  	[hbm4b:s9+s3] =	stream.indirect_vreg.scatter [tilespmem:s24], [sflag:$0x2], $0x80, v3, vm0, $0xb8;
	[tilespmem:$0x1CC00] =	vst v63  }
0x310: {  	v2 =	vadd.s32 v4, v2  }
0x311: {  	[hbm4b:s10+s3] =	stream.indirect_vreg.scatter [tilespmem:s25], [sflag:$0x2], $0x80, v3, vm0, $0xb8;
	[tilespmem:$0x1CC00] =	vst v63  }
0x312: {  	_ = 	snop  }
0x313: {  	[hbm4b:s11+s3] =	stream.indirect_vreg.scatter [tilespmem:s26], [sflag:$0x2], $0x80, v3, vm0, $0xb8;
	[tilespmem:$0x1CC00] =	vst v63  }
0x314: {  	_ = 	snop  }
0x315: {  	[hbm4b:s1+s3] =	stream.indirect_vreg.scatter [tilespmem:s28], [sflag:$0x2], $0x80, v2, vm0, $0xb8;
	[tilespmem:$0x1CC00] =	vst v63  }
0x316: {  	s16 =	sadd.s32 $0xFFFFFFFF, s15  }
0x317: {  	[hbm4b:s9+s3] =	stream.indirect_vreg.scatter [tilespmem:s29], [sflag:$0x2], $0x80, v2, vm0, $0xb8;
	[tilespmem:$0x1CC00] =	vst v63  }
0x318: {  	p0 =	sge.s32 s16, s21  }
0x319: {  	[hbm4b:s10+s3] =	stream.indirect_vreg.scatter [tilespmem:s30], [sflag:$0x2], $0x80, v2, vm0, $0xb8;
	[tilespmem:$0x1CC00] =	vst v63  }
0x31a: {  	s5 =	simm.s32 @!p0 $0x2;
	s16 =	sadd.s32 @!p0 $0xC0, s2  }
0x31b: {  	[hbm4b:s11+s3] =	stream.indirect_vreg.scatter [tilespmem:s31], [sflag:$0x2], $0x80, v2, vm0, $0xb8;
	[tilespmem:$0x1CC00] =	vst v63  }
0x31c: {  	p1 =	slt.s32 @!p0 s16, s22;
	_ =	swait.ge @!p0 [sflag:s5], $0x4000  }
0x31d: {  	p1 =	por !p1, p0;
	[sflag:s5] =	ssyncset.done @!p0 $0x0  }
0x31e: {  	s16 =	smov.u32 @p1 s22;
	[sflag:s5] =	ssyncadd.s32 @!p0 $0xFFFFC000  }
0x31f: {  	v2 =	vld @!p0 [tilespmem:s16+$0x400];
	_ =	sdelay $0x4  }
0x320: {  	v3 =	vshll.u32 @!p0 v2, $0x3  }
0x321: {  	v4 =	vlaneseq.u32 @!p0;
	v2 =	vand.u32 @!p0 $0x7, v2;
	v3 =	vand.u32 @!p0 $0xFFFFFFC0, v3  }
0x322: {  	v5 =	vshrl.u32 @!p0 v4, $0x3;
	v2 =	vor.u32 @!p0 v2, v3;
	v3 =	vand.u32 @!p0 $0x7, v4  }
0x323: {  	v5 =	vmul.u32 @!p0 $0x8, v5;
	v3 =	vperm.xlane @!p0 v2, v3;
	_ =	sdelay $0x1  }
0x324: {  	v3 =	vadd.s32 @!p0 v5, v3;
	_ =	sdelay $0x3  }
0x325: {  	vm0 =	vmmov @!p0 $0xffff;
	s5 =	simm.s32 @!p0 $0x0;
	s16 =	simm.s32 @!p0 $0x14C00  }
0x326: {  	v4 =	vor.u32 @!p0 $0x8, v4;
	[tilespmem:s16], [sflag:$0x1] =	stream.indirect_vreg.gather @!p0 [hbm4b:s4+s5], $0x80, v3, vm0, $0xb8;
	[tilespmem:$0x1CC00] =	vst v63  }
0x327: {  	v2 =	vperm.xlane @!p0 v2, v4;
	s16 =	simm.s32 @!p0 $0x15400  }
0x328: {  	[tilespmem:s16], [sflag:$0x1] =	stream.indirect_vreg.gather @!p0 [hbm4b:s6+s5], $0x80, v3, vm0, $0xb8;
	[tilespmem:$0x1CC00] =	vst v63  }
0x329: {  	v2 =	vadd.s32 @!p0 v5, v2;
	s16 =	simm.s32 @!p0 $0x15C00  }
0x32a: {  	[tilespmem:s16], [sflag:$0x1] =	stream.indirect_vreg.gather @!p0 [hbm4b:s7+s5], $0x80, v3, vm0, $0xb8;
	[tilespmem:$0x1CC00] =	vst v63  }
0x32b: {  	s16 =	simm.s32 @!p0 $0x16400  }
0x32c: {  	[tilespmem:s16], [sflag:$0x1] =	stream.indirect_vreg.gather @!p0 [hbm4b:s8+s5], $0x80, v3, vm0, $0xb8;
	[tilespmem:$0x1CC00] =	vst v63  }
0x32d: {  	s16 =	simm.s32 @!p0 $0x16C00  }
0x32e: {  	[tilespmem:s16], [sflag:$0x1] =	stream.indirect_vreg.gather @!p0 [hbm4b:s4+s5], $0x80, v2, vm0, $0xb8;
	[tilespmem:$0x1CC00] =	vst v63  }
0x32f: {  	s16 =	simm.s32 @!p0 $0x17400  }
0x330: {  	[tilespmem:s16], [sflag:$0x1] =	stream.indirect_vreg.gather @!p0 [hbm4b:s6+s5], $0x80, v2, vm0, $0xb8;
	[tilespmem:$0x1CC00] =	vst v63  }
0x331: {  	s16 =	simm.s32 @!p0 $0x17C00  }
0x332: {  	[tilespmem:s16], [sflag:$0x1] =	stream.indirect_vreg.gather @!p0 [hbm4b:s7+s5], $0x80, v2, vm0, $0xb8;
	[tilespmem:$0x1CC00] =	vst v63  }
0x333: {  	s16 =	simm.s32 @!p0 $0x18400  }
0x334: {  	[tilespmem:s16], [sflag:$0x1] =	stream.indirect_vreg.gather @!p0 [hbm4b:s8+s5], $0x80, v2, vm0, $0xb8;
	[tilespmem:$0x1CC00] =	vst v63  }
.LBB2_21:
0x335: {  	s5 =	sadd.s32 $0xFFFFFFF9, s15  }
0x336: {  	p0 =	sge.s32 s5, s21  }
.Ltmp14:
0x337: {  	_ = 	snop;
	(pc) =	sbr.rel @p0 .LBB2_23-.Ltmp14, $1  }
0x338: {  	_ =	sdelay $0x3  }
0x339: {  	_ =	swait.ge [sflag:s20], $0x4000;
	s5 =	sadd.s32 $0x60, s2  }
0x33a: {  	s16 =	smov.u32 s22;
	[sflag:s20] =	ssyncset.done $0x0;
	p0 =	slt.s32 s5, s22  }
0x33b: {  	[sflag:s20] =	ssyncadd.s32 $0xFFFFC000;
	s16 =	smov.u32 @p0 s5  }
0x33c: {  	v2 =	vld [tilespmem:s16+$0x800];
	_ =	sdelay $0x4  }
0x33d: {  	v3 =	vshll.u32 v2, $0x3  }
0x33e: {  	v2 =	vand.u32 $0x7, v2;
	v3 =	vand.u32 $0xFFFFFFC0, v3  }
0x33f: {  	v4 =	vshrl.u32 v1, $0x3;
	v2 =	vor.u32 v2, v3;
	v3 =	vand.u32 $0x7, v1  }
0x340: {  	v4 =	vmul.u32 $0x8, v4;
	v3 =	vperm.xlane v2, v3;
	_ =	sdelay $0x1  }
0x341: {  	v3 =	vadd.s32 v4, v3;
	_ =	sdelay $0x3  }
0x342: {  	vm0 =	vmmov $0xffff;
	s16 =	simm.s32 $0x18C00  }
0x343: {  	v5 =	vor.u32 $0x8, v1;
	[hbm4b:s1+s3] =	stream.indirect_vreg.scatter [tilespmem:s16], [sflag:$0x2], $0x80, v3, vm0, $0xb8;
	[tilespmem:$0x1CC00] =	vst v63  }
0x344: {  	v2 =	vperm.xlane v2, v5;
	s16 =	simm.s32 $0x19400  }
0x345: {  	[hbm4b:s9+s3] =	stream.indirect_vreg.scatter [tilespmem:s16], [sflag:$0x2], $0x80, v3, vm0, $0xb8;
	[tilespmem:$0x1CC00] =	vst v63  }
0x346: {  	v2 =	vadd.s32 v4, v2;
	s16 =	simm.s32 $0x19C00  }
0x347: {  	[hbm4b:s10+s3] =	stream.indirect_vreg.scatter [tilespmem:s16], [sflag:$0x2], $0x80, v3, vm0, $0xb8;
	[tilespmem:$0x1CC00] =	vst v63  }
0x348: {  	s16 =	simm.s32 $0x1A400  }
0x349: {  	[hbm4b:s11+s3] =	stream.indirect_vreg.scatter [tilespmem:s16], [sflag:$0x2], $0x80, v3, vm0, $0xb8;
	[tilespmem:$0x1CC00] =	vst v63  }
0x34a: {  	s16 =	simm.s32 $0x1AC00  }
0x34b: {  	[hbm4b:s1+s3] =	stream.indirect_vreg.scatter [tilespmem:s16], [sflag:$0x2], $0x80, v2, vm0, $0xb8;
	[tilespmem:$0x1CC00] =	vst v63  }
0x34c: {  	_ = 	snop  }
0x34d: {  	[hbm4b:s9+s3] =	stream.indirect_vreg.scatter [tilespmem:s13], [sflag:$0x2], $0x80, v2, vm0, $0xb8;
	[tilespmem:$0x1CC00] =	vst v63  }
0x34e: {  	p0 =	sge.s32 s15, s21  }
0x34f: {  	[hbm4b:s10+s3] =	stream.indirect_vreg.scatter [tilespmem:s17], [sflag:$0x2], $0x80, v2, vm0, $0xb8;
	[tilespmem:$0x1CC00] =	vst v63  }
0x350: {  	s5 =	simm.s32 @!p0 $0x2;
	s16 =	sadd.s32 @!p0 $0xD0, s2  }
0x351: {  	[hbm4b:s11+s3] =	stream.indirect_vreg.scatter [tilespmem:s14], [sflag:$0x2], $0x80, v2, vm0, $0xb8;
	[tilespmem:$0x1CC00] =	vst v63  }
0x352: {  	p1 =	slt.s32 @!p0 s16, s22;
	_ =	swait.ge @!p0 [sflag:s5], $0x4000  }
0x353: {  	p1 =	por !p1, p0;
	[sflag:s5] =	ssyncset.done @!p0 $0x0  }
0x354: {  	s16 =	smov.u32 @p1 s22;
	[sflag:s5] =	ssyncadd.s32 @!p0 $0xFFFFC000  }
0x355: {  	v2 =	vld @!p0 [tilespmem:s16+$0x400];
	_ =	sdelay $0x4  }
0x356: {  	v3 =	vshll.u32 @!p0 v2, $0x3  }
0x357: {  	v4 =	vlaneseq.u32 @!p0;
	v2 =	vand.u32 @!p0 $0x7, v2;
	v3 =	vand.u32 @!p0 $0xFFFFFFC0, v3  }
0x358: {  	v5 =	vshrl.u32 @!p0 v4, $0x3;
	v2 =	vor.u32 @!p0 v2, v3;
	v3 =	vand.u32 @!p0 $0x7, v4  }
0x359: {  	v5 =	vmul.u32 @!p0 $0x8, v5;
	v3 =	vperm.xlane @!p0 v2, v3;
	_ =	sdelay $0x1  }
0x35a: {  	v3 =	vadd.s32 @!p0 v5, v3;
	_ =	sdelay $0x3  }
0x35b: {  	vm0 =	vmmov @!p0 $0xffff;
	s5 =	simm.s32 @!p0 $0x0;
	s16 =	simm.s32 @!p0 $0x18C00  }
0x35c: {  	v4 =	vor.u32 @!p0 $0x8, v4;
	[tilespmem:s16], [sflag:$0x1] =	stream.indirect_vreg.gather @!p0 [hbm4b:s4+s5], $0x80, v3, vm0, $0xb8;
	[tilespmem:$0x1CC00] =	vst v63  }
0x35d: {  	v2 =	vperm.xlane @!p0 v2, v4;
	s16 =	simm.s32 @!p0 $0x19400  }
0x35e: {  	[tilespmem:s16], [sflag:$0x1] =	stream.indirect_vreg.gather @!p0 [hbm4b:s6+s5], $0x80, v3, vm0, $0xb8;
	[tilespmem:$0x1CC00] =	vst v63  }
0x35f: {  	v2 =	vadd.s32 @!p0 v5, v2;
	s16 =	simm.s32 @!p0 $0x19C00  }
0x360: {  	[tilespmem:s16], [sflag:$0x1] =	stream.indirect_vreg.gather @!p0 [hbm4b:s7+s5], $0x80, v3, vm0, $0xb8;
	[tilespmem:$0x1CC00] =	vst v63  }
0x361: {  	s16 =	simm.s32 @!p0 $0x1A400  }
0x362: {  	[tilespmem:s16], [sflag:$0x1] =	stream.indirect_vreg.gather @!p0 [hbm4b:s8+s5], $0x80, v3, vm0, $0xb8;
	[tilespmem:$0x1CC00] =	vst v63  }
0x363: {  	s16 =	simm.s32 @!p0 $0x1AC00  }
0x364: {  	[tilespmem:s16], [sflag:$0x1] =	stream.indirect_vreg.gather @!p0 [hbm4b:s4+s5], $0x80, v2, vm0, $0xb8;
	[tilespmem:$0x1CC00] =	vst v63  }
0x365: {  	s16 =	simm.s32 @!p0 $0x1B400  }
0x366: {  	[tilespmem:s16], [sflag:$0x1] =	stream.indirect_vreg.gather @!p0 [hbm4b:s6+s5], $0x80, v2, vm0, $0xb8;
	[tilespmem:$0x1CC00] =	vst v63  }
.Ltmp15:
0x367: {  	_ = 	snop;
	(pc) =	sbr.rel .LBB2_23-.Ltmp15, $4  }
0x368: {  	s16 =	simm.s32 @!p0 $0x1BC00  }
0x369: {  	[tilespmem:s16], [sflag:$0x1] =	stream.indirect_vreg.gather @!p0 [hbm4b:s7+s5], $0x80, v2, vm0, $0xb8;
	[tilespmem:$0x1CC00] =	vst v63  }
0x36a: {  	s16 =	simm.s32 @!p0 $0x1C400  }
0x36b: {  	[tilespmem:s16], [sflag:$0x1] =	stream.indirect_vreg.gather @!p0 [hbm4b:s8+s5], $0x80, v2, vm0, $0xb8;
	[tilespmem:$0x1CC00] =	vst v63  }
.LBB2_24:
0x36c: {  	p0 =	slt.s32 s21, $0x1  }
0x36d: {  	p1 =	slt.s32 @!p0 s21, $0x2  }
0x36e: {  	p1 =	por p0, p1  }
.Ltmp16:
0x36f: {  	_ = 	snop;
	(pc) =	sbr.rel @p1 .LBB2_26-.Ltmp16, $4  }
0x370: {  	s0 =	simm.s32 @!p0 $0x2  }
0x371: {  	_ =	swait.ge @!p0 [sflag:s0], $0x4000  }
0x372: {  	[sflag:s0] =	ssyncset.done @!p0 $0x0  }
0x373: {  	[sflag:s0] =	ssyncadd.s32 @!p0 $0xFFFFC000  }
0x374: {  	p0 =	slt.s32 s21, $0x3  }
0x375: {  	p1 =	slt.s32 @!p0 s21, $0x4  }
0x376: {  	s0 =	simm.s32 $0x2;
	p2 =	por p1, p0  }
0x377: {  	_ =	swait.ge [sflag:s0], $0x4000;
	p3 =	slt.s32 @!p2 s21, $0x5  }
0x378: {  	[sflag:s0] =	ssyncset.done $0x0;
	s2 =	simm.s32 @!p3 $0x0;
	p4 =	por @!p0 p3, p1  }
0x379: {  	[sflag:s0] =	ssyncadd.s32 $0xFFFFC000;
	s2 =	simm.s32 @p3 $0x1;
	p4 =	por p4, p0  }
0x37a: {  	s0 =	simm.s32 @!p0 $0x2;
	[smem:$0x7FD] =	sst s2;
	p5 =	slt.s32 @!p4 s21, $0x6  }
0x37b: {  	_ =	swait.ge @!p0 [sflag:s0], $0x4000;
	s2 =	simm.s32 @!p5 $0x0  }
0x37c: {  	[sflag:s0] =	ssyncset.done @!p0 $0x0;
	s2 =	simm.s32 @p5 $0x1  }
0x37d: {  	[sflag:s0] =	ssyncadd.s32 @!p0 $0xFFFFC000;
	s0 =	simm.s32 @!p2 $0x2;
	[smem:$0x7FC] =	sst s2  }
0x37e: {  	_ =	swait.ge @!p2 [sflag:s0], $0x4000  }
0x37f: {  	p6 =	por @!p2 p5, p3;
	[sflag:s0] =	ssyncset.done @!p2 $0x0  }
0x380: {  	p6 =	por @!p0 p6, p1;
	[sflag:s0] =	ssyncadd.s32 @!p2 $0xFFFFC000;
	s0 =	simm.s32 @!p4 $0x2  }
0x381: {  	p6 =	por p6, p0;
	_ =	swait.ge @!p4 [sflag:s0], $0x4000  }
0x382: {  	p5 =	slt.s32 @!p6 s21, $0x7;
	s21 =	sld [smem:$0x7FC]  }
0x383: {  	s22 =	sld [smem:$0x7FD];
	_ =	sdelay $0x1  }
0x384: {  	p3 =	seq.s32 s21, $0x1  }
0x385: {  	[sflag:s0] =	ssyncset.done @!p4 $0x0;
	p5 =	por @!p4 p5, p3;
	p3 =	seq.s32 s22, $0x1  }
0x386: {  	[sflag:s0] =	ssyncadd.s32 @!p4 $0xFFFFC000;
	s0 =	simm.s32 @!p6 $0x2;
	p2 =	por @!p2 p5, p3  }
0x387: {  	_ =	swait.ge @!p6 [sflag:s0], $0x4000;
	p1 =	por @!p0 p2, p1  }
.Ltmp17:
0x388: {  	[sflag:s0] =	ssyncset.done @!p6 $0x0;
	p0 =	por p1, p0;
	(pc) =	sbr.rel .LBB2_26-.Ltmp17, $4  }
0x389: {  	[sflag:s0] =	ssyncadd.s32 @!p6 $0xFFFFC000;
	s0 =	simm.s32 @!p0 $0x2  }
0x38a: {  	_ =	swait.ge @!p0 [sflag:s0], $0x4000  }
0x38b: {  	[sflag:s0] =	ssyncset.done @!p0 $0x0  }
0x38c: {  	[sflag:s0] =	ssyncadd.s32 @!p0 $0xFFFFC000  }
.LBB2_27:
0x38d: {  	_ =	sfence.sel $0x180000  }
0x38e: {  	[bflag:$0x0] =	sbarrier.arrive $0xFFFF  }
0x38f: {  	_ =	strace $0x9000004A  }
0x390: {  	s0 =	stileid.u32;
	[bflag:$0x2] =	sbarrier.arrive $0xFFFF  }
0x391: {  	p0 =	sne.s32 s0, $0x0;
	s0 =	rddreg [dreg:$0x3]  }
0x392: {  	s0 =	sadd.s32 @!p0 $0x100000, s0  }
0x393: {  	[sflag:s0] =	ssyncadd.tile.s32 @!p0 $0x1;
	_ =	shalt  }
.Lfunc_end2:
_tile_overlayer_lowered:
.L_overlay_start_2:
0x394: {  	(tag) =	ssettag $0x2  }
0x395: {  	s0 =	rddreg [dreg:$0x0];
	s2 =	stileid.u32  }
0x396: {  	s1 =	rddreg [dreg:$0x1];
	p0 =	sne.s32 s2, $0x0  }
0x397: {  	s3 =	rddreg [dreg:$0x2];
	[bflag:$0x3] =	sbarrier.arrive $0xFFFF;
	s2 =	simm.s32 @!p0 $0x1C03  }
0x398: {  	[timem:s3], [sflag:s2] =	dma.local @!p0 [hbm:s0], s1  }
0x399: {  	s0 =	simm.s32 @!p0 $0x3  }
0x39a: {  	_ =	swait.ge @!p0 [sflag:s0], s1  }
0x39b: {  	s1 =	ssub.s32 @!p0 $0x0, s1;
	[sflag:s0] =	ssyncset.done @!p0 $0x0  }
0x39c: {  	[sflag:s0] =	ssyncadd.s32 @!p0 s1  }
0x39d: {  	[bflag:$0x3] =	sbarrier.arrive $0xFFFF  }
0x39e: {  	_ =	shalt  }

</sc_bundles>
